<compile_context>
chip_gen: v7x
topology: tpu7x:2x2x1
jax: 0.10.2.dev20260603
libtpu: 0.0.44.dev20260713+nightly
codegen_flags: <defaults>
</compile_context>

<pallas_src>
import functools

import jax
import jax.numpy as jnp
import numpy as np
from jax import lax
from jax.experimental import pallas as pl
from jax.experimental.pallas import tpu as pltpu
from jax.experimental.pallas import tpu_sc as plsc

N = 10000
E = 160000
NPAD = 10240
EPAD = 163840
EPT = 10240
W = 128
NWIN = EPT // W
RPT = NPAD // 16
NB = 2
NI = 2


def _sc_aggregate(x_flat, src2_p, dst_p, want_deg):
    mesh = plsc.VectorSubcoreMesh(core_axis_name="c", subcore_axis_name="s")

    @functools.partial(
        pl.kernel,
        mesh=mesh,
        out_type=[
            jax.ShapeDtypeStruct((NPAD, 128), jnp.float32),
            jax.ShapeDtypeStruct((NPAD, 128), jnp.float32),
            jax.ShapeDtypeStruct((NPAD,), jnp.float32),
        ],
        scratch_types=[
            pltpu.VMEM((NI, W), jnp.int32),
            pltpu.VMEM((NWIN, W), jnp.int32),
            pltpu.VMEM((NB, W, 128), jnp.float32),
            pltpu.VMEM((W,), jnp.float32),
            pltpu.VMEM_SHARED((NPAD, 128), jnp.float32),
            pltpu.VMEM_SHARED((NPAD,), jnp.float32),
        ]
        + [pltpu.SemaphoreType.DMA] * (NB + NB + NI + 2),
    )
    def body(x_hbm, src_hbm, dst_hbm, agg0_hbm, agg1_hbm, deg_hbm,
             iring, dstw, rowbuf, ones, acc, dacc, *sems):
        semg = sems[:NB]
        sems_ = sems[NB:2 * NB]
        semi = sems[2 * NB:2 * NB + NI]
        semd = sems[2 * NB + NI]
        semm = sems[2 * NB + NI + 1]
        c = lax.axis_index("c")
        t = lax.axis_index("s")

        def i_start(w, i):
            pltpu.async_copy(src_hbm.at[c, t, w], iring.at[i], semi[i])

        def i_wait(w, i):
            pltpu.make_async_copy(src_hbm.at[c, t, w], iring.at[i],
                                  semi[i]).wait()

        def g_start(w, b):
            pltpu.async_copy(x_hbm.at[iring.at[b]], rowbuf.at[b], semg[b])

        def g_wait(w, b):
            pltpu.make_async_copy(x_hbm.at[iring.at[b]], rowbuf.at[b],
                                  semg[b]).wait()

        def s_start(w, b):
            pltpu.async_copy(rowbuf.at[b], acc.at[dstw.at[w]], sems_[b],
                             add=True)

        def s_wait(w, b):
            pltpu.make_async_copy(rowbuf.at[b], acc.at[dstw.at[w]],
                                  sems_[b]).wait()

        for w in range(NI):
            i_start(w, w)
        pltpu.sync_copy(dst_hbm.at[t], dstw)

        zeros16 = jnp.zeros((16,), jnp.float32)
        zbuf = rowbuf.at[0]

        @pl.loop(0, W)
        def _(i):
            for j in range(128 // 16):
                zbuf[i, pl.ds(j * 16, 16)] = zeros16

        for k in range(RPT // W):
            pltpu.async_copy(zbuf, acc.at[pl.ds(t * RPT + k * W, W)], semm)
            pltpu.async_copy(zbuf.at[0], dacc.at[pl.ds(t * RPT + k * W, W)],
                             semm)
        for j in range(W // 16):
            ones[pl.ds(j * 16, 16)] = jnp.full((16,), 1.0, jnp.float32)
        for k in range(RPT // W):
            pltpu.make_async_copy(zbuf, acc.at[pl.ds(t * RPT + k * W, W)],
                                  semm).wait()
            pltpu.make_async_copy(zbuf.at[0],
                                  dacc.at[pl.ds(t * RPT + k * W, W)],
                                  semm).wait()

        plsc.subcore_barrier()

        i_wait(0, 0)
        g_start(0, 0)

        @pl.loop(0, NWIN, step=NB)
        def _(w0):
            for b in range(NB):
                w = w0 + b
                g_wait(w, b)

                @pl.when(w + 1 < NWIN)
                def _():
                    @pl.when(w >= 1)
                    def _():
                        s_wait(w - 1, 1 - b)
                    i_wait(w + 1, 1 - b)
                    g_start(w + 1, 1 - b)
                s_start(w, b)
                if want_deg:
                    @pl.when(c == 0)
                    def _():
                        pltpu.async_copy(ones, dacc.at[dstw.at[w]], semd,
                                         add=True)

                @pl.when(w + 2 < NWIN)
                def _():
                    i_start(w + 2, b)

        for w in range(NWIN - NB, NWIN):
            s_wait(w, w % NB)
        if want_deg:
            @pl.when(c == 0)
            def _():
                @pl.loop(0, NWIN)
                def _(w):
                    pltpu.make_async_copy(ones, dacc.at[dstw.at[w]],
                                          semd).wait()

        plsc.subcore_barrier()

        @pl.when(c == 0)
        def _():
            for k in range(RPT // W):
                sl = pl.ds(t * RPT + k * W, W)
                pltpu.async_copy(acc.at[sl], agg0_hbm.at[sl], semm)
            if want_deg:
                pltpu.async_copy(dacc.at[pl.ds(t * RPT, RPT)],
                                 deg_hbm.at[pl.ds(t * RPT, RPT)], semm)
            for k in range(RPT // W):
                sl = pl.ds(t * RPT + k * W, W)
                pltpu.make_async_copy(acc.at[sl], agg0_hbm.at[sl], semm).wait()
            if want_deg:
                pltpu.make_async_copy(dacc.at[pl.ds(t * RPT, RPT)],
                                      deg_hbm.at[pl.ds(t * RPT, RPT)],
                                      semm).wait()

        @pl.when(c == 1)
        def _():
            for k in range(RPT // W):
                sl = pl.ds(t * RPT + k * W, W)
                pltpu.async_copy(acc.at[sl], agg1_hbm.at[sl], semm)
            for k in range(RPT // W):
                sl = pl.ds(t * RPT + k * W, W)
                pltpu.make_async_copy(acc.at[sl], agg1_hbm.at[sl], semm).wait()

    return body(x_flat, src2_p, dst_p)


def _tc_self(x_st, ws_t, b):
    BR = 1000
    grid = (N // BR,)

    def body(x0_ref, x1_ref, ws_ref, b_ref, out_ref):
        acc = jnp.dot(x0_ref[0], ws_ref[:128, :],
                      preferred_element_type=jnp.float32)
        acc += jnp.dot(x1_ref[0], ws_ref[128:, :],
                       preferred_element_type=jnp.float32)
        acc += b_ref[...]
        out_ref[0] = acc[:, :128]
        out_ref[1] = acc[:, 128:]

    return pl.pallas_call(
        body,
        grid=grid,
        in_specs=[
            pl.BlockSpec((1, BR, 128), lambda i: (0, i, 0)),
            pl.BlockSpec((1, BR, 128), lambda i: (1, i, 0)),
            pl.BlockSpec((256, 256), lambda i: (0, 0)),
            pl.BlockSpec((1, 256), lambda i: (0, 0)),
        ],
        out_specs=pl.BlockSpec((2, BR, 128), lambda i: (0, i, 0)),
        out_shape=jax.ShapeDtypeStruct((2, N, 128), jnp.float32),
    )(x_st, x_st, ws_t, b)


def _tc_rest(hs_st, agg0, agg1, deg, wn_t, relu, split_out):
    BR = 1000
    grid = (N // BR,)

    def body(h0_ref, h1_ref, a0_ref, a1_ref, deg_ref, wn_ref, out_ref):
        r = 1.0 / jnp.maximum(deg_ref[...], 1.0)
        a0 = a0_ref[...] * r
        a1 = a1_ref[...] * r
        acc = jnp.concatenate([h0_ref[0], h1_ref[0]], axis=1)
        acc += jnp.dot(a0, wn_ref[:128, :], preferred_element_type=jnp.float32)
        acc += jnp.dot(a1, wn_ref[128:, :], preferred_element_type=jnp.float32)
        if relu:
            acc = jnp.maximum(acc, 0.0)
        if split_out:
            out_ref[0] = acc[:, :128]
            out_ref[1] = acc[:, 128:]
        else:
            out_ref[...] = acc

    if split_out:
        out_shape = jax.ShapeDtypeStruct((2, N, 128), jnp.float32)
        out_spec = pl.BlockSpec((2, BR, 128), lambda i: (0, i, 0))
    else:
        out_shape = jax.ShapeDtypeStruct((N, 256), jnp.float32)
        out_spec = pl.BlockSpec((BR, 256), lambda i: (i, 0))
    return pl.pallas_call(
        body,
        grid=grid,
        in_specs=[
            pl.BlockSpec((1, BR, 128), lambda i: (0, i, 0)),
            pl.BlockSpec((1, BR, 128), lambda i: (1, i, 0)),
            pl.BlockSpec((BR, 128), lambda i: (i, 0)),
            pl.BlockSpec((BR, 128), lambda i: (i, 0)),
            pl.BlockSpec((BR, 1), lambda i: (i, 0)),
            pl.BlockSpec((256, 256), lambda i: (0, 0)),
        ],
        out_specs=out_spec,
        out_shape=out_shape,
    )(hs_st, hs_st, agg0, agg1, deg, wn_t)


def kernel(x, edge_index, W_self1, W_neigh1, b1, W_self2, W_neigh2, b2):
    ei = edge_index.astype(jnp.int32)
    npad = EPAD - E
    pad_src = jnp.asarray((np.arange(npad) * 37) % N, jnp.int32)
    pad_dst = jnp.asarray(N + (np.arange(npad) % 64), jnp.int32)
    src_p = jnp.concatenate([ei[0], pad_src]).reshape(16, NWIN, W)
    dst_p = jnp.concatenate([ei[1], pad_dst]).reshape(16, NWIN, W)
    src2_p = jnp.stack([src_p, src_p + N])

    x_st = jnp.stack([x[:, :128], x[:, 128:]])

    ws1t = W_self1.T
    wn1t = W_neigh1.T
    ws2t = W_self2.T
    wn2t = W_neigh2.T
    b1r = b1.reshape(1, 256)
    b2r = b2.reshape(1, 256)

    agg0, agg1, deg = _sc_aggregate(x_st.reshape(2 * N, 128), src2_p, dst_p,
                                    want_deg=True)
    hs1 = _tc_self(x_st, ws1t, b1r)
    deg2 = deg.reshape(NPAD, 1)
    h_st = _tc_rest(hs1, agg0, agg1, deg2, wn1t, relu=True, split_out=True)
    agg0b, agg1b, _ = _sc_aggregate(h_st.reshape(2 * N, 128), src2_p, dst_p,
                                    want_deg=False)
    hs2 = _tc_self(h_st, ws2t, b2r)
    out = _tc_rest(hs2, agg0b, agg1b, deg2, wn2t, relu=False, split_out=False)
    return out

# --- scband reference (transcript-rebuilt; emitter-appended) ---
"""Pipeline reference for scband-graph-sage-55147380081015 (READ-ONLY COPY).

The authoritative reference and input builder live on the scoring server;
editing this copy changes nothing except your own understanding.
"""

import jax, jax.numpy as jnp
import numpy as np

N_NODES = 10000
N_EDGES = 160000
D_IN = 256
D_HID = 256
D_OUT = 256


def setup_inputs(seed: int = 0) -> dict:
    key = jax.random.key(seed)
    ks = jax.random.split(key, 8)
    x = jax.random.normal(ks[0], (N_NODES, D_IN), dtype=jnp.float32)
    edge_index = jax.random.randint(ks[1], (2, N_EDGES), 0, N_NODES, dtype=jnp.int64)
    s1 = 1.0 / np.sqrt(D_IN)
    s2 = 1.0 / np.sqrt(D_HID)
    W_self1 = jax.random.uniform(ks[2], (D_HID, D_IN), dtype=jnp.float32, minval=-s1, maxval=s1)
    W_neigh1 = jax.random.uniform(ks[3], (D_HID, D_IN), dtype=jnp.float32, minval=-s1, maxval=s1)
    b1 = jnp.zeros((D_HID,), dtype=jnp.float32)
    W_self2 = jax.random.uniform(ks[4], (D_OUT, D_HID), dtype=jnp.float32, minval=-s2, maxval=s2)
    W_neigh2 = jax.random.uniform(ks[5], (D_OUT, D_HID), dtype=jnp.float32, minval=-s2, maxval=s2)
    b2 = jnp.zeros((D_OUT,), dtype=jnp.float32)
    return {"x": x, "edge_index": edge_index, "W_self1": W_self1, "W_neigh1": W_neigh1, "b1": b1, "W_self2": W_self2, "W_neigh2": W_neigh2, "b2": b2}


def _sage_conv(x, src, dst, W_self, W_neigh, b):
    # DGL SAGEConv with 'mean' aggregator: h = fc_self(h_self) + fc_neigh(mean_neigh) + bias
    msg = x[src]
    agg = jax.ops.segment_sum(msg, dst, num_segments=N_NODES)
    deg = jax.ops.segment_sum(jnp.ones((src.shape[0],), dtype=x.dtype), dst, num_segments=N_NODES)
    h_neigh = agg / jnp.maximum(deg, 1.0)[:, None]
    return x @ W_self.T + h_neigh @ W_neigh.T + b


def reference(x, edge_index, W_self1, W_neigh1, b1, W_self2, W_neigh2, b2):
    src = edge_index[0]
    dst = edge_index[1]
    h = _sage_conv(x, src, dst, W_self1, W_neigh1, b1)
    h = jax.nn.relu(h)
    # dropout is identity in eval mode
    h = _sage_conv(h, src, dst, W_self2, W_neigh2, b2)
    return h

if __name__ == "__main__":
    import jax
    _d = setup_inputs()
    print(jax.jit(kernel)(*tuple(_d.values())))

</pallas_src>

<mosaic_0001>
#map = affine_map<(d0, d1) -> (0, 0)>
#map1 = affine_map<(d0, d1) -> (0, 0, 0, 0)>
#map2 = affine_map<(d0, d1) -> (0, 0, 0)>
#map3 = affine_map<(d0, d1) -> (0)>
module attributes {stable_mosaic.version = 14 : i64} {
  func.func @body(%arg0: i32, %arg1: i32, %arg2: memref<20000x128xf32, #tpu.memory_space<hbm>>, %arg3: memref<2x16x80x128xi32, #tpu.memory_space<hbm>>, %arg4: memref<16x80x128xi32, #tpu.memory_space<hbm>>, %arg5: memref<10240x128xf32, #tpu.memory_space<hbm>>, %arg6: memref<10240x128xf32, #tpu.memory_space<hbm>>, %arg7: memref<10240xf32, #tpu.memory_space<hbm>>, %arg8: memref<2x128xi32, #tpu.memory_space<vmem>>, %arg9: memref<80x128xi32, #tpu.memory_space<vmem>>, %arg10: memref<2x128x128xf32, #tpu.memory_space<vmem>>, %arg11: memref<128xf32, #tpu.memory_space<vmem>>, %arg12: memref<10240x128xf32, #tpu.memory_space<vmem_shared>>, %arg13: memref<10240xf32, #tpu.memory_space<vmem_shared>>, %arg14: memref<!tpu.dma_semaphore, #tpu.memory_space<semaphore_mem>>, %arg15: memref<!tpu.dma_semaphore, #tpu.memory_space<semaphore_mem>>, %arg16: memref<!tpu.dma_semaphore, #tpu.memory_space<semaphore_mem>>, %arg17: memref<!tpu.dma_semaphore, #tpu.memory_space<semaphore_mem>>, %arg18: memref<!tpu.dma_semaphore, #tpu.memory_space<semaphore_mem>>, %arg19: memref<!tpu.dma_semaphore, #tpu.memory_space<semaphore_mem>>, %arg20: memref<!tpu.dma_semaphore, #tpu.memory_space<semaphore_mem>>, %arg21: memref<!tpu.dma_semaphore, #tpu.memory_space<semaphore_mem>>) attributes {dimension_semantics = [#tpu.dimension_semantics<core_parallel>, #tpu.dimension_semantics<subcore_parallel>], iteration_bounds = array<i64: 2, 16>, scalar_prefetch = 0 : i64, scratch_operands = 14 : i64, tpu.core_type = #tpu.core_type<sc_vector_subcore>, window_params = [{transform_indices = #map}, {transform_indices = #map1}, {transform_indices = #map2}, {transform_indices = #map}, {transform_indices = #map}, {transform_indices = #map3}]} {
    %dma_start3A = arith.constant 0 : i32
    %dma_start3A_0 = arith.constant 0 : i32
    %dma_start3A_1 = arith.constant 0 : i32
    %dma_start3A_2 = tpu.memref_slice %arg8[%dma_start3A_0, %dma_start3A_1] : memref<2x128xi32, #tpu.memory_space<vmem>> -> memref<1x128xi32, #tpu.memory_space<vmem>>
    %dma_start3A_3 = tpu.memref_squeeze %dma_start3A_2 : memref<1x128xi32, #tpu.memory_space<vmem>> -> memref<128xi32, #tpu.memory_space<vmem>>
    %dma_start3A_4 = arith.constant 0 : i32
    %dma_start3A_5 = tpu.memref_slice %arg3[%arg0, %arg1, %dma_start3A, %dma_start3A_4] : memref<2x16x80x128xi32, #tpu.memory_space<hbm>> -> memref<1x1x1x128xi32, #tpu.memory_space<hbm>>
    %dma_start3A_6 = tpu.memref_squeeze %dma_start3A_5 : memref<1x1x1x128xi32, #tpu.memory_space<hbm>> -> memref<128xi32, #tpu.memory_space<hbm>>
    %dma_start3A_7 = arith.constant 0 : i32
    %dma_start3A_8 = tpu.memref_slice %arg8[%dma_start3A_0, %dma_start3A_7] : memref<2x128xi32, #tpu.memory_space<vmem>> -> memref<1x128xi32, #tpu.memory_space<vmem>>
    %dma_start3A_9 = tpu.memref_squeeze %dma_start3A_8 : memref<1x128xi32, #tpu.memory_space<vmem>> -> memref<128xi32, #tpu.memory_space<vmem>>
    %dma_start3A_10 = arith.constant 0 : i32
    %dma_start3A_11 = tpu.memref_slice %arg3[%arg0, %arg1, %dma_start3A, %dma_start3A_10] : memref<2x16x80x128xi32, #tpu.memory_space<hbm>> -> memref<1x1x1x128xi32, #tpu.memory_space<hbm>>
    %dma_start3A_12 = tpu.memref_squeeze %dma_start3A_11 : memref<1x1x1x128xi32, #tpu.memory_space<hbm>> -> memref<128xi32, #tpu.memory_space<hbm>>
    tpu.enqueue_dma source(%dma_start3A_12 : memref<128xi32, #tpu.memory_space<hbm>>) target(%dma_start3A_9 : memref<128xi32, #tpu.memory_space<vmem>>) target_semaphore(%arg18 : memref<!tpu.dma_semaphore, #tpu.memory_space<semaphore_mem>>)
    %dma_start3A_13 = arith.constant 1 : i32
    %dma_start3A_14 = arith.constant 1 : i32
    %dma_start3A_15 = arith.constant 0 : i32
    %dma_start3A_16 = tpu.memref_slice %arg8[%dma_start3A_14, %dma_start3A_15] : memref<2x128xi32, #tpu.memory_space<vmem>> -> memref<1x128xi32, #tpu.memory_space<vmem>>
    %dma_start3A_17 = tpu.memref_squeeze %dma_start3A_16 : memref<1x128xi32, #tpu.memory_space<vmem>> -> memref<128xi32, #tpu.memory_space<vmem>>
    %dma_start3A_18 = arith.constant 0 : i32
    %dma_start3A_19 = tpu.memref_slice %arg3[%arg0, %arg1, %dma_start3A_13, %dma_start3A_18] : memref<2x16x80x128xi32, #tpu.memory_space<hbm>> -> memref<1x1x1x128xi32, #tpu.memory_space<hbm>>
    %dma_start3A_20 = tpu.memref_squeeze %dma_start3A_19 : memref<1x1x1x128xi32, #tpu.memory_space<hbm>> -> memref<128xi32, #tpu.memory_space<hbm>>
    %dma_start3A_21 = arith.constant 0 : i32
    %dma_start3A_22 = tpu.memref_slice %arg8[%dma_start3A_14, %dma_start3A_21] : memref<2x128xi32, #tpu.memory_space<vmem>> -> memref<1x128xi32, #tpu.memory_space<vmem>>
    %dma_start3A_23 = tpu.memref_squeeze %dma_start3A_22 : memref<1x128xi32, #tpu.memory_space<vmem>> -> memref<128xi32, #tpu.memory_space<vmem>>
    %dma_start3A_24 = arith.constant 0 : i32
    %dma_start3A_25 = tpu.memref_slice %arg3[%arg0, %arg1, %dma_start3A_13, %dma_start3A_24] : memref<2x16x80x128xi32, #tpu.memory_space<hbm>> -> memref<1x1x1x128xi32, #tpu.memory_space<hbm>>
    %dma_start3A_26 = tpu.memref_squeeze %dma_start3A_25 : memref<1x1x1x128xi32, #tpu.memory_space<hbm>> -> memref<128xi32, #tpu.memory_space<hbm>>
    tpu.enqueue_dma source(%dma_start3A_26 : memref<128xi32, #tpu.memory_space<hbm>>) target(%dma_start3A_23 : memref<128xi32, #tpu.memory_space<vmem>>) target_semaphore(%arg19 : memref<!tpu.dma_semaphore, #tpu.memory_space<semaphore_mem>>)
    "tpu.region"() ({
      %run_scoped3A = tpu.sem_alloc : memref<!tpu.dma_semaphore, #tpu.memory_space<semaphore_mem>>
      %dma_start3A_535 = arith.constant 0 : i32
      %dma_start3A_536 = arith.constant 0 : i32
      %dma_start3A_537 = tpu.memref_slice %arg4[%arg1, %dma_start3A_535, %dma_start3A_536] : memref<16x80x128xi32, #tpu.memory_space<hbm>> -> memref<1x80x128xi32, #tpu.memory_space<hbm>>
      %dma_start3A_538 = tpu.memref_squeeze %dma_start3A_537 : memref<1x80x128xi32, #tpu.memory_space<hbm>> -> memref<80x128xi32, #tpu.memory_space<hbm>>
      %dma_start3A_539 = arith.constant 0 : i32
      %dma_start3A_540 = arith.constant 0 : i32
      %dma_start3A_541 = tpu.memref_slice %arg4[%arg1, %dma_start3A_539, %dma_start3A_540] : memref<16x80x128xi32, #tpu.memory_space<hbm>> -> memref<1x80x128xi32, #tpu.memory_space<hbm>>
      %dma_start3A_542 = tpu.memref_squeeze %dma_start3A_541 : memref<1x80x128xi32, #tpu.memory_space<hbm>> -> memref<80x128xi32, #tpu.memory_space<hbm>>
      tpu.enqueue_dma source(%dma_start3A_542 : memref<80x128xi32, #tpu.memory_space<hbm>>) target(%arg9 : memref<80x128xi32, #tpu.memory_space<vmem>>) target_semaphore(%run_scoped3A : memref<!tpu.dma_semaphore, #tpu.memory_space<semaphore_mem>>)
      %dma_wait3A_543 = arith.constant 0 : i32
      %dma_wait3A_544 = arith.constant 0 : i32
      %dma_wait3A_545 = tpu.memref_slice %arg4[%arg1, %dma_wait3A_543, %dma_wait3A_544] : memref<16x80x128xi32, #tpu.memory_space<hbm>> -> memref<1x80x128xi32, #tpu.memory_space<hbm>>
      %dma_wait3A_546 = tpu.memref_squeeze %dma_wait3A_545 : memref<1x80x128xi32, #tpu.memory_space<hbm>> -> memref<80x128xi32, #tpu.memory_space<hbm>>
      %dma_wait3A_547 = arith.constant 0 : i32
      %dma_wait3A_548 = arith.constant 0 : i32
      %dma_wait3A_549 = tpu.memref_slice %arg4[%arg1, %dma_wait3A_547, %dma_wait3A_548] : memref<16x80x128xi32, #tpu.memory_space<hbm>> -> memref<1x80x128xi32, #tpu.memory_space<hbm>>
      %dma_wait3A_550 = tpu.memref_squeeze %dma_wait3A_549 : memref<1x80x128xi32, #tpu.memory_space<hbm>> -> memref<80x128xi32, #tpu.memory_space<hbm>>
      tpu.wait_dma2 semaphore(%run_scoped3A : memref<!tpu.dma_semaphore, #tpu.memory_space<semaphore_mem>>) src(%dma_wait3A_550 : memref<80x128xi32, #tpu.memory_space<hbm>>) dst(%arg9 : memref<80x128xi32, #tpu.memory_space<vmem>>)
      tpu.yield
    }) : () -> ()
    %broadcast_in_dim3A = arith.constant 0.000000e+00 : f32
    %broadcast_in_dim3A_27 = vector.broadcast %broadcast_in_dim3A : f32 to vector<16xf32>
    %scan3A = arith.constant 0 : i32
    %scan3A_28 = arith.constant 0 : i32
    %scan3A_29 = arith.constant 128 : i32
    %scan3A_30 = arith.addi %scan3A_28, %scan3A_29 : i32
    %scan3A_31 = arith.constant 1 : i32
    scf.for %scan3A_535 = %scan3A_28 to %scan3A_30 step %scan3A_31  : i32 {
      %mul3A_536 = arith.constant 1 : i32
      %mul3A_537 = arith.muli %scan3A_535, %mul3A_536 : i32
      %add3A_538 = arith.constant 0 : i32
      %add3A_539 = arith.addi %add3A_538, %mul3A_537 : i32
      %swap3A_540 = arith.constant 0 : i32
      %swap3A_541 = arith.constant 0 : i32
      %swap3A_542 = tpu.memref_slice %arg10[%scan3A, %swap3A_540, %swap3A_541] : memref<2x128x128xf32, #tpu.memory_space<vmem>> -> memref<1x128x128xf32, #tpu.memory_space<vmem>>
      %swap3A_543 = tpu.memref_squeeze %swap3A_542 : memref<1x128x128xf32, #tpu.memory_space<vmem>> -> memref<128x128xf32, #tpu.memory_space<vmem>>
      %swap3A_544 = arith.index_cast %add3A_539 : i32 to index
      %swap3A_545 = arith.constant 0 : index
      %swap3A_546 = tpu.vector_load %swap3A_543[%swap3A_544, %swap3A_545] {strides = array<i32>} : memref<128x128xf32, #tpu.memory_space<vmem>>, vector<1x16xf32>,
      %swap3A_547 = vector.shape_cast %swap3A_546 : vector<1x16xf32> to vector<16xf32>
      %swap3A_548 = vector.shape_cast %broadcast_in_dim3A_27 : vector<16xf32> to vector<1x16xf32>
      tpu.vector_store %swap3A_543[%swap3A_544, %swap3A_545], %swap3A_548 {strides = array<i32>} : memref<128x128xf32, #tpu.memory_space<vmem>>, vector<1x16xf32>,
      %swap3A_549 = arith.constant 0 : i32
      %swap3A_550 = arith.constant 0 : i32
      %swap3A_551 = tpu.memref_slice %arg10[%scan3A, %swap3A_549, %swap3A_550] : memref<2x128x128xf32, #tpu.memory_space<vmem>> -> memref<1x128x128xf32, #tpu.memory_space<vmem>>
      %swap3A_552 = tpu.memref_squeeze %swap3A_551 : memref<1x128x128xf32, #tpu.memory_space<vmem>> -> memref<128x128xf32, #tpu.memory_space<vmem>>
      %swap3A_553 = arith.index_cast %add3A_539 : i32 to index
      %swap3A_554 = arith.constant 16 : index
      %swap3A_555 = tpu.vector_load %swap3A_552[%swap3A_553, %swap3A_554] {strides = array<i32>} : memref<128x128xf32, #tpu.memory_space<vmem>>, vector<1x16xf32>,
      %swap3A_556 = vector.shape_cast %swap3A_555 : vector<1x16xf32> to vector<16xf32>
      %swap3A_557 = vector.shape_cast %broadcast_in_dim3A_27 : vector<16xf32> to vector<1x16xf32>
      tpu.vector_store %swap3A_552[%swap3A_553, %swap3A_554], %swap3A_557 {strides = array<i32>} : memref<128x128xf32, #tpu.memory_space<vmem>>, vector<1x16xf32>,
      %swap3A_558 = arith.constant 0 : i32
      %swap3A_559 = arith.constant 0 : i32
      %swap3A_560 = tpu.memref_slice %arg10[%scan3A, %swap3A_558, %swap3A_559] : memref<2x128x128xf32, #tpu.memory_space<vmem>> -> memref<1x128x128xf32, #tpu.memory_space<vmem>>
      %swap3A_561 = tpu.memref_squeeze %swap3A_560 : memref<1x128x128xf32, #tpu.memory_space<vmem>> -> memref<128x128xf32, #tpu.memory_space<vmem>>
      %swap3A_562 = arith.index_cast %add3A_539 : i32 to index
      %swap3A_563 = arith.constant 32 : index
      %swap3A_564 = tpu.vector_load %swap3A_561[%swap3A_562, %swap3A_563] {strides = array<i32>} : memref<128x128xf32, #tpu.memory_space<vmem>>, vector<1x16xf32>,
      %swap3A_565 = vector.shape_cast %swap3A_564 : vector<1x16xf32> to vector<16xf32>
      %swap3A_566 = vector.shape_cast %broadcast_in_dim3A_27 : vector<16xf32> to vector<1x16xf32>
      tpu.vector_store %swap3A_561[%swap3A_562, %swap3A_563], %swap3A_566 {strides = array<i32>} : memref<128x128xf32, #tpu.memory_space<vmem>>, vector<1x16xf32>,
      %swap3A_567 = arith.constant 0 : i32
      %swap3A_568 = arith.constant 0 : i32
      %swap3A_569 = tpu.memref_slice %arg10[%scan3A, %swap3A_567, %swap3A_568] : memref<2x128x128xf32, #tpu.memory_space<vmem>> -> memref<1x128x128xf32, #tpu.memory_space<vmem>>
      %swap3A_570 = tpu.memref_squeeze %swap3A_569 : memref<1x128x128xf32, #tpu.memory_space<vmem>> -> memref<128x128xf32, #tpu.memory_space<vmem>>
      %swap3A_571 = arith.index_cast %add3A_539 : i32 to index
      %swap3A_572 = arith.constant 48 : index
      %swap3A_573 = tpu.vector_load %swap3A_570[%swap3A_571, %swap3A_572] {strides = array<i32>} : memref<128x128xf32, #tpu.memory_space<vmem>>, vector<1x16xf32>,
      %swap3A_574 = vector.shape_cast %swap3A_573 : vector<1x16xf32> to vector<16xf32>
      %swap3A_575 = vector.shape_cast %broadcast_in_dim3A_27 : vector<16xf32> to vector<1x16xf32>
      tpu.vector_store %swap3A_570[%swap3A_571, %swap3A_572], %swap3A_575 {strides = array<i32>} : memref<128x128xf32, #tpu.memory_space<vmem>>, vector<1x16xf32>,
      %swap3A_576 = arith.constant 0 : i32
      %swap3A_577 = arith.constant 0 : i32
      %swap3A_578 = tpu.memref_slice %arg10[%scan3A, %swap3A_576, %swap3A_577] : memref<2x128x128xf32, #tpu.memory_space<vmem>> -> memref<1x128x128xf32, #tpu.memory_space<vmem>>
      %swap3A_579 = tpu.memref_squeeze %swap3A_578 : memref<1x128x128xf32, #tpu.memory_space<vmem>> -> memref<128x128xf32, #tpu.memory_space<vmem>>
      %swap3A_580 = arith.index_cast %add3A_539 : i32 to index
      %swap3A_581 = arith.constant 64 : index
      %swap3A_582 = tpu.vector_load %swap3A_579[%swap3A_580, %swap3A_581] {strides = array<i32>} : memref<128x128xf32, #tpu.memory_space<vmem>>, vector<1x16xf32>,
      %swap3A_583 = vector.shape_cast %swap3A_582 : vector<1x16xf32> to vector<16xf32>
      %swap3A_584 = vector.shape_cast %broadcast_in_dim3A_27 : vector<16xf32> to vector<1x16xf32>
      tpu.vector_store %swap3A_579[%swap3A_580, %swap3A_581], %swap3A_584 {strides = array<i32>} : memref<128x128xf32, #tpu.memory_space<vmem>>, vector<1x16xf32>,
      %swap3A_585 = arith.constant 0 : i32
      %swap3A_586 = arith.constant 0 : i32
      %swap3A_587 = tpu.memref_slice %arg10[%scan3A, %swap3A_585, %swap3A_586] : memref<2x128x128xf32, #tpu.memory_space<vmem>> -> memref<1x128x128xf32, #tpu.memory_space<vmem>>
      %swap3A_588 = tpu.memref_squeeze %swap3A_587 : memref<1x128x128xf32, #tpu.memory_space<vmem>> -> memref<128x128xf32, #tpu.memory_space<vmem>>
      %swap3A_589 = arith.index_cast %add3A_539 : i32 to index
      %swap3A_590 = arith.constant 80 : index
      %swap3A_591 = tpu.vector_load %swap3A_588[%swap3A_589, %swap3A_590] {strides = array<i32>} : memref<128x128xf32, #tpu.memory_space<vmem>>, vector<1x16xf32>,
      %swap3A_592 = vector.shape_cast %swap3A_591 : vector<1x16xf32> to vector<16xf32>
      %swap3A_593 = vector.shape_cast %broadcast_in_dim3A_27 : vector<16xf32> to vector<1x16xf32>
      tpu.vector_store %swap3A_588[%swap3A_589, %swap3A_590], %swap3A_593 {strides = array<i32>} : memref<128x128xf32, #tpu.memory_space<vmem>>, vector<1x16xf32>,
      %swap3A_594 = arith.constant 0 : i32
      %swap3A_595 = arith.constant 0 : i32
      %swap3A_596 = tpu.memref_slice %arg10[%scan3A, %swap3A_594, %swap3A_595] : memref<2x128x128xf32, #tpu.memory_space<vmem>> -> memref<1x128x128xf32, #tpu.memory_space<vmem>>
      %swap3A_597 = tpu.memref_squeeze %swap3A_596 : memref<1x128x128xf32, #tpu.memory_space<vmem>> -> memref<128x128xf32, #tpu.memory_space<vmem>>
      %swap3A_598 = arith.index_cast %add3A_539 : i32 to index
      %swap3A_599 = arith.constant 96 : index
      %swap3A_600 = tpu.vector_load %swap3A_597[%swap3A_598, %swap3A_599] {strides = array<i32>} : memref<128x128xf32, #tpu.memory_space<vmem>>, vector<1x16xf32>,
      %swap3A_601 = vector.shape_cast %swap3A_600 : vector<1x16xf32> to vector<16xf32>
      %swap3A_602 = vector.shape_cast %broadcast_in_dim3A_27 : vector<16xf32> to vector<1x16xf32>
      tpu.vector_store %swap3A_597[%swap3A_598, %swap3A_599], %swap3A_602 {strides = array<i32>} : memref<128x128xf32, #tpu.memory_space<vmem>>, vector<1x16xf32>,
      %swap3A_603 = arith.constant 0 : i32
      %swap3A_604 = arith.constant 0 : i32
      %swap3A_605 = tpu.memref_slice %arg10[%scan3A, %swap3A_603, %swap3A_604] : memref<2x128x128xf32, #tpu.memory_space<vmem>> -> memref<1x128x128xf32, #tpu.memory_space<vmem>>
      %swap3A_606 = tpu.memref_squeeze %swap3A_605 : memref<1x128x128xf32, #tpu.memory_space<vmem>> -> memref<128x128xf32, #tpu.memory_space<vmem>>
      %swap3A_607 = arith.index_cast %add3A_539 : i32 to index
      %swap3A_608 = arith.constant 112 : index
      %swap3A_609 = tpu.vector_load %swap3A_606[%swap3A_607, %swap3A_608] {strides = array<i32>} : memref<128x128xf32, #tpu.memory_space<vmem>>, vector<1x16xf32>,
      %swap3A_610 = vector.shape_cast %swap3A_609 : vector<1x16xf32> to vector<16xf32>
      %swap3A_611 = vector.shape_cast %broadcast_in_dim3A_27 : vector<16xf32> to vector<1x16xf32>
      tpu.vector_store %swap3A_606[%swap3A_607, %swap3A_608], %swap3A_611 {strides = array<i32>} : memref<128x128xf32, #tpu.memory_space<vmem>>, vector<1x16xf32>,
    }
    %scan3A_32 = arith.constant 128 : i32
    %mul3A = arith.constant 640 : i32
    %mul3A_33 = arith.muli %arg1, %mul3A : i32
    %add3A = arith.constant 0 : i32
    %add3A_34 = arith.addi %mul3A_33, %add3A : i32
    %dma_start3A_35 = arith.constant 0 : i32
    %dma_start3A_36 = arith.constant 0 : i32
    %dma_start3A_37 = arith.constant 0 : i32
    %dma_start3A_38 = tpu.memref_slice %arg10[%dma_start3A_35, %dma_start3A_36, %dma_start3A_37] : memref<2x128x128xf32, #tpu.memory_space<vmem>> -> memref<1x128x128xf32, #tpu.memory_space<vmem>>
    %dma_start3A_39 = tpu.memref_squeeze %dma_start3A_38 : memref<1x128x128xf32, #tpu.memory_space<vmem>> -> memref<128x128xf32, #tpu.memory_space<vmem>>
    %dma_start3A_40 = arith.constant 0 : i32
    %dma_start3A_41 = tpu.memref_slice %arg12[%add3A_34, %dma_start3A_40] : memref<10240x128xf32, #tpu.memory_space<vmem_shared>> -> memref<128x128xf32, #tpu.memory_space<vmem_shared>>
    %dma_start3A_42 = arith.constant 0 : i32
    %dma_start3A_43 = tpu.memref_slice %arg12[%add3A_34, %dma_start3A_42] : memref<10240x128xf32, #tpu.memory_space<vmem_shared>> -> memref<128x128xf32, #tpu.memory_space<vmem_shared>>
    %dma_start3A_44 = arith.constant 0 : i32
    %dma_start3A_45 = arith.constant 0 : i32
    %dma_start3A_46 = tpu.memref_slice %arg10[%dma_start3A_35, %dma_start3A_44, %dma_start3A_45] : memref<2x128x128xf32, #tpu.memory_space<vmem>> -> memref<1x128x128xf32, #tpu.memory_space<vmem>>
    %dma_start3A_47 = tpu.memref_squeeze %dma_start3A_46 : memref<1x128x128xf32, #tpu.memory_space<vmem>> -> memref<128x128xf32, #tpu.memory_space<vmem>>
    tpu.enqueue_dma source(%dma_start3A_47 : memref<128x128xf32, #tpu.memory_space<vmem>>) target(%dma_start3A_43 : memref<128x128xf32, #tpu.memory_space<vmem_shared>>) target_semaphore(%arg21 : memref<!tpu.dma_semaphore, #tpu.memory_space<semaphore_mem>>)
    %mul3A_48 = arith.constant 640 : i32
    %mul3A_49 = arith.muli %arg1, %mul3A_48 : i32
    %add3A_50 = arith.constant 0 : i32
    %add3A_51 = arith.addi %mul3A_49, %add3A_50 : i32
    %dma_start3A_52 = arith.constant 0 : i32
    %dma_start3A_53 = arith.constant 0 : i32
    %dma_start3A_54 = arith.constant 0 : i32
    %dma_start3A_55 = arith.constant 0 : i32
    %dma_start3A_56 = tpu.memref_slice %arg10[%dma_start3A_52, %dma_start3A_54, %dma_start3A_55] : memref<2x128x128xf32, #tpu.memory_space<vmem>> -> memref<1x128x128xf32, #tpu.memory_space<vmem>>
    %dma_start3A_57 = tpu.memref_squeeze %dma_start3A_56 : memref<1x128x128xf32, #tpu.memory_space<vmem>> -> memref<128x128xf32, #tpu.memory_space<vmem>>
    %dma_start3A_58 = arith.constant 0 : i32
    %dma_start3A_59 = tpu.memref_slice %dma_start3A_57[%dma_start3A_53, %dma_start3A_58] : memref<128x128xf32, #tpu.memory_space<vmem>> -> memref<1x128xf32, #tpu.memory_space<vmem>>
    %dma_start3A_60 = tpu.memref_squeeze %dma_start3A_59 : memref<1x128xf32, #tpu.memory_space<vmem>> -> memref<128xf32, #tpu.memory_space<vmem>>
    %dma_start3A_61 = tpu.memref_slice %arg13[%add3A_51] : memref<10240xf32, #tpu.memory_space<vmem_shared>> -> memref<128xf32, #tpu.memory_space<vmem_shared>>
    %dma_start3A_62 = tpu.memref_slice %arg13[%add3A_51] : memref<10240xf32, #tpu.memory_space<vmem_shared>> -> memref<128xf32, #tpu.memory_space<vmem_shared>>
    %dma_start3A_63 = arith.constant 0 : i32
    %dma_start3A_64 = arith.constant 0 : i32
    %dma_start3A_65 = tpu.memref_slice %arg10[%dma_start3A_52, %dma_start3A_63, %dma_start3A_64] : memref<2x128x128xf32, #tpu.memory_space<vmem>> -> memref<1x128x128xf32, #tpu.memory_space<vmem>>
    %dma_start3A_66 = tpu.memref_squeeze %dma_start3A_65 : memref<1x128x128xf32, #tpu.memory_space<vmem>> -> memref<128x128xf32, #tpu.memory_space<vmem>>
    %dma_start3A_67 = arith.constant 0 : i32
    %dma_start3A_68 = tpu.memref_slice %dma_start3A_66[%dma_start3A_53, %dma_start3A_67] : memref<128x128xf32, #tpu.memory_space<vmem>> -> memref<1x128xf32, #tpu.memory_space<vmem>>
    %dma_start3A_69 = tpu.memref_squeeze %dma_start3A_68 : memref<1x128xf32, #tpu.memory_space<vmem>> -> memref<128xf32, #tpu.memory_space<vmem>>
    tpu.enqueue_dma source(%dma_start3A_69 : memref<128xf32, #tpu.memory_space<vmem>>) target(%dma_start3A_62 : memref<128xf32, #tpu.memory_space<vmem_shared>>) target_semaphore(%arg21 : memref<!tpu.dma_semaphore, #tpu.memory_space<semaphore_mem>>)
    %mul3A_70 = arith.constant 640 : i32
    %mul3A_71 = arith.muli %arg1, %mul3A_70 : i32
    %add3A_72 = arith.constant 128 : i32
    %add3A_73 = arith.addi %mul3A_71, %add3A_72 : i32
    %dma_start3A_74 = arith.constant 0 : i32
    %dma_start3A_75 = arith.constant 0 : i32
    %dma_start3A_76 = arith.constant 0 : i32
    %dma_start3A_77 = tpu.memref_slice %arg10[%dma_start3A_74, %dma_start3A_75, %dma_start3A_76] : memref<2x128x128xf32, #tpu.memory_space<vmem>> -> memref<1x128x128xf32, #tpu.memory_space<vmem>>
    %dma_start3A_78 = tpu.memref_squeeze %dma_start3A_77 : memref<1x128x128xf32, #tpu.memory_space<vmem>> -> memref<128x128xf32, #tpu.memory_space<vmem>>
    %dma_start3A_79 = arith.constant 0 : i32
    %dma_start3A_80 = tpu.memref_slice %arg12[%add3A_73, %dma_start3A_79] : memref<10240x128xf32, #tpu.memory_space<vmem_shared>> -> memref<128x128xf32, #tpu.memory_space<vmem_shared>>
    %dma_start3A_81 = arith.constant 0 : i32
    %dma_start3A_82 = tpu.memref_slice %arg12[%add3A_73, %dma_start3A_81] : memref<10240x128xf32, #tpu.memory_space<vmem_shared>> -> memref<128x128xf32, #tpu.memory_space<vmem_shared>>
    %dma_start3A_83 = arith.constant 0 : i32
    %dma_start3A_84 = arith.constant 0 : i32
    %dma_start3A_85 = tpu.memref_slice %arg10[%dma_start3A_74, %dma_start3A_83, %dma_start3A_84] : memref<2x128x128xf32, #tpu.memory_space<vmem>> -> memref<1x128x128xf32, #tpu.memory_space<vmem>>
    %dma_start3A_86 = tpu.memref_squeeze %dma_start3A_85 : memref<1x128x128xf32, #tpu.memory_space<vmem>> -> memref<128x128xf32, #tpu.memory_space<vmem>>
    tpu.enqueue_dma source(%dma_start3A_86 : memref<128x128xf32, #tpu.memory_space<vmem>>) target(%dma_start3A_82 : memref<128x128xf32, #tpu.memory_space<vmem_shared>>) target_semaphore(%arg21 : memref<!tpu.dma_semaphore, #tpu.memory_space<semaphore_mem>>)
    %mul3A_87 = arith.constant 640 : i32
    %mul3A_88 = arith.muli %arg1, %mul3A_87 : i32
    %add3A_89 = arith.constant 128 : i32
    %add3A_90 = arith.addi %mul3A_88, %add3A_89 : i32
    %dma_start3A_91 = arith.constant 0 : i32
    %dma_start3A_92 = arith.constant 0 : i32
    %dma_start3A_93 = arith.constant 0 : i32
    %dma_start3A_94 = arith.constant 0 : i32
    %dma_start3A_95 = tpu.memref_slice %arg10[%dma_start3A_91, %dma_start3A_93, %dma_start3A_94] : memref<2x128x128xf32, #tpu.memory_space<vmem>> -> memref<1x128x128xf32, #tpu.memory_space<vmem>>
    %dma_start3A_96 = tpu.memref_squeeze %dma_start3A_95 : memref<1x128x128xf32, #tpu.memory_space<vmem>> -> memref<128x128xf32, #tpu.memory_space<vmem>>
    %dma_start3A_97 = arith.constant 0 : i32
    %dma_start3A_98 = tpu.memref_slice %dma_start3A_96[%dma_start3A_92, %dma_start3A_97] : memref<128x128xf32, #tpu.memory_space<vmem>> -> memref<1x128xf32, #tpu.memory_space<vmem>>
    %dma_start3A_99 = tpu.memref_squeeze %dma_start3A_98 : memref<1x128xf32, #tpu.memory_space<vmem>> -> memref<128xf32, #tpu.memory_space<vmem>>
    %dma_start3A_100 = tpu.memref_slice %arg13[%add3A_90] : memref<10240xf32, #tpu.memory_space<vmem_shared>> -> memref<128xf32, #tpu.memory_space<vmem_shared>>
    %dma_start3A_101 = tpu.memref_slice %arg13[%add3A_90] : memref<10240xf32, #tpu.memory_space<vmem_shared>> -> memref<128xf32, #tpu.memory_space<vmem_shared>>
    %dma_start3A_102 = arith.constant 0 : i32
    %dma_start3A_103 = arith.constant 0 : i32
    %dma_start3A_104 = tpu.memref_slice %arg10[%dma_start3A_91, %dma_start3A_102, %dma_start3A_103] : memref<2x128x128xf32, #tpu.memory_space<vmem>> -> memref<1x128x128xf32, #tpu.memory_space<vmem>>
    %dma_start3A_105 = tpu.memref_squeeze %dma_start3A_104 : memref<1x128x128xf32, #tpu.memory_space<vmem>> -> memref<128x128xf32, #tpu.memory_space<vmem>>
    %dma_start3A_106 = arith.constant 0 : i32
    %dma_start3A_107 = tpu.memref_slice %dma_start3A_105[%dma_start3A_92, %dma_start3A_106] : memref<128x128xf32, #tpu.memory_space<vmem>> -> memref<1x128xf32, #tpu.memory_space<vmem>>
    %dma_start3A_108 = tpu.memref_squeeze %dma_start3A_107 : memref<1x128xf32, #tpu.memory_space<vmem>> -> memref<128xf32, #tpu.memory_space<vmem>>
    tpu.enqueue_dma source(%dma_start3A_108 : memref<128xf32, #tpu.memory_space<vmem>>) target(%dma_start3A_101 : memref<128xf32, #tpu.memory_space<vmem_shared>>) target_semaphore(%arg21 : memref<!tpu.dma_semaphore, #tpu.memory_space<semaphore_mem>>)
    %mul3A_109 = arith.constant 640 : i32
    %mul3A_110 = arith.muli %arg1, %mul3A_109 : i32
    %add3A_111 = arith.constant 256 : i32
    %add3A_112 = arith.addi %mul3A_110, %add3A_111 : i32
    %dma_start3A_113 = arith.constant 0 : i32
    %dma_start3A_114 = arith.constant 0 : i32
    %dma_start3A_115 = arith.constant 0 : i32
    %dma_start3A_116 = tpu.memref_slice %arg10[%dma_start3A_113, %dma_start3A_114, %dma_start3A_115] : memref<2x128x128xf32, #tpu.memory_space<vmem>> -> memref<1x128x128xf32, #tpu.memory_space<vmem>>
    %dma_start3A_117 = tpu.memref_squeeze %dma_start3A_116 : memref<1x128x128xf32, #tpu.memory_space<vmem>> -> memref<128x128xf32, #tpu.memory_space<vmem>>
    %dma_start3A_118 = arith.constant 0 : i32
    %dma_start3A_119 = tpu.memref_slice %arg12[%add3A_112, %dma_start3A_118] : memref<10240x128xf32, #tpu.memory_space<vmem_shared>> -> memref<128x128xf32, #tpu.memory_space<vmem_shared>>
    %dma_start3A_120 = arith.constant 0 : i32
    %dma_start3A_121 = tpu.memref_slice %arg12[%add3A_112, %dma_start3A_120] : memref<10240x128xf32, #tpu.memory_space<vmem_shared>> -> memref<128x128xf32, #tpu.memory_space<vmem_shared>>
    %dma_start3A_122 = arith.constant 0 : i32
    %dma_start3A_123 = arith.constant 0 : i32
    %dma_start3A_124 = tpu.memref_slice %arg10[%dma_start3A_113, %dma_start3A_122, %dma_start3A_123] : memref<2x128x128xf32, #tpu.memory_space<vmem>> -> memref<1x128x128xf32, #tpu.memory_space<vmem>>
    %dma_start3A_125 = tpu.memref_squeeze %dma_start3A_124 : memref<1x128x128xf32, #tpu.memory_space<vmem>> -> memref<128x128xf32, #tpu.memory_space<vmem>>
    tpu.enqueue_dma source(%dma_start3A_125 : memref<128x128xf32, #tpu.memory_space<vmem>>) target(%dma_start3A_121 : memref<128x128xf32, #tpu.memory_space<vmem_shared>>) target_semaphore(%arg21 : memref<!tpu.dma_semaphore, #tpu.memory_space<semaphore_mem>>)
    %mul3A_126 = arith.constant 640 : i32
    %mul3A_127 = arith.muli %arg1, %mul3A_126 : i32
    %add3A_128 = arith.constant 256 : i32
    %add3A_129 = arith.addi %mul3A_127, %add3A_128 : i32
    %dma_start3A_130 = arith.constant 0 : i32
    %dma_start3A_131 = arith.constant 0 : i32
    %dma_start3A_132 = arith.constant 0 : i32
    %dma_start3A_133 = arith.constant 0 : i32
    %dma_start3A_134 = tpu.memref_slice %arg10[%dma_start3A_130, %dma_start3A_132, %dma_start3A_133] : memref<2x128x128xf32, #tpu.memory_space<vmem>> -> memref<1x128x128xf32, #tpu.memory_space<vmem>>
    %dma_start3A_135 = tpu.memref_squeeze %dma_start3A_134 : memref<1x128x128xf32, #tpu.memory_space<vmem>> -> memref<128x128xf32, #tpu.memory_space<vmem>>
    %dma_start3A_136 = arith.constant 0 : i32
    %dma_start3A_137 = tpu.memref_slice %dma_start3A_135[%dma_start3A_131, %dma_start3A_136] : memref<128x128xf32, #tpu.memory_space<vmem>> -> memref<1x128xf32, #tpu.memory_space<vmem>>
    %dma_start3A_138 = tpu.memref_squeeze %dma_start3A_137 : memref<1x128xf32, #tpu.memory_space<vmem>> -> memref<128xf32, #tpu.memory_space<vmem>>
    %dma_start3A_139 = tpu.memref_slice %arg13[%add3A_129] : memref<10240xf32, #tpu.memory_space<vmem_shared>> -> memref<128xf32, #tpu.memory_space<vmem_shared>>
    %dma_start3A_140 = tpu.memref_slice %arg13[%add3A_129] : memref<10240xf32, #tpu.memory_space<vmem_shared>> -> memref<128xf32, #tpu.memory_space<vmem_shared>>
    %dma_start3A_141 = arith.constant 0 : i32
    %dma_start3A_142 = arith.constant 0 : i32
    %dma_start3A_143 = tpu.memref_slice %arg10[%dma_start3A_130, %dma_start3A_141, %dma_start3A_142] : memref<2x128x128xf32, #tpu.memory_space<vmem>> -> memref<1x128x128xf32, #tpu.memory_space<vmem>>
    %dma_start3A_144 = tpu.memref_squeeze %dma_start3A_143 : memref<1x128x128xf32, #tpu.memory_space<vmem>> -> memref<128x128xf32, #tpu.memory_space<vmem>>
    %dma_start3A_145 = arith.constant 0 : i32
    %dma_start3A_146 = tpu.memref_slice %dma_start3A_144[%dma_start3A_131, %dma_start3A_145] : memref<128x128xf32, #tpu.memory_space<vmem>> -> memref<1x128xf32, #tpu.memory_space<vmem>>
    %dma_start3A_147 = tpu.memref_squeeze %dma_start3A_146 : memref<1x128xf32, #tpu.memory_space<vmem>> -> memref<128xf32, #tpu.memory_space<vmem>>
    tpu.enqueue_dma source(%dma_start3A_147 : memref<128xf32, #tpu.memory_space<vmem>>) target(%dma_start3A_140 : memref<128xf32, #tpu.memory_space<vmem_shared>>) target_semaphore(%arg21 : memref<!tpu.dma_semaphore, #tpu.memory_space<semaphore_mem>>)
    %mul3A_148 = arith.constant 640 : i32
    %mul3A_149 = arith.muli %arg1, %mul3A_148 : i32
    %add3A_150 = arith.constant 384 : i32
    %add3A_151 = arith.addi %mul3A_149, %add3A_150 : i32
    %dma_start3A_152 = arith.constant 0 : i32
    %dma_start3A_153 = arith.constant 0 : i32
    %dma_start3A_154 = arith.constant 0 : i32
    %dma_start3A_155 = tpu.memref_slice %arg10[%dma_start3A_152, %dma_start3A_153, %dma_start3A_154] : memref<2x128x128xf32, #tpu.memory_space<vmem>> -> memref<1x128x128xf32, #tpu.memory_space<vmem>>
    %dma_start3A_156 = tpu.memref_squeeze %dma_start3A_155 : memref<1x128x128xf32, #tpu.memory_space<vmem>> -> memref<128x128xf32, #tpu.memory_space<vmem>>
    %dma_start3A_157 = arith.constant 0 : i32
    %dma_start3A_158 = tpu.memref_slice %arg12[%add3A_151, %dma_start3A_157] : memref<10240x128xf32, #tpu.memory_space<vmem_shared>> -> memref<128x128xf32, #tpu.memory_space<vmem_shared>>
    %dma_start3A_159 = arith.constant 0 : i32
    %dma_start3A_160 = tpu.memref_slice %arg12[%add3A_151, %dma_start3A_159] : memref<10240x128xf32, #tpu.memory_space<vmem_shared>> -> memref<128x128xf32, #tpu.memory_space<vmem_shared>>
    %dma_start3A_161 = arith.constant 0 : i32
    %dma_start3A_162 = arith.constant 0 : i32
    %dma_start3A_163 = tpu.memref_slice %arg10[%dma_start3A_152, %dma_start3A_161, %dma_start3A_162] : memref<2x128x128xf32, #tpu.memory_space<vmem>> -> memref<1x128x128xf32, #tpu.memory_space<vmem>>
    %dma_start3A_164 = tpu.memref_squeeze %dma_start3A_163 : memref<1x128x128xf32, #tpu.memory_space<vmem>> -> memref<128x128xf32, #tpu.memory_space<vmem>>
    tpu.enqueue_dma source(%dma_start3A_164 : memref<128x128xf32, #tpu.memory_space<vmem>>) target(%dma_start3A_160 : memref<128x128xf32, #tpu.memory_space<vmem_shared>>) target_semaphore(%arg21 : memref<!tpu.dma_semaphore, #tpu.memory_space<semaphore_mem>>)
    %mul3A_165 = arith.constant 640 : i32
    %mul3A_166 = arith.muli %arg1, %mul3A_165 : i32
    %add3A_167 = arith.constant 384 : i32
    %add3A_168 = arith.addi %mul3A_166, %add3A_167 : i32
    %dma_start3A_169 = arith.constant 0 : i32
    %dma_start3A_170 = arith.constant 0 : i32
    %dma_start3A_171 = arith.constant 0 : i32
    %dma_start3A_172 = arith.constant 0 : i32
    %dma_start3A_173 = tpu.memref_slice %arg10[%dma_start3A_169, %dma_start3A_171, %dma_start3A_172] : memref<2x128x128xf32, #tpu.memory_space<vmem>> -> memref<1x128x128xf32, #tpu.memory_space<vmem>>
    %dma_start3A_174 = tpu.memref_squeeze %dma_start3A_173 : memref<1x128x128xf32, #tpu.memory_space<vmem>> -> memref<128x128xf32, #tpu.memory_space<vmem>>
    %dma_start3A_175 = arith.constant 0 : i32
    %dma_start3A_176 = tpu.memref_slice %dma_start3A_174[%dma_start3A_170, %dma_start3A_175] : memref<128x128xf32, #tpu.memory_space<vmem>> -> memref<1x128xf32, #tpu.memory_space<vmem>>
    %dma_start3A_177 = tpu.memref_squeeze %dma_start3A_176 : memref<1x128xf32, #tpu.memory_space<vmem>> -> memref<128xf32, #tpu.memory_space<vmem>>
    %dma_start3A_178 = tpu.memref_slice %arg13[%add3A_168] : memref<10240xf32, #tpu.memory_space<vmem_shared>> -> memref<128xf32, #tpu.memory_space<vmem_shared>>
    %dma_start3A_179 = tpu.memref_slice %arg13[%add3A_168] : memref<10240xf32, #tpu.memory_space<vmem_shared>> -> memref<128xf32, #tpu.memory_space<vmem_shared>>
    %dma_start3A_180 = arith.constant 0 : i32
    %dma_start3A_181 = arith.constant 0 : i32
    %dma_start3A_182 = tpu.memref_slice %arg10[%dma_start3A_169, %dma_start3A_180, %dma_start3A_181] : memref<2x128x128xf32, #tpu.memory_space<vmem>> -> memref<1x128x128xf32, #tpu.memory_space<vmem>>
    %dma_start3A_183 = tpu.memref_squeeze %dma_start3A_182 : memref<1x128x128xf32, #tpu.memory_space<vmem>> -> memref<128x128xf32, #tpu.memory_space<vmem>>
    %dma_start3A_184 = arith.constant 0 : i32
    %dma_start3A_185 = tpu.memref_slice %dma_start3A_183[%dma_start3A_170, %dma_start3A_184] : memref<128x128xf32, #tpu.memory_space<vmem>> -> memref<1x128xf32, #tpu.memory_space<vmem>>
    %dma_start3A_186 = tpu.memref_squeeze %dma_start3A_185 : memref<1x128xf32, #tpu.memory_space<vmem>> -> memref<128xf32, #tpu.memory_space<vmem>>
    tpu.enqueue_dma source(%dma_start3A_186 : memref<128xf32, #tpu.memory_space<vmem>>) target(%dma_start3A_179 : memref<128xf32, #tpu.memory_space<vmem_shared>>) target_semaphore(%arg21 : memref<!tpu.dma_semaphore, #tpu.memory_space<semaphore_mem>>)
    %mul3A_187 = arith.constant 640 : i32
    %mul3A_188 = arith.muli %arg1, %mul3A_187 : i32
    %add3A_189 = arith.constant 512 : i32
    %add3A_190 = arith.addi %mul3A_188, %add3A_189 : i32
    %dma_start3A_191 = arith.constant 0 : i32
    %dma_start3A_192 = arith.constant 0 : i32
    %dma_start3A_193 = arith.constant 0 : i32
    %dma_start3A_194 = tpu.memref_slice %arg10[%dma_start3A_191, %dma_start3A_192, %dma_start3A_193] : memref<2x128x128xf32, #tpu.memory_space<vmem>> -> memref<1x128x128xf32, #tpu.memory_space<vmem>>
    %dma_start3A_195 = tpu.memref_squeeze %dma_start3A_194 : memref<1x128x128xf32, #tpu.memory_space<vmem>> -> memref<128x128xf32, #tpu.memory_space<vmem>>
    %dma_start3A_196 = arith.constant 0 : i32
    %dma_start3A_197 = tpu.memref_slice %arg12[%add3A_190, %dma_start3A_196] : memref<10240x128xf32, #tpu.memory_space<vmem_shared>> -> memref<128x128xf32, #tpu.memory_space<vmem_shared>>
    %dma_start3A_198 = arith.constant 0 : i32
    %dma_start3A_199 = tpu.memref_slice %arg12[%add3A_190, %dma_start3A_198] : memref<10240x128xf32, #tpu.memory_space<vmem_shared>> -> memref<128x128xf32, #tpu.memory_space<vmem_shared>>
    %dma_start3A_200 = arith.constant 0 : i32
    %dma_start3A_201 = arith.constant 0 : i32
    %dma_start3A_202 = tpu.memref_slice %arg10[%dma_start3A_191, %dma_start3A_200, %dma_start3A_201] : memref<2x128x128xf32, #tpu.memory_space<vmem>> -> memref<1x128x128xf32, #tpu.memory_space<vmem>>
    %dma_start3A_203 = tpu.memref_squeeze %dma_start3A_202 : memref<1x128x128xf32, #tpu.memory_space<vmem>> -> memref<128x128xf32, #tpu.memory_space<vmem>>
    tpu.enqueue_dma source(%dma_start3A_203 : memref<128x128xf32, #tpu.memory_space<vmem>>) target(%dma_start3A_199 : memref<128x128xf32, #tpu.memory_space<vmem_shared>>) target_semaphore(%arg21 : memref<!tpu.dma_semaphore, #tpu.memory_space<semaphore_mem>>)
    %mul3A_204 = arith.constant 640 : i32
    %mul3A_205 = arith.muli %arg1, %mul3A_204 : i32
    %add3A_206 = arith.constant 512 : i32
    %add3A_207 = arith.addi %mul3A_205, %add3A_206 : i32
    %dma_start3A_208 = arith.constant 0 : i32
    %dma_start3A_209 = arith.constant 0 : i32
    %dma_start3A_210 = arith.constant 0 : i32
    %dma_start3A_211 = arith.constant 0 : i32
    %dma_start3A_212 = tpu.memref_slice %arg10[%dma_start3A_208, %dma_start3A_210, %dma_start3A_211] : memref<2x128x128xf32, #tpu.memory_space<vmem>> -> memref<1x128x128xf32, #tpu.memory_space<vmem>>
    %dma_start3A_213 = tpu.memref_squeeze %dma_start3A_212 : memref<1x128x128xf32, #tpu.memory_space<vmem>> -> memref<128x128xf32, #tpu.memory_space<vmem>>
    %dma_start3A_214 = arith.constant 0 : i32
    %dma_start3A_215 = tpu.memref_slice %dma_start3A_213[%dma_start3A_209, %dma_start3A_214] : memref<128x128xf32, #tpu.memory_space<vmem>> -> memref<1x128xf32, #tpu.memory_space<vmem>>
    %dma_start3A_216 = tpu.memref_squeeze %dma_start3A_215 : memref<1x128xf32, #tpu.memory_space<vmem>> -> memref<128xf32, #tpu.memory_space<vmem>>
    %dma_start3A_217 = tpu.memref_slice %arg13[%add3A_207] : memref<10240xf32, #tpu.memory_space<vmem_shared>> -> memref<128xf32, #tpu.memory_space<vmem_shared>>
    %dma_start3A_218 = tpu.memref_slice %arg13[%add3A_207] : memref<10240xf32, #tpu.memory_space<vmem_shared>> -> memref<128xf32, #tpu.memory_space<vmem_shared>>
    %dma_start3A_219 = arith.constant 0 : i32
    %dma_start3A_220 = arith.constant 0 : i32
    %dma_start3A_221 = tpu.memref_slice %arg10[%dma_start3A_208, %dma_start3A_219, %dma_start3A_220] : memref<2x128x128xf32, #tpu.memory_space<vmem>> -> memref<1x128x128xf32, #tpu.memory_space<vmem>>
    %dma_start3A_222 = tpu.memref_squeeze %dma_start3A_221 : memref<1x128x128xf32, #tpu.memory_space<vmem>> -> memref<128x128xf32, #tpu.memory_space<vmem>>
    %dma_start3A_223 = arith.constant 0 : i32
    %dma_start3A_224 = tpu.memref_slice %dma_start3A_222[%dma_start3A_209, %dma_start3A_223] : memref<128x128xf32, #tpu.memory_space<vmem>> -> memref<1x128xf32, #tpu.memory_space<vmem>>
    %dma_start3A_225 = tpu.memref_squeeze %dma_start3A_224 : memref<1x128xf32, #tpu.memory_space<vmem>> -> memref<128xf32, #tpu.memory_space<vmem>>
    tpu.enqueue_dma source(%dma_start3A_225 : memref<128xf32, #tpu.memory_space<vmem>>) target(%dma_start3A_218 : memref<128xf32, #tpu.memory_space<vmem_shared>>) target_semaphore(%arg21 : memref<!tpu.dma_semaphore, #tpu.memory_space<semaphore_mem>>)
    %broadcast_in_dim3A_226 = arith.constant 1.000000e+00 : f32
    %broadcast_in_dim3A_227 = vector.broadcast %broadcast_in_dim3A_226 : f32 to vector<16xf32>
    %swap3A = arith.constant 0 : index
    %swap3A_228 = tpu.vector_load %arg11[%swap3A] {strides = array<i32>} : memref<128xf32, #tpu.memory_space<vmem>>, vector<16xf32>,
    %swap3A_229 = vector.shape_cast %swap3A_228 : vector<16xf32> to vector<16xf32>
    %swap3A_230 = vector.shape_cast %broadcast_in_dim3A_227 : vector<16xf32> to vector<16xf32>
    tpu.vector_store %arg11[%swap3A], %swap3A_230 {strides = array<i32>} : memref<128xf32, #tpu.memory_space<vmem>>, vector<16xf32>,
    %broadcast_in_dim3A_231 = arith.constant 1.000000e+00 : f32
    %broadcast_in_dim3A_232 = vector.broadcast %broadcast_in_dim3A_231 : f32 to vector<16xf32>
    %swap3A_233 = arith.constant 16 : index
    %swap3A_234 = tpu.vector_load %arg11[%swap3A_233] {strides = array<i32>} : memref<128xf32, #tpu.memory_space<vmem>>, vector<16xf32>,
    %swap3A_235 = vector.shape_cast %swap3A_234 : vector<16xf32> to vector<16xf32>
    %swap3A_236 = vector.shape_cast %broadcast_in_dim3A_232 : vector<16xf32> to vector<16xf32>
    tpu.vector_store %arg11[%swap3A_233], %swap3A_236 {strides = array<i32>} : memref<128xf32, #tpu.memory_space<vmem>>, vector<16xf32>,
    %broadcast_in_dim3A_237 = arith.constant 1.000000e+00 : f32
    %broadcast_in_dim3A_238 = vector.broadcast %broadcast_in_dim3A_237 : f32 to vector<16xf32>
    %swap3A_239 = arith.constant 32 : index
    %swap3A_240 = tpu.vector_load %arg11[%swap3A_239] {strides = array<i32>} : memref<128xf32, #tpu.memory_space<vmem>>, vector<16xf32>,
    %swap3A_241 = vector.shape_cast %swap3A_240 : vector<16xf32> to vector<16xf32>
    %swap3A_242 = vector.shape_cast %broadcast_in_dim3A_238 : vector<16xf32> to vector<16xf32>
    tpu.vector_store %arg11[%swap3A_239], %swap3A_242 {strides = array<i32>} : memref<128xf32, #tpu.memory_space<vmem>>, vector<16xf32>,
    %broadcast_in_dim3A_243 = arith.constant 1.000000e+00 : f32
    %broadcast_in_dim3A_244 = vector.broadcast %broadcast_in_dim3A_243 : f32 to vector<16xf32>
    %swap3A_245 = arith.constant 48 : index
    %swap3A_246 = tpu.vector_load %arg11[%swap3A_245] {strides = array<i32>} : memref<128xf32, #tpu.memory_space<vmem>>, vector<16xf32>,
    %swap3A_247 = vector.shape_cast %swap3A_246 : vector<16xf32> to vector<16xf32>
    %swap3A_248 = vector.shape_cast %broadcast_in_dim3A_244 : vector<16xf32> to vector<16xf32>
    tpu.vector_store %arg11[%swap3A_245], %swap3A_248 {strides = array<i32>} : memref<128xf32, #tpu.memory_space<vmem>>, vector<16xf32>,
    %broadcast_in_dim3A_249 = arith.constant 1.000000e+00 : f32
    %broadcast_in_dim3A_250 = vector.broadcast %broadcast_in_dim3A_249 : f32 to vector<16xf32>
    %swap3A_251 = arith.constant 64 : index
    %swap3A_252 = tpu.vector_load %arg11[%swap3A_251] {strides = array<i32>} : memref<128xf32, #tpu.memory_space<vmem>>, vector<16xf32>,
    %swap3A_253 = vector.shape_cast %swap3A_252 : vector<16xf32> to vector<16xf32>
    %swap3A_254 = vector.shape_cast %broadcast_in_dim3A_250 : vector<16xf32> to vector<16xf32>
    tpu.vector_store %arg11[%swap3A_251], %swap3A_254 {strides = array<i32>} : memref<128xf32, #tpu.memory_space<vmem>>, vector<16xf32>,
    %broadcast_in_dim3A_255 = arith.constant 1.000000e+00 : f32
    %broadcast_in_dim3A_256 = vector.broadcast %broadcast_in_dim3A_255 : f32 to vector<16xf32>
    %swap3A_257 = arith.constant 80 : index
    %swap3A_258 = tpu.vector_load %arg11[%swap3A_257] {strides = array<i32>} : memref<128xf32, #tpu.memory_space<vmem>>, vector<16xf32>,
    %swap3A_259 = vector.shape_cast %swap3A_258 : vector<16xf32> to vector<16xf32>
    %swap3A_260 = vector.shape_cast %broadcast_in_dim3A_256 : vector<16xf32> to vector<16xf32>
    tpu.vector_store %arg11[%swap3A_257], %swap3A_260 {strides = array<i32>} : memref<128xf32, #tpu.memory_space<vmem>>, vector<16xf32>,
    %broadcast_in_dim3A_261 = arith.constant 1.000000e+00 : f32
    %broadcast_in_dim3A_262 = vector.broadcast %broadcast_in_dim3A_261 : f32 to vector<16xf32>
    %swap3A_263 = arith.constant 96 : index
    %swap3A_264 = tpu.vector_load %arg11[%swap3A_263] {strides = array<i32>} : memref<128xf32, #tpu.memory_space<vmem>>, vector<16xf32>,
    %swap3A_265 = vector.shape_cast %swap3A_264 : vector<16xf32> to vector<16xf32>
    %swap3A_266 = vector.shape_cast %broadcast_in_dim3A_262 : vector<16xf32> to vector<16xf32>
    tpu.vector_store %arg11[%swap3A_263], %swap3A_266 {strides = array<i32>} : memref<128xf32, #tpu.memory_space<vmem>>, vector<16xf32>,
    %broadcast_in_dim3A_267 = arith.constant 1.000000e+00 : f32
    %broadcast_in_dim3A_268 = vector.broadcast %broadcast_in_dim3A_267 : f32 to vector<16xf32>
    %swap3A_269 = arith.constant 112 : index
    %swap3A_270 = tpu.vector_load %arg11[%swap3A_269] {strides = array<i32>} : memref<128xf32, #tpu.memory_space<vmem>>, vector<16xf32>,
    %swap3A_271 = vector.shape_cast %swap3A_270 : vector<16xf32> to vector<16xf32>
    %swap3A_272 = vector.shape_cast %broadcast_in_dim3A_268 : vector<16xf32> to vector<16xf32>
    tpu.vector_store %arg11[%swap3A_269], %swap3A_272 {strides = array<i32>} : memref<128xf32, #tpu.memory_space<vmem>>, vector<16xf32>,
    %mul3A_273 = arith.constant 640 : i32
    %mul3A_274 = arith.muli %arg1, %mul3A_273 : i32
    %add3A_275 = arith.constant 0 : i32
    %add3A_276 = arith.addi %mul3A_274, %add3A_275 : i32
    %dma_wait3A = arith.constant 0 : i32
    %dma_wait3A_277 = arith.constant 0 : i32
    %dma_wait3A_278 = arith.constant 0 : i32
    %dma_wait3A_279 = tpu.memref_slice %arg10[%dma_wait3A, %dma_wait3A_277, %dma_wait3A_278] : memref<2x128x128xf32, #tpu.memory_space<vmem>> -> memref<1x128x128xf32, #tpu.memory_space<vmem>>
    %dma_wait3A_280 = tpu.memref_squeeze %dma_wait3A_279 : memref<1x128x128xf32, #tpu.memory_space<vmem>> -> memref<128x128xf32, #tpu.memory_space<vmem>>
    %dma_wait3A_281 = arith.constant 0 : i32
    %dma_wait3A_282 = tpu.memref_slice %arg12[%add3A_276, %dma_wait3A_281] : memref<10240x128xf32, #tpu.memory_space<vmem_shared>> -> memref<128x128xf32, #tpu.memory_space<vmem_shared>>
    %dma_wait3A_283 = arith.constant 0 : i32
    %dma_wait3A_284 = tpu.memref_slice %arg12[%add3A_276, %dma_wait3A_283] : memref<10240x128xf32, #tpu.memory_space<vmem_shared>> -> memref<128x128xf32, #tpu.memory_space<vmem_shared>>
    %dma_wait3A_285 = arith.constant 0 : i32
    %dma_wait3A_286 = arith.constant 0 : i32
    %dma_wait3A_287 = tpu.memref_slice %arg10[%dma_wait3A, %dma_wait3A_285, %dma_wait3A_286] : memref<2x128x128xf32, #tpu.memory_space<vmem>> -> memref<1x128x128xf32, #tpu.memory_space<vmem>>
    %dma_wait3A_288 = tpu.memref_squeeze %dma_wait3A_287 : memref<1x128x128xf32, #tpu.memory_space<vmem>> -> memref<128x128xf32, #tpu.memory_space<vmem>>
    tpu.wait_dma2 semaphore(%arg21 : memref<!tpu.dma_semaphore, #tpu.memory_space<semaphore_mem>>) src(%dma_wait3A_288 : memref<128x128xf32, #tpu.memory_space<vmem>>) dst(%dma_wait3A_284 : memref<128x128xf32, #tpu.memory_space<vmem_shared>>)
    %mul3A_289 = arith.constant 640 : i32
    %mul3A_290 = arith.muli %arg1, %mul3A_289 : i32
    %add3A_291 = arith.constant 0 : i32
    %add3A_292 = arith.addi %mul3A_290, %add3A_291 : i32
    %dma_wait3A_293 = arith.constant 0 : i32
    %dma_wait3A_294 = arith.constant 0 : i32
    %dma_wait3A_295 = arith.constant 0 : i32
    %dma_wait3A_296 = arith.constant 0 : i32
    %dma_wait3A_297 = tpu.memref_slice %arg10[%dma_wait3A_293, %dma_wait3A_295, %dma_wait3A_296] : memref<2x128x128xf32, #tpu.memory_space<vmem>> -> memref<1x128x128xf32, #tpu.memory_space<vmem>>
    %dma_wait3A_298 = tpu.memref_squeeze %dma_wait3A_297 : memref<1x128x128xf32, #tpu.memory_space<vmem>> -> memref<128x128xf32, #tpu.memory_space<vmem>>
    %dma_wait3A_299 = arith.constant 0 : i32
    %dma_wait3A_300 = tpu.memref_slice %dma_wait3A_298[%dma_wait3A_294, %dma_wait3A_299] : memref<128x128xf32, #tpu.memory_space<vmem>> -> memref<1x128xf32, #tpu.memory_space<vmem>>
    %dma_wait3A_301 = tpu.memref_squeeze %dma_wait3A_300 : memref<1x128xf32, #tpu.memory_space<vmem>> -> memref<128xf32, #tpu.memory_space<vmem>>
    %dma_wait3A_302 = tpu.memref_slice %arg13[%add3A_292] : memref<10240xf32, #tpu.memory_space<vmem_shared>> -> memref<128xf32, #tpu.memory_space<vmem_shared>>
    %dma_wait3A_303 = tpu.memref_slice %arg13[%add3A_292] : memref<10240xf32, #tpu.memory_space<vmem_shared>> -> memref<128xf32, #tpu.memory_space<vmem_shared>>
    %dma_wait3A_304 = arith.constant 0 : i32
    %dma_wait3A_305 = arith.constant 0 : i32
    %dma_wait3A_306 = tpu.memref_slice %arg10[%dma_wait3A_293, %dma_wait3A_304, %dma_wait3A_305] : memref<2x128x128xf32, #tpu.memory_space<vmem>> -> memref<1x128x128xf32, #tpu.memory_space<vmem>>
    %dma_wait3A_307 = tpu.memref_squeeze %dma_wait3A_306 : memref<1x128x128xf32, #tpu.memory_space<vmem>> -> memref<128x128xf32, #tpu.memory_space<vmem>>
    %dma_wait3A_308 = arith.constant 0 : i32
    %dma_wait3A_309 = tpu.memref_slice %dma_wait3A_307[%dma_wait3A_294, %dma_wait3A_308] : memref<128x128xf32, #tpu.memory_space<vmem>> -> memref<1x128xf32, #tpu.memory_space<vmem>>
    %dma_wait3A_310 = tpu.memref_squeeze %dma_wait3A_309 : memref<1x128xf32, #tpu.memory_space<vmem>> -> memref<128xf32, #tpu.memory_space<vmem>>
    tpu.wait_dma2 semaphore(%arg21 : memref<!tpu.dma_semaphore, #tpu.memory_space<semaphore_mem>>) src(%dma_wait3A_310 : memref<128xf32, #tpu.memory_space<vmem>>) dst(%dma_wait3A_303 : memref<128xf32, #tpu.memory_space<vmem_shared>>)
    %mul3A_311 = arith.constant 640 : i32
    %mul3A_312 = arith.muli %arg1, %mul3A_311 : i32
    %add3A_313 = arith.constant 128 : i32
    %add3A_314 = arith.addi %mul3A_312, %add3A_313 : i32
    %dma_wait3A_315 = arith.constant 0 : i32
    %dma_wait3A_316 = arith.constant 0 : i32
    %dma_wait3A_317 = arith.constant 0 : i32
    %dma_wait3A_318 = tpu.memref_slice %arg10[%dma_wait3A_315, %dma_wait3A_316, %dma_wait3A_317] : memref<2x128x128xf32, #tpu.memory_space<vmem>> -> memref<1x128x128xf32, #tpu.memory_space<vmem>>
    %dma_wait3A_319 = tpu.memref_squeeze %dma_wait3A_318 : memref<1x128x128xf32, #tpu.memory_space<vmem>> -> memref<128x128xf32, #tpu.memory_space<vmem>>
    %dma_wait3A_320 = arith.constant 0 : i32
    %dma_wait3A_321 = tpu.memref_slice %arg12[%add3A_314, %dma_wait3A_320] : memref<10240x128xf32, #tpu.memory_space<vmem_shared>> -> memref<128x128xf32, #tpu.memory_space<vmem_shared>>
    %dma_wait3A_322 = arith.constant 0 : i32
    %dma_wait3A_323 = tpu.memref_slice %arg12[%add3A_314, %dma_wait3A_322] : memref<10240x128xf32, #tpu.memory_space<vmem_shared>> -> memref<128x128xf32, #tpu.memory_space<vmem_shared>>
    %dma_wait3A_324 = arith.constant 0 : i32
    %dma_wait3A_325 = arith.constant 0 : i32
    %dma_wait3A_326 = tpu.memref_slice %arg10[%dma_wait3A_315, %dma_wait3A_324, %dma_wait3A_325] : memref<2x128x128xf32, #tpu.memory_space<vmem>> -> memref<1x128x128xf32, #tpu.memory_space<vmem>>
    %dma_wait3A_327 = tpu.memref_squeeze %dma_wait3A_326 : memref<1x128x128xf32, #tpu.memory_space<vmem>> -> memref<128x128xf32, #tpu.memory_space<vmem>>
    tpu.wait_dma2 semaphore(%arg21 : memref<!tpu.dma_semaphore, #tpu.memory_space<semaphore_mem>>) src(%dma_wait3A_327 : memref<128x128xf32, #tpu.memory_space<vmem>>) dst(%dma_wait3A_323 : memref<128x128xf32, #tpu.memory_space<vmem_shared>>)
    %mul3A_328 = arith.constant 640 : i32
    %mul3A_329 = arith.muli %arg1, %mul3A_328 : i32
    %add3A_330 = arith.constant 128 : i32
    %add3A_331 = arith.addi %mul3A_329, %add3A_330 : i32
    %dma_wait3A_332 = arith.constant 0 : i32
    %dma_wait3A_333 = arith.constant 0 : i32
    %dma_wait3A_334 = arith.constant 0 : i32
    %dma_wait3A_335 = arith.constant 0 : i32
    %dma_wait3A_336 = tpu.memref_slice %arg10[%dma_wait3A_332, %dma_wait3A_334, %dma_wait3A_335] : memref<2x128x128xf32, #tpu.memory_space<vmem>> -> memref<1x128x128xf32, #tpu.memory_space<vmem>>
    %dma_wait3A_337 = tpu.memref_squeeze %dma_wait3A_336 : memref<1x128x128xf32, #tpu.memory_space<vmem>> -> memref<128x128xf32, #tpu.memory_space<vmem>>
    %dma_wait3A_338 = arith.constant 0 : i32
    %dma_wait3A_339 = tpu.memref_slice %dma_wait3A_337[%dma_wait3A_333, %dma_wait3A_338] : memref<128x128xf32, #tpu.memory_space<vmem>> -> memref<1x128xf32, #tpu.memory_space<vmem>>
    %dma_wait3A_340 = tpu.memref_squeeze %dma_wait3A_339 : memref<1x128xf32, #tpu.memory_space<vmem>> -> memref<128xf32, #tpu.memory_space<vmem>>
    %dma_wait3A_341 = tpu.memref_slice %arg13[%add3A_331] : memref<10240xf32, #tpu.memory_space<vmem_shared>> -> memref<128xf32, #tpu.memory_space<vmem_shared>>
    %dma_wait3A_342 = tpu.memref_slice %arg13[%add3A_331] : memref<10240xf32, #tpu.memory_space<vmem_shared>> -> memref<128xf32, #tpu.memory_space<vmem_shared>>
    %dma_wait3A_343 = arith.constant 0 : i32
    %dma_wait3A_344 = arith.constant 0 : i32
    %dma_wait3A_345 = tpu.memref_slice %arg10[%dma_wait3A_332, %dma_wait3A_343, %dma_wait3A_344] : memref<2x128x128xf32, #tpu.memory_space<vmem>> -> memref<1x128x128xf32, #tpu.memory_space<vmem>>
    %dma_wait3A_346 = tpu.memref_squeeze %dma_wait3A_345 : memref<1x128x128xf32, #tpu.memory_space<vmem>> -> memref<128x128xf32, #tpu.memory_space<vmem>>
    %dma_wait3A_347 = arith.constant 0 : i32
    %dma_wait3A_348 = tpu.memref_slice %dma_wait3A_346[%dma_wait3A_333, %dma_wait3A_347] : memref<128x128xf32, #tpu.memory_space<vmem>> -> memref<1x128xf32, #tpu.memory_space<vmem>>
    %dma_wait3A_349 = tpu.memref_squeeze %dma_wait3A_348 : memref<1x128xf32, #tpu.memory_space<vmem>> -> memref<128xf32, #tpu.memory_space<vmem>>
    tpu.wait_dma2 semaphore(%arg21 : memref<!tpu.dma_semaphore, #tpu.memory_space<semaphore_mem>>) src(%dma_wait3A_349 : memref<128xf32, #tpu.memory_space<vmem>>) dst(%dma_wait3A_342 : memref<128xf32, #tpu.memory_space<vmem_shared>>)
    %mul3A_350 = arith.constant 640 : i32
    %mul3A_351 = arith.muli %arg1, %mul3A_350 : i32
    %add3A_352 = arith.constant 256 : i32
    %add3A_353 = arith.addi %mul3A_351, %add3A_352 : i32
    %dma_wait3A_354 = arith.constant 0 : i32
    %dma_wait3A_355 = arith.constant 0 : i32
    %dma_wait3A_356 = arith.constant 0 : i32
    %dma_wait3A_357 = tpu.memref_slice %arg10[%dma_wait3A_354, %dma_wait3A_355, %dma_wait3A_356] : memref<2x128x128xf32, #tpu.memory_space<vmem>> -> memref<1x128x128xf32, #tpu.memory_space<vmem>>
    %dma_wait3A_358 = tpu.memref_squeeze %dma_wait3A_357 : memref<1x128x128xf32, #tpu.memory_space<vmem>> -> memref<128x128xf32, #tpu.memory_space<vmem>>
    %dma_wait3A_359 = arith.constant 0 : i32
    %dma_wait3A_360 = tpu.memref_slice %arg12[%add3A_353, %dma_wait3A_359] : memref<10240x128xf32, #tpu.memory_space<vmem_shared>> -> memref<128x128xf32, #tpu.memory_space<vmem_shared>>
    %dma_wait3A_361 = arith.constant 0 : i32
    %dma_wait3A_362 = tpu.memref_slice %arg12[%add3A_353, %dma_wait3A_361] : memref<10240x128xf32, #tpu.memory_space<vmem_shared>> -> memref<128x128xf32, #tpu.memory_space<vmem_shared>>
    %dma_wait3A_363 = arith.constant 0 : i32
    %dma_wait3A_364 = arith.constant 0 : i32
    %dma_wait3A_365 = tpu.memref_slice %arg10[%dma_wait3A_354, %dma_wait3A_363, %dma_wait3A_364] : memref<2x128x128xf32, #tpu.memory_space<vmem>> -> memref<1x128x128xf32, #tpu.memory_space<vmem>>
    %dma_wait3A_366 = tpu.memref_squeeze %dma_wait3A_365 : memref<1x128x128xf32, #tpu.memory_space<vmem>> -> memref<128x128xf32, #tpu.memory_space<vmem>>
    tpu.wait_dma2 semaphore(%arg21 : memref<!tpu.dma_semaphore, #tpu.memory_space<semaphore_mem>>) src(%dma_wait3A_366 : memref<128x128xf32, #tpu.memory_space<vmem>>) dst(%dma_wait3A_362 : memref<128x128xf32, #tpu.memory_space<vmem_shared>>)
    %mul3A_367 = arith.constant 640 : i32
    %mul3A_368 = arith.muli %arg1, %mul3A_367 : i32
    %add3A_369 = arith.constant 256 : i32
    %add3A_370 = arith.addi %mul3A_368, %add3A_369 : i32
    %dma_wait3A_371 = arith.constant 0 : i32
    %dma_wait3A_372 = arith.constant 0 : i32
    %dma_wait3A_373 = arith.constant 0 : i32
    %dma_wait3A_374 = arith.constant 0 : i32
    %dma_wait3A_375 = tpu.memref_slice %arg10[%dma_wait3A_371, %dma_wait3A_373, %dma_wait3A_374] : memref<2x128x128xf32, #tpu.memory_space<vmem>> -> memref<1x128x128xf32, #tpu.memory_space<vmem>>
    %dma_wait3A_376 = tpu.memref_squeeze %dma_wait3A_375 : memref<1x128x128xf32, #tpu.memory_space<vmem>> -> memref<128x128xf32, #tpu.memory_space<vmem>>
    %dma_wait3A_377 = arith.constant 0 : i32
    %dma_wait3A_378 = tpu.memref_slice %dma_wait3A_376[%dma_wait3A_372, %dma_wait3A_377] : memref<128x128xf32, #tpu.memory_space<vmem>> -> memref<1x128xf32, #tpu.memory_space<vmem>>
    %dma_wait3A_379 = tpu.memref_squeeze %dma_wait3A_378 : memref<1x128xf32, #tpu.memory_space<vmem>> -> memref<128xf32, #tpu.memory_space<vmem>>
    %dma_wait3A_380 = tpu.memref_slice %arg13[%add3A_370] : memref<10240xf32, #tpu.memory_space<vmem_shared>> -> memref<128xf32, #tpu.memory_space<vmem_shared>>
    %dma_wait3A_381 = tpu.memref_slice %arg13[%add3A_370] : memref<10240xf32, #tpu.memory_space<vmem_shared>> -> memref<128xf32, #tpu.memory_space<vmem_shared>>
    %dma_wait3A_382 = arith.constant 0 : i32
    %dma_wait3A_383 = arith.constant 0 : i32
    %dma_wait3A_384 = tpu.memref_slice %arg10[%dma_wait3A_371, %dma_wait3A_382, %dma_wait3A_383] : memref<2x128x128xf32, #tpu.memory_space<vmem>> -> memref<1x128x128xf32, #tpu.memory_space<vmem>>
    %dma_wait3A_385 = tpu.memref_squeeze %dma_wait3A_384 : memref<1x128x128xf32, #tpu.memory_space<vmem>> -> memref<128x128xf32, #tpu.memory_space<vmem>>
    %dma_wait3A_386 = arith.constant 0 : i32
    %dma_wait3A_387 = tpu.memref_slice %dma_wait3A_385[%dma_wait3A_372, %dma_wait3A_386] : memref<128x128xf32, #tpu.memory_space<vmem>> -> memref<1x128xf32, #tpu.memory_space<vmem>>
    %dma_wait3A_388 = tpu.memref_squeeze %dma_wait3A_387 : memref<1x128xf32, #tpu.memory_space<vmem>> -> memref<128xf32, #tpu.memory_space<vmem>>
    tpu.wait_dma2 semaphore(%arg21 : memref<!tpu.dma_semaphore, #tpu.memory_space<semaphore_mem>>) src(%dma_wait3A_388 : memref<128xf32, #tpu.memory_space<vmem>>) dst(%dma_wait3A_381 : memref<128xf32, #tpu.memory_space<vmem_shared>>)
    %mul3A_389 = arith.constant 640 : i32
    %mul3A_390 = arith.muli %arg1, %mul3A_389 : i32
    %add3A_391 = arith.constant 384 : i32
    %add3A_392 = arith.addi %mul3A_390, %add3A_391 : i32
    %dma_wait3A_393 = arith.constant 0 : i32
    %dma_wait3A_394 = arith.constant 0 : i32
    %dma_wait3A_395 = arith.constant 0 : i32
    %dma_wait3A_396 = tpu.memref_slice %arg10[%dma_wait3A_393, %dma_wait3A_394, %dma_wait3A_395] : memref<2x128x128xf32, #tpu.memory_space<vmem>> -> memref<1x128x128xf32, #tpu.memory_space<vmem>>
    %dma_wait3A_397 = tpu.memref_squeeze %dma_wait3A_396 : memref<1x128x128xf32, #tpu.memory_space<vmem>> -> memref<128x128xf32, #tpu.memory_space<vmem>>
    %dma_wait3A_398 = arith.constant 0 : i32
    %dma_wait3A_399 = tpu.memref_slice %arg12[%add3A_392, %dma_wait3A_398] : memref<10240x128xf32, #tpu.memory_space<vmem_shared>> -> memref<128x128xf32, #tpu.memory_space<vmem_shared>>
    %dma_wait3A_400 = arith.constant 0 : i32
    %dma_wait3A_401 = tpu.memref_slice %arg12[%add3A_392, %dma_wait3A_400] : memref<10240x128xf32, #tpu.memory_space<vmem_shared>> -> memref<128x128xf32, #tpu.memory_space<vmem_shared>>
    %dma_wait3A_402 = arith.constant 0 : i32
    %dma_wait3A_403 = arith.constant 0 : i32
    %dma_wait3A_404 = tpu.memref_slice %arg10[%dma_wait3A_393, %dma_wait3A_402, %dma_wait3A_403] : memref<2x128x128xf32, #tpu.memory_space<vmem>> -> memref<1x128x128xf32, #tpu.memory_space<vmem>>
    %dma_wait3A_405 = tpu.memref_squeeze %dma_wait3A_404 : memref<1x128x128xf32, #tpu.memory_space<vmem>> -> memref<128x128xf32, #tpu.memory_space<vmem>>
    tpu.wait_dma2 semaphore(%arg21 : memref<!tpu.dma_semaphore, #tpu.memory_space<semaphore_mem>>) src(%dma_wait3A_405 : memref<128x128xf32, #tpu.memory_space<vmem>>) dst(%dma_wait3A_401 : memref<128x128xf32, #tpu.memory_space<vmem_shared>>)
    %mul3A_406 = arith.constant 640 : i32
    %mul3A_407 = arith.muli %arg1, %mul3A_406 : i32
    %add3A_408 = arith.constant 384 : i32
    %add3A_409 = arith.addi %mul3A_407, %add3A_408 : i32
    %dma_wait3A_410 = arith.constant 0 : i32
    %dma_wait3A_411 = arith.constant 0 : i32
    %dma_wait3A_412 = arith.constant 0 : i32
    %dma_wait3A_413 = arith.constant 0 : i32
    %dma_wait3A_414 = tpu.memref_slice %arg10[%dma_wait3A_410, %dma_wait3A_412, %dma_wait3A_413] : memref<2x128x128xf32, #tpu.memory_space<vmem>> -> memref<1x128x128xf32, #tpu.memory_space<vmem>>
    %dma_wait3A_415 = tpu.memref_squeeze %dma_wait3A_414 : memref<1x128x128xf32, #tpu.memory_space<vmem>> -> memref<128x128xf32, #tpu.memory_space<vmem>>
    %dma_wait3A_416 = arith.constant 0 : i32
    %dma_wait3A_417 = tpu.memref_slice %dma_wait3A_415[%dma_wait3A_411, %dma_wait3A_416] : memref<128x128xf32, #tpu.memory_space<vmem>> -> memref<1x128xf32, #tpu.memory_space<vmem>>
    %dma_wait3A_418 = tpu.memref_squeeze %dma_wait3A_417 : memref<1x128xf32, #tpu.memory_space<vmem>> -> memref<128xf32, #tpu.memory_space<vmem>>
    %dma_wait3A_419 = tpu.memref_slice %arg13[%add3A_409] : memref<10240xf32, #tpu.memory_space<vmem_shared>> -> memref<128xf32, #tpu.memory_space<vmem_shared>>
    %dma_wait3A_420 = tpu.memref_slice %arg13[%add3A_409] : memref<10240xf32, #tpu.memory_space<vmem_shared>> -> memref<128xf32, #tpu.memory_space<vmem_shared>>
    %dma_wait3A_421 = arith.constant 0 : i32
    %dma_wait3A_422 = arith.constant 0 : i32
    %dma_wait3A_423 = tpu.memref_slice %arg10[%dma_wait3A_410, %dma_wait3A_421, %dma_wait3A_422] : memref<2x128x128xf32, #tpu.memory_space<vmem>> -> memref<1x128x128xf32, #tpu.memory_space<vmem>>
    %dma_wait3A_424 = tpu.memref_squeeze %dma_wait3A_423 : memref<1x128x128xf32, #tpu.memory_space<vmem>> -> memref<128x128xf32, #tpu.memory_space<vmem>>
    %dma_wait3A_425 = arith.constant 0 : i32
    %dma_wait3A_426 = tpu.memref_slice %dma_wait3A_424[%dma_wait3A_411, %dma_wait3A_425] : memref<128x128xf32, #tpu.memory_space<vmem>> -> memref<1x128xf32, #tpu.memory_space<vmem>>
    %dma_wait3A_427 = tpu.memref_squeeze %dma_wait3A_426 : memref<1x128xf32, #tpu.memory_space<vmem>> -> memref<128xf32, #tpu.memory_space<vmem>>
    tpu.wait_dma2 semaphore(%arg21 : memref<!tpu.dma_semaphore, #tpu.memory_space<semaphore_mem>>) src(%dma_wait3A_427 : memref<128xf32, #tpu.memory_space<vmem>>) dst(%dma_wait3A_420 : memref<128xf32, #tpu.memory_space<vmem_shared>>)
    %mul3A_428 = arith.constant 640 : i32
    %mul3A_429 = arith.muli %arg1, %mul3A_428 : i32
    %add3A_430 = arith.constant 512 : i32
    %add3A_431 = arith.addi %mul3A_429, %add3A_430 : i32
    %dma_wait3A_432 = arith.constant 0 : i32
    %dma_wait3A_433 = arith.constant 0 : i32
    %dma_wait3A_434 = arith.constant 0 : i32
    %dma_wait3A_435 = tpu.memref_slice %arg10[%dma_wait3A_432, %dma_wait3A_433, %dma_wait3A_434] : memref<2x128x128xf32, #tpu.memory_space<vmem>> -> memref<1x128x128xf32, #tpu.memory_space<vmem>>
    %dma_wait3A_436 = tpu.memref_squeeze %dma_wait3A_435 : memref<1x128x128xf32, #tpu.memory_space<vmem>> -> memref<128x128xf32, #tpu.memory_space<vmem>>
    %dma_wait3A_437 = arith.constant 0 : i32
    %dma_wait3A_438 = tpu.memref_slice %arg12[%add3A_431, %dma_wait3A_437] : memref<10240x128xf32, #tpu.memory_space<vmem_shared>> -> memref<128x128xf32, #tpu.memory_space<vmem_shared>>
    %dma_wait3A_439 = arith.constant 0 : i32
    %dma_wait3A_440 = tpu.memref_slice %arg12[%add3A_431, %dma_wait3A_439] : memref<10240x128xf32, #tpu.memory_space<vmem_shared>> -> memref<128x128xf32, #tpu.memory_space<vmem_shared>>
    %dma_wait3A_441 = arith.constant 0 : i32
    %dma_wait3A_442 = arith.constant 0 : i32
    %dma_wait3A_443 = tpu.memref_slice %arg10[%dma_wait3A_432, %dma_wait3A_441, %dma_wait3A_442] : memref<2x128x128xf32, #tpu.memory_space<vmem>> -> memref<1x128x128xf32, #tpu.memory_space<vmem>>
    %dma_wait3A_444 = tpu.memref_squeeze %dma_wait3A_443 : memref<1x128x128xf32, #tpu.memory_space<vmem>> -> memref<128x128xf32, #tpu.memory_space<vmem>>
    tpu.wait_dma2 semaphore(%arg21 : memref<!tpu.dma_semaphore, #tpu.memory_space<semaphore_mem>>) src(%dma_wait3A_444 : memref<128x128xf32, #tpu.memory_space<vmem>>) dst(%dma_wait3A_440 : memref<128x128xf32, #tpu.memory_space<vmem_shared>>)
    %mul3A_445 = arith.constant 640 : i32
    %mul3A_446 = arith.muli %arg1, %mul3A_445 : i32
    %add3A_447 = arith.constant 512 : i32
    %add3A_448 = arith.addi %mul3A_446, %add3A_447 : i32
    %dma_wait3A_449 = arith.constant 0 : i32
    %dma_wait3A_450 = arith.constant 0 : i32
    %dma_wait3A_451 = arith.constant 0 : i32
    %dma_wait3A_452 = arith.constant 0 : i32
    %dma_wait3A_453 = tpu.memref_slice %arg10[%dma_wait3A_449, %dma_wait3A_451, %dma_wait3A_452] : memref<2x128x128xf32, #tpu.memory_space<vmem>> -> memref<1x128x128xf32, #tpu.memory_space<vmem>>
    %dma_wait3A_454 = tpu.memref_squeeze %dma_wait3A_453 : memref<1x128x128xf32, #tpu.memory_space<vmem>> -> memref<128x128xf32, #tpu.memory_space<vmem>>
    %dma_wait3A_455 = arith.constant 0 : i32
    %dma_wait3A_456 = tpu.memref_slice %dma_wait3A_454[%dma_wait3A_450, %dma_wait3A_455] : memref<128x128xf32, #tpu.memory_space<vmem>> -> memref<1x128xf32, #tpu.memory_space<vmem>>
    %dma_wait3A_457 = tpu.memref_squeeze %dma_wait3A_456 : memref<1x128xf32, #tpu.memory_space<vmem>> -> memref<128xf32, #tpu.memory_space<vmem>>
    %dma_wait3A_458 = tpu.memref_slice %arg13[%add3A_448] : memref<10240xf32, #tpu.memory_space<vmem_shared>> -> memref<128xf32, #tpu.memory_space<vmem_shared>>
    %dma_wait3A_459 = tpu.memref_slice %arg13[%add3A_448] : memref<10240xf32, #tpu.memory_space<vmem_shared>> -> memref<128xf32, #tpu.memory_space<vmem_shared>>
    %dma_wait3A_460 = arith.constant 0 : i32
    %dma_wait3A_461 = arith.constant 0 : i32
    %dma_wait3A_462 = tpu.memref_slice %arg10[%dma_wait3A_449, %dma_wait3A_460, %dma_wait3A_461] : memref<2x128x128xf32, #tpu.memory_space<vmem>> -> memref<1x128x128xf32, #tpu.memory_space<vmem>>
    %dma_wait3A_463 = tpu.memref_squeeze %dma_wait3A_462 : memref<1x128x128xf32, #tpu.memory_space<vmem>> -> memref<128x128xf32, #tpu.memory_space<vmem>>
    %dma_wait3A_464 = arith.constant 0 : i32
    %dma_wait3A_465 = tpu.memref_slice %dma_wait3A_463[%dma_wait3A_450, %dma_wait3A_464] : memref<128x128xf32, #tpu.memory_space<vmem>> -> memref<1x128xf32, #tpu.memory_space<vmem>>
    %dma_wait3A_466 = tpu.memref_squeeze %dma_wait3A_465 : memref<1x128xf32, #tpu.memory_space<vmem>> -> memref<128xf32, #tpu.memory_space<vmem>>
    tpu.wait_dma2 semaphore(%arg21 : memref<!tpu.dma_semaphore, #tpu.memory_space<semaphore_mem>>) src(%dma_wait3A_466 : memref<128xf32, #tpu.memory_space<vmem>>) dst(%dma_wait3A_459 : memref<128xf32, #tpu.memory_space<vmem_shared>>)
    %barrier3A = arith.constant 0 : index
    tpu.barrier barrier_id(%barrier3A)
    %dma_wait3A_467 = arith.constant 0 : i32
    %dma_wait3A_468 = arith.constant 0 : i32
    %dma_wait3A_469 = arith.constant 0 : i32
    %dma_wait3A_470 = tpu.memref_slice %arg8[%dma_wait3A_468, %dma_wait3A_469] : memref<2x128xi32, #tpu.memory_space<vmem>> -> memref<1x128xi32, #tpu.memory_space<vmem>>
    %dma_wait3A_471 = tpu.memref_squeeze %dma_wait3A_470 : memref<1x128xi32, #tpu.memory_space<vmem>> -> memref<128xi32, #tpu.memory_space<vmem>>
    %dma_wait3A_472 = arith.constant 0 : i32
    %dma_wait3A_473 = tpu.memref_slice %arg3[%arg0, %arg1, %dma_wait3A_467, %dma_wait3A_472] : memref<2x16x80x128xi32, #tpu.memory_space<hbm>> -> memref<1x1x1x128xi32, #tpu.memory_space<hbm>>
    %dma_wait3A_474 = tpu.memref_squeeze %dma_wait3A_473 : memref<1x1x1x128xi32, #tpu.memory_space<hbm>> -> memref<128xi32, #tpu.memory_space<hbm>>
    %dma_wait3A_475 = arith.constant 0 : i32
    %dma_wait3A_476 = tpu.memref_slice %arg8[%dma_wait3A_468, %dma_wait3A_475] : memref<2x128xi32, #tpu.memory_space<vmem>> -> memref<1x128xi32, #tpu.memory_space<vmem>>
    %dma_wait3A_477 = tpu.memref_squeeze %dma_wait3A_476 : memref<1x128xi32, #tpu.memory_space<vmem>> -> memref<128xi32, #tpu.memory_space<vmem>>
    %dma_wait3A_478 = arith.constant 0 : i32
    %dma_wait3A_479 = tpu.memref_slice %arg3[%arg0, %arg1, %dma_wait3A_467, %dma_wait3A_478] : memref<2x16x80x128xi32, #tpu.memory_space<hbm>> -> memref<1x1x1x128xi32, #tpu.memory_space<hbm>>
    %dma_wait3A_480 = tpu.memref_squeeze %dma_wait3A_479 : memref<1x1x1x128xi32, #tpu.memory_space<hbm>> -> memref<128xi32, #tpu.memory_space<hbm>>
    tpu.wait_dma2 semaphore(%arg18 : memref<!tpu.dma_semaphore, #tpu.memory_space<semaphore_mem>>) src(%dma_wait3A_480 : memref<128xi32, #tpu.memory_space<hbm>>) dst(%dma_wait3A_477 : memref<128xi32, #tpu.memory_space<vmem>>)
    %dma_start3A_481 = arith.constant 0 : i32
    %dma_start3A_482 = arith.constant 0 : i32
    %dma_start3A_483 = arith.constant 0 : i32
    %dma_start3A_484 = arith.constant 0 : i32
    %dma_start3A_485 = tpu.memref_slice %arg10[%dma_start3A_482, %dma_start3A_483, %dma_start3A_484] : memref<2x128x128xf32, #tpu.memory_space<vmem>> -> memref<1x128x128xf32, #tpu.memory_space<vmem>>
    %dma_start3A_486 = tpu.memref_squeeze %dma_start3A_485 : memref<1x128x128xf32, #tpu.memory_space<vmem>> -> memref<128x128xf32, #tpu.memory_space<vmem>>
    %dma_start3A_487 = arith.constant 0 : i32
    %dma_start3A_488 = tpu.memref_slice %arg8[%dma_start3A_481, %dma_start3A_487] : memref<2x128xi32, #tpu.memory_space<vmem>> -> memref<1x128xi32, #tpu.memory_space<vmem>>
    %dma_start3A_489 = tpu.memref_squeeze %dma_start3A_488 : memref<1x128xi32, #tpu.memory_space<vmem>> -> memref<128xi32, #tpu.memory_space<vmem>>
    %dma_start3A_490 = arith.constant 0 : i32
    %dma_start3A_491 = arith.constant 0 : i32
    %dma_start3A_492 = tpu.memref_slice %arg2[%dma_start3A_490, %dma_start3A_491] : memref<20000x128xf32, #tpu.memory_space<hbm>> -> memref<20000x128xf32, #tpu.memory_space<hbm>>
    tpu.enqueue_indirect_dma source(%dma_start3A_492 : memref<20000x128xf32, #tpu.memory_space<hbm>>) target(%dma_start3A_486 : memref<128x128xf32, #tpu.memory_space<vmem>>) offsets(%dma_start3A_489 : memref<128xi32, #tpu.memory_space<vmem>>) semaphore(%arg14 : memref<!tpu.dma_semaphore, #tpu.memory_space<semaphore_mem>>)
    %scan3A_493 = arith.constant 0 : i32
    %scan3A_494 = arith.constant 40 : i32
    %scan3A_495 = arith.addi %scan3A_493, %scan3A_494 : i32
    %scan3A_496 = arith.constant 1 : i32
    scf.for %scan3A_535 = %scan3A_493 to %scan3A_495 step %scan3A_496  : i32 {
      %mul3A_536 = arith.constant 2 : i32
      %mul3A_537 = arith.muli %scan3A_535, %mul3A_536 : i32
      %add3A_538 = arith.constant 0 : i32
      %add3A_539 = arith.addi %add3A_538, %mul3A_537 : i32
      %add3A_540 = arith.constant 0 : i32
      %add3A_541 = arith.addi %add3A_539, %add3A_540 : i32
      %dma_wait3A_542 = arith.constant 0 : i32
      %dma_wait3A_543 = arith.constant 0 : i32
      %dma_wait3A_544 = arith.constant 0 : i32
      %dma_wait3A_545 = arith.constant 0 : i32
      %dma_wait3A_546 = tpu.memref_slice %arg10[%dma_wait3A_543, %dma_wait3A_544, %dma_wait3A_545] : memref<2x128x128xf32, #tpu.memory_space<vmem>> -> memref<1x128x128xf32, #tpu.memory_space<vmem>>
      %dma_wait3A_547 = tpu.memref_squeeze %dma_wait3A_546 : memref<1x128x128xf32, #tpu.memory_space<vmem>> -> memref<128x128xf32, #tpu.memory_space<vmem>>
      %dma_wait3A_548 = arith.constant 0 : i32
      %dma_wait3A_549 = tpu.memref_slice %arg8[%dma_wait3A_542, %dma_wait3A_548] : memref<2x128xi32, #tpu.memory_space<vmem>> -> memref<1x128xi32, #tpu.memory_space<vmem>>
      %dma_wait3A_550 = tpu.memref_squeeze %dma_wait3A_549 : memref<1x128xi32, #tpu.memory_space<vmem>> -> memref<128xi32, #tpu.memory_space<vmem>>
      %dma_wait3A_551 = arith.constant 0 : i32
      %dma_wait3A_552 = arith.constant 0 : i32
      %dma_wait3A_553 = tpu.memref_slice %arg2[%dma_wait3A_551, %dma_wait3A_552] : memref<20000x128xf32, #tpu.memory_space<hbm>> -> memref<20000x128xf32, #tpu.memory_space<hbm>>
      tpu.wait_indirect_dma semaphore(%arg14 : memref<!tpu.dma_semaphore, #tpu.memory_space<semaphore_mem>>) src(%dma_wait3A_553 : memref<20000x128xf32, #tpu.memory_space<hbm>>) dst(%dma_wait3A_547 : memref<128x128xf32, #tpu.memory_space<vmem>>)
      %add3A_554 = arith.constant 1 : i32
      %add3A_555 = arith.addi %add3A_541, %add3A_554 : i32
      %lt3A = arith.constant 80 : i32
      %lt3A_556 = arith.cmpi slt, %add3A_555, %lt3A : i32
      %convert_element_type3A_557 = arith.extui %lt3A_556 : i1 to i32
      %cond3A_558 = arith.constant 0 : i32
      %cond3A_559 = arith.cmpi ne, %convert_element_type3A_557, %cond3A_558 : i32
      scf.if %cond3A_559 {
        %ge3A = arith.constant 1 : i32
        %ge3A_627 = arith.cmpi sge, %add3A_541, %ge3A : i32
        %convert_element_type3A_628 = arith.extui %ge3A_627 : i1 to i32
        %cond3A_629 = arith.constant 0 : i32
        %cond3A_630 = arith.cmpi ne, %convert_element_type3A_628, %cond3A_629 : i32
        scf.if %cond3A_630 {
          %sub3A = arith.constant 1 : i32
          %sub3A_660 = arith.subi %add3A_541, %sub3A : i32
          %dma_wait3A_661 = arith.constant 1 : i32
          %dma_wait3A_662 = arith.constant 0 : i32
          %dma_wait3A_663 = arith.constant 0 : i32
          %dma_wait3A_664 = tpu.memref_slice %arg10[%dma_wait3A_661, %dma_wait3A_662, %dma_wait3A_663] : memref<2x128x128xf32, #tpu.memory_space<vmem>> -> memref<1x128x128xf32, #tpu.memory_space<vmem>>
          %dma_wait3A_665 = tpu.memref_squeeze %dma_wait3A_664 : memref<1x128x128xf32, #tpu.memory_space<vmem>> -> memref<128x128xf32, #tpu.memory_space<vmem>>
          %dma_wait3A_666 = arith.constant 0 : i32
          %dma_wait3A_667 = tpu.memref_slice %arg9[%sub3A_660, %dma_wait3A_666] : memref<80x128xi32, #tpu.memory_space<vmem>> -> memref<1x128xi32, #tpu.memory_space<vmem>>
          %dma_wait3A_668 = tpu.memref_squeeze %dma_wait3A_667 : memref<1x128xi32, #tpu.memory_space<vmem>> -> memref<128xi32, #tpu.memory_space<vmem>>
          %dma_wait3A_669 = arith.constant 0 : i32
          %dma_wait3A_670 = arith.constant 0 : i32
          %dma_wait3A_671 = tpu.memref_slice %arg12[%dma_wait3A_669, %dma_wait3A_670] : memref<10240x128xf32, #tpu.memory_space<vmem_shared>> -> memref<10240x128xf32, #tpu.memory_space<vmem_shared>>
          tpu.wait_indirect_dma semaphore(%arg17 : memref<!tpu.dma_semaphore, #tpu.memory_space<semaphore_mem>>) src(%dma_wait3A_665 : memref<128x128xf32, #tpu.memory_space<vmem>>) dst(%dma_wait3A_671 : memref<10240x128xf32, #tpu.memory_space<vmem_shared>>)
        } else {
        }
        %add3A_631 = arith.constant 1 : i32
        %add3A_632 = arith.addi %add3A_541, %add3A_631 : i32
        %dma_wait3A_633 = arith.constant 1 : i32
        %dma_wait3A_634 = arith.constant 0 : i32
        %dma_wait3A_635 = tpu.memref_slice %arg8[%dma_wait3A_633, %dma_wait3A_634] : memref<2x128xi32, #tpu.memory_space<vmem>> -> memref<1x128xi32, #tpu.memory_space<vmem>>
        %dma_wait3A_636 = tpu.memref_squeeze %dma_wait3A_635 : memref<1x128xi32, #tpu.memory_space<vmem>> -> memref<128xi32, #tpu.memory_space<vmem>>
        %dma_wait3A_637 = arith.constant 0 : i32
        %dma_wait3A_638 = tpu.memref_slice %arg3[%arg0, %arg1, %add3A_632, %dma_wait3A_637] : memref<2x16x80x128xi32, #tpu.memory_space<hbm>> -> memref<1x1x1x128xi32, #tpu.memory_space<hbm>>
        %dma_wait3A_639 = tpu.memref_squeeze %dma_wait3A_638 : memref<1x1x1x128xi32, #tpu.memory_space<hbm>> -> memref<128xi32, #tpu.memory_space<hbm>>
        %dma_wait3A_640 = arith.constant 0 : i32
        %dma_wait3A_641 = tpu.memref_slice %arg8[%dma_wait3A_633, %dma_wait3A_640] : memref<2x128xi32, #tpu.memory_space<vmem>> -> memref<1x128xi32, #tpu.memory_space<vmem>>
        %dma_wait3A_642 = tpu.memref_squeeze %dma_wait3A_641 : memref<1x128xi32, #tpu.memory_space<vmem>> -> memref<128xi32, #tpu.memory_space<vmem>>
        %dma_wait3A_643 = arith.constant 0 : i32
        %dma_wait3A_644 = tpu.memref_slice %arg3[%arg0, %arg1, %add3A_632, %dma_wait3A_643] : memref<2x16x80x128xi32, #tpu.memory_space<hbm>> -> memref<1x1x1x128xi32, #tpu.memory_space<hbm>>
        %dma_wait3A_645 = tpu.memref_squeeze %dma_wait3A_644 : memref<1x1x1x128xi32, #tpu.memory_space<hbm>> -> memref<128xi32, #tpu.memory_space<hbm>>
        tpu.wait_dma2 semaphore(%arg19 : memref<!tpu.dma_semaphore, #tpu.memory_space<semaphore_mem>>) src(%dma_wait3A_645 : memref<128xi32, #tpu.memory_space<hbm>>) dst(%dma_wait3A_642 : memref<128xi32, #tpu.memory_space<vmem>>)
        %add3A_646 = arith.constant 1 : i32
        %add3A_647 = arith.addi %add3A_541, %add3A_646 : i32
        %dma_start3A_648 = arith.constant 1 : i32
        %dma_start3A_649 = arith.constant 1 : i32
        %dma_start3A_650 = arith.constant 0 : i32
        %dma_start3A_651 = arith.constant 0 : i32
        %dma_start3A_652 = tpu.memref_slice %arg10[%dma_start3A_649, %dma_start3A_650, %dma_start3A_651] : memref<2x128x128xf32, #tpu.memory_space<vmem>> -> memref<1x128x128xf32, #tpu.memory_space<vmem>>
        %dma_start3A_653 = tpu.memref_squeeze %dma_start3A_652 : memref<1x128x128xf32, #tpu.memory_space<vmem>> -> memref<128x128xf32, #tpu.memory_space<vmem>>
        %dma_start3A_654 = arith.constant 0 : i32
        %dma_start3A_655 = tpu.memref_slice %arg8[%dma_start3A_648, %dma_start3A_654] : memref<2x128xi32, #tpu.memory_space<vmem>> -> memref<1x128xi32, #tpu.memory_space<vmem>>
        %dma_start3A_656 = tpu.memref_squeeze %dma_start3A_655 : memref<1x128xi32, #tpu.memory_space<vmem>> -> memref<128xi32, #tpu.memory_space<vmem>>
        %dma_start3A_657 = arith.constant 0 : i32
        %dma_start3A_658 = arith.constant 0 : i32
        %dma_start3A_659 = tpu.memref_slice %arg2[%dma_start3A_657, %dma_start3A_658] : memref<20000x128xf32, #tpu.memory_space<hbm>> -> memref<20000x128xf32, #tpu.memory_space<hbm>>
        tpu.enqueue_indirect_dma source(%dma_start3A_659 : memref<20000x128xf32, #tpu.memory_space<hbm>>) target(%dma_start3A_653 : memref<128x128xf32, #tpu.memory_space<vmem>>) offsets(%dma_start3A_656 : memref<128xi32, #tpu.memory_space<vmem>>) semaphore(%arg15 : memref<!tpu.dma_semaphore, #tpu.memory_space<semaphore_mem>>)
      } else {
      }
      %dma_start3A_560 = arith.constant 0 : i32
      %dma_start3A_561 = arith.constant 0 : i32
      %dma_start3A_562 = arith.constant 0 : i32
      %dma_start3A_563 = tpu.memref_slice %arg10[%dma_start3A_560, %dma_start3A_561, %dma_start3A_562] : memref<2x128x128xf32, #tpu.memory_space<vmem>> -> memref<1x128x128xf32, #tpu.memory_space<vmem>>
      %dma_start3A_564 = tpu.memref_squeeze %dma_start3A_563 : memref<1x128x128xf32, #tpu.memory_space<vmem>> -> memref<128x128xf32, #tpu.memory_space<vmem>>
      %dma_start3A_565 = arith.constant 0 : i32
      %dma_start3A_566 = tpu.memref_slice %arg9[%add3A_541, %dma_start3A_565] : memref<80x128xi32, #tpu.memory_space<vmem>> -> memref<1x128xi32, #tpu.memory_space<vmem>>
      %dma_start3A_567 = tpu.memref_squeeze %dma_start3A_566 : memref<1x128xi32, #tpu.memory_space<vmem>> -> memref<128xi32, #tpu.memory_space<vmem>>
      %dma_start3A_568 = arith.constant 0 : i32
      %dma_start3A_569 = arith.constant 0 : i32
      %dma_start3A_570 = tpu.memref_slice %arg12[%dma_start3A_568, %dma_start3A_569] : memref<10240x128xf32, #tpu.memory_space<vmem_shared>> -> memref<10240x128xf32, #tpu.memory_space<vmem_shared>>
      tpu.enqueue_indirect_dma source(%dma_start3A_564 : memref<128x128xf32, #tpu.memory_space<vmem>>) target(%dma_start3A_570 : memref<10240x128xf32, #tpu.memory_space<vmem_shared>>) offsets(%dma_start3A_567 : memref<128xi32, #tpu.memory_space<vmem>>) semaphore(%arg16 : memref<!tpu.dma_semaphore, #tpu.memory_space<semaphore_mem>>) {add = true}
      %eq3A_571 = arith.constant 0 : i32
      %eq3A_572 = arith.cmpi eq, %arg0, %eq3A_571 : i32
      %convert_element_type3A_573 = arith.extui %eq3A_572 : i1 to i32
      %cond3A_574 = arith.constant 0 : i32
      %cond3A_575 = arith.cmpi ne, %convert_element_type3A_573, %cond3A_574 : i32
      scf.if %cond3A_575 {
        %dma_start3A_627 = arith.constant 0 : i32
        %dma_start3A_628 = tpu.memref_slice %arg9[%add3A_541, %dma_start3A_627] : memref<80x128xi32, #tpu.memory_space<vmem>> -> memref<1x128xi32, #tpu.memory_space<vmem>>
        %dma_start3A_629 = tpu.memref_squeeze %dma_start3A_628 : memref<1x128xi32, #tpu.memory_space<vmem>> -> memref<128xi32, #tpu.memory_space<vmem>>
        %dma_start3A_630 = arith.constant 0 : i32
        %dma_start3A_631 = tpu.memref_slice %arg13[%dma_start3A_630] : memref<10240xf32, #tpu.memory_space<vmem_shared>> -> memref<10240xf32, #tpu.memory_space<vmem_shared>>
        tpu.enqueue_indirect_dma source(%arg11 : memref<128xf32, #tpu.memory_space<vmem>>) target(%dma_start3A_631 : memref<10240xf32, #tpu.memory_space<vmem_shared>>) offsets(%dma_start3A_629 : memref<128xi32, #tpu.memory_space<vmem>>) semaphore(%arg20 : memref<!tpu.dma_semaphore, #tpu.memory_space<semaphore_mem>>) {add = true}
      } else {
      }
      %add3A_576 = arith.constant 2 : i32
      %add3A_577 = arith.addi %add3A_541, %add3A_576 : i32
      %lt3A_578 = arith.constant 80 : i32
      %lt3A_579 = arith.cmpi slt, %add3A_577, %lt3A_578 : i32
      %convert_element_type3A_580 = arith.extui %lt3A_579 : i1 to i32
      %cond3A_581 = arith.constant 0 : i32
      %cond3A_582 = arith.cmpi ne, %convert_element_type3A_580, %cond3A_581 : i32
      scf.if %cond3A_582 {
        %add3A_627 = arith.constant 2 : i32
        %add3A_628 = arith.addi %add3A_541, %add3A_627 : i32
        %dma_start3A_629 = arith.constant 0 : i32
        %dma_start3A_630 = arith.constant 0 : i32
        %dma_start3A_631 = tpu.memref_slice %arg8[%dma_start3A_629, %dma_start3A_630] : memref<2x128xi32, #tpu.memory_space<vmem>> -> memref<1x128xi32, #tpu.memory_space<vmem>>
        %dma_start3A_632 = tpu.memref_squeeze %dma_start3A_631 : memref<1x128xi32, #tpu.memory_space<vmem>> -> memref<128xi32, #tpu.memory_space<vmem>>
        %dma_start3A_633 = arith.constant 0 : i32
        %dma_start3A_634 = tpu.memref_slice %arg3[%arg0, %arg1, %add3A_628, %dma_start3A_633] : memref<2x16x80x128xi32, #tpu.memory_space<hbm>> -> memref<1x1x1x128xi32, #tpu.memory_space<hbm>>
        %dma_start3A_635 = tpu.memref_squeeze %dma_start3A_634 : memref<1x1x1x128xi32, #tpu.memory_space<hbm>> -> memref<128xi32, #tpu.memory_space<hbm>>
        %dma_start3A_636 = arith.constant 0 : i32
        %dma_start3A_637 = tpu.memref_slice %arg8[%dma_start3A_629, %dma_start3A_636] : memref<2x128xi32, #tpu.memory_space<vmem>> -> memref<1x128xi32, #tpu.memory_space<vmem>>
        %dma_start3A_638 = tpu.memref_squeeze %dma_start3A_637 : memref<1x128xi32, #tpu.memory_space<vmem>> -> memref<128xi32, #tpu.memory_space<vmem>>
        %dma_start3A_639 = arith.constant 0 : i32
        %dma_start3A_640 = tpu.memref_slice %arg3[%arg0, %arg1, %add3A_628, %dma_start3A_639] : memref<2x16x80x128xi32, #tpu.memory_space<hbm>> -> memref<1x1x1x128xi32, #tpu.memory_space<hbm>>
        %dma_start3A_641 = tpu.memref_squeeze %dma_start3A_640 : memref<1x1x1x128xi32, #tpu.memory_space<hbm>> -> memref<128xi32, #tpu.memory_space<hbm>>
        tpu.enqueue_dma source(%dma_start3A_641 : memref<128xi32, #tpu.memory_space<hbm>>) target(%dma_start3A_638 : memref<128xi32, #tpu.memory_space<vmem>>) target_semaphore(%arg18 : memref<!tpu.dma_semaphore, #tpu.memory_space<semaphore_mem>>)
      } else {
      }
      %add3A_583 = arith.constant 1 : i32
      %add3A_584 = arith.addi %add3A_539, %add3A_583 : i32
      %dma_wait3A_585 = arith.constant 1 : i32
      %dma_wait3A_586 = arith.constant 1 : i32
      %dma_wait3A_587 = arith.constant 0 : i32
      %dma_wait3A_588 = arith.constant 0 : i32
      %dma_wait3A_589 = tpu.memref_slice %arg10[%dma_wait3A_586, %dma_wait3A_587, %dma_wait3A_588] : memref<2x128x128xf32, #tpu.memory_space<vmem>> -> memref<1x128x128xf32, #tpu.memory_space<vmem>>
      %dma_wait3A_590 = tpu.memref_squeeze %dma_wait3A_589 : memref<1x128x128xf32, #tpu.memory_space<vmem>> -> memref<128x128xf32, #tpu.memory_space<vmem>>
      %dma_wait3A_591 = arith.constant 0 : i32
      %dma_wait3A_592 = tpu.memref_slice %arg8[%dma_wait3A_585, %dma_wait3A_591] : memref<2x128xi32, #tpu.memory_space<vmem>> -> memref<1x128xi32, #tpu.memory_space<vmem>>
      %dma_wait3A_593 = tpu.memref_squeeze %dma_wait3A_592 : memref<1x128xi32, #tpu.memory_space<vmem>> -> memref<128xi32, #tpu.memory_space<vmem>>
      %dma_wait3A_594 = arith.constant 0 : i32
      %dma_wait3A_595 = arith.constant 0 : i32
      %dma_wait3A_596 = tpu.memref_slice %arg2[%dma_wait3A_594, %dma_wait3A_595] : memref<20000x128xf32, #tpu.memory_space<hbm>> -> memref<20000x128xf32, #tpu.memory_space<hbm>>
      tpu.wait_indirect_dma semaphore(%arg15 : memref<!tpu.dma_semaphore, #tpu.memory_space<semaphore_mem>>) src(%dma_wait3A_596 : memref<20000x128xf32, #tpu.memory_space<hbm>>) dst(%dma_wait3A_590 : memref<128x128xf32, #tpu.memory_space<vmem>>)
      %add3A_597 = arith.constant 1 : i32
      %add3A_598 = arith.addi %add3A_584, %add3A_597 : i32
      %lt3A_599 = arith.constant 80 : i32
      %lt3A_600 = arith.cmpi slt, %add3A_598, %lt3A_599 : i32
      %convert_element_type3A_601 = arith.extui %lt3A_600 : i1 to i32
      %cond3A_602 = arith.constant 0 : i32
      %cond3A_603 = arith.cmpi ne, %convert_element_type3A_601, %cond3A_602 : i32
      scf.if %cond3A_603 {
        %ge3A = arith.constant 1 : i32
        %ge3A_627 = arith.cmpi sge, %add3A_584, %ge3A : i32
        %convert_element_type3A_628 = arith.extui %ge3A_627 : i1 to i32
        %cond3A_629 = arith.constant 0 : i32
        %cond3A_630 = arith.cmpi ne, %convert_element_type3A_628, %cond3A_629 : i32
        scf.if %cond3A_630 {
          %sub3A = arith.constant 1 : i32
          %sub3A_660 = arith.subi %add3A_584, %sub3A : i32
          %dma_wait3A_661 = arith.constant 0 : i32
          %dma_wait3A_662 = arith.constant 0 : i32
          %dma_wait3A_663 = arith.constant 0 : i32
          %dma_wait3A_664 = tpu.memref_slice %arg10[%dma_wait3A_661, %dma_wait3A_662, %dma_wait3A_663] : memref<2x128x128xf32, #tpu.memory_space<vmem>> -> memref<1x128x128xf32, #tpu.memory_space<vmem>>
          %dma_wait3A_665 = tpu.memref_squeeze %dma_wait3A_664 : memref<1x128x128xf32, #tpu.memory_space<vmem>> -> memref<128x128xf32, #tpu.memory_space<vmem>>
          %dma_wait3A_666 = arith.constant 0 : i32
          %dma_wait3A_667 = tpu.memref_slice %arg9[%sub3A_660, %dma_wait3A_666] : memref<80x128xi32, #tpu.memory_space<vmem>> -> memref<1x128xi32, #tpu.memory_space<vmem>>
          %dma_wait3A_668 = tpu.memref_squeeze %dma_wait3A_667 : memref<1x128xi32, #tpu.memory_space<vmem>> -> memref<128xi32, #tpu.memory_space<vmem>>
          %dma_wait3A_669 = arith.constant 0 : i32
          %dma_wait3A_670 = arith.constant 0 : i32
          %dma_wait3A_671 = tpu.memref_slice %arg12[%dma_wait3A_669, %dma_wait3A_670] : memref<10240x128xf32, #tpu.memory_space<vmem_shared>> -> memref<10240x128xf32, #tpu.memory_space<vmem_shared>>
          tpu.wait_indirect_dma semaphore(%arg16 : memref<!tpu.dma_semaphore, #tpu.memory_space<semaphore_mem>>) src(%dma_wait3A_665 : memref<128x128xf32, #tpu.memory_space<vmem>>) dst(%dma_wait3A_671 : memref<10240x128xf32, #tpu.memory_space<vmem_shared>>)
        } else {
        }
        %add3A_631 = arith.constant 1 : i32
        %add3A_632 = arith.addi %add3A_584, %add3A_631 : i32
        %dma_wait3A_633 = arith.constant 0 : i32
        %dma_wait3A_634 = arith.constant 0 : i32
        %dma_wait3A_635 = tpu.memref_slice %arg8[%dma_wait3A_633, %dma_wait3A_634] : memref<2x128xi32, #tpu.memory_space<vmem>> -> memref<1x128xi32, #tpu.memory_space<vmem>>
        %dma_wait3A_636 = tpu.memref_squeeze %dma_wait3A_635 : memref<1x128xi32, #tpu.memory_space<vmem>> -> memref<128xi32, #tpu.memory_space<vmem>>
        %dma_wait3A_637 = arith.constant 0 : i32
        %dma_wait3A_638 = tpu.memref_slice %arg3[%arg0, %arg1, %add3A_632, %dma_wait3A_637] : memref<2x16x80x128xi32, #tpu.memory_space<hbm>> -> memref<1x1x1x128xi32, #tpu.memory_space<hbm>>
        %dma_wait3A_639 = tpu.memref_squeeze %dma_wait3A_638 : memref<1x1x1x128xi32, #tpu.memory_space<hbm>> -> memref<128xi32, #tpu.memory_space<hbm>>
        %dma_wait3A_640 = arith.constant 0 : i32
        %dma_wait3A_641 = tpu.memref_slice %arg8[%dma_wait3A_633, %dma_wait3A_640] : memref<2x128xi32, #tpu.memory_space<vmem>> -> memref<1x128xi32, #tpu.memory_space<vmem>>
        %dma_wait3A_642 = tpu.memref_squeeze %dma_wait3A_641 : memref<1x128xi32, #tpu.memory_space<vmem>> -> memref<128xi32, #tpu.memory_space<vmem>>
        %dma_wait3A_643 = arith.constant 0 : i32
        %dma_wait3A_644 = tpu.memref_slice %arg3[%arg0, %arg1, %add3A_632, %dma_wait3A_643] : memref<2x16x80x128xi32, #tpu.memory_space<hbm>> -> memref<1x1x1x128xi32, #tpu.memory_space<hbm>>
        %dma_wait3A_645 = tpu.memref_squeeze %dma_wait3A_644 : memref<1x1x1x128xi32, #tpu.memory_space<hbm>> -> memref<128xi32, #tpu.memory_space<hbm>>
        tpu.wait_dma2 semaphore(%arg18 : memref<!tpu.dma_semaphore, #tpu.memory_space<semaphore_mem>>) src(%dma_wait3A_645 : memref<128xi32, #tpu.memory_space<hbm>>) dst(%dma_wait3A_642 : memref<128xi32, #tpu.memory_space<vmem>>)
        %add3A_646 = arith.constant 1 : i32
        %add3A_647 = arith.addi %add3A_584, %add3A_646 : i32
        %dma_start3A_648 = arith.constant 0 : i32
        %dma_start3A_649 = arith.constant 0 : i32
        %dma_start3A_650 = arith.constant 0 : i32
        %dma_start3A_651 = arith.constant 0 : i32
        %dma_start3A_652 = tpu.memref_slice %arg10[%dma_start3A_649, %dma_start3A_650, %dma_start3A_651] : memref<2x128x128xf32, #tpu.memory_space<vmem>> -> memref<1x128x128xf32, #tpu.memory_space<vmem>>
        %dma_start3A_653 = tpu.memref_squeeze %dma_start3A_652 : memref<1x128x128xf32, #tpu.memory_space<vmem>> -> memref<128x128xf32, #tpu.memory_space<vmem>>
        %dma_start3A_654 = arith.constant 0 : i32
        %dma_start3A_655 = tpu.memref_slice %arg8[%dma_start3A_648, %dma_start3A_654] : memref<2x128xi32, #tpu.memory_space<vmem>> -> memref<1x128xi32, #tpu.memory_space<vmem>>
        %dma_start3A_656 = tpu.memref_squeeze %dma_start3A_655 : memref<1x128xi32, #tpu.memory_space<vmem>> -> memref<128xi32, #tpu.memory_space<vmem>>
        %dma_start3A_657 = arith.constant 0 : i32
        %dma_start3A_658 = arith.constant 0 : i32
        %dma_start3A_659 = tpu.memref_slice %arg2[%dma_start3A_657, %dma_start3A_658] : memref<20000x128xf32, #tpu.memory_space<hbm>> -> memref<20000x128xf32, #tpu.memory_space<hbm>>
        tpu.enqueue_indirect_dma source(%dma_start3A_659 : memref<20000x128xf32, #tpu.memory_space<hbm>>) target(%dma_start3A_653 : memref<128x128xf32, #tpu.memory_space<vmem>>) offsets(%dma_start3A_656 : memref<128xi32, #tpu.memory_space<vmem>>) semaphore(%arg14 : memref<!tpu.dma_semaphore, #tpu.memory_space<semaphore_mem>>)
      } else {
      }
      %dma_start3A_604 = arith.constant 1 : i32
      %dma_start3A_605 = arith.constant 0 : i32
      %dma_start3A_606 = arith.constant 0 : i32
      %dma_start3A_607 = tpu.memref_slice %arg10[%dma_start3A_604, %dma_start3A_605, %dma_start3A_606] : memref<2x128x128xf32, #tpu.memory_space<vmem>> -> memref<1x128x128xf32, #tpu.memory_space<vmem>>
      %dma_start3A_608 = tpu.memref_squeeze %dma_start3A_607 : memref<1x128x128xf32, #tpu.memory_space<vmem>> -> memref<128x128xf32, #tpu.memory_space<vmem>>
      %dma_start3A_609 = arith.constant 0 : i32
      %dma_start3A_610 = tpu.memref_slice %arg9[%add3A_584, %dma_start3A_609] : memref<80x128xi32, #tpu.memory_space<vmem>> -> memref<1x128xi32, #tpu.memory_space<vmem>>
      %dma_start3A_611 = tpu.memref_squeeze %dma_start3A_610 : memref<1x128xi32, #tpu.memory_space<vmem>> -> memref<128xi32, #tpu.memory_space<vmem>>
      %dma_start3A_612 = arith.constant 0 : i32
      %dma_start3A_613 = arith.constant 0 : i32
      %dma_start3A_614 = tpu.memref_slice %arg12[%dma_start3A_612, %dma_start3A_613] : memref<10240x128xf32, #tpu.memory_space<vmem_shared>> -> memref<10240x128xf32, #tpu.memory_space<vmem_shared>>
      tpu.enqueue_indirect_dma source(%dma_start3A_608 : memref<128x128xf32, #tpu.memory_space<vmem>>) target(%dma_start3A_614 : memref<10240x128xf32, #tpu.memory_space<vmem_shared>>) offsets(%dma_start3A_611 : memref<128xi32, #tpu.memory_space<vmem>>) semaphore(%arg17 : memref<!tpu.dma_semaphore, #tpu.memory_space<semaphore_mem>>) {add = true}
      %eq3A_615 = arith.constant 0 : i32
      %eq3A_616 = arith.cmpi eq, %arg0, %eq3A_615 : i32
      %convert_element_type3A_617 = arith.extui %eq3A_616 : i1 to i32
      %cond3A_618 = arith.constant 0 : i32
      %cond3A_619 = arith.cmpi ne, %convert_element_type3A_617, %cond3A_618 : i32
      scf.if %cond3A_619 {
        %dma_start3A_627 = arith.constant 0 : i32
        %dma_start3A_628 = tpu.memref_slice %arg9[%add3A_584, %dma_start3A_627] : memref<80x128xi32, #tpu.memory_space<vmem>> -> memref<1x128xi32, #tpu.memory_space<vmem>>
        %dma_start3A_629 = tpu.memref_squeeze %dma_start3A_628 : memref<1x128xi32, #tpu.memory_space<vmem>> -> memref<128xi32, #tpu.memory_space<vmem>>
        %dma_start3A_630 = arith.constant 0 : i32
        %dma_start3A_631 = tpu.memref_slice %arg13[%dma_start3A_630] : memref<10240xf32, #tpu.memory_space<vmem_shared>> -> memref<10240xf32, #tpu.memory_space<vmem_shared>>
        tpu.enqueue_indirect_dma source(%arg11 : memref<128xf32, #tpu.memory_space<vmem>>) target(%dma_start3A_631 : memref<10240xf32, #tpu.memory_space<vmem_shared>>) offsets(%dma_start3A_629 : memref<128xi32, #tpu.memory_space<vmem>>) semaphore(%arg20 : memref<!tpu.dma_semaphore, #tpu.memory_space<semaphore_mem>>) {add = true}
      } else {
      }
      %add3A_620 = arith.constant 2 : i32
      %add3A_621 = arith.addi %add3A_584, %add3A_620 : i32
      %lt3A_622 = arith.constant 80 : i32
      %lt3A_623 = arith.cmpi slt, %add3A_621, %lt3A_622 : i32
      %convert_element_type3A_624 = arith.extui %lt3A_623 : i1 to i32
      %cond3A_625 = arith.constant 0 : i32
      %cond3A_626 = arith.cmpi ne, %convert_element_type3A_624, %cond3A_625 : i32
      scf.if %cond3A_626 {
        %add3A_627 = arith.constant 2 : i32
        %add3A_628 = arith.addi %add3A_584, %add3A_627 : i32
        %dma_start3A_629 = arith.constant 1 : i32
        %dma_start3A_630 = arith.constant 0 : i32
        %dma_start3A_631 = tpu.memref_slice %arg8[%dma_start3A_629, %dma_start3A_630] : memref<2x128xi32, #tpu.memory_space<vmem>> -> memref<1x128xi32, #tpu.memory_space<vmem>>
        %dma_start3A_632 = tpu.memref_squeeze %dma_start3A_631 : memref<1x128xi32, #tpu.memory_space<vmem>> -> memref<128xi32, #tpu.memory_space<vmem>>
        %dma_start3A_633 = arith.constant 0 : i32
        %dma_start3A_634 = tpu.memref_slice %arg3[%arg0, %arg1, %add3A_628, %dma_start3A_633] : memref<2x16x80x128xi32, #tpu.memory_space<hbm>> -> memref<1x1x1x128xi32, #tpu.memory_space<hbm>>
        %dma_start3A_635 = tpu.memref_squeeze %dma_start3A_634 : memref<1x1x1x128xi32, #tpu.memory_space<hbm>> -> memref<128xi32, #tpu.memory_space<hbm>>
        %dma_start3A_636 = arith.constant 0 : i32
        %dma_start3A_637 = tpu.memref_slice %arg8[%dma_start3A_629, %dma_start3A_636] : memref<2x128xi32, #tpu.memory_space<vmem>> -> memref<1x128xi32, #tpu.memory_space<vmem>>
        %dma_start3A_638 = tpu.memref_squeeze %dma_start3A_637 : memref<1x128xi32, #tpu.memory_space<vmem>> -> memref<128xi32, #tpu.memory_space<vmem>>
        %dma_start3A_639 = arith.constant 0 : i32
        %dma_start3A_640 = tpu.memref_slice %arg3[%arg0, %arg1, %add3A_628, %dma_start3A_639] : memref<2x16x80x128xi32, #tpu.memory_space<hbm>> -> memref<1x1x1x128xi32, #tpu.memory_space<hbm>>
        %dma_start3A_641 = tpu.memref_squeeze %dma_start3A_640 : memref<1x1x1x128xi32, #tpu.memory_space<hbm>> -> memref<128xi32, #tpu.memory_space<hbm>>
        tpu.enqueue_dma source(%dma_start3A_641 : memref<128xi32, #tpu.memory_space<hbm>>) target(%dma_start3A_638 : memref<128xi32, #tpu.memory_space<vmem>>) target_semaphore(%arg19 : memref<!tpu.dma_semaphore, #tpu.memory_space<semaphore_mem>>)
      } else {
      }
    }
    %scan3A_497 = arith.constant 40 : i32
    %dma_wait3A_498 = arith.constant 0 : i32
    %dma_wait3A_499 = arith.constant 78 : i32
    %dma_wait3A_500 = arith.constant 0 : i32
    %dma_wait3A_501 = arith.constant 0 : i32
    %dma_wait3A_502 = tpu.memref_slice %arg10[%dma_wait3A_498, %dma_wait3A_500, %dma_wait3A_501] : memref<2x128x128xf32, #tpu.memory_space<vmem>> -> memref<1x128x128xf32, #tpu.memory_space<vmem>>
    %dma_wait3A_503 = tpu.memref_squeeze %dma_wait3A_502 : memref<1x128x128xf32, #tpu.memory_space<vmem>> -> memref<128x128xf32, #tpu.memory_space<vmem>>
    %dma_wait3A_504 = arith.constant 0 : i32
    %dma_wait3A_505 = tpu.memref_slice %arg9[%dma_wait3A_499, %dma_wait3A_504] : memref<80x128xi32, #tpu.memory_space<vmem>> -> memref<1x128xi32, #tpu.memory_space<vmem>>
    %dma_wait3A_506 = tpu.memref_squeeze %dma_wait3A_505 : memref<1x128xi32, #tpu.memory_space<vmem>> -> memref<128xi32, #tpu.memory_space<vmem>>
    %dma_wait3A_507 = arith.constant 0 : i32
    %dma_wait3A_508 = arith.constant 0 : i32
    %dma_wait3A_509 = tpu.memref_slice %arg12[%dma_wait3A_507, %dma_wait3A_508] : memref<10240x128xf32, #tpu.memory_space<vmem_shared>> -> memref<10240x128xf32, #tpu.memory_space<vmem_shared>>
    tpu.wait_indirect_dma semaphore(%arg16 : memref<!tpu.dma_semaphore, #tpu.memory_space<semaphore_mem>>) src(%dma_wait3A_503 : memref<128x128xf32, #tpu.memory_space<vmem>>) dst(%dma_wait3A_509 : memref<10240x128xf32, #tpu.memory_space<vmem_shared>>)
    %dma_wait3A_510 = arith.constant 1 : i32
    %dma_wait3A_511 = arith.constant 79 : i32
    %dma_wait3A_512 = arith.constant 0 : i32
    %dma_wait3A_513 = arith.constant 0 : i32
    %dma_wait3A_514 = tpu.memref_slice %arg10[%dma_wait3A_510, %dma_wait3A_512, %dma_wait3A_513] : memref<2x128x128xf32, #tpu.memory_space<vmem>> -> memref<1x128x128xf32, #tpu.memory_space<vmem>>
    %dma_wait3A_515 = tpu.memref_squeeze %dma_wait3A_514 : memref<1x128x128xf32, #tpu.memory_space<vmem>> -> memref<128x128xf32, #tpu.memory_space<vmem>>
    %dma_wait3A_516 = arith.constant 0 : i32
    %dma_wait3A_517 = tpu.memref_slice %arg9[%dma_wait3A_511, %dma_wait3A_516] : memref<80x128xi32, #tpu.memory_space<vmem>> -> memref<1x128xi32, #tpu.memory_space<vmem>>
    %dma_wait3A_518 = tpu.memref_squeeze %dma_wait3A_517 : memref<1x128xi32, #tpu.memory_space<vmem>> -> memref<128xi32, #tpu.memory_space<vmem>>
    %dma_wait3A_519 = arith.constant 0 : i32
    %dma_wait3A_520 = arith.constant 0 : i32
    %dma_wait3A_521 = tpu.memref_slice %arg12[%dma_wait3A_519, %dma_wait3A_520] : memref<10240x128xf32, #tpu.memory_space<vmem_shared>> -> memref<10240x128xf32, #tpu.memory_space<vmem_shared>>
    tpu.wait_indirect_dma semaphore(%arg17 : memref<!tpu.dma_semaphore, #tpu.memory_space<semaphore_mem>>) src(%dma_wait3A_515 : memref<128x128xf32, #tpu.memory_space<vmem>>) dst(%dma_wait3A_521 : memref<10240x128xf32, #tpu.memory_space<vmem_shared>>)
    %eq3A = arith.constant 0 : i32
    %eq3A_522 = arith.cmpi eq, %arg0, %eq3A : i32
    %convert_element_type3A = arith.extui %eq3A_522 : i1 to i32
    %cond3A = arith.constant 0 : i32
    %cond3A_523 = arith.cmpi ne, %convert_element_type3A, %cond3A : i32
    scf.if %cond3A_523 {
      %scan3A_535 = arith.constant 0 : i32
      %scan3A_536 = arith.constant 80 : i32
      %scan3A_537 = arith.addi %scan3A_535, %scan3A_536 : i32
      %scan3A_538 = arith.constant 1 : i32
      scf.for %scan3A_540 = %scan3A_535 to %scan3A_537 step %scan3A_538  : i32 {
        %mul3A_541 = arith.constant 1 : i32
        %mul3A_542 = arith.muli %scan3A_540, %mul3A_541 : i32
        %add3A_543 = arith.constant 0 : i32
        %add3A_544 = arith.addi %add3A_543, %mul3A_542 : i32
        %dma_wait3A_545 = arith.constant 0 : i32
        %dma_wait3A_546 = tpu.memref_slice %arg9[%add3A_544, %dma_wait3A_545] : memref<80x128xi32, #tpu.memory_space<vmem>> -> memref<1x128xi32, #tpu.memory_space<vmem>>
        %dma_wait3A_547 = tpu.memref_squeeze %dma_wait3A_546 : memref<1x128xi32, #tpu.memory_space<vmem>> -> memref<128xi32, #tpu.memory_space<vmem>>
        %dma_wait3A_548 = arith.constant 0 : i32
        %dma_wait3A_549 = tpu.memref_slice %arg13[%dma_wait3A_548] : memref<10240xf32, #tpu.memory_space<vmem_shared>> -> memref<10240xf32, #tpu.memory_space<vmem_shared>>
        tpu.wait_indirect_dma semaphore(%arg20 : memref<!tpu.dma_semaphore, #tpu.memory_space<semaphore_mem>>) src(%arg11 : memref<128xf32, #tpu.memory_space<vmem>>) dst(%dma_wait3A_549 : memref<10240xf32, #tpu.memory_space<vmem_shared>>)
      }
      %scan3A_539 = arith.constant 80 : i32
    } else {
    }
    %barrier3A_524 = arith.constant 0 : index
    tpu.barrier barrier_id(%barrier3A_524)
    %eq3A_525 = arith.constant 0 : i32
    %eq3A_526 = arith.cmpi eq, %arg0, %eq3A_525 : i32
    %convert_element_type3A_527 = arith.extui %eq3A_526 : i1 to i32
    %cond3A_528 = arith.constant 0 : i32
    %cond3A_529 = arith.cmpi ne, %convert_element_type3A_527, %cond3A_528 : i32
    scf.if %cond3A_529 {
      %mul3A_535 = arith.constant 640 : i32
      %mul3A_536 = arith.muli %arg1, %mul3A_535 : i32
      %add3A_537 = arith.constant 0 : i32
      %add3A_538 = arith.addi %mul3A_536, %add3A_537 : i32
      %dma_start3A_539 = arith.constant 0 : i32
      %dma_start3A_540 = tpu.memref_slice %arg5[%add3A_538, %dma_start3A_539] : memref<10240x128xf32, #tpu.memory_space<hbm>> -> memref<128x128xf32, #tpu.memory_space<hbm>>
      %dma_start3A_541 = arith.constant 0 : i32
      %dma_start3A_542 = tpu.memref_slice %arg12[%add3A_538, %dma_start3A_541] : memref<10240x128xf32, #tpu.memory_space<vmem_shared>> -> memref<128x128xf32, #tpu.memory_space<vmem_shared>>
      tpu.enqueue_dma source(%dma_start3A_542 : memref<128x128xf32, #tpu.memory_space<vmem_shared>>) target(%dma_start3A_540 : memref<128x128xf32, #tpu.memory_space<hbm>>) target_semaphore(%arg21 : memref<!tpu.dma_semaphore, #tpu.memory_space<semaphore_mem>>)
      %mul3A_543 = arith.constant 640 : i32
      %mul3A_544 = arith.muli %arg1, %mul3A_543 : i32
      %add3A_545 = arith.constant 128 : i32
      %add3A_546 = arith.addi %mul3A_544, %add3A_545 : i32
      %dma_start3A_547 = arith.constant 0 : i32
      %dma_start3A_548 = tpu.memref_slice %arg5[%add3A_546, %dma_start3A_547] : memref<10240x128xf32, #tpu.memory_space<hbm>> -> memref<128x128xf32, #tpu.memory_space<hbm>>
      %dma_start3A_549 = arith.constant 0 : i32
      %dma_start3A_550 = tpu.memref_slice %arg12[%add3A_546, %dma_start3A_549] : memref<10240x128xf32, #tpu.memory_space<vmem_shared>> -> memref<128x128xf32, #tpu.memory_space<vmem_shared>>
      tpu.enqueue_dma source(%dma_start3A_550 : memref<128x128xf32, #tpu.memory_space<vmem_shared>>) target(%dma_start3A_548 : memref<128x128xf32, #tpu.memory_space<hbm>>) target_semaphore(%arg21 : memref<!tpu.dma_semaphore, #tpu.memory_space<semaphore_mem>>)
      %mul3A_551 = arith.constant 640 : i32
      %mul3A_552 = arith.muli %arg1, %mul3A_551 : i32
      %add3A_553 = arith.constant 256 : i32
      %add3A_554 = arith.addi %mul3A_552, %add3A_553 : i32
      %dma_start3A_555 = arith.constant 0 : i32
      %dma_start3A_556 = tpu.memref_slice %arg5[%add3A_554, %dma_start3A_555] : memref<10240x128xf32, #tpu.memory_space<hbm>> -> memref<128x128xf32, #tpu.memory_space<hbm>>
      %dma_start3A_557 = arith.constant 0 : i32
      %dma_start3A_558 = tpu.memref_slice %arg12[%add3A_554, %dma_start3A_557] : memref<10240x128xf32, #tpu.memory_space<vmem_shared>> -> memref<128x128xf32, #tpu.memory_space<vmem_shared>>
      tpu.enqueue_dma source(%dma_start3A_558 : memref<128x128xf32, #tpu.memory_space<vmem_shared>>) target(%dma_start3A_556 : memref<128x128xf32, #tpu.memory_space<hbm>>) target_semaphore(%arg21 : memref<!tpu.dma_semaphore, #tpu.memory_space<semaphore_mem>>)
      %mul3A_559 = arith.constant 640 : i32
      %mul3A_560 = arith.muli %arg1, %mul3A_559 : i32
      %add3A_561 = arith.constant 384 : i32
      %add3A_562 = arith.addi %mul3A_560, %add3A_561 : i32
      %dma_start3A_563 = arith.constant 0 : i32
      %dma_start3A_564 = tpu.memref_slice %arg5[%add3A_562, %dma_start3A_563] : memref<10240x128xf32, #tpu.memory_space<hbm>> -> memref<128x128xf32, #tpu.memory_space<hbm>>
      %dma_start3A_565 = arith.constant 0 : i32
      %dma_start3A_566 = tpu.memref_slice %arg12[%add3A_562, %dma_start3A_565] : memref<10240x128xf32, #tpu.memory_space<vmem_shared>> -> memref<128x128xf32, #tpu.memory_space<vmem_shared>>
      tpu.enqueue_dma source(%dma_start3A_566 : memref<128x128xf32, #tpu.memory_space<vmem_shared>>) target(%dma_start3A_564 : memref<128x128xf32, #tpu.memory_space<hbm>>) target_semaphore(%arg21 : memref<!tpu.dma_semaphore, #tpu.memory_space<semaphore_mem>>)
      %mul3A_567 = arith.constant 640 : i32
      %mul3A_568 = arith.muli %arg1, %mul3A_567 : i32
      %add3A_569 = arith.constant 512 : i32
      %add3A_570 = arith.addi %mul3A_568, %add3A_569 : i32
      %dma_start3A_571 = arith.constant 0 : i32
      %dma_start3A_572 = tpu.memref_slice %arg5[%add3A_570, %dma_start3A_571] : memref<10240x128xf32, #tpu.memory_space<hbm>> -> memref<128x128xf32, #tpu.memory_space<hbm>>
      %dma_start3A_573 = arith.constant 0 : i32
      %dma_start3A_574 = tpu.memref_slice %arg12[%add3A_570, %dma_start3A_573] : memref<10240x128xf32, #tpu.memory_space<vmem_shared>> -> memref<128x128xf32, #tpu.memory_space<vmem_shared>>
      tpu.enqueue_dma source(%dma_start3A_574 : memref<128x128xf32, #tpu.memory_space<vmem_shared>>) target(%dma_start3A_572 : memref<128x128xf32, #tpu.memory_space<hbm>>) target_semaphore(%arg21 : memref<!tpu.dma_semaphore, #tpu.memory_space<semaphore_mem>>)
      %mul3A_575 = arith.constant 640 : i32
      %mul3A_576 = arith.muli %arg1, %mul3A_575 : i32
      %mul3A_577 = arith.constant 640 : i32
      %mul3A_578 = arith.muli %arg1, %mul3A_577 : i32
      %dma_start3A_579 = tpu.memref_slice %arg7[%mul3A_578] : memref<10240xf32, #tpu.memory_space<hbm>> -> memref<640xf32, #tpu.memory_space<hbm>>
      %dma_start3A_580 = tpu.memref_slice %arg13[%mul3A_576] : memref<10240xf32, #tpu.memory_space<vmem_shared>> -> memref<640xf32, #tpu.memory_space<vmem_shared>>
      tpu.enqueue_dma source(%dma_start3A_580 : memref<640xf32, #tpu.memory_space<vmem_shared>>) target(%dma_start3A_579 : memref<640xf32, #tpu.memory_space<hbm>>) target_semaphore(%arg21 : memref<!tpu.dma_semaphore, #tpu.memory_space<semaphore_mem>>)
      %mul3A_581 = arith.constant 640 : i32
      %mul3A_582 = arith.muli %arg1, %mul3A_581 : i32
      %add3A_583 = arith.constant 0 : i32
      %add3A_584 = arith.addi %mul3A_582, %add3A_583 : i32
      %dma_wait3A_585 = arith.constant 0 : i32
      %dma_wait3A_586 = tpu.memref_slice %arg5[%add3A_584, %dma_wait3A_585] : memref<10240x128xf32, #tpu.memory_space<hbm>> -> memref<128x128xf32, #tpu.memory_space<hbm>>
      %dma_wait3A_587 = arith.constant 0 : i32
      %dma_wait3A_588 = tpu.memref_slice %arg12[%add3A_584, %dma_wait3A_587] : memref<10240x128xf32, #tpu.memory_space<vmem_shared>> -> memref<128x128xf32, #tpu.memory_space<vmem_shared>>
      tpu.wait_dma2 semaphore(%arg21 : memref<!tpu.dma_semaphore, #tpu.memory_space<semaphore_mem>>) src(%dma_wait3A_588 : memref<128x128xf32, #tpu.memory_space<vmem_shared>>) dst(%dma_wait3A_586 : memref<128x128xf32, #tpu.memory_space<hbm>>)
      %mul3A_589 = arith.constant 640 : i32
      %mul3A_590 = arith.muli %arg1, %mul3A_589 : i32
      %add3A_591 = arith.constant 128 : i32
      %add3A_592 = arith.addi %mul3A_590, %add3A_591 : i32
      %dma_wait3A_593 = arith.constant 0 : i32
      %dma_wait3A_594 = tpu.memref_slice %arg5[%add3A_592, %dma_wait3A_593] : memref<10240x128xf32, #tpu.memory_space<hbm>> -> memref<128x128xf32, #tpu.memory_space<hbm>>
      %dma_wait3A_595 = arith.constant 0 : i32
      %dma_wait3A_596 = tpu.memref_slice %arg12[%add3A_592, %dma_wait3A_595] : memref<10240x128xf32, #tpu.memory_space<vmem_shared>> -> memref<128x128xf32, #tpu.memory_space<vmem_shared>>
      tpu.wait_dma2 semaphore(%arg21 : memref<!tpu.dma_semaphore, #tpu.memory_space<semaphore_mem>>) src(%dma_wait3A_596 : memref<128x128xf32, #tpu.memory_space<vmem_shared>>) dst(%dma_wait3A_594 : memref<128x128xf32, #tpu.memory_space<hbm>>)
      %mul3A_597 = arith.constant 640 : i32
      %mul3A_598 = arith.muli %arg1, %mul3A_597 : i32
      %add3A_599 = arith.constant 256 : i32
      %add3A_600 = arith.addi %mul3A_598, %add3A_599 : i32
      %dma_wait3A_601 = arith.constant 0 : i32
      %dma_wait3A_602 = tpu.memref_slice %arg5[%add3A_600, %dma_wait3A_601] : memref<10240x128xf32, #tpu.memory_space<hbm>> -> memref<128x128xf32, #tpu.memory_space<hbm>>
      %dma_wait3A_603 = arith.constant 0 : i32
      %dma_wait3A_604 = tpu.memref_slice %arg12[%add3A_600, %dma_wait3A_603] : memref<10240x128xf32, #tpu.memory_space<vmem_shared>> -> memref<128x128xf32, #tpu.memory_space<vmem_shared>>
      tpu.wait_dma2 semaphore(%arg21 : memref<!tpu.dma_semaphore, #tpu.memory_space<semaphore_mem>>) src(%dma_wait3A_604 : memref<128x128xf32, #tpu.memory_space<vmem_shared>>) dst(%dma_wait3A_602 : memref<128x128xf32, #tpu.memory_space<hbm>>)
      %mul3A_605 = arith.constant 640 : i32
      %mul3A_606 = arith.muli %arg1, %mul3A_605 : i32
      %add3A_607 = arith.constant 384 : i32
      %add3A_608 = arith.addi %mul3A_606, %add3A_607 : i32
      %dma_wait3A_609 = arith.constant 0 : i32
      %dma_wait3A_610 = tpu.memref_slice %arg5[%add3A_608, %dma_wait3A_609] : memref<10240x128xf32, #tpu.memory_space<hbm>> -> memref<128x128xf32, #tpu.memory_space<hbm>>
      %dma_wait3A_611 = arith.constant 0 : i32
      %dma_wait3A_612 = tpu.memref_slice %arg12[%add3A_608, %dma_wait3A_611] : memref<10240x128xf32, #tpu.memory_space<vmem_shared>> -> memref<128x128xf32, #tpu.memory_space<vmem_shared>>
      tpu.wait_dma2 semaphore(%arg21 : memref<!tpu.dma_semaphore, #tpu.memory_space<semaphore_mem>>) src(%dma_wait3A_612 : memref<128x128xf32, #tpu.memory_space<vmem_shared>>) dst(%dma_wait3A_610 : memref<128x128xf32, #tpu.memory_space<hbm>>)
      %mul3A_613 = arith.constant 640 : i32
      %mul3A_614 = arith.muli %arg1, %mul3A_613 : i32
      %add3A_615 = arith.constant 512 : i32
      %add3A_616 = arith.addi %mul3A_614, %add3A_615 : i32
      %dma_wait3A_617 = arith.constant 0 : i32
      %dma_wait3A_618 = tpu.memref_slice %arg5[%add3A_616, %dma_wait3A_617] : memref<10240x128xf32, #tpu.memory_space<hbm>> -> memref<128x128xf32, #tpu.memory_space<hbm>>
      %dma_wait3A_619 = arith.constant 0 : i32
      %dma_wait3A_620 = tpu.memref_slice %arg12[%add3A_616, %dma_wait3A_619] : memref<10240x128xf32, #tpu.memory_space<vmem_shared>> -> memref<128x128xf32, #tpu.memory_space<vmem_shared>>
      tpu.wait_dma2 semaphore(%arg21 : memref<!tpu.dma_semaphore, #tpu.memory_space<semaphore_mem>>) src(%dma_wait3A_620 : memref<128x128xf32, #tpu.memory_space<vmem_shared>>) dst(%dma_wait3A_618 : memref<128x128xf32, #tpu.memory_space<hbm>>)
      %mul3A_621 = arith.constant 640 : i32
      %mul3A_622 = arith.muli %arg1, %mul3A_621 : i32
      %mul3A_623 = arith.constant 640 : i32
      %mul3A_624 = arith.muli %arg1, %mul3A_623 : i32
      %dma_wait3A_625 = tpu.memref_slice %arg7[%mul3A_624] : memref<10240xf32, #tpu.memory_space<hbm>> -> memref<640xf32, #tpu.memory_space<hbm>>
      %dma_wait3A_626 = tpu.memref_slice %arg13[%mul3A_622] : memref<10240xf32, #tpu.memory_space<vmem_shared>> -> memref<640xf32, #tpu.memory_space<vmem_shared>>
      tpu.wait_dma2 semaphore(%arg21 : memref<!tpu.dma_semaphore, #tpu.memory_space<semaphore_mem>>) src(%dma_wait3A_626 : memref<640xf32, #tpu.memory_space<vmem_shared>>) dst(%dma_wait3A_625 : memref<640xf32, #tpu.memory_space<hbm>>)
    } else {
    }
    %eq3A_530 = arith.constant 1 : i32
    %eq3A_531 = arith.cmpi eq, %arg0, %eq3A_530 : i32
    %convert_element_type3A_532 = arith.extui %eq3A_531 : i1 to i32
    %cond3A_533 = arith.constant 0 : i32
    %cond3A_534 = arith.cmpi ne, %convert_element_type3A_532, %cond3A_533 : i32
    scf.if %cond3A_534 {
      %mul3A_535 = arith.constant 640 : i32
      %mul3A_536 = arith.muli %arg1, %mul3A_535 : i32
      %add3A_537 = arith.constant 0 : i32
      %add3A_538 = arith.addi %mul3A_536, %add3A_537 : i32
      %dma_start3A_539 = arith.constant 0 : i32
      %dma_start3A_540 = tpu.memref_slice %arg6[%add3A_538, %dma_start3A_539] : memref<10240x128xf32, #tpu.memory_space<hbm>> -> memref<128x128xf32, #tpu.memory_space<hbm>>
      %dma_start3A_541 = arith.constant 0 : i32
      %dma_start3A_542 = tpu.memref_slice %arg12[%add3A_538, %dma_start3A_541] : memref<10240x128xf32, #tpu.memory_space<vmem_shared>> -> memref<128x128xf32, #tpu.memory_space<vmem_shared>>
      tpu.enqueue_dma source(%dma_start3A_542 : memref<128x128xf32, #tpu.memory_space<vmem_shared>>) target(%dma_start3A_540 : memref<128x128xf32, #tpu.memory_space<hbm>>) target_semaphore(%arg21 : memref<!tpu.dma_semaphore, #tpu.memory_space<semaphore_mem>>)
      %mul3A_543 = arith.constant 640 : i32
      %mul3A_544 = arith.muli %arg1, %mul3A_543 : i32
      %add3A_545 = arith.constant 128 : i32
      %add3A_546 = arith.addi %mul3A_544, %add3A_545 : i32
      %dma_start3A_547 = arith.constant 0 : i32
      %dma_start3A_548 = tpu.memref_slice %arg6[%add3A_546, %dma_start3A_547] : memref<10240x128xf32, #tpu.memory_space<hbm>> -> memref<128x128xf32, #tpu.memory_space<hbm>>
      %dma_start3A_549 = arith.constant 0 : i32
      %dma_start3A_550 = tpu.memref_slice %arg12[%add3A_546, %dma_start3A_549] : memref<10240x128xf32, #tpu.memory_space<vmem_shared>> -> memref<128x128xf32, #tpu.memory_space<vmem_shared>>
      tpu.enqueue_dma source(%dma_start3A_550 : memref<128x128xf32, #tpu.memory_space<vmem_shared>>) target(%dma_start3A_548 : memref<128x128xf32, #tpu.memory_space<hbm>>) target_semaphore(%arg21 : memref<!tpu.dma_semaphore, #tpu.memory_space<semaphore_mem>>)
      %mul3A_551 = arith.constant 640 : i32
      %mul3A_552 = arith.muli %arg1, %mul3A_551 : i32
      %add3A_553 = arith.constant 256 : i32
      %add3A_554 = arith.addi %mul3A_552, %add3A_553 : i32
      %dma_start3A_555 = arith.constant 0 : i32
      %dma_start3A_556 = tpu.memref_slice %arg6[%add3A_554, %dma_start3A_555] : memref<10240x128xf32, #tpu.memory_space<hbm>> -> memref<128x128xf32, #tpu.memory_space<hbm>>
      %dma_start3A_557 = arith.constant 0 : i32
      %dma_start3A_558 = tpu.memref_slice %arg12[%add3A_554, %dma_start3A_557] : memref<10240x128xf32, #tpu.memory_space<vmem_shared>> -> memref<128x128xf32, #tpu.memory_space<vmem_shared>>
      tpu.enqueue_dma source(%dma_start3A_558 : memref<128x128xf32, #tpu.memory_space<vmem_shared>>) target(%dma_start3A_556 : memref<128x128xf32, #tpu.memory_space<hbm>>) target_semaphore(%arg21 : memref<!tpu.dma_semaphore, #tpu.memory_space<semaphore_mem>>)
      %mul3A_559 = arith.constant 640 : i32
      %mul3A_560 = arith.muli %arg1, %mul3A_559 : i32
      %add3A_561 = arith.constant 384 : i32
      %add3A_562 = arith.addi %mul3A_560, %add3A_561 : i32
      %dma_start3A_563 = arith.constant 0 : i32
      %dma_start3A_564 = tpu.memref_slice %arg6[%add3A_562, %dma_start3A_563] : memref<10240x128xf32, #tpu.memory_space<hbm>> -> memref<128x128xf32, #tpu.memory_space<hbm>>
      %dma_start3A_565 = arith.constant 0 : i32
      %dma_start3A_566 = tpu.memref_slice %arg12[%add3A_562, %dma_start3A_565] : memref<10240x128xf32, #tpu.memory_space<vmem_shared>> -> memref<128x128xf32, #tpu.memory_space<vmem_shared>>
      tpu.enqueue_dma source(%dma_start3A_566 : memref<128x128xf32, #tpu.memory_space<vmem_shared>>) target(%dma_start3A_564 : memref<128x128xf32, #tpu.memory_space<hbm>>) target_semaphore(%arg21 : memref<!tpu.dma_semaphore, #tpu.memory_space<semaphore_mem>>)
      %mul3A_567 = arith.constant 640 : i32
      %mul3A_568 = arith.muli %arg1, %mul3A_567 : i32
      %add3A_569 = arith.constant 512 : i32
      %add3A_570 = arith.addi %mul3A_568, %add3A_569 : i32
      %dma_start3A_571 = arith.constant 0 : i32
      %dma_start3A_572 = tpu.memref_slice %arg6[%add3A_570, %dma_start3A_571] : memref<10240x128xf32, #tpu.memory_space<hbm>> -> memref<128x128xf32, #tpu.memory_space<hbm>>
      %dma_start3A_573 = arith.constant 0 : i32
      %dma_start3A_574 = tpu.memref_slice %arg12[%add3A_570, %dma_start3A_573] : memref<10240x128xf32, #tpu.memory_space<vmem_shared>> -> memref<128x128xf32, #tpu.memory_space<vmem_shared>>
      tpu.enqueue_dma source(%dma_start3A_574 : memref<128x128xf32, #tpu.memory_space<vmem_shared>>) target(%dma_start3A_572 : memref<128x128xf32, #tpu.memory_space<hbm>>) target_semaphore(%arg21 : memref<!tpu.dma_semaphore, #tpu.memory_space<semaphore_mem>>)
      %mul3A_575 = arith.constant 640 : i32
      %mul3A_576 = arith.muli %arg1, %mul3A_575 : i32
      %add3A_577 = arith.constant 0 : i32
      %add3A_578 = arith.addi %mul3A_576, %add3A_577 : i32
      %dma_wait3A_579 = arith.constant 0 : i32
      %dma_wait3A_580 = tpu.memref_slice %arg6[%add3A_578, %dma_wait3A_579] : memref<10240x128xf32, #tpu.memory_space<hbm>> -> memref<128x128xf32, #tpu.memory_space<hbm>>
      %dma_wait3A_581 = arith.constant 0 : i32
      %dma_wait3A_582 = tpu.memref_slice %arg12[%add3A_578, %dma_wait3A_581] : memref<10240x128xf32, #tpu.memory_space<vmem_shared>> -> memref<128x128xf32, #tpu.memory_space<vmem_shared>>
      tpu.wait_dma2 semaphore(%arg21 : memref<!tpu.dma_semaphore, #tpu.memory_space<semaphore_mem>>) src(%dma_wait3A_582 : memref<128x128xf32, #tpu.memory_space<vmem_shared>>) dst(%dma_wait3A_580 : memref<128x128xf32, #tpu.memory_space<hbm>>)
      %mul3A_583 = arith.constant 640 : i32
      %mul3A_584 = arith.muli %arg1, %mul3A_583 : i32
      %add3A_585 = arith.constant 128 : i32
      %add3A_586 = arith.addi %mul3A_584, %add3A_585 : i32
      %dma_wait3A_587 = arith.constant 0 : i32
      %dma_wait3A_588 = tpu.memref_slice %arg6[%add3A_586, %dma_wait3A_587] : memref<10240x128xf32, #tpu.memory_space<hbm>> -> memref<128x128xf32, #tpu.memory_space<hbm>>
      %dma_wait3A_589 = arith.constant 0 : i32
      %dma_wait3A_590 = tpu.memref_slice %arg12[%add3A_586, %dma_wait3A_589] : memref<10240x128xf32, #tpu.memory_space<vmem_shared>> -> memref<128x128xf32, #tpu.memory_space<vmem_shared>>
      tpu.wait_dma2 semaphore(%arg21 : memref<!tpu.dma_semaphore, #tpu.memory_space<semaphore_mem>>) src(%dma_wait3A_590 : memref<128x128xf32, #tpu.memory_space<vmem_shared>>) dst(%dma_wait3A_588 : memref<128x128xf32, #tpu.memory_space<hbm>>)
      %mul3A_591 = arith.constant 640 : i32
      %mul3A_592 = arith.muli %arg1, %mul3A_591 : i32
      %add3A_593 = arith.constant 256 : i32
      %add3A_594 = arith.addi %mul3A_592, %add3A_593 : i32
      %dma_wait3A_595 = arith.constant 0 : i32
      %dma_wait3A_596 = tpu.memref_slice %arg6[%add3A_594, %dma_wait3A_595] : memref<10240x128xf32, #tpu.memory_space<hbm>> -> memref<128x128xf32, #tpu.memory_space<hbm>>
      %dma_wait3A_597 = arith.constant 0 : i32
      %dma_wait3A_598 = tpu.memref_slice %arg12[%add3A_594, %dma_wait3A_597] : memref<10240x128xf32, #tpu.memory_space<vmem_shared>> -> memref<128x128xf32, #tpu.memory_space<vmem_shared>>
      tpu.wait_dma2 semaphore(%arg21 : memref<!tpu.dma_semaphore, #tpu.memory_space<semaphore_mem>>) src(%dma_wait3A_598 : memref<128x128xf32, #tpu.memory_space<vmem_shared>>) dst(%dma_wait3A_596 : memref<128x128xf32, #tpu.memory_space<hbm>>)
      %mul3A_599 = arith.constant 640 : i32
      %mul3A_600 = arith.muli %arg1, %mul3A_599 : i32
      %add3A_601 = arith.constant 384 : i32
      %add3A_602 = arith.addi %mul3A_600, %add3A_601 : i32
      %dma_wait3A_603 = arith.constant 0 : i32
      %dma_wait3A_604 = tpu.memref_slice %arg6[%add3A_602, %dma_wait3A_603] : memref<10240x128xf32, #tpu.memory_space<hbm>> -> memref<128x128xf32, #tpu.memory_space<hbm>>
      %dma_wait3A_605 = arith.constant 0 : i32
      %dma_wait3A_606 = tpu.memref_slice %arg12[%add3A_602, %dma_wait3A_605] : memref<10240x128xf32, #tpu.memory_space<vmem_shared>> -> memref<128x128xf32, #tpu.memory_space<vmem_shared>>
      tpu.wait_dma2 semaphore(%arg21 : memref<!tpu.dma_semaphore, #tpu.memory_space<semaphore_mem>>) src(%dma_wait3A_606 : memref<128x128xf32, #tpu.memory_space<vmem_shared>>) dst(%dma_wait3A_604 : memref<128x128xf32, #tpu.memory_space<hbm>>)
      %mul3A_607 = arith.constant 640 : i32
      %mul3A_608 = arith.muli %arg1, %mul3A_607 : i32
      %add3A_609 = arith.constant 512 : i32
      %add3A_610 = arith.addi %mul3A_608, %add3A_609 : i32
      %dma_wait3A_611 = arith.constant 0 : i32
      %dma_wait3A_612 = tpu.memref_slice %arg6[%add3A_610, %dma_wait3A_611] : memref<10240x128xf32, #tpu.memory_space<hbm>> -> memref<128x128xf32, #tpu.memory_space<hbm>>
      %dma_wait3A_613 = arith.constant 0 : i32
      %dma_wait3A_614 = tpu.memref_slice %arg12[%add3A_610, %dma_wait3A_613] : memref<10240x128xf32, #tpu.memory_space<vmem_shared>> -> memref<128x128xf32, #tpu.memory_space<vmem_shared>>
      tpu.wait_dma2 semaphore(%arg21 : memref<!tpu.dma_semaphore, #tpu.memory_space<semaphore_mem>>) src(%dma_wait3A_614 : memref<128x128xf32, #tpu.memory_space<vmem_shared>>) dst(%dma_wait3A_612 : memref<128x128xf32, #tpu.memory_space<hbm>>)
    } else {
    }
    return
  }
}

#map = affine_map<(d0, d1) -> (0, 0)>
#map1 = affine_map<(d0, d1) -> (0, 0, 0, 0)>
#map2 = affine_map<(d0, d1) -> (0, 0, 0)>
#map3 = affine_map<(d0, d1) -> (0)>
module attributes {stable_mosaic.version = 14 : i64} {
  func.func @body(%arg0: i32, %arg1: i32, %arg2: memref<20000x128xf32, #tpu.memory_space<hbm>>, %arg3: memref<2x16x80x128xi32, #tpu.memory_space<hbm>>, %arg4: memref<16x80x128xi32, #tpu.memory_space<hbm>>, %arg5: memref<10240x128xf32, #tpu.memory_space<hbm>>, %arg6: memref<10240x128xf32, #tpu.memory_space<hbm>>, %arg7: memref<10240xf32, #tpu.memory_space<hbm>>, %arg8: memref<2x128xi32, #tpu.memory_space<vmem>>, %arg9: memref<80x128xi32, #tpu.memory_space<vmem>>, %arg10: memref<2x128x128xf32, #tpu.memory_space<vmem>>, %arg11: memref<128xf32, #tpu.memory_space<vmem>>, %arg12: memref<10240x128xf32, #tpu.memory_space<vmem_shared>>, %arg13: memref<10240xf32, #tpu.memory_space<vmem_shared>>, %arg14: memref<!tpu.dma_semaphore, #tpu.memory_space<semaphore_mem>>, %arg15: memref<!tpu.dma_semaphore, #tpu.memory_space<semaphore_mem>>, %arg16: memref<!tpu.dma_semaphore, #tpu.memory_space<semaphore_mem>>, %arg17: memref<!tpu.dma_semaphore, #tpu.memory_space<semaphore_mem>>, %arg18: memref<!tpu.dma_semaphore, #tpu.memory_space<semaphore_mem>>, %arg19: memref<!tpu.dma_semaphore, #tpu.memory_space<semaphore_mem>>, %arg20: memref<!tpu.dma_semaphore, #tpu.memory_space<semaphore_mem>>, %arg21: memref<!tpu.dma_semaphore, #tpu.memory_space<semaphore_mem>>) attributes {dimension_semantics = [#tpu.dimension_semantics<core_parallel>, #tpu.dimension_semantics<subcore_parallel>], iteration_bounds = array<i64: 2, 16>, scalar_prefetch = 0 : i64, scratch_operands = 14 : i64, tpu.core_type = #tpu.core_type<sc_vector_subcore>, window_params = [{transform_indices = #map}, {transform_indices = #map1}, {transform_indices = #map2}, {transform_indices = #map}, {transform_indices = #map}, {transform_indices = #map3}]} {
    %dma_start3A = arith.constant 0 : i32
    %dma_start3A_0 = arith.constant 0 : i32
    %dma_start3A_1 = arith.constant 0 : i32
    %dma_start3A_2 = tpu.memref_slice %arg8[%dma_start3A_0, %dma_start3A_1] : memref<2x128xi32, #tpu.memory_space<vmem>> -> memref<1x128xi32, #tpu.memory_space<vmem>>
    %dma_start3A_3 = tpu.memref_squeeze %dma_start3A_2 : memref<1x128xi32, #tpu.memory_space<vmem>> -> memref<128xi32, #tpu.memory_space<vmem>>
    %dma_start3A_4 = arith.constant 0 : i32
    %dma_start3A_5 = tpu.memref_slice %arg3[%arg0, %arg1, %dma_start3A, %dma_start3A_4] : memref<2x16x80x128xi32, #tpu.memory_space<hbm>> -> memref<1x1x1x128xi32, #tpu.memory_space<hbm>>
    %dma_start3A_6 = tpu.memref_squeeze %dma_start3A_5 : memref<1x1x1x128xi32, #tpu.memory_space<hbm>> -> memref<128xi32, #tpu.memory_space<hbm>>
    %dma_start3A_7 = arith.constant 0 : i32
    %dma_start3A_8 = tpu.memref_slice %arg8[%dma_start3A_0, %dma_start3A_7] : memref<2x128xi32, #tpu.memory_space<vmem>> -> memref<1x128xi32, #tpu.memory_space<vmem>>
    %dma_start3A_9 = tpu.memref_squeeze %dma_start3A_8 : memref<1x128xi32, #tpu.memory_space<vmem>> -> memref<128xi32, #tpu.memory_space<vmem>>
    %dma_start3A_10 = arith.constant 0 : i32
    %dma_start3A_11 = tpu.memref_slice %arg3[%arg0, %arg1, %dma_start3A, %dma_start3A_10] : memref<2x16x80x128xi32, #tpu.memory_space<hbm>> -> memref<1x1x1x128xi32, #tpu.memory_space<hbm>>
    %dma_start3A_12 = tpu.memref_squeeze %dma_start3A_11 : memref<1x1x1x128xi32, #tpu.memory_space<hbm>> -> memref<128xi32, #tpu.memory_space<hbm>>
    tpu.enqueue_dma source(%dma_start3A_12 : memref<128xi32, #tpu.memory_space<hbm>>) target(%dma_start3A_9 : memref<128xi32, #tpu.memory_space<vmem>>) target_semaphore(%arg18 : memref<!tpu.dma_semaphore, #tpu.memory_space<semaphore_mem>>)
    %dma_start3A_13 = arith.constant 1 : i32
    %dma_start3A_14 = arith.constant 1 : i32
    %dma_start3A_15 = arith.constant 0 : i32
    %dma_start3A_16 = tpu.memref_slice %arg8[%dma_start3A_14, %dma_start3A_15] : memref<2x128xi32, #tpu.memory_space<vmem>> -> memref<1x128xi32, #tpu.memory_space<vmem>>
    %dma_start3A_17 = tpu.memref_squeeze %dma_start3A_16 : memref<1x128xi32, #tpu.memory_space<vmem>> -> memref<128xi32, #tpu.memory_space<vmem>>
    %dma_start3A_18 = arith.constant 0 : i32
    %dma_start3A_19 = tpu.memref_slice %arg3[%arg0, %arg1, %dma_start3A_13, %dma_start3A_18] : memref<2x16x80x128xi32, #tpu.memory_space<hbm>> -> memref<1x1x1x128xi32, #tpu.memory_space<hbm>>
    %dma_start3A_20 = tpu.memref_squeeze %dma_start3A_19 : memref<1x1x1x128xi32, #tpu.memory_space<hbm>> -> memref<128xi32, #tpu.memory_space<hbm>>
    %dma_start3A_21 = arith.constant 0 : i32
    %dma_start3A_22 = tpu.memref_slice %arg8[%dma_start3A_14, %dma_start3A_21] : memref<2x128xi32, #tpu.memory_space<vmem>> -> memref<1x128xi32, #tpu.memory_space<vmem>>
    %dma_start3A_23 = tpu.memref_squeeze %dma_start3A_22 : memref<1x128xi32, #tpu.memory_space<vmem>> -> memref<128xi32, #tpu.memory_space<vmem>>
    %dma_start3A_24 = arith.constant 0 : i32
    %dma_start3A_25 = tpu.memref_slice %arg3[%arg0, %arg1, %dma_start3A_13, %dma_start3A_24] : memref<2x16x80x128xi32, #tpu.memory_space<hbm>> -> memref<1x1x1x128xi32, #tpu.memory_space<hbm>>
    %dma_start3A_26 = tpu.memref_squeeze %dma_start3A_25 : memref<1x1x1x128xi32, #tpu.memory_space<hbm>> -> memref<128xi32, #tpu.memory_space<hbm>>
    tpu.enqueue_dma source(%dma_start3A_26 : memref<128xi32, #tpu.memory_space<hbm>>) target(%dma_start3A_23 : memref<128xi32, #tpu.memory_space<vmem>>) target_semaphore(%arg19 : memref<!tpu.dma_semaphore, #tpu.memory_space<semaphore_mem>>)
    "tpu.region"() ({
      %run_scoped3A = tpu.sem_alloc : memref<!tpu.dma_semaphore, #tpu.memory_space<semaphore_mem>>
      %dma_start3A_530 = arith.constant 0 : i32
      %dma_start3A_531 = arith.constant 0 : i32
      %dma_start3A_532 = tpu.memref_slice %arg4[%arg1, %dma_start3A_530, %dma_start3A_531] : memref<16x80x128xi32, #tpu.memory_space<hbm>> -> memref<1x80x128xi32, #tpu.memory_space<hbm>>
      %dma_start3A_533 = tpu.memref_squeeze %dma_start3A_532 : memref<1x80x128xi32, #tpu.memory_space<hbm>> -> memref<80x128xi32, #tpu.memory_space<hbm>>
      %dma_start3A_534 = arith.constant 0 : i32
      %dma_start3A_535 = arith.constant 0 : i32
      %dma_start3A_536 = tpu.memref_slice %arg4[%arg1, %dma_start3A_534, %dma_start3A_535] : memref<16x80x128xi32, #tpu.memory_space<hbm>> -> memref<1x80x128xi32, #tpu.memory_space<hbm>>
      %dma_start3A_537 = tpu.memref_squeeze %dma_start3A_536 : memref<1x80x128xi32, #tpu.memory_space<hbm>> -> memref<80x128xi32, #tpu.memory_space<hbm>>
      tpu.enqueue_dma source(%dma_start3A_537 : memref<80x128xi32, #tpu.memory_space<hbm>>) target(%arg9 : memref<80x128xi32, #tpu.memory_space<vmem>>) target_semaphore(%run_scoped3A : memref<!tpu.dma_semaphore, #tpu.memory_space<semaphore_mem>>)
      %dma_wait3A_538 = arith.constant 0 : i32
      %dma_wait3A_539 = arith.constant 0 : i32
      %dma_wait3A_540 = tpu.memref_slice %arg4[%arg1, %dma_wait3A_538, %dma_wait3A_539] : memref<16x80x128xi32, #tpu.memory_space<hbm>> -> memref<1x80x128xi32, #tpu.memory_space<hbm>>
      %dma_wait3A_541 = tpu.memref_squeeze %dma_wait3A_540 : memref<1x80x128xi32, #tpu.memory_space<hbm>> -> memref<80x128xi32, #tpu.memory_space<hbm>>
      %dma_wait3A_542 = arith.constant 0 : i32
      %dma_wait3A_543 = arith.constant 0 : i32
      %dma_wait3A_544 = tpu.memref_slice %arg4[%arg1, %dma_wait3A_542, %dma_wait3A_543] : memref<16x80x128xi32, #tpu.memory_space<hbm>> -> memref<1x80x128xi32, #tpu.memory_space<hbm>>
      %dma_wait3A_545 = tpu.memref_squeeze %dma_wait3A_544 : memref<1x80x128xi32, #tpu.memory_space<hbm>> -> memref<80x128xi32, #tpu.memory_space<hbm>>
      tpu.wait_dma2 semaphore(%run_scoped3A : memref<!tpu.dma_semaphore, #tpu.memory_space<semaphore_mem>>) src(%dma_wait3A_545 : memref<80x128xi32, #tpu.memory_space<hbm>>) dst(%arg9 : memref<80x128xi32, #tpu.memory_space<vmem>>)
      tpu.yield
    }) : () -> ()
    %broadcast_in_dim3A = arith.constant 0.000000e+00 : f32
    %broadcast_in_dim3A_27 = vector.broadcast %broadcast_in_dim3A : f32 to vector<16xf32>
    %scan3A = arith.constant 0 : i32
    %scan3A_28 = arith.constant 0 : i32
    %scan3A_29 = arith.constant 128 : i32
    %scan3A_30 = arith.addi %scan3A_28, %scan3A_29 : i32
    %scan3A_31 = arith.constant 1 : i32
    scf.for %scan3A_530 = %scan3A_28 to %scan3A_30 step %scan3A_31  : i32 {
      %mul3A_531 = arith.constant 1 : i32
      %mul3A_532 = arith.muli %scan3A_530, %mul3A_531 : i32
      %add3A_533 = arith.constant 0 : i32
      %add3A_534 = arith.addi %add3A_533, %mul3A_532 : i32
      %swap3A_535 = arith.constant 0 : i32
      %swap3A_536 = arith.constant 0 : i32
      %swap3A_537 = tpu.memref_slice %arg10[%scan3A, %swap3A_535, %swap3A_536] : memref<2x128x128xf32, #tpu.memory_space<vmem>> -> memref<1x128x128xf32, #tpu.memory_space<vmem>>
      %swap3A_538 = tpu.memref_squeeze %swap3A_537 : memref<1x128x128xf32, #tpu.memory_space<vmem>> -> memref<128x128xf32, #tpu.memory_space<vmem>>
      %swap3A_539 = arith.index_cast %add3A_534 : i32 to index
      %swap3A_540 = arith.constant 0 : index
      %swap3A_541 = tpu.vector_load %swap3A_538[%swap3A_539, %swap3A_540] {strides = array<i32>} : memref<128x128xf32, #tpu.memory_space<vmem>>, vector<1x16xf32>,
      %swap3A_542 = vector.shape_cast %swap3A_541 : vector<1x16xf32> to vector<16xf32>
      %swap3A_543 = vector.shape_cast %broadcast_in_dim3A_27 : vector<16xf32> to vector<1x16xf32>
      tpu.vector_store %swap3A_538[%swap3A_539, %swap3A_540], %swap3A_543 {strides = array<i32>} : memref<128x128xf32, #tpu.memory_space<vmem>>, vector<1x16xf32>,
      %swap3A_544 = arith.constant 0 : i32
      %swap3A_545 = arith.constant 0 : i32
      %swap3A_546 = tpu.memref_slice %arg10[%scan3A, %swap3A_544, %swap3A_545] : memref<2x128x128xf32, #tpu.memory_space<vmem>> -> memref<1x128x128xf32, #tpu.memory_space<vmem>>
      %swap3A_547 = tpu.memref_squeeze %swap3A_546 : memref<1x128x128xf32, #tpu.memory_space<vmem>> -> memref<128x128xf32, #tpu.memory_space<vmem>>
      %swap3A_548 = arith.index_cast %add3A_534 : i32 to index
      %swap3A_549 = arith.constant 16 : index
      %swap3A_550 = tpu.vector_load %swap3A_547[%swap3A_548, %swap3A_549] {strides = array<i32>} : memref<128x128xf32, #tpu.memory_space<vmem>>, vector<1x16xf32>,
      %swap3A_551 = vector.shape_cast %swap3A_550 : vector<1x16xf32> to vector<16xf32>
      %swap3A_552 = vector.shape_cast %broadcast_in_dim3A_27 : vector<16xf32> to vector<1x16xf32>
      tpu.vector_store %swap3A_547[%swap3A_548, %swap3A_549], %swap3A_552 {strides = array<i32>} : memref<128x128xf32, #tpu.memory_space<vmem>>, vector<1x16xf32>,
      %swap3A_553 = arith.constant 0 : i32
      %swap3A_554 = arith.constant 0 : i32
      %swap3A_555 = tpu.memref_slice %arg10[%scan3A, %swap3A_553, %swap3A_554] : memref<2x128x128xf32, #tpu.memory_space<vmem>> -> memref<1x128x128xf32, #tpu.memory_space<vmem>>
      %swap3A_556 = tpu.memref_squeeze %swap3A_555 : memref<1x128x128xf32, #tpu.memory_space<vmem>> -> memref<128x128xf32, #tpu.memory_space<vmem>>
      %swap3A_557 = arith.index_cast %add3A_534 : i32 to index
      %swap3A_558 = arith.constant 32 : index
      %swap3A_559 = tpu.vector_load %swap3A_556[%swap3A_557, %swap3A_558] {strides = array<i32>} : memref<128x128xf32, #tpu.memory_space<vmem>>, vector<1x16xf32>,
      %swap3A_560 = vector.shape_cast %swap3A_559 : vector<1x16xf32> to vector<16xf32>
      %swap3A_561 = vector.shape_cast %broadcast_in_dim3A_27 : vector<16xf32> to vector<1x16xf32>
      tpu.vector_store %swap3A_556[%swap3A_557, %swap3A_558], %swap3A_561 {strides = array<i32>} : memref<128x128xf32, #tpu.memory_space<vmem>>, vector<1x16xf32>,
      %swap3A_562 = arith.constant 0 : i32
      %swap3A_563 = arith.constant 0 : i32
      %swap3A_564 = tpu.memref_slice %arg10[%scan3A, %swap3A_562, %swap3A_563] : memref<2x128x128xf32, #tpu.memory_space<vmem>> -> memref<1x128x128xf32, #tpu.memory_space<vmem>>
      %swap3A_565 = tpu.memref_squeeze %swap3A_564 : memref<1x128x128xf32, #tpu.memory_space<vmem>> -> memref<128x128xf32, #tpu.memory_space<vmem>>
      %swap3A_566 = arith.index_cast %add3A_534 : i32 to index
      %swap3A_567 = arith.constant 48 : index
      %swap3A_568 = tpu.vector_load %swap3A_565[%swap3A_566, %swap3A_567] {strides = array<i32>} : memref<128x128xf32, #tpu.memory_space<vmem>>, vector<1x16xf32>,
      %swap3A_569 = vector.shape_cast %swap3A_568 : vector<1x16xf32> to vector<16xf32>
      %swap3A_570 = vector.shape_cast %broadcast_in_dim3A_27 : vector<16xf32> to vector<1x16xf32>
      tpu.vector_store %swap3A_565[%swap3A_566, %swap3A_567], %swap3A_570 {strides = array<i32>} : memref<128x128xf32, #tpu.memory_space<vmem>>, vector<1x16xf32>,
      %swap3A_571 = arith.constant 0 : i32
      %swap3A_572 = arith.constant 0 : i32
      %swap3A_573 = tpu.memref_slice %arg10[%scan3A, %swap3A_571, %swap3A_572] : memref<2x128x128xf32, #tpu.memory_space<vmem>> -> memref<1x128x128xf32, #tpu.memory_space<vmem>>
      %swap3A_574 = tpu.memref_squeeze %swap3A_573 : memref<1x128x128xf32, #tpu.memory_space<vmem>> -> memref<128x128xf32, #tpu.memory_space<vmem>>
      %swap3A_575 = arith.index_cast %add3A_534 : i32 to index
      %swap3A_576 = arith.constant 64 : index
      %swap3A_577 = tpu.vector_load %swap3A_574[%swap3A_575, %swap3A_576] {strides = array<i32>} : memref<128x128xf32, #tpu.memory_space<vmem>>, vector<1x16xf32>,
      %swap3A_578 = vector.shape_cast %swap3A_577 : vector<1x16xf32> to vector<16xf32>
      %swap3A_579 = vector.shape_cast %broadcast_in_dim3A_27 : vector<16xf32> to vector<1x16xf32>
      tpu.vector_store %swap3A_574[%swap3A_575, %swap3A_576], %swap3A_579 {strides = array<i32>} : memref<128x128xf32, #tpu.memory_space<vmem>>, vector<1x16xf32>,
      %swap3A_580 = arith.constant 0 : i32
      %swap3A_581 = arith.constant 0 : i32
      %swap3A_582 = tpu.memref_slice %arg10[%scan3A, %swap3A_580, %swap3A_581] : memref<2x128x128xf32, #tpu.memory_space<vmem>> -> memref<1x128x128xf32, #tpu.memory_space<vmem>>
      %swap3A_583 = tpu.memref_squeeze %swap3A_582 : memref<1x128x128xf32, #tpu.memory_space<vmem>> -> memref<128x128xf32, #tpu.memory_space<vmem>>
      %swap3A_584 = arith.index_cast %add3A_534 : i32 to index
      %swap3A_585 = arith.constant 80 : index
      %swap3A_586 = tpu.vector_load %swap3A_583[%swap3A_584, %swap3A_585] {strides = array<i32>} : memref<128x128xf32, #tpu.memory_space<vmem>>, vector<1x16xf32>,
      %swap3A_587 = vector.shape_cast %swap3A_586 : vector<1x16xf32> to vector<16xf32>
      %swap3A_588 = vector.shape_cast %broadcast_in_dim3A_27 : vector<16xf32> to vector<1x16xf32>
      tpu.vector_store %swap3A_583[%swap3A_584, %swap3A_585], %swap3A_588 {strides = array<i32>} : memref<128x128xf32, #tpu.memory_space<vmem>>, vector<1x16xf32>,
      %swap3A_589 = arith.constant 0 : i32
      %swap3A_590 = arith.constant 0 : i32
      %swap3A_591 = tpu.memref_slice %arg10[%scan3A, %swap3A_589, %swap3A_590] : memref<2x128x128xf32, #tpu.memory_space<vmem>> -> memref<1x128x128xf32, #tpu.memory_space<vmem>>
      %swap3A_592 = tpu.memref_squeeze %swap3A_591 : memref<1x128x128xf32, #tpu.memory_space<vmem>> -> memref<128x128xf32, #tpu.memory_space<vmem>>
      %swap3A_593 = arith.index_cast %add3A_534 : i32 to index
      %swap3A_594 = arith.constant 96 : index
      %swap3A_595 = tpu.vector_load %swap3A_592[%swap3A_593, %swap3A_594] {strides = array<i32>} : memref<128x128xf32, #tpu.memory_space<vmem>>, vector<1x16xf32>,
      %swap3A_596 = vector.shape_cast %swap3A_595 : vector<1x16xf32> to vector<16xf32>
      %swap3A_597 = vector.shape_cast %broadcast_in_dim3A_27 : vector<16xf32> to vector<1x16xf32>
      tpu.vector_store %swap3A_592[%swap3A_593, %swap3A_594], %swap3A_597 {strides = array<i32>} : memref<128x128xf32, #tpu.memory_space<vmem>>, vector<1x16xf32>,
      %swap3A_598 = arith.constant 0 : i32
      %swap3A_599 = arith.constant 0 : i32
      %swap3A_600 = tpu.memref_slice %arg10[%scan3A, %swap3A_598, %swap3A_599] : memref<2x128x128xf32, #tpu.memory_space<vmem>> -> memref<1x128x128xf32, #tpu.memory_space<vmem>>
      %swap3A_601 = tpu.memref_squeeze %swap3A_600 : memref<1x128x128xf32, #tpu.memory_space<vmem>> -> memref<128x128xf32, #tpu.memory_space<vmem>>
      %swap3A_602 = arith.index_cast %add3A_534 : i32 to index
      %swap3A_603 = arith.constant 112 : index
      %swap3A_604 = tpu.vector_load %swap3A_601[%swap3A_602, %swap3A_603] {strides = array<i32>} : memref<128x128xf32, #tpu.memory_space<vmem>>, vector<1x16xf32>,
      %swap3A_605 = vector.shape_cast %swap3A_604 : vector<1x16xf32> to vector<16xf32>
      %swap3A_606 = vector.shape_cast %broadcast_in_dim3A_27 : vector<16xf32> to vector<1x16xf32>
      tpu.vector_store %swap3A_601[%swap3A_602, %swap3A_603], %swap3A_606 {strides = array<i32>} : memref<128x128xf32, #tpu.memory_space<vmem>>, vector<1x16xf32>,
    }
    %scan3A_32 = arith.constant 128 : i32
    %mul3A = arith.constant 640 : i32
    %mul3A_33 = arith.muli %arg1, %mul3A : i32
    %add3A = arith.constant 0 : i32
    %add3A_34 = arith.addi %mul3A_33, %add3A : i32
    %dma_start3A_35 = arith.constant 0 : i32
    %dma_start3A_36 = arith.constant 0 : i32
    %dma_start3A_37 = arith.constant 0 : i32
    %dma_start3A_38 = tpu.memref_slice %arg10[%dma_start3A_35, %dma_start3A_36, %dma_start3A_37] : memref<2x128x128xf32, #tpu.memory_space<vmem>> -> memref<1x128x128xf32, #tpu.memory_space<vmem>>
    %dma_start3A_39 = tpu.memref_squeeze %dma_start3A_38 : memref<1x128x128xf32, #tpu.memory_space<vmem>> -> memref<128x128xf32, #tpu.memory_space<vmem>>
    %dma_start3A_40 = arith.constant 0 : i32
    %dma_start3A_41 = tpu.memref_slice %arg12[%add3A_34, %dma_start3A_40] : memref<10240x128xf32, #tpu.memory_space<vmem_shared>> -> memref<128x128xf32, #tpu.memory_space<vmem_shared>>
    %dma_start3A_42 = arith.constant 0 : i32
    %dma_start3A_43 = tpu.memref_slice %arg12[%add3A_34, %dma_start3A_42] : memref<10240x128xf32, #tpu.memory_space<vmem_shared>> -> memref<128x128xf32, #tpu.memory_space<vmem_shared>>
    %dma_start3A_44 = arith.constant 0 : i32
    %dma_start3A_45 = arith.constant 0 : i32
    %dma_start3A_46 = tpu.memref_slice %arg10[%dma_start3A_35, %dma_start3A_44, %dma_start3A_45] : memref<2x128x128xf32, #tpu.memory_space<vmem>> -> memref<1x128x128xf32, #tpu.memory_space<vmem>>
    %dma_start3A_47 = tpu.memref_squeeze %dma_start3A_46 : memref<1x128x128xf32, #tpu.memory_space<vmem>> -> memref<128x128xf32, #tpu.memory_space<vmem>>
    tpu.enqueue_dma source(%dma_start3A_47 : memref<128x128xf32, #tpu.memory_space<vmem>>) target(%dma_start3A_43 : memref<128x128xf32, #tpu.memory_space<vmem_shared>>) target_semaphore(%arg21 : memref<!tpu.dma_semaphore, #tpu.memory_space<semaphore_mem>>)
    %mul3A_48 = arith.constant 640 : i32
    %mul3A_49 = arith.muli %arg1, %mul3A_48 : i32
    %add3A_50 = arith.constant 0 : i32
    %add3A_51 = arith.addi %mul3A_49, %add3A_50 : i32
    %dma_start3A_52 = arith.constant 0 : i32
    %dma_start3A_53 = arith.constant 0 : i32
    %dma_start3A_54 = arith.constant 0 : i32
    %dma_start3A_55 = arith.constant 0 : i32
    %dma_start3A_56 = tpu.memref_slice %arg10[%dma_start3A_52, %dma_start3A_54, %dma_start3A_55] : memref<2x128x128xf32, #tpu.memory_space<vmem>> -> memref<1x128x128xf32, #tpu.memory_space<vmem>>
    %dma_start3A_57 = tpu.memref_squeeze %dma_start3A_56 : memref<1x128x128xf32, #tpu.memory_space<vmem>> -> memref<128x128xf32, #tpu.memory_space<vmem>>
    %dma_start3A_58 = arith.constant 0 : i32
    %dma_start3A_59 = tpu.memref_slice %dma_start3A_57[%dma_start3A_53, %dma_start3A_58] : memref<128x128xf32, #tpu.memory_space<vmem>> -> memref<1x128xf32, #tpu.memory_space<vmem>>
    %dma_start3A_60 = tpu.memref_squeeze %dma_start3A_59 : memref<1x128xf32, #tpu.memory_space<vmem>> -> memref<128xf32, #tpu.memory_space<vmem>>
    %dma_start3A_61 = tpu.memref_slice %arg13[%add3A_51] : memref<10240xf32, #tpu.memory_space<vmem_shared>> -> memref<128xf32, #tpu.memory_space<vmem_shared>>
    %dma_start3A_62 = tpu.memref_slice %arg13[%add3A_51] : memref<10240xf32, #tpu.memory_space<vmem_shared>> -> memref<128xf32, #tpu.memory_space<vmem_shared>>
    %dma_start3A_63 = arith.constant 0 : i32
    %dma_start3A_64 = arith.constant 0 : i32
    %dma_start3A_65 = tpu.memref_slice %arg10[%dma_start3A_52, %dma_start3A_63, %dma_start3A_64] : memref<2x128x128xf32, #tpu.memory_space<vmem>> -> memref<1x128x128xf32, #tpu.memory_space<vmem>>
    %dma_start3A_66 = tpu.memref_squeeze %dma_start3A_65 : memref<1x128x128xf32, #tpu.memory_space<vmem>> -> memref<128x128xf32, #tpu.memory_space<vmem>>
    %dma_start3A_67 = arith.constant 0 : i32
    %dma_start3A_68 = tpu.memref_slice %dma_start3A_66[%dma_start3A_53, %dma_start3A_67] : memref<128x128xf32, #tpu.memory_space<vmem>> -> memref<1x128xf32, #tpu.memory_space<vmem>>
    %dma_start3A_69 = tpu.memref_squeeze %dma_start3A_68 : memref<1x128xf32, #tpu.memory_space<vmem>> -> memref<128xf32, #tpu.memory_space<vmem>>
    tpu.enqueue_dma source(%dma_start3A_69 : memref<128xf32, #tpu.memory_space<vmem>>) target(%dma_start3A_62 : memref<128xf32, #tpu.memory_space<vmem_shared>>) target_semaphore(%arg21 : memref<!tpu.dma_semaphore, #tpu.memory_space<semaphore_mem>>)
    %mul3A_70 = arith.constant 640 : i32
    %mul3A_71 = arith.muli %arg1, %mul3A_70 : i32
    %add3A_72 = arith.constant 128 : i32
    %add3A_73 = arith.addi %mul3A_71, %add3A_72 : i32
    %dma_start3A_74 = arith.constant 0 : i32
    %dma_start3A_75 = arith.constant 0 : i32
    %dma_start3A_76 = arith.constant 0 : i32
    %dma_start3A_77 = tpu.memref_slice %arg10[%dma_start3A_74, %dma_start3A_75, %dma_start3A_76] : memref<2x128x128xf32, #tpu.memory_space<vmem>> -> memref<1x128x128xf32, #tpu.memory_space<vmem>>
    %dma_start3A_78 = tpu.memref_squeeze %dma_start3A_77 : memref<1x128x128xf32, #tpu.memory_space<vmem>> -> memref<128x128xf32, #tpu.memory_space<vmem>>
    %dma_start3A_79 = arith.constant 0 : i32
    %dma_start3A_80 = tpu.memref_slice %arg12[%add3A_73, %dma_start3A_79] : memref<10240x128xf32, #tpu.memory_space<vmem_shared>> -> memref<128x128xf32, #tpu.memory_space<vmem_shared>>
    %dma_start3A_81 = arith.constant 0 : i32
    %dma_start3A_82 = tpu.memref_slice %arg12[%add3A_73, %dma_start3A_81] : memref<10240x128xf32, #tpu.memory_space<vmem_shared>> -> memref<128x128xf32, #tpu.memory_space<vmem_shared>>
    %dma_start3A_83 = arith.constant 0 : i32
    %dma_start3A_84 = arith.constant 0 : i32
    %dma_start3A_85 = tpu.memref_slice %arg10[%dma_start3A_74, %dma_start3A_83, %dma_start3A_84] : memref<2x128x128xf32, #tpu.memory_space<vmem>> -> memref<1x128x128xf32, #tpu.memory_space<vmem>>
    %dma_start3A_86 = tpu.memref_squeeze %dma_start3A_85 : memref<1x128x128xf32, #tpu.memory_space<vmem>> -> memref<128x128xf32, #tpu.memory_space<vmem>>
    tpu.enqueue_dma source(%dma_start3A_86 : memref<128x128xf32, #tpu.memory_space<vmem>>) target(%dma_start3A_82 : memref<128x128xf32, #tpu.memory_space<vmem_shared>>) target_semaphore(%arg21 : memref<!tpu.dma_semaphore, #tpu.memory_space<semaphore_mem>>)
    %mul3A_87 = arith.constant 640 : i32
    %mul3A_88 = arith.muli %arg1, %mul3A_87 : i32
    %add3A_89 = arith.constant 128 : i32
    %add3A_90 = arith.addi %mul3A_88, %add3A_89 : i32
    %dma_start3A_91 = arith.constant 0 : i32
    %dma_start3A_92 = arith.constant 0 : i32
    %dma_start3A_93 = arith.constant 0 : i32
    %dma_start3A_94 = arith.constant 0 : i32
    %dma_start3A_95 = tpu.memref_slice %arg10[%dma_start3A_91, %dma_start3A_93, %dma_start3A_94] : memref<2x128x128xf32, #tpu.memory_space<vmem>> -> memref<1x128x128xf32, #tpu.memory_space<vmem>>
    %dma_start3A_96 = tpu.memref_squeeze %dma_start3A_95 : memref<1x128x128xf32, #tpu.memory_space<vmem>> -> memref<128x128xf32, #tpu.memory_space<vmem>>
    %dma_start3A_97 = arith.constant 0 : i32
    %dma_start3A_98 = tpu.memref_slice %dma_start3A_96[%dma_start3A_92, %dma_start3A_97] : memref<128x128xf32, #tpu.memory_space<vmem>> -> memref<1x128xf32, #tpu.memory_space<vmem>>
    %dma_start3A_99 = tpu.memref_squeeze %dma_start3A_98 : memref<1x128xf32, #tpu.memory_space<vmem>> -> memref<128xf32, #tpu.memory_space<vmem>>
    %dma_start3A_100 = tpu.memref_slice %arg13[%add3A_90] : memref<10240xf32, #tpu.memory_space<vmem_shared>> -> memref<128xf32, #tpu.memory_space<vmem_shared>>
    %dma_start3A_101 = tpu.memref_slice %arg13[%add3A_90] : memref<10240xf32, #tpu.memory_space<vmem_shared>> -> memref<128xf32, #tpu.memory_space<vmem_shared>>
    %dma_start3A_102 = arith.constant 0 : i32
    %dma_start3A_103 = arith.constant 0 : i32
    %dma_start3A_104 = tpu.memref_slice %arg10[%dma_start3A_91, %dma_start3A_102, %dma_start3A_103] : memref<2x128x128xf32, #tpu.memory_space<vmem>> -> memref<1x128x128xf32, #tpu.memory_space<vmem>>
    %dma_start3A_105 = tpu.memref_squeeze %dma_start3A_104 : memref<1x128x128xf32, #tpu.memory_space<vmem>> -> memref<128x128xf32, #tpu.memory_space<vmem>>
    %dma_start3A_106 = arith.constant 0 : i32
    %dma_start3A_107 = tpu.memref_slice %dma_start3A_105[%dma_start3A_92, %dma_start3A_106] : memref<128x128xf32, #tpu.memory_space<vmem>> -> memref<1x128xf32, #tpu.memory_space<vmem>>
    %dma_start3A_108 = tpu.memref_squeeze %dma_start3A_107 : memref<1x128xf32, #tpu.memory_space<vmem>> -> memref<128xf32, #tpu.memory_space<vmem>>
    tpu.enqueue_dma source(%dma_start3A_108 : memref<128xf32, #tpu.memory_space<vmem>>) target(%dma_start3A_101 : memref<128xf32, #tpu.memory_space<vmem_shared>>) target_semaphore(%arg21 : memref<!tpu.dma_semaphore, #tpu.memory_space<semaphore_mem>>)
    %mul3A_109 = arith.constant 640 : i32
    %mul3A_110 = arith.muli %arg1, %mul3A_109 : i32
    %add3A_111 = arith.constant 256 : i32
    %add3A_112 = arith.addi %mul3A_110, %add3A_111 : i32
    %dma_start3A_113 = arith.constant 0 : i32
    %dma_start3A_114 = arith.constant 0 : i32
    %dma_start3A_115 = arith.constant 0 : i32
    %dma_start3A_116 = tpu.memref_slice %arg10[%dma_start3A_113, %dma_start3A_114, %dma_start3A_115] : memref<2x128x128xf32, #tpu.memory_space<vmem>> -> memref<1x128x128xf32, #tpu.memory_space<vmem>>
    %dma_start3A_117 = tpu.memref_squeeze %dma_start3A_116 : memref<1x128x128xf32, #tpu.memory_space<vmem>> -> memref<128x128xf32, #tpu.memory_space<vmem>>
    %dma_start3A_118 = arith.constant 0 : i32
    %dma_start3A_119 = tpu.memref_slice %arg12[%add3A_112, %dma_start3A_118] : memref<10240x128xf32, #tpu.memory_space<vmem_shared>> -> memref<128x128xf32, #tpu.memory_space<vmem_shared>>
    %dma_start3A_120 = arith.constant 0 : i32
    %dma_start3A_121 = tpu.memref_slice %arg12[%add3A_112, %dma_start3A_120] : memref<10240x128xf32, #tpu.memory_space<vmem_shared>> -> memref<128x128xf32, #tpu.memory_space<vmem_shared>>
    %dma_start3A_122 = arith.constant 0 : i32
    %dma_start3A_123 = arith.constant 0 : i32
    %dma_start3A_124 = tpu.memref_slice %arg10[%dma_start3A_113, %dma_start3A_122, %dma_start3A_123] : memref<2x128x128xf32, #tpu.memory_space<vmem>> -> memref<1x128x128xf32, #tpu.memory_space<vmem>>
    %dma_start3A_125 = tpu.memref_squeeze %dma_start3A_124 : memref<1x128x128xf32, #tpu.memory_space<vmem>> -> memref<128x128xf32, #tpu.memory_space<vmem>>
    tpu.enqueue_dma source(%dma_start3A_125 : memref<128x128xf32, #tpu.memory_space<vmem>>) target(%dma_start3A_121 : memref<128x128xf32, #tpu.memory_space<vmem_shared>>) target_semaphore(%arg21 : memref<!tpu.dma_semaphore, #tpu.memory_space<semaphore_mem>>)
    %mul3A_126 = arith.constant 640 : i32
    %mul3A_127 = arith.muli %arg1, %mul3A_126 : i32
    %add3A_128 = arith.constant 256 : i32
    %add3A_129 = arith.addi %mul3A_127, %add3A_128 : i32
    %dma_start3A_130 = arith.constant 0 : i32
    %dma_start3A_131 = arith.constant 0 : i32
    %dma_start3A_132 = arith.constant 0 : i32
    %dma_start3A_133 = arith.constant 0 : i32
    %dma_start3A_134 = tpu.memref_slice %arg10[%dma_start3A_130, %dma_start3A_132, %dma_start3A_133] : memref<2x128x128xf32, #tpu.memory_space<vmem>> -> memref<1x128x128xf32, #tpu.memory_space<vmem>>
    %dma_start3A_135 = tpu.memref_squeeze %dma_start3A_134 : memref<1x128x128xf32, #tpu.memory_space<vmem>> -> memref<128x128xf32, #tpu.memory_space<vmem>>
    %dma_start3A_136 = arith.constant 0 : i32
    %dma_start3A_137 = tpu.memref_slice %dma_start3A_135[%dma_start3A_131, %dma_start3A_136] : memref<128x128xf32, #tpu.memory_space<vmem>> -> memref<1x128xf32, #tpu.memory_space<vmem>>
    %dma_start3A_138 = tpu.memref_squeeze %dma_start3A_137 : memref<1x128xf32, #tpu.memory_space<vmem>> -> memref<128xf32, #tpu.memory_space<vmem>>
    %dma_start3A_139 = tpu.memref_slice %arg13[%add3A_129] : memref<10240xf32, #tpu.memory_space<vmem_shared>> -> memref<128xf32, #tpu.memory_space<vmem_shared>>
    %dma_start3A_140 = tpu.memref_slice %arg13[%add3A_129] : memref<10240xf32, #tpu.memory_space<vmem_shared>> -> memref<128xf32, #tpu.memory_space<vmem_shared>>
    %dma_start3A_141 = arith.constant 0 : i32
    %dma_start3A_142 = arith.constant 0 : i32
    %dma_start3A_143 = tpu.memref_slice %arg10[%dma_start3A_130, %dma_start3A_141, %dma_start3A_142] : memref<2x128x128xf32, #tpu.memory_space<vmem>> -> memref<1x128x128xf32, #tpu.memory_space<vmem>>
    %dma_start3A_144 = tpu.memref_squeeze %dma_start3A_143 : memref<1x128x128xf32, #tpu.memory_space<vmem>> -> memref<128x128xf32, #tpu.memory_space<vmem>>
    %dma_start3A_145 = arith.constant 0 : i32
    %dma_start3A_146 = tpu.memref_slice %dma_start3A_144[%dma_start3A_131, %dma_start3A_145] : memref<128x128xf32, #tpu.memory_space<vmem>> -> memref<1x128xf32, #tpu.memory_space<vmem>>
    %dma_start3A_147 = tpu.memref_squeeze %dma_start3A_146 : memref<1x128xf32, #tpu.memory_space<vmem>> -> memref<128xf32, #tpu.memory_space<vmem>>
    tpu.enqueue_dma source(%dma_start3A_147 : memref<128xf32, #tpu.memory_space<vmem>>) target(%dma_start3A_140 : memref<128xf32, #tpu.memory_space<vmem_shared>>) target_semaphore(%arg21 : memref<!tpu.dma_semaphore, #tpu.memory_space<semaphore_mem>>)
    %mul3A_148 = arith.constant 640 : i32
    %mul3A_149 = arith.muli %arg1, %mul3A_148 : i32
    %add3A_150 = arith.constant 384 : i32
    %add3A_151 = arith.addi %mul3A_149, %add3A_150 : i32
    %dma_start3A_152 = arith.constant 0 : i32
    %dma_start3A_153 = arith.constant 0 : i32
    %dma_start3A_154 = arith.constant 0 : i32
    %dma_start3A_155 = tpu.memref_slice %arg10[%dma_start3A_152, %dma_start3A_153, %dma_start3A_154] : memref<2x128x128xf32, #tpu.memory_space<vmem>> -> memref<1x128x128xf32, #tpu.memory_space<vmem>>
    %dma_start3A_156 = tpu.memref_squeeze %dma_start3A_155 : memref<1x128x128xf32, #tpu.memory_space<vmem>> -> memref<128x128xf32, #tpu.memory_space<vmem>>
    %dma_start3A_157 = arith.constant 0 : i32
    %dma_start3A_158 = tpu.memref_slice %arg12[%add3A_151, %dma_start3A_157] : memref<10240x128xf32, #tpu.memory_space<vmem_shared>> -> memref<128x128xf32, #tpu.memory_space<vmem_shared>>
    %dma_start3A_159 = arith.constant 0 : i32
    %dma_start3A_160 = tpu.memref_slice %arg12[%add3A_151, %dma_start3A_159] : memref<10240x128xf32, #tpu.memory_space<vmem_shared>> -> memref<128x128xf32, #tpu.memory_space<vmem_shared>>
    %dma_start3A_161 = arith.constant 0 : i32
    %dma_start3A_162 = arith.constant 0 : i32
    %dma_start3A_163 = tpu.memref_slice %arg10[%dma_start3A_152, %dma_start3A_161, %dma_start3A_162] : memref<2x128x128xf32, #tpu.memory_space<vmem>> -> memref<1x128x128xf32, #tpu.memory_space<vmem>>
    %dma_start3A_164 = tpu.memref_squeeze %dma_start3A_163 : memref<1x128x128xf32, #tpu.memory_space<vmem>> -> memref<128x128xf32, #tpu.memory_space<vmem>>
    tpu.enqueue_dma source(%dma_start3A_164 : memref<128x128xf32, #tpu.memory_space<vmem>>) target(%dma_start3A_160 : memref<128x128xf32, #tpu.memory_space<vmem_shared>>) target_semaphore(%arg21 : memref<!tpu.dma_semaphore, #tpu.memory_space<semaphore_mem>>)
    %mul3A_165 = arith.constant 640 : i32
    %mul3A_166 = arith.muli %arg1, %mul3A_165 : i32
    %add3A_167 = arith.constant 384 : i32
    %add3A_168 = arith.addi %mul3A_166, %add3A_167 : i32
    %dma_start3A_169 = arith.constant 0 : i32
    %dma_start3A_170 = arith.constant 0 : i32
    %dma_start3A_171 = arith.constant 0 : i32
    %dma_start3A_172 = arith.constant 0 : i32
    %dma_start3A_173 = tpu.memref_slice %arg10[%dma_start3A_169, %dma_start3A_171, %dma_start3A_172] : memref<2x128x128xf32, #tpu.memory_space<vmem>> -> memref<1x128x128xf32, #tpu.memory_space<vmem>>
    %dma_start3A_174 = tpu.memref_squeeze %dma_start3A_173 : memref<1x128x128xf32, #tpu.memory_space<vmem>> -> memref<128x128xf32, #tpu.memory_space<vmem>>
    %dma_start3A_175 = arith.constant 0 : i32
    %dma_start3A_176 = tpu.memref_slice %dma_start3A_174[%dma_start3A_170, %dma_start3A_175] : memref<128x128xf32, #tpu.memory_space<vmem>> -> memref<1x128xf32, #tpu.memory_space<vmem>>
    %dma_start3A_177 = tpu.memref_squeeze %dma_start3A_176 : memref<1x128xf32, #tpu.memory_space<vmem>> -> memref<128xf32, #tpu.memory_space<vmem>>
    %dma_start3A_178 = tpu.memref_slice %arg13[%add3A_168] : memref<10240xf32, #tpu.memory_space<vmem_shared>> -> memref<128xf32, #tpu.memory_space<vmem_shared>>
    %dma_start3A_179 = tpu.memref_slice %arg13[%add3A_168] : memref<10240xf32, #tpu.memory_space<vmem_shared>> -> memref<128xf32, #tpu.memory_space<vmem_shared>>
    %dma_start3A_180 = arith.constant 0 : i32
    %dma_start3A_181 = arith.constant 0 : i32
    %dma_start3A_182 = tpu.memref_slice %arg10[%dma_start3A_169, %dma_start3A_180, %dma_start3A_181] : memref<2x128x128xf32, #tpu.memory_space<vmem>> -> memref<1x128x128xf32, #tpu.memory_space<vmem>>
    %dma_start3A_183 = tpu.memref_squeeze %dma_start3A_182 : memref<1x128x128xf32, #tpu.memory_space<vmem>> -> memref<128x128xf32, #tpu.memory_space<vmem>>
    %dma_start3A_184 = arith.constant 0 : i32
    %dma_start3A_185 = tpu.memref_slice %dma_start3A_183[%dma_start3A_170, %dma_start3A_184] : memref<128x128xf32, #tpu.memory_space<vmem>> -> memref<1x128xf32, #tpu.memory_space<vmem>>
    %dma_start3A_186 = tpu.memref_squeeze %dma_start3A_185 : memref<1x128xf32, #tpu.memory_space<vmem>> -> memref<128xf32, #tpu.memory_space<vmem>>
    tpu.enqueue_dma source(%dma_start3A_186 : memref<128xf32, #tpu.memory_space<vmem>>) target(%dma_start3A_179 : memref<128xf32, #tpu.memory_space<vmem_shared>>) target_semaphore(%arg21 : memref<!tpu.dma_semaphore, #tpu.memory_space<semaphore_mem>>)
    %mul3A_187 = arith.constant 640 : i32
    %mul3A_188 = arith.muli %arg1, %mul3A_187 : i32
    %add3A_189 = arith.constant 512 : i32
    %add3A_190 = arith.addi %mul3A_188, %add3A_189 : i32
    %dma_start3A_191 = arith.constant 0 : i32
    %dma_start3A_192 = arith.constant 0 : i32
    %dma_start3A_193 = arith.constant 0 : i32
    %dma_start3A_194 = tpu.memref_slice %arg10[%dma_start3A_191, %dma_start3A_192, %dma_start3A_193] : memref<2x128x128xf32, #tpu.memory_space<vmem>> -> memref<1x128x128xf32, #tpu.memory_space<vmem>>
    %dma_start3A_195 = tpu.memref_squeeze %dma_start3A_194 : memref<1x128x128xf32, #tpu.memory_space<vmem>> -> memref<128x128xf32, #tpu.memory_space<vmem>>
    %dma_start3A_196 = arith.constant 0 : i32
    %dma_start3A_197 = tpu.memref_slice %arg12[%add3A_190, %dma_start3A_196] : memref<10240x128xf32, #tpu.memory_space<vmem_shared>> -> memref<128x128xf32, #tpu.memory_space<vmem_shared>>
    %dma_start3A_198 = arith.constant 0 : i32
    %dma_start3A_199 = tpu.memref_slice %arg12[%add3A_190, %dma_start3A_198] : memref<10240x128xf32, #tpu.memory_space<vmem_shared>> -> memref<128x128xf32, #tpu.memory_space<vmem_shared>>
    %dma_start3A_200 = arith.constant 0 : i32
    %dma_start3A_201 = arith.constant 0 : i32
    %dma_start3A_202 = tpu.memref_slice %arg10[%dma_start3A_191, %dma_start3A_200, %dma_start3A_201] : memref<2x128x128xf32, #tpu.memory_space<vmem>> -> memref<1x128x128xf32, #tpu.memory_space<vmem>>
    %dma_start3A_203 = tpu.memref_squeeze %dma_start3A_202 : memref<1x128x128xf32, #tpu.memory_space<vmem>> -> memref<128x128xf32, #tpu.memory_space<vmem>>
    tpu.enqueue_dma source(%dma_start3A_203 : memref<128x128xf32, #tpu.memory_space<vmem>>) target(%dma_start3A_199 : memref<128x128xf32, #tpu.memory_space<vmem_shared>>) target_semaphore(%arg21 : memref<!tpu.dma_semaphore, #tpu.memory_space<semaphore_mem>>)
    %mul3A_204 = arith.constant 640 : i32
    %mul3A_205 = arith.muli %arg1, %mul3A_204 : i32
    %add3A_206 = arith.constant 512 : i32
    %add3A_207 = arith.addi %mul3A_205, %add3A_206 : i32
    %dma_start3A_208 = arith.constant 0 : i32
    %dma_start3A_209 = arith.constant 0 : i32
    %dma_start3A_210 = arith.constant 0 : i32
    %dma_start3A_211 = arith.constant 0 : i32
    %dma_start3A_212 = tpu.memref_slice %arg10[%dma_start3A_208, %dma_start3A_210, %dma_start3A_211] : memref<2x128x128xf32, #tpu.memory_space<vmem>> -> memref<1x128x128xf32, #tpu.memory_space<vmem>>
    %dma_start3A_213 = tpu.memref_squeeze %dma_start3A_212 : memref<1x128x128xf32, #tpu.memory_space<vmem>> -> memref<128x128xf32, #tpu.memory_space<vmem>>
    %dma_start3A_214 = arith.constant 0 : i32
    %dma_start3A_215 = tpu.memref_slice %dma_start3A_213[%dma_start3A_209, %dma_start3A_214] : memref<128x128xf32, #tpu.memory_space<vmem>> -> memref<1x128xf32, #tpu.memory_space<vmem>>
    %dma_start3A_216 = tpu.memref_squeeze %dma_start3A_215 : memref<1x128xf32, #tpu.memory_space<vmem>> -> memref<128xf32, #tpu.memory_space<vmem>>
    %dma_start3A_217 = tpu.memref_slice %arg13[%add3A_207] : memref<10240xf32, #tpu.memory_space<vmem_shared>> -> memref<128xf32, #tpu.memory_space<vmem_shared>>
    %dma_start3A_218 = tpu.memref_slice %arg13[%add3A_207] : memref<10240xf32, #tpu.memory_space<vmem_shared>> -> memref<128xf32, #tpu.memory_space<vmem_shared>>
    %dma_start3A_219 = arith.constant 0 : i32
    %dma_start3A_220 = arith.constant 0 : i32
    %dma_start3A_221 = tpu.memref_slice %arg10[%dma_start3A_208, %dma_start3A_219, %dma_start3A_220] : memref<2x128x128xf32, #tpu.memory_space<vmem>> -> memref<1x128x128xf32, #tpu.memory_space<vmem>>
    %dma_start3A_222 = tpu.memref_squeeze %dma_start3A_221 : memref<1x128x128xf32, #tpu.memory_space<vmem>> -> memref<128x128xf32, #tpu.memory_space<vmem>>
    %dma_start3A_223 = arith.constant 0 : i32
    %dma_start3A_224 = tpu.memref_slice %dma_start3A_222[%dma_start3A_209, %dma_start3A_223] : memref<128x128xf32, #tpu.memory_space<vmem>> -> memref<1x128xf32, #tpu.memory_space<vmem>>
    %dma_start3A_225 = tpu.memref_squeeze %dma_start3A_224 : memref<1x128xf32, #tpu.memory_space<vmem>> -> memref<128xf32, #tpu.memory_space<vmem>>
    tpu.enqueue_dma source(%dma_start3A_225 : memref<128xf32, #tpu.memory_space<vmem>>) target(%dma_start3A_218 : memref<128xf32, #tpu.memory_space<vmem_shared>>) target_semaphore(%arg21 : memref<!tpu.dma_semaphore, #tpu.memory_space<semaphore_mem>>)
    %broadcast_in_dim3A_226 = arith.constant 1.000000e+00 : f32
    %broadcast_in_dim3A_227 = vector.broadcast %broadcast_in_dim3A_226 : f32 to vector<16xf32>
    %swap3A = arith.constant 0 : index
    %swap3A_228 = tpu.vector_load %arg11[%swap3A] {strides = array<i32>} : memref<128xf32, #tpu.memory_space<vmem>>, vector<16xf32>,
    %swap3A_229 = vector.shape_cast %swap3A_228 : vector<16xf32> to vector<16xf32>
    %swap3A_230 = vector.shape_cast %broadcast_in_dim3A_227 : vector<16xf32> to vector<16xf32>
    tpu.vector_store %arg11[%swap3A], %swap3A_230 {strides = array<i32>} : memref<128xf32, #tpu.memory_space<vmem>>, vector<16xf32>,
    %broadcast_in_dim3A_231 = arith.constant 1.000000e+00 : f32
    %broadcast_in_dim3A_232 = vector.broadcast %broadcast_in_dim3A_231 : f32 to vector<16xf32>
    %swap3A_233 = arith.constant 16 : index
    %swap3A_234 = tpu.vector_load %arg11[%swap3A_233] {strides = array<i32>} : memref<128xf32, #tpu.memory_space<vmem>>, vector<16xf32>,
    %swap3A_235 = vector.shape_cast %swap3A_234 : vector<16xf32> to vector<16xf32>
    %swap3A_236 = vector.shape_cast %broadcast_in_dim3A_232 : vector<16xf32> to vector<16xf32>
    tpu.vector_store %arg11[%swap3A_233], %swap3A_236 {strides = array<i32>} : memref<128xf32, #tpu.memory_space<vmem>>, vector<16xf32>,
    %broadcast_in_dim3A_237 = arith.constant 1.000000e+00 : f32
    %broadcast_in_dim3A_238 = vector.broadcast %broadcast_in_dim3A_237 : f32 to vector<16xf32>
    %swap3A_239 = arith.constant 32 : index
    %swap3A_240 = tpu.vector_load %arg11[%swap3A_239] {strides = array<i32>} : memref<128xf32, #tpu.memory_space<vmem>>, vector<16xf32>,
    %swap3A_241 = vector.shape_cast %swap3A_240 : vector<16xf32> to vector<16xf32>
    %swap3A_242 = vector.shape_cast %broadcast_in_dim3A_238 : vector<16xf32> to vector<16xf32>
    tpu.vector_store %arg11[%swap3A_239], %swap3A_242 {strides = array<i32>} : memref<128xf32, #tpu.memory_space<vmem>>, vector<16xf32>,
    %broadcast_in_dim3A_243 = arith.constant 1.000000e+00 : f32
    %broadcast_in_dim3A_244 = vector.broadcast %broadcast_in_dim3A_243 : f32 to vector<16xf32>
    %swap3A_245 = arith.constant 48 : index
    %swap3A_246 = tpu.vector_load %arg11[%swap3A_245] {strides = array<i32>} : memref<128xf32, #tpu.memory_space<vmem>>, vector<16xf32>,
    %swap3A_247 = vector.shape_cast %swap3A_246 : vector<16xf32> to vector<16xf32>
    %swap3A_248 = vector.shape_cast %broadcast_in_dim3A_244 : vector<16xf32> to vector<16xf32>
    tpu.vector_store %arg11[%swap3A_245], %swap3A_248 {strides = array<i32>} : memref<128xf32, #tpu.memory_space<vmem>>, vector<16xf32>,
    %broadcast_in_dim3A_249 = arith.constant 1.000000e+00 : f32
    %broadcast_in_dim3A_250 = vector.broadcast %broadcast_in_dim3A_249 : f32 to vector<16xf32>
    %swap3A_251 = arith.constant 64 : index
    %swap3A_252 = tpu.vector_load %arg11[%swap3A_251] {strides = array<i32>} : memref<128xf32, #tpu.memory_space<vmem>>, vector<16xf32>,
    %swap3A_253 = vector.shape_cast %swap3A_252 : vector<16xf32> to vector<16xf32>
    %swap3A_254 = vector.shape_cast %broadcast_in_dim3A_250 : vector<16xf32> to vector<16xf32>
    tpu.vector_store %arg11[%swap3A_251], %swap3A_254 {strides = array<i32>} : memref<128xf32, #tpu.memory_space<vmem>>, vector<16xf32>,
    %broadcast_in_dim3A_255 = arith.constant 1.000000e+00 : f32
    %broadcast_in_dim3A_256 = vector.broadcast %broadcast_in_dim3A_255 : f32 to vector<16xf32>
    %swap3A_257 = arith.constant 80 : index
    %swap3A_258 = tpu.vector_load %arg11[%swap3A_257] {strides = array<i32>} : memref<128xf32, #tpu.memory_space<vmem>>, vector<16xf32>,
    %swap3A_259 = vector.shape_cast %swap3A_258 : vector<16xf32> to vector<16xf32>
    %swap3A_260 = vector.shape_cast %broadcast_in_dim3A_256 : vector<16xf32> to vector<16xf32>
    tpu.vector_store %arg11[%swap3A_257], %swap3A_260 {strides = array<i32>} : memref<128xf32, #tpu.memory_space<vmem>>, vector<16xf32>,
    %broadcast_in_dim3A_261 = arith.constant 1.000000e+00 : f32
    %broadcast_in_dim3A_262 = vector.broadcast %broadcast_in_dim3A_261 : f32 to vector<16xf32>
    %swap3A_263 = arith.constant 96 : index
    %swap3A_264 = tpu.vector_load %arg11[%swap3A_263] {strides = array<i32>} : memref<128xf32, #tpu.memory_space<vmem>>, vector<16xf32>,
    %swap3A_265 = vector.shape_cast %swap3A_264 : vector<16xf32> to vector<16xf32>
    %swap3A_266 = vector.shape_cast %broadcast_in_dim3A_262 : vector<16xf32> to vector<16xf32>
    tpu.vector_store %arg11[%swap3A_263], %swap3A_266 {strides = array<i32>} : memref<128xf32, #tpu.memory_space<vmem>>, vector<16xf32>,
    %broadcast_in_dim3A_267 = arith.constant 1.000000e+00 : f32
    %broadcast_in_dim3A_268 = vector.broadcast %broadcast_in_dim3A_267 : f32 to vector<16xf32>
    %swap3A_269 = arith.constant 112 : index
    %swap3A_270 = tpu.vector_load %arg11[%swap3A_269] {strides = array<i32>} : memref<128xf32, #tpu.memory_space<vmem>>, vector<16xf32>,
    %swap3A_271 = vector.shape_cast %swap3A_270 : vector<16xf32> to vector<16xf32>
    %swap3A_272 = vector.shape_cast %broadcast_in_dim3A_268 : vector<16xf32> to vector<16xf32>
    tpu.vector_store %arg11[%swap3A_269], %swap3A_272 {strides = array<i32>} : memref<128xf32, #tpu.memory_space<vmem>>, vector<16xf32>,
    %mul3A_273 = arith.constant 640 : i32
    %mul3A_274 = arith.muli %arg1, %mul3A_273 : i32
    %add3A_275 = arith.constant 0 : i32
    %add3A_276 = arith.addi %mul3A_274, %add3A_275 : i32
    %dma_wait3A = arith.constant 0 : i32
    %dma_wait3A_277 = arith.constant 0 : i32
    %dma_wait3A_278 = arith.constant 0 : i32
    %dma_wait3A_279 = tpu.memref_slice %arg10[%dma_wait3A, %dma_wait3A_277, %dma_wait3A_278] : memref<2x128x128xf32, #tpu.memory_space<vmem>> -> memref<1x128x128xf32, #tpu.memory_space<vmem>>
    %dma_wait3A_280 = tpu.memref_squeeze %dma_wait3A_279 : memref<1x128x128xf32, #tpu.memory_space<vmem>> -> memref<128x128xf32, #tpu.memory_space<vmem>>
    %dma_wait3A_281 = arith.constant 0 : i32
    %dma_wait3A_282 = tpu.memref_slice %arg12[%add3A_276, %dma_wait3A_281] : memref<10240x128xf32, #tpu.memory_space<vmem_shared>> -> memref<128x128xf32, #tpu.memory_space<vmem_shared>>
    %dma_wait3A_283 = arith.constant 0 : i32
    %dma_wait3A_284 = tpu.memref_slice %arg12[%add3A_276, %dma_wait3A_283] : memref<10240x128xf32, #tpu.memory_space<vmem_shared>> -> memref<128x128xf32, #tpu.memory_space<vmem_shared>>
    %dma_wait3A_285 = arith.constant 0 : i32
    %dma_wait3A_286 = arith.constant 0 : i32
    %dma_wait3A_287 = tpu.memref_slice %arg10[%dma_wait3A, %dma_wait3A_285, %dma_wait3A_286] : memref<2x128x128xf32, #tpu.memory_space<vmem>> -> memref<1x128x128xf32, #tpu.memory_space<vmem>>
    %dma_wait3A_288 = tpu.memref_squeeze %dma_wait3A_287 : memref<1x128x128xf32, #tpu.memory_space<vmem>> -> memref<128x128xf32, #tpu.memory_space<vmem>>
    tpu.wait_dma2 semaphore(%arg21 : memref<!tpu.dma_semaphore, #tpu.memory_space<semaphore_mem>>) src(%dma_wait3A_288 : memref<128x128xf32, #tpu.memory_space<vmem>>) dst(%dma_wait3A_284 : memref<128x128xf32, #tpu.memory_space<vmem_shared>>)
    %mul3A_289 = arith.constant 640 : i32
    %mul3A_290 = arith.muli %arg1, %mul3A_289 : i32
    %add3A_291 = arith.constant 0 : i32
    %add3A_292 = arith.addi %mul3A_290, %add3A_291 : i32
    %dma_wait3A_293 = arith.constant 0 : i32
    %dma_wait3A_294 = arith.constant 0 : i32
    %dma_wait3A_295 = arith.constant 0 : i32
    %dma_wait3A_296 = arith.constant 0 : i32
    %dma_wait3A_297 = tpu.memref_slice %arg10[%dma_wait3A_293, %dma_wait3A_295, %dma_wait3A_296] : memref<2x128x128xf32, #tpu.memory_space<vmem>> -> memref<1x128x128xf32, #tpu.memory_space<vmem>>
    %dma_wait3A_298 = tpu.memref_squeeze %dma_wait3A_297 : memref<1x128x128xf32, #tpu.memory_space<vmem>> -> memref<128x128xf32, #tpu.memory_space<vmem>>
    %dma_wait3A_299 = arith.constant 0 : i32
    %dma_wait3A_300 = tpu.memref_slice %dma_wait3A_298[%dma_wait3A_294, %dma_wait3A_299] : memref<128x128xf32, #tpu.memory_space<vmem>> -> memref<1x128xf32, #tpu.memory_space<vmem>>
    %dma_wait3A_301 = tpu.memref_squeeze %dma_wait3A_300 : memref<1x128xf32, #tpu.memory_space<vmem>> -> memref<128xf32, #tpu.memory_space<vmem>>
    %dma_wait3A_302 = tpu.memref_slice %arg13[%add3A_292] : memref<10240xf32, #tpu.memory_space<vmem_shared>> -> memref<128xf32, #tpu.memory_space<vmem_shared>>
    %dma_wait3A_303 = tpu.memref_slice %arg13[%add3A_292] : memref<10240xf32, #tpu.memory_space<vmem_shared>> -> memref<128xf32, #tpu.memory_space<vmem_shared>>
    %dma_wait3A_304 = arith.constant 0 : i32
    %dma_wait3A_305 = arith.constant 0 : i32
    %dma_wait3A_306 = tpu.memref_slice %arg10[%dma_wait3A_293, %dma_wait3A_304, %dma_wait3A_305] : memref<2x128x128xf32, #tpu.memory_space<vmem>> -> memref<1x128x128xf32, #tpu.memory_space<vmem>>
    %dma_wait3A_307 = tpu.memref_squeeze %dma_wait3A_306 : memref<1x128x128xf32, #tpu.memory_space<vmem>> -> memref<128x128xf32, #tpu.memory_space<vmem>>
    %dma_wait3A_308 = arith.constant 0 : i32
    %dma_wait3A_309 = tpu.memref_slice %dma_wait3A_307[%dma_wait3A_294, %dma_wait3A_308] : memref<128x128xf32, #tpu.memory_space<vmem>> -> memref<1x128xf32, #tpu.memory_space<vmem>>
    %dma_wait3A_310 = tpu.memref_squeeze %dma_wait3A_309 : memref<1x128xf32, #tpu.memory_space<vmem>> -> memref<128xf32, #tpu.memory_space<vmem>>
    tpu.wait_dma2 semaphore(%arg21 : memref<!tpu.dma_semaphore, #tpu.memory_space<semaphore_mem>>) src(%dma_wait3A_310 : memref<128xf32, #tpu.memory_space<vmem>>) dst(%dma_wait3A_303 : memref<128xf32, #tpu.memory_space<vmem_shared>>)
    %mul3A_311 = arith.constant 640 : i32
    %mul3A_312 = arith.muli %arg1, %mul3A_311 : i32
    %add3A_313 = arith.constant 128 : i32
    %add3A_314 = arith.addi %mul3A_312, %add3A_313 : i32
    %dma_wait3A_315 = arith.constant 0 : i32
    %dma_wait3A_316 = arith.constant 0 : i32
    %dma_wait3A_317 = arith.constant 0 : i32
    %dma_wait3A_318 = tpu.memref_slice %arg10[%dma_wait3A_315, %dma_wait3A_316, %dma_wait3A_317] : memref<2x128x128xf32, #tpu.memory_space<vmem>> -> memref<1x128x128xf32, #tpu.memory_space<vmem>>
    %dma_wait3A_319 = tpu.memref_squeeze %dma_wait3A_318 : memref<1x128x128xf32, #tpu.memory_space<vmem>> -> memref<128x128xf32, #tpu.memory_space<vmem>>
    %dma_wait3A_320 = arith.constant 0 : i32
    %dma_wait3A_321 = tpu.memref_slice %arg12[%add3A_314, %dma_wait3A_320] : memref<10240x128xf32, #tpu.memory_space<vmem_shared>> -> memref<128x128xf32, #tpu.memory_space<vmem_shared>>
    %dma_wait3A_322 = arith.constant 0 : i32
    %dma_wait3A_323 = tpu.memref_slice %arg12[%add3A_314, %dma_wait3A_322] : memref<10240x128xf32, #tpu.memory_space<vmem_shared>> -> memref<128x128xf32, #tpu.memory_space<vmem_shared>>
    %dma_wait3A_324 = arith.constant 0 : i32
    %dma_wait3A_325 = arith.constant 0 : i32
    %dma_wait3A_326 = tpu.memref_slice %arg10[%dma_wait3A_315, %dma_wait3A_324, %dma_wait3A_325] : memref<2x128x128xf32, #tpu.memory_space<vmem>> -> memref<1x128x128xf32, #tpu.memory_space<vmem>>
    %dma_wait3A_327 = tpu.memref_squeeze %dma_wait3A_326 : memref<1x128x128xf32, #tpu.memory_space<vmem>> -> memref<128x128xf32, #tpu.memory_space<vmem>>
    tpu.wait_dma2 semaphore(%arg21 : memref<!tpu.dma_semaphore, #tpu.memory_space<semaphore_mem>>) src(%dma_wait3A_327 : memref<128x128xf32, #tpu.memory_space<vmem>>) dst(%dma_wait3A_323 : memref<128x128xf32, #tpu.memory_space<vmem_shared>>)
    %mul3A_328 = arith.constant 640 : i32
    %mul3A_329 = arith.muli %arg1, %mul3A_328 : i32
    %add3A_330 = arith.constant 128 : i32
    %add3A_331 = arith.addi %mul3A_329, %add3A_330 : i32
    %dma_wait3A_332 = arith.constant 0 : i32
    %dma_wait3A_333 = arith.constant 0 : i32
    %dma_wait3A_334 = arith.constant 0 : i32
    %dma_wait3A_335 = arith.constant 0 : i32
    %dma_wait3A_336 = tpu.memref_slice %arg10[%dma_wait3A_332, %dma_wait3A_334, %dma_wait3A_335] : memref<2x128x128xf32, #tpu.memory_space<vmem>> -> memref<1x128x128xf32, #tpu.memory_space<vmem>>
    %dma_wait3A_337 = tpu.memref_squeeze %dma_wait3A_336 : memref<1x128x128xf32, #tpu.memory_space<vmem>> -> memref<128x128xf32, #tpu.memory_space<vmem>>
    %dma_wait3A_338 = arith.constant 0 : i32
    %dma_wait3A_339 = tpu.memref_slice %dma_wait3A_337[%dma_wait3A_333, %dma_wait3A_338] : memref<128x128xf32, #tpu.memory_space<vmem>> -> memref<1x128xf32, #tpu.memory_space<vmem>>
    %dma_wait3A_340 = tpu.memref_squeeze %dma_wait3A_339 : memref<1x128xf32, #tpu.memory_space<vmem>> -> memref<128xf32, #tpu.memory_space<vmem>>
    %dma_wait3A_341 = tpu.memref_slice %arg13[%add3A_331] : memref<10240xf32, #tpu.memory_space<vmem_shared>> -> memref<128xf32, #tpu.memory_space<vmem_shared>>
    %dma_wait3A_342 = tpu.memref_slice %arg13[%add3A_331] : memref<10240xf32, #tpu.memory_space<vmem_shared>> -> memref<128xf32, #tpu.memory_space<vmem_shared>>
    %dma_wait3A_343 = arith.constant 0 : i32
    %dma_wait3A_344 = arith.constant 0 : i32
    %dma_wait3A_345 = tpu.memref_slice %arg10[%dma_wait3A_332, %dma_wait3A_343, %dma_wait3A_344] : memref<2x128x128xf32, #tpu.memory_space<vmem>> -> memref<1x128x128xf32, #tpu.memory_space<vmem>>
    %dma_wait3A_346 = tpu.memref_squeeze %dma_wait3A_345 : memref<1x128x128xf32, #tpu.memory_space<vmem>> -> memref<128x128xf32, #tpu.memory_space<vmem>>
    %dma_wait3A_347 = arith.constant 0 : i32
    %dma_wait3A_348 = tpu.memref_slice %dma_wait3A_346[%dma_wait3A_333, %dma_wait3A_347] : memref<128x128xf32, #tpu.memory_space<vmem>> -> memref<1x128xf32, #tpu.memory_space<vmem>>
    %dma_wait3A_349 = tpu.memref_squeeze %dma_wait3A_348 : memref<1x128xf32, #tpu.memory_space<vmem>> -> memref<128xf32, #tpu.memory_space<vmem>>
    tpu.wait_dma2 semaphore(%arg21 : memref<!tpu.dma_semaphore, #tpu.memory_space<semaphore_mem>>) src(%dma_wait3A_349 : memref<128xf32, #tpu.memory_space<vmem>>) dst(%dma_wait3A_342 : memref<128xf32, #tpu.memory_space<vmem_shared>>)
    %mul3A_350 = arith.constant 640 : i32
    %mul3A_351 = arith.muli %arg1, %mul3A_350 : i32
    %add3A_352 = arith.constant 256 : i32
    %add3A_353 = arith.addi %mul3A_351, %add3A_352 : i32
    %dma_wait3A_354 = arith.constant 0 : i32
    %dma_wait3A_355 = arith.constant 0 : i32
    %dma_wait3A_356 = arith.constant 0 : i32
    %dma_wait3A_357 = tpu.memref_slice %arg10[%dma_wait3A_354, %dma_wait3A_355, %dma_wait3A_356] : memref<2x128x128xf32, #tpu.memory_space<vmem>> -> memref<1x128x128xf32, #tpu.memory_space<vmem>>
    %dma_wait3A_358 = tpu.memref_squeeze %dma_wait3A_357 : memref<1x128x128xf32, #tpu.memory_space<vmem>> -> memref<128x128xf32, #tpu.memory_space<vmem>>
    %dma_wait3A_359 = arith.constant 0 : i32
    %dma_wait3A_360 = tpu.memref_slice %arg12[%add3A_353, %dma_wait3A_359] : memref<10240x128xf32, #tpu.memory_space<vmem_shared>> -> memref<128x128xf32, #tpu.memory_space<vmem_shared>>
    %dma_wait3A_361 = arith.constant 0 : i32
    %dma_wait3A_362 = tpu.memref_slice %arg12[%add3A_353, %dma_wait3A_361] : memref<10240x128xf32, #tpu.memory_space<vmem_shared>> -> memref<128x128xf32, #tpu.memory_space<vmem_shared>>
    %dma_wait3A_363 = arith.constant 0 : i32
    %dma_wait3A_364 = arith.constant 0 : i32
    %dma_wait3A_365 = tpu.memref_slice %arg10[%dma_wait3A_354, %dma_wait3A_363, %dma_wait3A_364] : memref<2x128x128xf32, #tpu.memory_space<vmem>> -> memref<1x128x128xf32, #tpu.memory_space<vmem>>
    %dma_wait3A_366 = tpu.memref_squeeze %dma_wait3A_365 : memref<1x128x128xf32, #tpu.memory_space<vmem>> -> memref<128x128xf32, #tpu.memory_space<vmem>>
    tpu.wait_dma2 semaphore(%arg21 : memref<!tpu.dma_semaphore, #tpu.memory_space<semaphore_mem>>) src(%dma_wait3A_366 : memref<128x128xf32, #tpu.memory_space<vmem>>) dst(%dma_wait3A_362 : memref<128x128xf32, #tpu.memory_space<vmem_shared>>)
    %mul3A_367 = arith.constant 640 : i32
    %mul3A_368 = arith.muli %arg1, %mul3A_367 : i32
    %add3A_369 = arith.constant 256 : i32
    %add3A_370 = arith.addi %mul3A_368, %add3A_369 : i32
    %dma_wait3A_371 = arith.constant 0 : i32
    %dma_wait3A_372 = arith.constant 0 : i32
    %dma_wait3A_373 = arith.constant 0 : i32
    %dma_wait3A_374 = arith.constant 0 : i32
    %dma_wait3A_375 = tpu.memref_slice %arg10[%dma_wait3A_371, %dma_wait3A_373, %dma_wait3A_374] : memref<2x128x128xf32, #tpu.memory_space<vmem>> -> memref<1x128x128xf32, #tpu.memory_space<vmem>>
    %dma_wait3A_376 = tpu.memref_squeeze %dma_wait3A_375 : memref<1x128x128xf32, #tpu.memory_space<vmem>> -> memref<128x128xf32, #tpu.memory_space<vmem>>
    %dma_wait3A_377 = arith.constant 0 : i32
    %dma_wait3A_378 = tpu.memref_slice %dma_wait3A_376[%dma_wait3A_372, %dma_wait3A_377] : memref<128x128xf32, #tpu.memory_space<vmem>> -> memref<1x128xf32, #tpu.memory_space<vmem>>
    %dma_wait3A_379 = tpu.memref_squeeze %dma_wait3A_378 : memref<1x128xf32, #tpu.memory_space<vmem>> -> memref<128xf32, #tpu.memory_space<vmem>>
    %dma_wait3A_380 = tpu.memref_slice %arg13[%add3A_370] : memref<10240xf32, #tpu.memory_space<vmem_shared>> -> memref<128xf32, #tpu.memory_space<vmem_shared>>
    %dma_wait3A_381 = tpu.memref_slice %arg13[%add3A_370] : memref<10240xf32, #tpu.memory_space<vmem_shared>> -> memref<128xf32, #tpu.memory_space<vmem_shared>>
    %dma_wait3A_382 = arith.constant 0 : i32
    %dma_wait3A_383 = arith.constant 0 : i32
    %dma_wait3A_384 = tpu.memref_slice %arg10[%dma_wait3A_371, %dma_wait3A_382, %dma_wait3A_383] : memref<2x128x128xf32, #tpu.memory_space<vmem>> -> memref<1x128x128xf32, #tpu.memory_space<vmem>>
    %dma_wait3A_385 = tpu.memref_squeeze %dma_wait3A_384 : memref<1x128x128xf32, #tpu.memory_space<vmem>> -> memref<128x128xf32, #tpu.memory_space<vmem>>
    %dma_wait3A_386 = arith.constant 0 : i32
    %dma_wait3A_387 = tpu.memref_slice %dma_wait3A_385[%dma_wait3A_372, %dma_wait3A_386] : memref<128x128xf32, #tpu.memory_space<vmem>> -> memref<1x128xf32, #tpu.memory_space<vmem>>
    %dma_wait3A_388 = tpu.memref_squeeze %dma_wait3A_387 : memref<1x128xf32, #tpu.memory_space<vmem>> -> memref<128xf32, #tpu.memory_space<vmem>>
    tpu.wait_dma2 semaphore(%arg21 : memref<!tpu.dma_semaphore, #tpu.memory_space<semaphore_mem>>) src(%dma_wait3A_388 : memref<128xf32, #tpu.memory_space<vmem>>) dst(%dma_wait3A_381 : memref<128xf32, #tpu.memory_space<vmem_shared>>)
    %mul3A_389 = arith.constant 640 : i32
    %mul3A_390 = arith.muli %arg1, %mul3A_389 : i32
    %add3A_391 = arith.constant 384 : i32
    %add3A_392 = arith.addi %mul3A_390, %add3A_391 : i32
    %dma_wait3A_393 = arith.constant 0 : i32
    %dma_wait3A_394 = arith.constant 0 : i32
    %dma_wait3A_395 = arith.constant 0 : i32
    %dma_wait3A_396 = tpu.memref_slice %arg10[%dma_wait3A_393, %dma_wait3A_394, %dma_wait3A_395] : memref<2x128x128xf32, #tpu.memory_space<vmem>> -> memref<1x128x128xf32, #tpu.memory_space<vmem>>
    %dma_wait3A_397 = tpu.memref_squeeze %dma_wait3A_396 : memref<1x128x128xf32, #tpu.memory_space<vmem>> -> memref<128x128xf32, #tpu.memory_space<vmem>>
    %dma_wait3A_398 = arith.constant 0 : i32
    %dma_wait3A_399 = tpu.memref_slice %arg12[%add3A_392, %dma_wait3A_398] : memref<10240x128xf32, #tpu.memory_space<vmem_shared>> -> memref<128x128xf32, #tpu.memory_space<vmem_shared>>
    %dma_wait3A_400 = arith.constant 0 : i32
    %dma_wait3A_401 = tpu.memref_slice %arg12[%add3A_392, %dma_wait3A_400] : memref<10240x128xf32, #tpu.memory_space<vmem_shared>> -> memref<128x128xf32, #tpu.memory_space<vmem_shared>>
    %dma_wait3A_402 = arith.constant 0 : i32
    %dma_wait3A_403 = arith.constant 0 : i32
    %dma_wait3A_404 = tpu.memref_slice %arg10[%dma_wait3A_393, %dma_wait3A_402, %dma_wait3A_403] : memref<2x128x128xf32, #tpu.memory_space<vmem>> -> memref<1x128x128xf32, #tpu.memory_space<vmem>>
    %dma_wait3A_405 = tpu.memref_squeeze %dma_wait3A_404 : memref<1x128x128xf32, #tpu.memory_space<vmem>> -> memref<128x128xf32, #tpu.memory_space<vmem>>
    tpu.wait_dma2 semaphore(%arg21 : memref<!tpu.dma_semaphore, #tpu.memory_space<semaphore_mem>>) src(%dma_wait3A_405 : memref<128x128xf32, #tpu.memory_space<vmem>>) dst(%dma_wait3A_401 : memref<128x128xf32, #tpu.memory_space<vmem_shared>>)
    %mul3A_406 = arith.constant 640 : i32
    %mul3A_407 = arith.muli %arg1, %mul3A_406 : i32
    %add3A_408 = arith.constant 384 : i32
    %add3A_409 = arith.addi %mul3A_407, %add3A_408 : i32
    %dma_wait3A_410 = arith.constant 0 : i32
    %dma_wait3A_411 = arith.constant 0 : i32
    %dma_wait3A_412 = arith.constant 0 : i32
    %dma_wait3A_413 = arith.constant 0 : i32
    %dma_wait3A_414 = tpu.memref_slice %arg10[%dma_wait3A_410, %dma_wait3A_412, %dma_wait3A_413] : memref<2x128x128xf32, #tpu.memory_space<vmem>> -> memref<1x128x128xf32, #tpu.memory_space<vmem>>
    %dma_wait3A_415 = tpu.memref_squeeze %dma_wait3A_414 : memref<1x128x128xf32, #tpu.memory_space<vmem>> -> memref<128x128xf32, #tpu.memory_space<vmem>>
    %dma_wait3A_416 = arith.constant 0 : i32
    %dma_wait3A_417 = tpu.memref_slice %dma_wait3A_415[%dma_wait3A_411, %dma_wait3A_416] : memref<128x128xf32, #tpu.memory_space<vmem>> -> memref<1x128xf32, #tpu.memory_space<vmem>>
    %dma_wait3A_418 = tpu.memref_squeeze %dma_wait3A_417 : memref<1x128xf32, #tpu.memory_space<vmem>> -> memref<128xf32, #tpu.memory_space<vmem>>
    %dma_wait3A_419 = tpu.memref_slice %arg13[%add3A_409] : memref<10240xf32, #tpu.memory_space<vmem_shared>> -> memref<128xf32, #tpu.memory_space<vmem_shared>>
    %dma_wait3A_420 = tpu.memref_slice %arg13[%add3A_409] : memref<10240xf32, #tpu.memory_space<vmem_shared>> -> memref<128xf32, #tpu.memory_space<vmem_shared>>
    %dma_wait3A_421 = arith.constant 0 : i32
    %dma_wait3A_422 = arith.constant 0 : i32
    %dma_wait3A_423 = tpu.memref_slice %arg10[%dma_wait3A_410, %dma_wait3A_421, %dma_wait3A_422] : memref<2x128x128xf32, #tpu.memory_space<vmem>> -> memref<1x128x128xf32, #tpu.memory_space<vmem>>
    %dma_wait3A_424 = tpu.memref_squeeze %dma_wait3A_423 : memref<1x128x128xf32, #tpu.memory_space<vmem>> -> memref<128x128xf32, #tpu.memory_space<vmem>>
    %dma_wait3A_425 = arith.constant 0 : i32
    %dma_wait3A_426 = tpu.memref_slice %dma_wait3A_424[%dma_wait3A_411, %dma_wait3A_425] : memref<128x128xf32, #tpu.memory_space<vmem>> -> memref<1x128xf32, #tpu.memory_space<vmem>>
    %dma_wait3A_427 = tpu.memref_squeeze %dma_wait3A_426 : memref<1x128xf32, #tpu.memory_space<vmem>> -> memref<128xf32, #tpu.memory_space<vmem>>
    tpu.wait_dma2 semaphore(%arg21 : memref<!tpu.dma_semaphore, #tpu.memory_space<semaphore_mem>>) src(%dma_wait3A_427 : memref<128xf32, #tpu.memory_space<vmem>>) dst(%dma_wait3A_420 : memref<128xf32, #tpu.memory_space<vmem_shared>>)
    %mul3A_428 = arith.constant 640 : i32
    %mul3A_429 = arith.muli %arg1, %mul3A_428 : i32
    %add3A_430 = arith.constant 512 : i32
    %add3A_431 = arith.addi %mul3A_429, %add3A_430 : i32
    %dma_wait3A_432 = arith.constant 0 : i32
    %dma_wait3A_433 = arith.constant 0 : i32
    %dma_wait3A_434 = arith.constant 0 : i32
    %dma_wait3A_435 = tpu.memref_slice %arg10[%dma_wait3A_432, %dma_wait3A_433, %dma_wait3A_434] : memref<2x128x128xf32, #tpu.memory_space<vmem>> -> memref<1x128x128xf32, #tpu.memory_space<vmem>>
    %dma_wait3A_436 = tpu.memref_squeeze %dma_wait3A_435 : memref<1x128x128xf32, #tpu.memory_space<vmem>> -> memref<128x128xf32, #tpu.memory_space<vmem>>
    %dma_wait3A_437 = arith.constant 0 : i32
    %dma_wait3A_438 = tpu.memref_slice %arg12[%add3A_431, %dma_wait3A_437] : memref<10240x128xf32, #tpu.memory_space<vmem_shared>> -> memref<128x128xf32, #tpu.memory_space<vmem_shared>>
    %dma_wait3A_439 = arith.constant 0 : i32
    %dma_wait3A_440 = tpu.memref_slice %arg12[%add3A_431, %dma_wait3A_439] : memref<10240x128xf32, #tpu.memory_space<vmem_shared>> -> memref<128x128xf32, #tpu.memory_space<vmem_shared>>
    %dma_wait3A_441 = arith.constant 0 : i32
    %dma_wait3A_442 = arith.constant 0 : i32
    %dma_wait3A_443 = tpu.memref_slice %arg10[%dma_wait3A_432, %dma_wait3A_441, %dma_wait3A_442] : memref<2x128x128xf32, #tpu.memory_space<vmem>> -> memref<1x128x128xf32, #tpu.memory_space<vmem>>
    %dma_wait3A_444 = tpu.memref_squeeze %dma_wait3A_443 : memref<1x128x128xf32, #tpu.memory_space<vmem>> -> memref<128x128xf32, #tpu.memory_space<vmem>>
    tpu.wait_dma2 semaphore(%arg21 : memref<!tpu.dma_semaphore, #tpu.memory_space<semaphore_mem>>) src(%dma_wait3A_444 : memref<128x128xf32, #tpu.memory_space<vmem>>) dst(%dma_wait3A_440 : memref<128x128xf32, #tpu.memory_space<vmem_shared>>)
    %mul3A_445 = arith.constant 640 : i32
    %mul3A_446 = arith.muli %arg1, %mul3A_445 : i32
    %add3A_447 = arith.constant 512 : i32
    %add3A_448 = arith.addi %mul3A_446, %add3A_447 : i32
    %dma_wait3A_449 = arith.constant 0 : i32
    %dma_wait3A_450 = arith.constant 0 : i32
    %dma_wait3A_451 = arith.constant 0 : i32
    %dma_wait3A_452 = arith.constant 0 : i32
    %dma_wait3A_453 = tpu.memref_slice %arg10[%dma_wait3A_449, %dma_wait3A_451, %dma_wait3A_452] : memref<2x128x128xf32, #tpu.memory_space<vmem>> -> memref<1x128x128xf32, #tpu.memory_space<vmem>>
    %dma_wait3A_454 = tpu.memref_squeeze %dma_wait3A_453 : memref<1x128x128xf32, #tpu.memory_space<vmem>> -> memref<128x128xf32, #tpu.memory_space<vmem>>
    %dma_wait3A_455 = arith.constant 0 : i32
    %dma_wait3A_456 = tpu.memref_slice %dma_wait3A_454[%dma_wait3A_450, %dma_wait3A_455] : memref<128x128xf32, #tpu.memory_space<vmem>> -> memref<1x128xf32, #tpu.memory_space<vmem>>
    %dma_wait3A_457 = tpu.memref_squeeze %dma_wait3A_456 : memref<1x128xf32, #tpu.memory_space<vmem>> -> memref<128xf32, #tpu.memory_space<vmem>>
    %dma_wait3A_458 = tpu.memref_slice %arg13[%add3A_448] : memref<10240xf32, #tpu.memory_space<vmem_shared>> -> memref<128xf32, #tpu.memory_space<vmem_shared>>
    %dma_wait3A_459 = tpu.memref_slice %arg13[%add3A_448] : memref<10240xf32, #tpu.memory_space<vmem_shared>> -> memref<128xf32, #tpu.memory_space<vmem_shared>>
    %dma_wait3A_460 = arith.constant 0 : i32
    %dma_wait3A_461 = arith.constant 0 : i32
    %dma_wait3A_462 = tpu.memref_slice %arg10[%dma_wait3A_449, %dma_wait3A_460, %dma_wait3A_461] : memref<2x128x128xf32, #tpu.memory_space<vmem>> -> memref<1x128x128xf32, #tpu.memory_space<vmem>>
    %dma_wait3A_463 = tpu.memref_squeeze %dma_wait3A_462 : memref<1x128x128xf32, #tpu.memory_space<vmem>> -> memref<128x128xf32, #tpu.memory_space<vmem>>
    %dma_wait3A_464 = arith.constant 0 : i32
    %dma_wait3A_465 = tpu.memref_slice %dma_wait3A_463[%dma_wait3A_450, %dma_wait3A_464] : memref<128x128xf32, #tpu.memory_space<vmem>> -> memref<1x128xf32, #tpu.memory_space<vmem>>
    %dma_wait3A_466 = tpu.memref_squeeze %dma_wait3A_465 : memref<1x128xf32, #tpu.memory_space<vmem>> -> memref<128xf32, #tpu.memory_space<vmem>>
    tpu.wait_dma2 semaphore(%arg21 : memref<!tpu.dma_semaphore, #tpu.memory_space<semaphore_mem>>) src(%dma_wait3A_466 : memref<128xf32, #tpu.memory_space<vmem>>) dst(%dma_wait3A_459 : memref<128xf32, #tpu.memory_space<vmem_shared>>)
    %barrier3A = arith.constant 0 : index
    tpu.barrier barrier_id(%barrier3A)
    %dma_wait3A_467 = arith.constant 0 : i32
    %dma_wait3A_468 = arith.constant 0 : i32
    %dma_wait3A_469 = arith.constant 0 : i32
    %dma_wait3A_470 = tpu.memref_slice %arg8[%dma_wait3A_468, %dma_wait3A_469] : memref<2x128xi32, #tpu.memory_space<vmem>> -> memref<1x128xi32, #tpu.memory_space<vmem>>
    %dma_wait3A_471 = tpu.memref_squeeze %dma_wait3A_470 : memref<1x128xi32, #tpu.memory_space<vmem>> -> memref<128xi32, #tpu.memory_space<vmem>>
    %dma_wait3A_472 = arith.constant 0 : i32
    %dma_wait3A_473 = tpu.memref_slice %arg3[%arg0, %arg1, %dma_wait3A_467, %dma_wait3A_472] : memref<2x16x80x128xi32, #tpu.memory_space<hbm>> -> memref<1x1x1x128xi32, #tpu.memory_space<hbm>>
    %dma_wait3A_474 = tpu.memref_squeeze %dma_wait3A_473 : memref<1x1x1x128xi32, #tpu.memory_space<hbm>> -> memref<128xi32, #tpu.memory_space<hbm>>
    %dma_wait3A_475 = arith.constant 0 : i32
    %dma_wait3A_476 = tpu.memref_slice %arg8[%dma_wait3A_468, %dma_wait3A_475] : memref<2x128xi32, #tpu.memory_space<vmem>> -> memref<1x128xi32, #tpu.memory_space<vmem>>
    %dma_wait3A_477 = tpu.memref_squeeze %dma_wait3A_476 : memref<1x128xi32, #tpu.memory_space<vmem>> -> memref<128xi32, #tpu.memory_space<vmem>>
    %dma_wait3A_478 = arith.constant 0 : i32
    %dma_wait3A_479 = tpu.memref_slice %arg3[%arg0, %arg1, %dma_wait3A_467, %dma_wait3A_478] : memref<2x16x80x128xi32, #tpu.memory_space<hbm>> -> memref<1x1x1x128xi32, #tpu.memory_space<hbm>>
    %dma_wait3A_480 = tpu.memref_squeeze %dma_wait3A_479 : memref<1x1x1x128xi32, #tpu.memory_space<hbm>> -> memref<128xi32, #tpu.memory_space<hbm>>
    tpu.wait_dma2 semaphore(%arg18 : memref<!tpu.dma_semaphore, #tpu.memory_space<semaphore_mem>>) src(%dma_wait3A_480 : memref<128xi32, #tpu.memory_space<hbm>>) dst(%dma_wait3A_477 : memref<128xi32, #tpu.memory_space<vmem>>)
    %dma_start3A_481 = arith.constant 0 : i32
    %dma_start3A_482 = arith.constant 0 : i32
    %dma_start3A_483 = arith.constant 0 : i32
    %dma_start3A_484 = arith.constant 0 : i32
    %dma_start3A_485 = tpu.memref_slice %arg10[%dma_start3A_482, %dma_start3A_483, %dma_start3A_484] : memref<2x128x128xf32, #tpu.memory_space<vmem>> -> memref<1x128x128xf32, #tpu.memory_space<vmem>>
    %dma_start3A_486 = tpu.memref_squeeze %dma_start3A_485 : memref<1x128x128xf32, #tpu.memory_space<vmem>> -> memref<128x128xf32, #tpu.memory_space<vmem>>
    %dma_start3A_487 = arith.constant 0 : i32
    %dma_start3A_488 = tpu.memref_slice %arg8[%dma_start3A_481, %dma_start3A_487] : memref<2x128xi32, #tpu.memory_space<vmem>> -> memref<1x128xi32, #tpu.memory_space<vmem>>
    %dma_start3A_489 = tpu.memref_squeeze %dma_start3A_488 : memref<1x128xi32, #tpu.memory_space<vmem>> -> memref<128xi32, #tpu.memory_space<vmem>>
    %dma_start3A_490 = arith.constant 0 : i32
    %dma_start3A_491 = arith.constant 0 : i32
    %dma_start3A_492 = tpu.memref_slice %arg2[%dma_start3A_490, %dma_start3A_491] : memref<20000x128xf32, #tpu.memory_space<hbm>> -> memref<20000x128xf32, #tpu.memory_space<hbm>>
    tpu.enqueue_indirect_dma source(%dma_start3A_492 : memref<20000x128xf32, #tpu.memory_space<hbm>>) target(%dma_start3A_486 : memref<128x128xf32, #tpu.memory_space<vmem>>) offsets(%dma_start3A_489 : memref<128xi32, #tpu.memory_space<vmem>>) semaphore(%arg14 : memref<!tpu.dma_semaphore, #tpu.memory_space<semaphore_mem>>)
    %scan3A_493 = arith.constant 0 : i32
    %scan3A_494 = arith.constant 40 : i32
    %scan3A_495 = arith.addi %scan3A_493, %scan3A_494 : i32
    %scan3A_496 = arith.constant 1 : i32
    scf.for %scan3A_530 = %scan3A_493 to %scan3A_495 step %scan3A_496  : i32 {
      %mul3A_531 = arith.constant 2 : i32
      %mul3A_532 = arith.muli %scan3A_530, %mul3A_531 : i32
      %add3A_533 = arith.constant 0 : i32
      %add3A_534 = arith.addi %add3A_533, %mul3A_532 : i32
      %add3A_535 = arith.constant 0 : i32
      %add3A_536 = arith.addi %add3A_534, %add3A_535 : i32
      %dma_wait3A_537 = arith.constant 0 : i32
      %dma_wait3A_538 = arith.constant 0 : i32
      %dma_wait3A_539 = arith.constant 0 : i32
      %dma_wait3A_540 = arith.constant 0 : i32
      %dma_wait3A_541 = tpu.memref_slice %arg10[%dma_wait3A_538, %dma_wait3A_539, %dma_wait3A_540] : memref<2x128x128xf32, #tpu.memory_space<vmem>> -> memref<1x128x128xf32, #tpu.memory_space<vmem>>
      %dma_wait3A_542 = tpu.memref_squeeze %dma_wait3A_541 : memref<1x128x128xf32, #tpu.memory_space<vmem>> -> memref<128x128xf32, #tpu.memory_space<vmem>>
      %dma_wait3A_543 = arith.constant 0 : i32
      %dma_wait3A_544 = tpu.memref_slice %arg8[%dma_wait3A_537, %dma_wait3A_543] : memref<2x128xi32, #tpu.memory_space<vmem>> -> memref<1x128xi32, #tpu.memory_space<vmem>>
      %dma_wait3A_545 = tpu.memref_squeeze %dma_wait3A_544 : memref<1x128xi32, #tpu.memory_space<vmem>> -> memref<128xi32, #tpu.memory_space<vmem>>
      %dma_wait3A_546 = arith.constant 0 : i32
      %dma_wait3A_547 = arith.constant 0 : i32
      %dma_wait3A_548 = tpu.memref_slice %arg2[%dma_wait3A_546, %dma_wait3A_547] : memref<20000x128xf32, #tpu.memory_space<hbm>> -> memref<20000x128xf32, #tpu.memory_space<hbm>>
      tpu.wait_indirect_dma semaphore(%arg14 : memref<!tpu.dma_semaphore, #tpu.memory_space<semaphore_mem>>) src(%dma_wait3A_548 : memref<20000x128xf32, #tpu.memory_space<hbm>>) dst(%dma_wait3A_542 : memref<128x128xf32, #tpu.memory_space<vmem>>)
      %add3A_549 = arith.constant 1 : i32
      %add3A_550 = arith.addi %add3A_536, %add3A_549 : i32
      %lt3A = arith.constant 80 : i32
      %lt3A_551 = arith.cmpi slt, %add3A_550, %lt3A : i32
      %convert_element_type3A_552 = arith.extui %lt3A_551 : i1 to i32
      %cond3A_553 = arith.constant 0 : i32
      %cond3A_554 = arith.cmpi ne, %convert_element_type3A_552, %cond3A_553 : i32
      scf.if %cond3A_554 {
        %ge3A = arith.constant 1 : i32
        %ge3A_612 = arith.cmpi sge, %add3A_536, %ge3A : i32
        %convert_element_type3A_613 = arith.extui %ge3A_612 : i1 to i32
        %cond3A_614 = arith.constant 0 : i32
        %cond3A_615 = arith.cmpi ne, %convert_element_type3A_613, %cond3A_614 : i32
        scf.if %cond3A_615 {
          %sub3A = arith.constant 1 : i32
          %sub3A_645 = arith.subi %add3A_536, %sub3A : i32
          %dma_wait3A_646 = arith.constant 1 : i32
          %dma_wait3A_647 = arith.constant 0 : i32
          %dma_wait3A_648 = arith.constant 0 : i32
          %dma_wait3A_649 = tpu.memref_slice %arg10[%dma_wait3A_646, %dma_wait3A_647, %dma_wait3A_648] : memref<2x128x128xf32, #tpu.memory_space<vmem>> -> memref<1x128x128xf32, #tpu.memory_space<vmem>>
          %dma_wait3A_650 = tpu.memref_squeeze %dma_wait3A_649 : memref<1x128x128xf32, #tpu.memory_space<vmem>> -> memref<128x128xf32, #tpu.memory_space<vmem>>
          %dma_wait3A_651 = arith.constant 0 : i32
          %dma_wait3A_652 = tpu.memref_slice %arg9[%sub3A_645, %dma_wait3A_651] : memref<80x128xi32, #tpu.memory_space<vmem>> -> memref<1x128xi32, #tpu.memory_space<vmem>>
          %dma_wait3A_653 = tpu.memref_squeeze %dma_wait3A_652 : memref<1x128xi32, #tpu.memory_space<vmem>> -> memref<128xi32, #tpu.memory_space<vmem>>
          %dma_wait3A_654 = arith.constant 0 : i32
          %dma_wait3A_655 = arith.constant 0 : i32
          %dma_wait3A_656 = tpu.memref_slice %arg12[%dma_wait3A_654, %dma_wait3A_655] : memref<10240x128xf32, #tpu.memory_space<vmem_shared>> -> memref<10240x128xf32, #tpu.memory_space<vmem_shared>>
          tpu.wait_indirect_dma semaphore(%arg17 : memref<!tpu.dma_semaphore, #tpu.memory_space<semaphore_mem>>) src(%dma_wait3A_650 : memref<128x128xf32, #tpu.memory_space<vmem>>) dst(%dma_wait3A_656 : memref<10240x128xf32, #tpu.memory_space<vmem_shared>>)
        } else {
        }
        %add3A_616 = arith.constant 1 : i32
        %add3A_617 = arith.addi %add3A_536, %add3A_616 : i32
        %dma_wait3A_618 = arith.constant 1 : i32
        %dma_wait3A_619 = arith.constant 0 : i32
        %dma_wait3A_620 = tpu.memref_slice %arg8[%dma_wait3A_618, %dma_wait3A_619] : memref<2x128xi32, #tpu.memory_space<vmem>> -> memref<1x128xi32, #tpu.memory_space<vmem>>
        %dma_wait3A_621 = tpu.memref_squeeze %dma_wait3A_620 : memref<1x128xi32, #tpu.memory_space<vmem>> -> memref<128xi32, #tpu.memory_space<vmem>>
        %dma_wait3A_622 = arith.constant 0 : i32
        %dma_wait3A_623 = tpu.memref_slice %arg3[%arg0, %arg1, %add3A_617, %dma_wait3A_622] : memref<2x16x80x128xi32, #tpu.memory_space<hbm>> -> memref<1x1x1x128xi32, #tpu.memory_space<hbm>>
        %dma_wait3A_624 = tpu.memref_squeeze %dma_wait3A_623 : memref<1x1x1x128xi32, #tpu.memory_space<hbm>> -> memref<128xi32, #tpu.memory_space<hbm>>
        %dma_wait3A_625 = arith.constant 0 : i32
        %dma_wait3A_626 = tpu.memref_slice %arg8[%dma_wait3A_618, %dma_wait3A_625] : memref<2x128xi32, #tpu.memory_space<vmem>> -> memref<1x128xi32, #tpu.memory_space<vmem>>
        %dma_wait3A_627 = tpu.memref_squeeze %dma_wait3A_626 : memref<1x128xi32, #tpu.memory_space<vmem>> -> memref<128xi32, #tpu.memory_space<vmem>>
        %dma_wait3A_628 = arith.constant 0 : i32
        %dma_wait3A_629 = tpu.memref_slice %arg3[%arg0, %arg1, %add3A_617, %dma_wait3A_628] : memref<2x16x80x128xi32, #tpu.memory_space<hbm>> -> memref<1x1x1x128xi32, #tpu.memory_space<hbm>>
        %dma_wait3A_630 = tpu.memref_squeeze %dma_wait3A_629 : memref<1x1x1x128xi32, #tpu.memory_space<hbm>> -> memref<128xi32, #tpu.memory_space<hbm>>
        tpu.wait_dma2 semaphore(%arg19 : memref<!tpu.dma_semaphore, #tpu.memory_space<semaphore_mem>>) src(%dma_wait3A_630 : memref<128xi32, #tpu.memory_space<hbm>>) dst(%dma_wait3A_627 : memref<128xi32, #tpu.memory_space<vmem>>)
        %add3A_631 = arith.constant 1 : i32
        %add3A_632 = arith.addi %add3A_536, %add3A_631 : i32
        %dma_start3A_633 = arith.constant 1 : i32
        %dma_start3A_634 = arith.constant 1 : i32
        %dma_start3A_635 = arith.constant 0 : i32
        %dma_start3A_636 = arith.constant 0 : i32
        %dma_start3A_637 = tpu.memref_slice %arg10[%dma_start3A_634, %dma_start3A_635, %dma_start3A_636] : memref<2x128x128xf32, #tpu.memory_space<vmem>> -> memref<1x128x128xf32, #tpu.memory_space<vmem>>
        %dma_start3A_638 = tpu.memref_squeeze %dma_start3A_637 : memref<1x128x128xf32, #tpu.memory_space<vmem>> -> memref<128x128xf32, #tpu.memory_space<vmem>>
        %dma_start3A_639 = arith.constant 0 : i32
        %dma_start3A_640 = tpu.memref_slice %arg8[%dma_start3A_633, %dma_start3A_639] : memref<2x128xi32, #tpu.memory_space<vmem>> -> memref<1x128xi32, #tpu.memory_space<vmem>>
        %dma_start3A_641 = tpu.memref_squeeze %dma_start3A_640 : memref<1x128xi32, #tpu.memory_space<vmem>> -> memref<128xi32, #tpu.memory_space<vmem>>
        %dma_start3A_642 = arith.constant 0 : i32
        %dma_start3A_643 = arith.constant 0 : i32
        %dma_start3A_644 = tpu.memref_slice %arg2[%dma_start3A_642, %dma_start3A_643] : memref<20000x128xf32, #tpu.memory_space<hbm>> -> memref<20000x128xf32, #tpu.memory_space<hbm>>
        tpu.enqueue_indirect_dma source(%dma_start3A_644 : memref<20000x128xf32, #tpu.memory_space<hbm>>) target(%dma_start3A_638 : memref<128x128xf32, #tpu.memory_space<vmem>>) offsets(%dma_start3A_641 : memref<128xi32, #tpu.memory_space<vmem>>) semaphore(%arg15 : memref<!tpu.dma_semaphore, #tpu.memory_space<semaphore_mem>>)
      } else {
      }
      %dma_start3A_555 = arith.constant 0 : i32
      %dma_start3A_556 = arith.constant 0 : i32
      %dma_start3A_557 = arith.constant 0 : i32
      %dma_start3A_558 = tpu.memref_slice %arg10[%dma_start3A_555, %dma_start3A_556, %dma_start3A_557] : memref<2x128x128xf32, #tpu.memory_space<vmem>> -> memref<1x128x128xf32, #tpu.memory_space<vmem>>
      %dma_start3A_559 = tpu.memref_squeeze %dma_start3A_558 : memref<1x128x128xf32, #tpu.memory_space<vmem>> -> memref<128x128xf32, #tpu.memory_space<vmem>>
      %dma_start3A_560 = arith.constant 0 : i32
      %dma_start3A_561 = tpu.memref_slice %arg9[%add3A_536, %dma_start3A_560] : memref<80x128xi32, #tpu.memory_space<vmem>> -> memref<1x128xi32, #tpu.memory_space<vmem>>
      %dma_start3A_562 = tpu.memref_squeeze %dma_start3A_561 : memref<1x128xi32, #tpu.memory_space<vmem>> -> memref<128xi32, #tpu.memory_space<vmem>>
      %dma_start3A_563 = arith.constant 0 : i32
      %dma_start3A_564 = arith.constant 0 : i32
      %dma_start3A_565 = tpu.memref_slice %arg12[%dma_start3A_563, %dma_start3A_564] : memref<10240x128xf32, #tpu.memory_space<vmem_shared>> -> memref<10240x128xf32, #tpu.memory_space<vmem_shared>>
      tpu.enqueue_indirect_dma source(%dma_start3A_559 : memref<128x128xf32, #tpu.memory_space<vmem>>) target(%dma_start3A_565 : memref<10240x128xf32, #tpu.memory_space<vmem_shared>>) offsets(%dma_start3A_562 : memref<128xi32, #tpu.memory_space<vmem>>) semaphore(%arg16 : memref<!tpu.dma_semaphore, #tpu.memory_space<semaphore_mem>>) {add = true}
      %add3A_566 = arith.constant 2 : i32
      %add3A_567 = arith.addi %add3A_536, %add3A_566 : i32
      %lt3A_568 = arith.constant 80 : i32
      %lt3A_569 = arith.cmpi slt, %add3A_567, %lt3A_568 : i32
      %convert_element_type3A_570 = arith.extui %lt3A_569 : i1 to i32
      %cond3A_571 = arith.constant 0 : i32
      %cond3A_572 = arith.cmpi ne, %convert_element_type3A_570, %cond3A_571 : i32
      scf.if %cond3A_572 {
        %add3A_612 = arith.constant 2 : i32
        %add3A_613 = arith.addi %add3A_536, %add3A_612 : i32
        %dma_start3A_614 = arith.constant 0 : i32
        %dma_start3A_615 = arith.constant 0 : i32
        %dma_start3A_616 = tpu.memref_slice %arg8[%dma_start3A_614, %dma_start3A_615] : memref<2x128xi32, #tpu.memory_space<vmem>> -> memref<1x128xi32, #tpu.memory_space<vmem>>
        %dma_start3A_617 = tpu.memref_squeeze %dma_start3A_616 : memref<1x128xi32, #tpu.memory_space<vmem>> -> memref<128xi32, #tpu.memory_space<vmem>>
        %dma_start3A_618 = arith.constant 0 : i32
        %dma_start3A_619 = tpu.memref_slice %arg3[%arg0, %arg1, %add3A_613, %dma_start3A_618] : memref<2x16x80x128xi32, #tpu.memory_space<hbm>> -> memref<1x1x1x128xi32, #tpu.memory_space<hbm>>
        %dma_start3A_620 = tpu.memref_squeeze %dma_start3A_619 : memref<1x1x1x128xi32, #tpu.memory_space<hbm>> -> memref<128xi32, #tpu.memory_space<hbm>>
        %dma_start3A_621 = arith.constant 0 : i32
        %dma_start3A_622 = tpu.memref_slice %arg8[%dma_start3A_614, %dma_start3A_621] : memref<2x128xi32, #tpu.memory_space<vmem>> -> memref<1x128xi32, #tpu.memory_space<vmem>>
        %dma_start3A_623 = tpu.memref_squeeze %dma_start3A_622 : memref<1x128xi32, #tpu.memory_space<vmem>> -> memref<128xi32, #tpu.memory_space<vmem>>
        %dma_start3A_624 = arith.constant 0 : i32
        %dma_start3A_625 = tpu.memref_slice %arg3[%arg0, %arg1, %add3A_613, %dma_start3A_624] : memref<2x16x80x128xi32, #tpu.memory_space<hbm>> -> memref<1x1x1x128xi32, #tpu.memory_space<hbm>>
        %dma_start3A_626 = tpu.memref_squeeze %dma_start3A_625 : memref<1x1x1x128xi32, #tpu.memory_space<hbm>> -> memref<128xi32, #tpu.memory_space<hbm>>
        tpu.enqueue_dma source(%dma_start3A_626 : memref<128xi32, #tpu.memory_space<hbm>>) target(%dma_start3A_623 : memref<128xi32, #tpu.memory_space<vmem>>) target_semaphore(%arg18 : memref<!tpu.dma_semaphore, #tpu.memory_space<semaphore_mem>>)
      } else {
      }
      %add3A_573 = arith.constant 1 : i32
      %add3A_574 = arith.addi %add3A_534, %add3A_573 : i32
      %dma_wait3A_575 = arith.constant 1 : i32
      %dma_wait3A_576 = arith.constant 1 : i32
      %dma_wait3A_577 = arith.constant 0 : i32
      %dma_wait3A_578 = arith.constant 0 : i32
      %dma_wait3A_579 = tpu.memref_slice %arg10[%dma_wait3A_576, %dma_wait3A_577, %dma_wait3A_578] : memref<2x128x128xf32, #tpu.memory_space<vmem>> -> memref<1x128x128xf32, #tpu.memory_space<vmem>>
      %dma_wait3A_580 = tpu.memref_squeeze %dma_wait3A_579 : memref<1x128x128xf32, #tpu.memory_space<vmem>> -> memref<128x128xf32, #tpu.memory_space<vmem>>
      %dma_wait3A_581 = arith.constant 0 : i32
      %dma_wait3A_582 = tpu.memref_slice %arg8[%dma_wait3A_575, %dma_wait3A_581] : memref<2x128xi32, #tpu.memory_space<vmem>> -> memref<1x128xi32, #tpu.memory_space<vmem>>
      %dma_wait3A_583 = tpu.memref_squeeze %dma_wait3A_582 : memref<1x128xi32, #tpu.memory_space<vmem>> -> memref<128xi32, #tpu.memory_space<vmem>>
      %dma_wait3A_584 = arith.constant 0 : i32
      %dma_wait3A_585 = arith.constant 0 : i32
      %dma_wait3A_586 = tpu.memref_slice %arg2[%dma_wait3A_584, %dma_wait3A_585] : memref<20000x128xf32, #tpu.memory_space<hbm>> -> memref<20000x128xf32, #tpu.memory_space<hbm>>
      tpu.wait_indirect_dma semaphore(%arg15 : memref<!tpu.dma_semaphore, #tpu.memory_space<semaphore_mem>>) src(%dma_wait3A_586 : memref<20000x128xf32, #tpu.memory_space<hbm>>) dst(%dma_wait3A_580 : memref<128x128xf32, #tpu.memory_space<vmem>>)
      %add3A_587 = arith.constant 1 : i32
      %add3A_588 = arith.addi %add3A_574, %add3A_587 : i32
      %lt3A_589 = arith.constant 80 : i32
      %lt3A_590 = arith.cmpi slt, %add3A_588, %lt3A_589 : i32
      %convert_element_type3A_591 = arith.extui %lt3A_590 : i1 to i32
      %cond3A_592 = arith.constant 0 : i32
      %cond3A_593 = arith.cmpi ne, %convert_element_type3A_591, %cond3A_592 : i32
      scf.if %cond3A_593 {
        %ge3A = arith.constant 1 : i32
        %ge3A_612 = arith.cmpi sge, %add3A_574, %ge3A : i32
        %convert_element_type3A_613 = arith.extui %ge3A_612 : i1 to i32
        %cond3A_614 = arith.constant 0 : i32
        %cond3A_615 = arith.cmpi ne, %convert_element_type3A_613, %cond3A_614 : i32
        scf.if %cond3A_615 {
          %sub3A = arith.constant 1 : i32
          %sub3A_645 = arith.subi %add3A_574, %sub3A : i32
          %dma_wait3A_646 = arith.constant 0 : i32
          %dma_wait3A_647 = arith.constant 0 : i32
          %dma_wait3A_648 = arith.constant 0 : i32
          %dma_wait3A_649 = tpu.memref_slice %arg10[%dma_wait3A_646, %dma_wait3A_647, %dma_wait3A_648] : memref<2x128x128xf32, #tpu.memory_space<vmem>> -> memref<1x128x128xf32, #tpu.memory_space<vmem>>
          %dma_wait3A_650 = tpu.memref_squeeze %dma_wait3A_649 : memref<1x128x128xf32, #tpu.memory_space<vmem>> -> memref<128x128xf32, #tpu.memory_space<vmem>>
          %dma_wait3A_651 = arith.constant 0 : i32
          %dma_wait3A_652 = tpu.memref_slice %arg9[%sub3A_645, %dma_wait3A_651] : memref<80x128xi32, #tpu.memory_space<vmem>> -> memref<1x128xi32, #tpu.memory_space<vmem>>
          %dma_wait3A_653 = tpu.memref_squeeze %dma_wait3A_652 : memref<1x128xi32, #tpu.memory_space<vmem>> -> memref<128xi32, #tpu.memory_space<vmem>>
          %dma_wait3A_654 = arith.constant 0 : i32
          %dma_wait3A_655 = arith.constant 0 : i32
          %dma_wait3A_656 = tpu.memref_slice %arg12[%dma_wait3A_654, %dma_wait3A_655] : memref<10240x128xf32, #tpu.memory_space<vmem_shared>> -> memref<10240x128xf32, #tpu.memory_space<vmem_shared>>
          tpu.wait_indirect_dma semaphore(%arg16 : memref<!tpu.dma_semaphore, #tpu.memory_space<semaphore_mem>>) src(%dma_wait3A_650 : memref<128x128xf32, #tpu.memory_space<vmem>>) dst(%dma_wait3A_656 : memref<10240x128xf32, #tpu.memory_space<vmem_shared>>)
        } else {
        }
        %add3A_616 = arith.constant 1 : i32
        %add3A_617 = arith.addi %add3A_574, %add3A_616 : i32
        %dma_wait3A_618 = arith.constant 0 : i32
        %dma_wait3A_619 = arith.constant 0 : i32
        %dma_wait3A_620 = tpu.memref_slice %arg8[%dma_wait3A_618, %dma_wait3A_619] : memref<2x128xi32, #tpu.memory_space<vmem>> -> memref<1x128xi32, #tpu.memory_space<vmem>>
        %dma_wait3A_621 = tpu.memref_squeeze %dma_wait3A_620 : memref<1x128xi32, #tpu.memory_space<vmem>> -> memref<128xi32, #tpu.memory_space<vmem>>
        %dma_wait3A_622 = arith.constant 0 : i32
        %dma_wait3A_623 = tpu.memref_slice %arg3[%arg0, %arg1, %add3A_617, %dma_wait3A_622] : memref<2x16x80x128xi32, #tpu.memory_space<hbm>> -> memref<1x1x1x128xi32, #tpu.memory_space<hbm>>
        %dma_wait3A_624 = tpu.memref_squeeze %dma_wait3A_623 : memref<1x1x1x128xi32, #tpu.memory_space<hbm>> -> memref<128xi32, #tpu.memory_space<hbm>>
        %dma_wait3A_625 = arith.constant 0 : i32
        %dma_wait3A_626 = tpu.memref_slice %arg8[%dma_wait3A_618, %dma_wait3A_625] : memref<2x128xi32, #tpu.memory_space<vmem>> -> memref<1x128xi32, #tpu.memory_space<vmem>>
        %dma_wait3A_627 = tpu.memref_squeeze %dma_wait3A_626 : memref<1x128xi32, #tpu.memory_space<vmem>> -> memref<128xi32, #tpu.memory_space<vmem>>
        %dma_wait3A_628 = arith.constant 0 : i32
        %dma_wait3A_629 = tpu.memref_slice %arg3[%arg0, %arg1, %add3A_617, %dma_wait3A_628] : memref<2x16x80x128xi32, #tpu.memory_space<hbm>> -> memref<1x1x1x128xi32, #tpu.memory_space<hbm>>
        %dma_wait3A_630 = tpu.memref_squeeze %dma_wait3A_629 : memref<1x1x1x128xi32, #tpu.memory_space<hbm>> -> memref<128xi32, #tpu.memory_space<hbm>>
        tpu.wait_dma2 semaphore(%arg18 : memref<!tpu.dma_semaphore, #tpu.memory_space<semaphore_mem>>) src(%dma_wait3A_630 : memref<128xi32, #tpu.memory_space<hbm>>) dst(%dma_wait3A_627 : memref<128xi32, #tpu.memory_space<vmem>>)
        %add3A_631 = arith.constant 1 : i32
        %add3A_632 = arith.addi %add3A_574, %add3A_631 : i32
        %dma_start3A_633 = arith.constant 0 : i32
        %dma_start3A_634 = arith.constant 0 : i32
        %dma_start3A_635 = arith.constant 0 : i32
        %dma_start3A_636 = arith.constant 0 : i32
        %dma_start3A_637 = tpu.memref_slice %arg10[%dma_start3A_634, %dma_start3A_635, %dma_start3A_636] : memref<2x128x128xf32, #tpu.memory_space<vmem>> -> memref<1x128x128xf32, #tpu.memory_space<vmem>>
        %dma_start3A_638 = tpu.memref_squeeze %dma_start3A_637 : memref<1x128x128xf32, #tpu.memory_space<vmem>> -> memref<128x128xf32, #tpu.memory_space<vmem>>
        %dma_start3A_639 = arith.constant 0 : i32
        %dma_start3A_640 = tpu.memref_slice %arg8[%dma_start3A_633, %dma_start3A_639] : memref<2x128xi32, #tpu.memory_space<vmem>> -> memref<1x128xi32, #tpu.memory_space<vmem>>
        %dma_start3A_641 = tpu.memref_squeeze %dma_start3A_640 : memref<1x128xi32, #tpu.memory_space<vmem>> -> memref<128xi32, #tpu.memory_space<vmem>>
        %dma_start3A_642 = arith.constant 0 : i32
        %dma_start3A_643 = arith.constant 0 : i32
        %dma_start3A_644 = tpu.memref_slice %arg2[%dma_start3A_642, %dma_start3A_643] : memref<20000x128xf32, #tpu.memory_space<hbm>> -> memref<20000x128xf32, #tpu.memory_space<hbm>>
        tpu.enqueue_indirect_dma source(%dma_start3A_644 : memref<20000x128xf32, #tpu.memory_space<hbm>>) target(%dma_start3A_638 : memref<128x128xf32, #tpu.memory_space<vmem>>) offsets(%dma_start3A_641 : memref<128xi32, #tpu.memory_space<vmem>>) semaphore(%arg14 : memref<!tpu.dma_semaphore, #tpu.memory_space<semaphore_mem>>)
      } else {
      }
      %dma_start3A_594 = arith.constant 1 : i32
      %dma_start3A_595 = arith.constant 0 : i32
      %dma_start3A_596 = arith.constant 0 : i32
      %dma_start3A_597 = tpu.memref_slice %arg10[%dma_start3A_594, %dma_start3A_595, %dma_start3A_596] : memref<2x128x128xf32, #tpu.memory_space<vmem>> -> memref<1x128x128xf32, #tpu.memory_space<vmem>>
      %dma_start3A_598 = tpu.memref_squeeze %dma_start3A_597 : memref<1x128x128xf32, #tpu.memory_space<vmem>> -> memref<128x128xf32, #tpu.memory_space<vmem>>
      %dma_start3A_599 = arith.constant 0 : i32
      %dma_start3A_600 = tpu.memref_slice %arg9[%add3A_574, %dma_start3A_599] : memref<80x128xi32, #tpu.memory_space<vmem>> -> memref<1x128xi32, #tpu.memory_space<vmem>>
      %dma_start3A_601 = tpu.memref_squeeze %dma_start3A_600 : memref<1x128xi32, #tpu.memory_space<vmem>> -> memref<128xi32, #tpu.memory_space<vmem>>
      %dma_start3A_602 = arith.constant 0 : i32
      %dma_start3A_603 = arith.constant 0 : i32
      %dma_start3A_604 = tpu.memref_slice %arg12[%dma_start3A_602, %dma_start3A_603] : memref<10240x128xf32, #tpu.memory_space<vmem_shared>> -> memref<10240x128xf32, #tpu.memory_space<vmem_shared>>
      tpu.enqueue_indirect_dma source(%dma_start3A_598 : memref<128x128xf32, #tpu.memory_space<vmem>>) target(%dma_start3A_604 : memref<10240x128xf32, #tpu.memory_space<vmem_shared>>) offsets(%dma_start3A_601 : memref<128xi32, #tpu.memory_space<vmem>>) semaphore(%arg17 : memref<!tpu.dma_semaphore, #tpu.memory_space<semaphore_mem>>) {add = true}
      %add3A_605 = arith.constant 2 : i32
      %add3A_606 = arith.addi %add3A_574, %add3A_605 : i32
      %lt3A_607 = arith.constant 80 : i32
      %lt3A_608 = arith.cmpi slt, %add3A_606, %lt3A_607 : i32
      %convert_element_type3A_609 = arith.extui %lt3A_608 : i1 to i32
      %cond3A_610 = arith.constant 0 : i32
      %cond3A_611 = arith.cmpi ne, %convert_element_type3A_609, %cond3A_610 : i32
      scf.if %cond3A_611 {
        %add3A_612 = arith.constant 2 : i32
        %add3A_613 = arith.addi %add3A_574, %add3A_612 : i32
        %dma_start3A_614 = arith.constant 1 : i32
        %dma_start3A_615 = arith.constant 0 : i32
        %dma_start3A_616 = tpu.memref_slice %arg8[%dma_start3A_614, %dma_start3A_615] : memref<2x128xi32, #tpu.memory_space<vmem>> -> memref<1x128xi32, #tpu.memory_space<vmem>>
        %dma_start3A_617 = tpu.memref_squeeze %dma_start3A_616 : memref<1x128xi32, #tpu.memory_space<vmem>> -> memref<128xi32, #tpu.memory_space<vmem>>
        %dma_start3A_618 = arith.constant 0 : i32
        %dma_start3A_619 = tpu.memref_slice %arg3[%arg0, %arg1, %add3A_613, %dma_start3A_618] : memref<2x16x80x128xi32, #tpu.memory_space<hbm>> -> memref<1x1x1x128xi32, #tpu.memory_space<hbm>>
        %dma_start3A_620 = tpu.memref_squeeze %dma_start3A_619 : memref<1x1x1x128xi32, #tpu.memory_space<hbm>> -> memref<128xi32, #tpu.memory_space<hbm>>
        %dma_start3A_621 = arith.constant 0 : i32
        %dma_start3A_622 = tpu.memref_slice %arg8[%dma_start3A_614, %dma_start3A_621] : memref<2x128xi32, #tpu.memory_space<vmem>> -> memref<1x128xi32, #tpu.memory_space<vmem>>
        %dma_start3A_623 = tpu.memref_squeeze %dma_start3A_622 : memref<1x128xi32, #tpu.memory_space<vmem>> -> memref<128xi32, #tpu.memory_space<vmem>>
        %dma_start3A_624 = arith.constant 0 : i32
        %dma_start3A_625 = tpu.memref_slice %arg3[%arg0, %arg1, %add3A_613, %dma_start3A_624] : memref<2x16x80x128xi32, #tpu.memory_space<hbm>> -> memref<1x1x1x128xi32, #tpu.memory_space<hbm>>
        %dma_start3A_626 = tpu.memref_squeeze %dma_start3A_625 : memref<1x1x1x128xi32, #tpu.memory_space<hbm>> -> memref<128xi32, #tpu.memory_space<hbm>>
        tpu.enqueue_dma source(%dma_start3A_626 : memref<128xi32, #tpu.memory_space<hbm>>) target(%dma_start3A_623 : memref<128xi32, #tpu.memory_space<vmem>>) target_semaphore(%arg19 : memref<!tpu.dma_semaphore, #tpu.memory_space<semaphore_mem>>)
      } else {
      }
    }
    %scan3A_497 = arith.constant 40 : i32
    %dma_wait3A_498 = arith.constant 0 : i32
    %dma_wait3A_499 = arith.constant 78 : i32
    %dma_wait3A_500 = arith.constant 0 : i32
    %dma_wait3A_501 = arith.constant 0 : i32
    %dma_wait3A_502 = tpu.memref_slice %arg10[%dma_wait3A_498, %dma_wait3A_500, %dma_wait3A_501] : memref<2x128x128xf32, #tpu.memory_space<vmem>> -> memref<1x128x128xf32, #tpu.memory_space<vmem>>
    %dma_wait3A_503 = tpu.memref_squeeze %dma_wait3A_502 : memref<1x128x128xf32, #tpu.memory_space<vmem>> -> memref<128x128xf32, #tpu.memory_space<vmem>>
    %dma_wait3A_504 = arith.constant 0 : i32
    %dma_wait3A_505 = tpu.memref_slice %arg9[%dma_wait3A_499, %dma_wait3A_504] : memref<80x128xi32, #tpu.memory_space<vmem>> -> memref<1x128xi32, #tpu.memory_space<vmem>>
    %dma_wait3A_506 = tpu.memref_squeeze %dma_wait3A_505 : memref<1x128xi32, #tpu.memory_space<vmem>> -> memref<128xi32, #tpu.memory_space<vmem>>
    %dma_wait3A_507 = arith.constant 0 : i32
    %dma_wait3A_508 = arith.constant 0 : i32
    %dma_wait3A_509 = tpu.memref_slice %arg12[%dma_wait3A_507, %dma_wait3A_508] : memref<10240x128xf32, #tpu.memory_space<vmem_shared>> -> memref<10240x128xf32, #tpu.memory_space<vmem_shared>>
    tpu.wait_indirect_dma semaphore(%arg16 : memref<!tpu.dma_semaphore, #tpu.memory_space<semaphore_mem>>) src(%dma_wait3A_503 : memref<128x128xf32, #tpu.memory_space<vmem>>) dst(%dma_wait3A_509 : memref<10240x128xf32, #tpu.memory_space<vmem_shared>>)
    %dma_wait3A_510 = arith.constant 1 : i32
    %dma_wait3A_511 = arith.constant 79 : i32
    %dma_wait3A_512 = arith.constant 0 : i32
    %dma_wait3A_513 = arith.constant 0 : i32
    %dma_wait3A_514 = tpu.memref_slice %arg10[%dma_wait3A_510, %dma_wait3A_512, %dma_wait3A_513] : memref<2x128x128xf32, #tpu.memory_space<vmem>> -> memref<1x128x128xf32, #tpu.memory_space<vmem>>
    %dma_wait3A_515 = tpu.memref_squeeze %dma_wait3A_514 : memref<1x128x128xf32, #tpu.memory_space<vmem>> -> memref<128x128xf32, #tpu.memory_space<vmem>>
    %dma_wait3A_516 = arith.constant 0 : i32
    %dma_wait3A_517 = tpu.memref_slice %arg9[%dma_wait3A_511, %dma_wait3A_516] : memref<80x128xi32, #tpu.memory_space<vmem>> -> memref<1x128xi32, #tpu.memory_space<vmem>>
    %dma_wait3A_518 = tpu.memref_squeeze %dma_wait3A_517 : memref<1x128xi32, #tpu.memory_space<vmem>> -> memref<128xi32, #tpu.memory_space<vmem>>
    %dma_wait3A_519 = arith.constant 0 : i32
    %dma_wait3A_520 = arith.constant 0 : i32
    %dma_wait3A_521 = tpu.memref_slice %arg12[%dma_wait3A_519, %dma_wait3A_520] : memref<10240x128xf32, #tpu.memory_space<vmem_shared>> -> memref<10240x128xf32, #tpu.memory_space<vmem_shared>>
    tpu.wait_indirect_dma semaphore(%arg17 : memref<!tpu.dma_semaphore, #tpu.memory_space<semaphore_mem>>) src(%dma_wait3A_515 : memref<128x128xf32, #tpu.memory_space<vmem>>) dst(%dma_wait3A_521 : memref<10240x128xf32, #tpu.memory_space<vmem_shared>>)
    %barrier3A_522 = arith.constant 0 : index
    tpu.barrier barrier_id(%barrier3A_522)
    %eq3A = arith.constant 0 : i32
    %eq3A_523 = arith.cmpi eq, %arg0, %eq3A : i32
    %convert_element_type3A = arith.extui %eq3A_523 : i1 to i32
    %cond3A = arith.constant 0 : i32
    %cond3A_524 = arith.cmpi ne, %convert_element_type3A, %cond3A : i32
    scf.if %cond3A_524 {
      %mul3A_530 = arith.constant 640 : i32
      %mul3A_531 = arith.muli %arg1, %mul3A_530 : i32
      %add3A_532 = arith.constant 0 : i32
      %add3A_533 = arith.addi %mul3A_531, %add3A_532 : i32
      %dma_start3A_534 = arith.constant 0 : i32
      %dma_start3A_535 = tpu.memref_slice %arg5[%add3A_533, %dma_start3A_534] : memref<10240x128xf32, #tpu.memory_space<hbm>> -> memref<128x128xf32, #tpu.memory_space<hbm>>
      %dma_start3A_536 = arith.constant 0 : i32
      %dma_start3A_537 = tpu.memref_slice %arg12[%add3A_533, %dma_start3A_536] : memref<10240x128xf32, #tpu.memory_space<vmem_shared>> -> memref<128x128xf32, #tpu.memory_space<vmem_shared>>
      tpu.enqueue_dma source(%dma_start3A_537 : memref<128x128xf32, #tpu.memory_space<vmem_shared>>) target(%dma_start3A_535 : memref<128x128xf32, #tpu.memory_space<hbm>>) target_semaphore(%arg21 : memref<!tpu.dma_semaphore, #tpu.memory_space<semaphore_mem>>)
      %mul3A_538 = arith.constant 640 : i32
      %mul3A_539 = arith.muli %arg1, %mul3A_538 : i32
      %add3A_540 = arith.constant 128 : i32
      %add3A_541 = arith.addi %mul3A_539, %add3A_540 : i32
      %dma_start3A_542 = arith.constant 0 : i32
      %dma_start3A_543 = tpu.memref_slice %arg5[%add3A_541, %dma_start3A_542] : memref<10240x128xf32, #tpu.memory_space<hbm>> -> memref<128x128xf32, #tpu.memory_space<hbm>>
      %dma_start3A_544 = arith.constant 0 : i32
      %dma_start3A_545 = tpu.memref_slice %arg12[%add3A_541, %dma_start3A_544] : memref<10240x128xf32, #tpu.memory_space<vmem_shared>> -> memref<128x128xf32, #tpu.memory_space<vmem_shared>>
      tpu.enqueue_dma source(%dma_start3A_545 : memref<128x128xf32, #tpu.memory_space<vmem_shared>>) target(%dma_start3A_543 : memref<128x128xf32, #tpu.memory_space<hbm>>) target_semaphore(%arg21 : memref<!tpu.dma_semaphore, #tpu.memory_space<semaphore_mem>>)
      %mul3A_546 = arith.constant 640 : i32
      %mul3A_547 = arith.muli %arg1, %mul3A_546 : i32
      %add3A_548 = arith.constant 256 : i32
      %add3A_549 = arith.addi %mul3A_547, %add3A_548 : i32
      %dma_start3A_550 = arith.constant 0 : i32
      %dma_start3A_551 = tpu.memref_slice %arg5[%add3A_549, %dma_start3A_550] : memref<10240x128xf32, #tpu.memory_space<hbm>> -> memref<128x128xf32, #tpu.memory_space<hbm>>
      %dma_start3A_552 = arith.constant 0 : i32
      %dma_start3A_553 = tpu.memref_slice %arg12[%add3A_549, %dma_start3A_552] : memref<10240x128xf32, #tpu.memory_space<vmem_shared>> -> memref<128x128xf32, #tpu.memory_space<vmem_shared>>
      tpu.enqueue_dma source(%dma_start3A_553 : memref<128x128xf32, #tpu.memory_space<vmem_shared>>) target(%dma_start3A_551 : memref<128x128xf32, #tpu.memory_space<hbm>>) target_semaphore(%arg21 : memref<!tpu.dma_semaphore, #tpu.memory_space<semaphore_mem>>)
      %mul3A_554 = arith.constant 640 : i32
      %mul3A_555 = arith.muli %arg1, %mul3A_554 : i32
      %add3A_556 = arith.constant 384 : i32
      %add3A_557 = arith.addi %mul3A_555, %add3A_556 : i32
      %dma_start3A_558 = arith.constant 0 : i32
      %dma_start3A_559 = tpu.memref_slice %arg5[%add3A_557, %dma_start3A_558] : memref<10240x128xf32, #tpu.memory_space<hbm>> -> memref<128x128xf32, #tpu.memory_space<hbm>>
      %dma_start3A_560 = arith.constant 0 : i32
      %dma_start3A_561 = tpu.memref_slice %arg12[%add3A_557, %dma_start3A_560] : memref<10240x128xf32, #tpu.memory_space<vmem_shared>> -> memref<128x128xf32, #tpu.memory_space<vmem_shared>>
      tpu.enqueue_dma source(%dma_start3A_561 : memref<128x128xf32, #tpu.memory_space<vmem_shared>>) target(%dma_start3A_559 : memref<128x128xf32, #tpu.memory_space<hbm>>) target_semaphore(%arg21 : memref<!tpu.dma_semaphore, #tpu.memory_space<semaphore_mem>>)
      %mul3A_562 = arith.constant 640 : i32
      %mul3A_563 = arith.muli %arg1, %mul3A_562 : i32
      %add3A_564 = arith.constant 512 : i32
      %add3A_565 = arith.addi %mul3A_563, %add3A_564 : i32
      %dma_start3A_566 = arith.constant 0 : i32
      %dma_start3A_567 = tpu.memref_slice %arg5[%add3A_565, %dma_start3A_566] : memref<10240x128xf32, #tpu.memory_space<hbm>> -> memref<128x128xf32, #tpu.memory_space<hbm>>
      %dma_start3A_568 = arith.constant 0 : i32
      %dma_start3A_569 = tpu.memref_slice %arg12[%add3A_565, %dma_start3A_568] : memref<10240x128xf32, #tpu.memory_space<vmem_shared>> -> memref<128x128xf32, #tpu.memory_space<vmem_shared>>
      tpu.enqueue_dma source(%dma_start3A_569 : memref<128x128xf32, #tpu.memory_space<vmem_shared>>) target(%dma_start3A_567 : memref<128x128xf32, #tpu.memory_space<hbm>>) target_semaphore(%arg21 : memref<!tpu.dma_semaphore, #tpu.memory_space<semaphore_mem>>)
      %mul3A_570 = arith.constant 640 : i32
      %mul3A_571 = arith.muli %arg1, %mul3A_570 : i32
      %add3A_572 = arith.constant 0 : i32
      %add3A_573 = arith.addi %mul3A_571, %add3A_572 : i32
      %dma_wait3A_574 = arith.constant 0 : i32
      %dma_wait3A_575 = tpu.memref_slice %arg5[%add3A_573, %dma_wait3A_574] : memref<10240x128xf32, #tpu.memory_space<hbm>> -> memref<128x128xf32, #tpu.memory_space<hbm>>
      %dma_wait3A_576 = arith.constant 0 : i32
      %dma_wait3A_577 = tpu.memref_slice %arg12[%add3A_573, %dma_wait3A_576] : memref<10240x128xf32, #tpu.memory_space<vmem_shared>> -> memref<128x128xf32, #tpu.memory_space<vmem_shared>>
      tpu.wait_dma2 semaphore(%arg21 : memref<!tpu.dma_semaphore, #tpu.memory_space<semaphore_mem>>) src(%dma_wait3A_577 : memref<128x128xf32, #tpu.memory_space<vmem_shared>>) dst(%dma_wait3A_575 : memref<128x128xf32, #tpu.memory_space<hbm>>)
      %mul3A_578 = arith.constant 640 : i32
      %mul3A_579 = arith.muli %arg1, %mul3A_578 : i32
      %add3A_580 = arith.constant 128 : i32
      %add3A_581 = arith.addi %mul3A_579, %add3A_580 : i32
      %dma_wait3A_582 = arith.constant 0 : i32
      %dma_wait3A_583 = tpu.memref_slice %arg5[%add3A_581, %dma_wait3A_582] : memref<10240x128xf32, #tpu.memory_space<hbm>> -> memref<128x128xf32, #tpu.memory_space<hbm>>
      %dma_wait3A_584 = arith.constant 0 : i32
      %dma_wait3A_585 = tpu.memref_slice %arg12[%add3A_581, %dma_wait3A_584] : memref<10240x128xf32, #tpu.memory_space<vmem_shared>> -> memref<128x128xf32, #tpu.memory_space<vmem_shared>>
      tpu.wait_dma2 semaphore(%arg21 : memref<!tpu.dma_semaphore, #tpu.memory_space<semaphore_mem>>) src(%dma_wait3A_585 : memref<128x128xf32, #tpu.memory_space<vmem_shared>>) dst(%dma_wait3A_583 : memref<128x128xf32, #tpu.memory_space<hbm>>)
      %mul3A_586 = arith.constant 640 : i32
      %mul3A_587 = arith.muli %arg1, %mul3A_586 : i32
      %add3A_588 = arith.constant 256 : i32
      %add3A_589 = arith.addi %mul3A_587, %add3A_588 : i32
      %dma_wait3A_590 = arith.constant 0 : i32
      %dma_wait3A_591 = tpu.memref_slice %arg5[%add3A_589, %dma_wait3A_590] : memref<10240x128xf32, #tpu.memory_space<hbm>> -> memref<128x128xf32, #tpu.memory_space<hbm>>
      %dma_wait3A_592 = arith.constant 0 : i32
      %dma_wait3A_593 = tpu.memref_slice %arg12[%add3A_589, %dma_wait3A_592] : memref<10240x128xf32, #tpu.memory_space<vmem_shared>> -> memref<128x128xf32, #tpu.memory_space<vmem_shared>>
      tpu.wait_dma2 semaphore(%arg21 : memref<!tpu.dma_semaphore, #tpu.memory_space<semaphore_mem>>) src(%dma_wait3A_593 : memref<128x128xf32, #tpu.memory_space<vmem_shared>>) dst(%dma_wait3A_591 : memref<128x128xf32, #tpu.memory_space<hbm>>)
      %mul3A_594 = arith.constant 640 : i32
      %mul3A_595 = arith.muli %arg1, %mul3A_594 : i32
      %add3A_596 = arith.constant 384 : i32
      %add3A_597 = arith.addi %mul3A_595, %add3A_596 : i32
      %dma_wait3A_598 = arith.constant 0 : i32
      %dma_wait3A_599 = tpu.memref_slice %arg5[%add3A_597, %dma_wait3A_598] : memref<10240x128xf32, #tpu.memory_space<hbm>> -> memref<128x128xf32, #tpu.memory_space<hbm>>
      %dma_wait3A_600 = arith.constant 0 : i32
      %dma_wait3A_601 = tpu.memref_slice %arg12[%add3A_597, %dma_wait3A_600] : memref<10240x128xf32, #tpu.memory_space<vmem_shared>> -> memref<128x128xf32, #tpu.memory_space<vmem_shared>>
      tpu.wait_dma2 semaphore(%arg21 : memref<!tpu.dma_semaphore, #tpu.memory_space<semaphore_mem>>) src(%dma_wait3A_601 : memref<128x128xf32, #tpu.memory_space<vmem_shared>>) dst(%dma_wait3A_599 : memref<128x128xf32, #tpu.memory_space<hbm>>)
      %mul3A_602 = arith.constant 640 : i32
      %mul3A_603 = arith.muli %arg1, %mul3A_602 : i32
      %add3A_604 = arith.constant 512 : i32
      %add3A_605 = arith.addi %mul3A_603, %add3A_604 : i32
      %dma_wait3A_606 = arith.constant 0 : i32
      %dma_wait3A_607 = tpu.memref_slice %arg5[%add3A_605, %dma_wait3A_606] : memref<10240x128xf32, #tpu.memory_space<hbm>> -> memref<128x128xf32, #tpu.memory_space<hbm>>
      %dma_wait3A_608 = arith.constant 0 : i32
      %dma_wait3A_609 = tpu.memref_slice %arg12[%add3A_605, %dma_wait3A_608] : memref<10240x128xf32, #tpu.memory_space<vmem_shared>> -> memref<128x128xf32, #tpu.memory_space<vmem_shared>>
      tpu.wait_dma2 semaphore(%arg21 : memref<!tpu.dma_semaphore, #tpu.memory_space<semaphore_mem>>) src(%dma_wait3A_609 : memref<128x128xf32, #tpu.memory_space<vmem_shared>>) dst(%dma_wait3A_607 : memref<128x128xf32, #tpu.memory_space<hbm>>)
    } else {
    }
    %eq3A_525 = arith.constant 1 : i32
    %eq3A_526 = arith.cmpi eq, %arg0, %eq3A_525 : i32
    %convert_element_type3A_527 = arith.extui %eq3A_526 : i1 to i32
    %cond3A_528 = arith.constant 0 : i32
    %cond3A_529 = arith.cmpi ne, %convert_element_type3A_527, %cond3A_528 : i32
    scf.if %cond3A_529 {
      %mul3A_530 = arith.constant 640 : i32
      %mul3A_531 = arith.muli %arg1, %mul3A_530 : i32
      %add3A_532 = arith.constant 0 : i32
      %add3A_533 = arith.addi %mul3A_531, %add3A_532 : i32
      %dma_start3A_534 = arith.constant 0 : i32
      %dma_start3A_535 = tpu.memref_slice %arg6[%add3A_533, %dma_start3A_534] : memref<10240x128xf32, #tpu.memory_space<hbm>> -> memref<128x128xf32, #tpu.memory_space<hbm>>
      %dma_start3A_536 = arith.constant 0 : i32
      %dma_start3A_537 = tpu.memref_slice %arg12[%add3A_533, %dma_start3A_536] : memref<10240x128xf32, #tpu.memory_space<vmem_shared>> -> memref<128x128xf32, #tpu.memory_space<vmem_shared>>
      tpu.enqueue_dma source(%dma_start3A_537 : memref<128x128xf32, #tpu.memory_space<vmem_shared>>) target(%dma_start3A_535 : memref<128x128xf32, #tpu.memory_space<hbm>>) target_semaphore(%arg21 : memref<!tpu.dma_semaphore, #tpu.memory_space<semaphore_mem>>)
      %mul3A_538 = arith.constant 640 : i32
      %mul3A_539 = arith.muli %arg1, %mul3A_538 : i32
      %add3A_540 = arith.constant 128 : i32
      %add3A_541 = arith.addi %mul3A_539, %add3A_540 : i32
      %dma_start3A_542 = arith.constant 0 : i32
      %dma_start3A_543 = tpu.memref_slice %arg6[%add3A_541, %dma_start3A_542] : memref<10240x128xf32, #tpu.memory_space<hbm>> -> memref<128x128xf32, #tpu.memory_space<hbm>>
      %dma_start3A_544 = arith.constant 0 : i32
      %dma_start3A_545 = tpu.memref_slice %arg12[%add3A_541, %dma_start3A_544] : memref<10240x128xf32, #tpu.memory_space<vmem_shared>> -> memref<128x128xf32, #tpu.memory_space<vmem_shared>>
      tpu.enqueue_dma source(%dma_start3A_545 : memref<128x128xf32, #tpu.memory_space<vmem_shared>>) target(%dma_start3A_543 : memref<128x128xf32, #tpu.memory_space<hbm>>) target_semaphore(%arg21 : memref<!tpu.dma_semaphore, #tpu.memory_space<semaphore_mem>>)
      %mul3A_546 = arith.constant 640 : i32
      %mul3A_547 = arith.muli %arg1, %mul3A_546 : i32
      %add3A_548 = arith.constant 256 : i32
      %add3A_549 = arith.addi %mul3A_547, %add3A_548 : i32
      %dma_start3A_550 = arith.constant 0 : i32
      %dma_start3A_551 = tpu.memref_slice %arg6[%add3A_549, %dma_start3A_550] : memref<10240x128xf32, #tpu.memory_space<hbm>> -> memref<128x128xf32, #tpu.memory_space<hbm>>
      %dma_start3A_552 = arith.constant 0 : i32
      %dma_start3A_553 = tpu.memref_slice %arg12[%add3A_549, %dma_start3A_552] : memref<10240x128xf32, #tpu.memory_space<vmem_shared>> -> memref<128x128xf32, #tpu.memory_space<vmem_shared>>
      tpu.enqueue_dma source(%dma_start3A_553 : memref<128x128xf32, #tpu.memory_space<vmem_shared>>) target(%dma_start3A_551 : memref<128x128xf32, #tpu.memory_space<hbm>>) target_semaphore(%arg21 : memref<!tpu.dma_semaphore, #tpu.memory_space<semaphore_mem>>)
      %mul3A_554 = arith.constant 640 : i32
      %mul3A_555 = arith.muli %arg1, %mul3A_554 : i32
      %add3A_556 = arith.constant 384 : i32
      %add3A_557 = arith.addi %mul3A_555, %add3A_556 : i32
      %dma_start3A_558 = arith.constant 0 : i32
      %dma_start3A_559 = tpu.memref_slice %arg6[%add3A_557, %dma_start3A_558] : memref<10240x128xf32, #tpu.memory_space<hbm>> -> memref<128x128xf32, #tpu.memory_space<hbm>>
      %dma_start3A_560 = arith.constant 0 : i32
      %dma_start3A_561 = tpu.memref_slice %arg12[%add3A_557, %dma_start3A_560] : memref<10240x128xf32, #tpu.memory_space<vmem_shared>> -> memref<128x128xf32, #tpu.memory_space<vmem_shared>>
      tpu.enqueue_dma source(%dma_start3A_561 : memref<128x128xf32, #tpu.memory_space<vmem_shared>>) target(%dma_start3A_559 : memref<128x128xf32, #tpu.memory_space<hbm>>) target_semaphore(%arg21 : memref<!tpu.dma_semaphore, #tpu.memory_space<semaphore_mem>>)
      %mul3A_562 = arith.constant 640 : i32
      %mul3A_563 = arith.muli %arg1, %mul3A_562 : i32
      %add3A_564 = arith.constant 512 : i32
      %add3A_565 = arith.addi %mul3A_563, %add3A_564 : i32
      %dma_start3A_566 = arith.constant 0 : i32
      %dma_start3A_567 = tpu.memref_slice %arg6[%add3A_565, %dma_start3A_566] : memref<10240x128xf32, #tpu.memory_space<hbm>> -> memref<128x128xf32, #tpu.memory_space<hbm>>
      %dma_start3A_568 = arith.constant 0 : i32
      %dma_start3A_569 = tpu.memref_slice %arg12[%add3A_565, %dma_start3A_568] : memref<10240x128xf32, #tpu.memory_space<vmem_shared>> -> memref<128x128xf32, #tpu.memory_space<vmem_shared>>
      tpu.enqueue_dma source(%dma_start3A_569 : memref<128x128xf32, #tpu.memory_space<vmem_shared>>) target(%dma_start3A_567 : memref<128x128xf32, #tpu.memory_space<hbm>>) target_semaphore(%arg21 : memref<!tpu.dma_semaphore, #tpu.memory_space<semaphore_mem>>)
      %mul3A_570 = arith.constant 640 : i32
      %mul3A_571 = arith.muli %arg1, %mul3A_570 : i32
      %add3A_572 = arith.constant 0 : i32
      %add3A_573 = arith.addi %mul3A_571, %add3A_572 : i32
      %dma_wait3A_574 = arith.constant 0 : i32
      %dma_wait3A_575 = tpu.memref_slice %arg6[%add3A_573, %dma_wait3A_574] : memref<10240x128xf32, #tpu.memory_space<hbm>> -> memref<128x128xf32, #tpu.memory_space<hbm>>
      %dma_wait3A_576 = arith.constant 0 : i32
      %dma_wait3A_577 = tpu.memref_slice %arg12[%add3A_573, %dma_wait3A_576] : memref<10240x128xf32, #tpu.memory_space<vmem_shared>> -> memref<128x128xf32, #tpu.memory_space<vmem_shared>>
      tpu.wait_dma2 semaphore(%arg21 : memref<!tpu.dma_semaphore, #tpu.memory_space<semaphore_mem>>) src(%dma_wait3A_577 : memref<128x128xf32, #tpu.memory_space<vmem_shared>>) dst(%dma_wait3A_575 : memref<128x128xf32, #tpu.memory_space<hbm>>)
      %mul3A_578 = arith.constant 640 : i32
      %mul3A_579 = arith.muli %arg1, %mul3A_578 : i32
      %add3A_580 = arith.constant 128 : i32
      %add3A_581 = arith.addi %mul3A_579, %add3A_580 : i32
      %dma_wait3A_582 = arith.constant 0 : i32
      %dma_wait3A_583 = tpu.memref_slice %arg6[%add3A_581, %dma_wait3A_582] : memref<10240x128xf32, #tpu.memory_space<hbm>> -> memref<128x128xf32, #tpu.memory_space<hbm>>
      %dma_wait3A_584 = arith.constant 0 : i32
      %dma_wait3A_585 = tpu.memref_slice %arg12[%add3A_581, %dma_wait3A_584] : memref<10240x128xf32, #tpu.memory_space<vmem_shared>> -> memref<128x128xf32, #tpu.memory_space<vmem_shared>>
      tpu.wait_dma2 semaphore(%arg21 : memref<!tpu.dma_semaphore, #tpu.memory_space<semaphore_mem>>) src(%dma_wait3A_585 : memref<128x128xf32, #tpu.memory_space<vmem_shared>>) dst(%dma_wait3A_583 : memref<128x128xf32, #tpu.memory_space<hbm>>)
      %mul3A_586 = arith.constant 640 : i32
      %mul3A_587 = arith.muli %arg1, %mul3A_586 : i32
      %add3A_588 = arith.constant 256 : i32
      %add3A_589 = arith.addi %mul3A_587, %add3A_588 : i32
      %dma_wait3A_590 = arith.constant 0 : i32
      %dma_wait3A_591 = tpu.memref_slice %arg6[%add3A_589, %dma_wait3A_590] : memref<10240x128xf32, #tpu.memory_space<hbm>> -> memref<128x128xf32, #tpu.memory_space<hbm>>
      %dma_wait3A_592 = arith.constant 0 : i32
      %dma_wait3A_593 = tpu.memref_slice %arg12[%add3A_589, %dma_wait3A_592] : memref<10240x128xf32, #tpu.memory_space<vmem_shared>> -> memref<128x128xf32, #tpu.memory_space<vmem_shared>>
      tpu.wait_dma2 semaphore(%arg21 : memref<!tpu.dma_semaphore, #tpu.memory_space<semaphore_mem>>) src(%dma_wait3A_593 : memref<128x128xf32, #tpu.memory_space<vmem_shared>>) dst(%dma_wait3A_591 : memref<128x128xf32, #tpu.memory_space<hbm>>)
      %mul3A_594 = arith.constant 640 : i32
      %mul3A_595 = arith.muli %arg1, %mul3A_594 : i32
      %add3A_596 = arith.constant 384 : i32
      %add3A_597 = arith.addi %mul3A_595, %add3A_596 : i32
      %dma_wait3A_598 = arith.constant 0 : i32
      %dma_wait3A_599 = tpu.memref_slice %arg6[%add3A_597, %dma_wait3A_598] : memref<10240x128xf32, #tpu.memory_space<hbm>> -> memref<128x128xf32, #tpu.memory_space<hbm>>
      %dma_wait3A_600 = arith.constant 0 : i32
      %dma_wait3A_601 = tpu.memref_slice %arg12[%add3A_597, %dma_wait3A_600] : memref<10240x128xf32, #tpu.memory_space<vmem_shared>> -> memref<128x128xf32, #tpu.memory_space<vmem_shared>>
      tpu.wait_dma2 semaphore(%arg21 : memref<!tpu.dma_semaphore, #tpu.memory_space<semaphore_mem>>) src(%dma_wait3A_601 : memref<128x128xf32, #tpu.memory_space<vmem_shared>>) dst(%dma_wait3A_599 : memref<128x128xf32, #tpu.memory_space<hbm>>)
      %mul3A_602 = arith.constant 640 : i32
      %mul3A_603 = arith.muli %arg1, %mul3A_602 : i32
      %add3A_604 = arith.constant 512 : i32
      %add3A_605 = arith.addi %mul3A_603, %add3A_604 : i32
      %dma_wait3A_606 = arith.constant 0 : i32
      %dma_wait3A_607 = tpu.memref_slice %arg6[%add3A_605, %dma_wait3A_606] : memref<10240x128xf32, #tpu.memory_space<hbm>> -> memref<128x128xf32, #tpu.memory_space<hbm>>
      %dma_wait3A_608 = arith.constant 0 : i32
      %dma_wait3A_609 = tpu.memref_slice %arg12[%add3A_605, %dma_wait3A_608] : memref<10240x128xf32, #tpu.memory_space<vmem_shared>> -> memref<128x128xf32, #tpu.memory_space<vmem_shared>>
      tpu.wait_dma2 semaphore(%arg21 : memref<!tpu.dma_semaphore, #tpu.memory_space<semaphore_mem>>) src(%dma_wait3A_609 : memref<128x128xf32, #tpu.memory_space<vmem_shared>>) dst(%dma_wait3A_607 : memref<128x128xf32, #tpu.memory_space<hbm>>)
    } else {
    }
    return
  }
}

module attributes {stable_mosaic.version = 14 : i64} {
  func.func @body(%arg0: i32, %arg1: memref<1x1000x128xf32, #tpu.memory_space<vmem>>, %arg2: memref<1x1000x128xf32, #tpu.memory_space<vmem>>, %arg3: memref<256x256xf32, #tpu.memory_space<vmem>>, %arg4: memref<1x256xf32, #tpu.memory_space<vmem>>, %arg5: memref<2x1000x128xf32, #tpu.memory_space<vmem>>) attributes {dimension_semantics = [#tpu.dimension_semantics<arbitrary>], iteration_bounds = array<i64: 10>, scalar_prefetch = 0 : i64, scratch_operands = 0 : i64, tpu.core_type = #tpu.core_type<tc>, window_params = [{transform_indices = @transform_0, window_bounds = array<i64: 1, 1000, 128>}, {transform_indices = @transform_1, window_bounds = array<i64: 1, 1000, 128>}, {pipeline_mode = #tpu.pipeline_mode<synchronous>, transform_indices = @transform_2, window_bounds = array<i64: 256, 256>}, {pipeline_mode = #tpu.pipeline_mode<synchronous>, transform_indices = @transform_3, window_bounds = array<i64: 1, 256>}, {transform_indices = @transform_4, window_bounds = array<i64: 2, 1000, 128>}]} {
    %get3A = arith.constant 0 : index
    %get3A_0 = arith.constant 0 : index
    %get3A_1 = arith.constant 0 : index
    %get3A_2 = vector.load %arg1[%get3A, %get3A_0, %get3A_1] : memref<1x1000x128xf32, #tpu.memory_space<vmem>>, vector<1x1000x128xf32>
    %get3A_3 = vector.shape_cast %get3A_2 : vector<1x1000x128xf32> to vector<1000x128xf32>
    %get3A_4 = arith.constant 0 : index
    %get3A_5 = arith.constant 0 : index
    %get3A_6 = vector.load %arg3[%get3A_4, %get3A_5] : memref<256x256xf32, #tpu.memory_space<vmem>>, vector<128x256xf32>
    %dot_general3A = arith.constant dense<0.000000e+00> : vector<1000x256xf32>
    %dot_general3A_7 = tpu.matmul %get3A_3, %get3A_6, %dot_general3A {dimension_numbers = #tpu.dot_dimension_numbers<[1], [0], [0], [1], [0, 0, 1, 1], [], []>, transpose_lhs_hint = false} : vector<1000x128xf32>, vector<128x256xf32>, vector<1000x256xf32> -> vector<1000x256xf32>
    %get3A_8 = arith.constant 0 : index
    %get3A_9 = arith.constant 0 : index
    %get3A_10 = arith.constant 0 : index
    %get3A_11 = vector.load %arg2[%get3A_8, %get3A_9, %get3A_10] : memref<1x1000x128xf32, #tpu.memory_space<vmem>>, vector<1x1000x128xf32>
    %get3A_12 = vector.shape_cast %get3A_11 : vector<1x1000x128xf32> to vector<1000x128xf32>
    %get3A_13 = arith.constant 128 : index
    %get3A_14 = arith.constant 0 : index
    %get3A_15 = vector.load %arg3[%get3A_13, %get3A_14] : memref<256x256xf32, #tpu.memory_space<vmem>>, vector<128x256xf32>
    %dot_general3A_16 = arith.constant dense<0.000000e+00> : vector<1000x256xf32>
    %dot_general3A_17 = tpu.matmul %get3A_12, %get3A_15, %dot_general3A_16 {dimension_numbers = #tpu.dot_dimension_numbers<[1], [0], [0], [1], [0, 0, 1, 1], [], []>, transpose_lhs_hint = false} : vector<1000x128xf32>, vector<128x256xf32>, vector<1000x256xf32> -> vector<1000x256xf32>
    %add3A = arith.addf %dot_general3A_7, %dot_general3A_17 : vector<1000x256xf32>
    %get3A_18 = arith.constant 0 : index
    %get3A_19 = arith.constant 0 : index
    %get3A_20 = vector.load %arg4[%get3A_18, %get3A_19] : memref<1x256xf32, #tpu.memory_space<vmem>>, vector<1x256xf32>
    %add3A_21 = vector.broadcast %get3A_20 : vector<1x256xf32> to vector<1000x256xf32>
    %add3A_22 = arith.addf %add3A, %add3A_21 : vector<1000x256xf32>
    %slice3A = vector.extract_strided_slice %add3A_22 {offsets = [0, 0], sizes = [1000, 128], strides = [1, 1]} : vector<1000x256xf32> to vector<1000x128xf32>
    %swap3A = arith.constant 0 : index
    %swap3A_23 = arith.constant 0 : index
    %swap3A_24 = arith.constant 0 : index
    %swap3A_25 = vector.load %arg5[%swap3A, %swap3A_23, %swap3A_24] : memref<2x1000x128xf32, #tpu.memory_space<vmem>>, vector<1x1000x128xf32>
    %swap3A_26 = vector.shape_cast %swap3A_25 : vector<1x1000x128xf32> to vector<1000x128xf32>
    %swap3A_27 = vector.shape_cast %slice3A : vector<1000x128xf32> to vector<1x1000x128xf32>
    tpu.vector_store %arg5[%swap3A, %swap3A_23, %swap3A_24], %swap3A_27 {strides = array<i32>} : memref<2x1000x128xf32, #tpu.memory_space<vmem>>, vector<1x1000x128xf32>,
    %slice3A_28 = vector.extract_strided_slice %add3A_22 {offsets = [0, 128], sizes = [1000, 128], strides = [1, 1]} : vector<1000x256xf32> to vector<1000x128xf32>
    %swap3A_29 = arith.constant 1 : index
    %swap3A_30 = arith.constant 0 : index
    %swap3A_31 = arith.constant 0 : index
    %swap3A_32 = vector.load %arg5[%swap3A_29, %swap3A_30, %swap3A_31] : memref<2x1000x128xf32, #tpu.memory_space<vmem>>, vector<1x1000x128xf32>
    %swap3A_33 = vector.shape_cast %swap3A_32 : vector<1x1000x128xf32> to vector<1000x128xf32>
    %swap3A_34 = vector.shape_cast %slice3A_28 : vector<1000x128xf32> to vector<1x1000x128xf32>
    tpu.vector_store %arg5[%swap3A_29, %swap3A_30, %swap3A_31], %swap3A_34 {strides = array<i32>} : memref<2x1000x128xf32, #tpu.memory_space<vmem>>, vector<1x1000x128xf32>,
    return
  }
  func.func @transform_0(%arg0: i32) -> (i32, i32, i32) {
    %c0_i32 = arith.constant 0 : i32
    %c0_i32_0 = arith.constant 0 : i32
    %c0_i32_1 = arith.constant 0 : i32
    return %c0_i32, %arg0, %c0_i32_0 : i32, i32, i32
  }
  func.func @transform_1(%arg0: i32) -> (i32, i32, i32) {
    %c1_i32 = arith.constant 1 : i32
    %c0_i32 = arith.constant 0 : i32
    %c0_i32_0 = arith.constant 0 : i32
    return %c1_i32, %arg0, %c0_i32 : i32, i32, i32
  }
  func.func @transform_2(%arg0: i32) -> (i32, i32) {
    %c0_i32 = arith.constant 0 : i32
    %c0_i32_0 = arith.constant 0 : i32
    %c0_i32_1 = arith.constant 0 : i32
    return %c0_i32, %c0_i32_0 : i32, i32
  }
  func.func @transform_3(%arg0: i32) -> (i32, i32) {
    %c0_i32 = arith.constant 0 : i32
    %c0_i32_0 = arith.constant 0 : i32
    %c0_i32_1 = arith.constant 0 : i32
    return %c0_i32, %c0_i32_0 : i32, i32
  }
  func.func @transform_4(%arg0: i32) -> (i32, i32, i32) {
    %c0_i32 = arith.constant 0 : i32
    %c0_i32_0 = arith.constant 0 : i32
    %c0_i32_1 = arith.constant 0 : i32
    return %c0_i32, %arg0, %c0_i32_0 : i32, i32, i32
  }
}

module attributes {stable_mosaic.version = 14 : i64} {
  func.func @body(%arg0: i32, %arg1: memref<1x1000x128xf32, #tpu.memory_space<vmem>>, %arg2: memref<1x1000x128xf32, #tpu.memory_space<vmem>>, %arg3: memref<1000x128xf32, #tpu.memory_space<vmem>>, %arg4: memref<1000x128xf32, #tpu.memory_space<vmem>>, %arg5: memref<1000x1xf32, #tpu.memory_space<vmem>>, %arg6: memref<256x256xf32, #tpu.memory_space<vmem>>, %arg7: memref<2x1000x128xf32, #tpu.memory_space<vmem>>) attributes {dimension_semantics = [#tpu.dimension_semantics<arbitrary>], iteration_bounds = array<i64: 10>, scalar_prefetch = 0 : i64, scratch_operands = 0 : i64, tpu.core_type = #tpu.core_type<tc>, window_params = [{transform_indices = @transform_0, window_bounds = array<i64: 1, 1000, 128>}, {transform_indices = @transform_1, window_bounds = array<i64: 1, 1000, 128>}, {transform_indices = @transform_2, window_bounds = array<i64: 1000, 128>}, {transform_indices = @transform_3, window_bounds = array<i64: 1000, 128>}, {transform_indices = @transform_4, window_bounds = array<i64: 1000, 1>}, {pipeline_mode = #tpu.pipeline_mode<synchronous>, transform_indices = @transform_5, window_bounds = array<i64: 256, 256>}, {transform_indices = @transform_6, window_bounds = array<i64: 2, 1000, 128>}]} {
    %get3A = arith.constant 0 : index
    %get3A_0 = arith.constant 0 : index
    %get3A_1 = vector.load %arg5[%get3A, %get3A_0] : memref<1000x1xf32, #tpu.memory_space<vmem>>, vector<1000x1xf32>
    %max3A = arith.constant 1.000000e+00 : f32
    %max3A_2 = vector.broadcast %max3A : f32 to vector<1000x1xf32>
    %max3A_3 = arith.maximumf %get3A_1, %max3A_2 : vector<1000x1xf32>
    %div3A = arith.constant 1.000000e+00 : f32
    %div3A_4 = vector.broadcast %div3A : f32 to vector<1000x1xf32>
    %div3A_5 = arith.divf %div3A_4, %max3A_3 : vector<1000x1xf32>
    %get3A_6 = arith.constant 0 : index
    %get3A_7 = arith.constant 0 : index
    %get3A_8 = vector.load %arg3[%get3A_6, %get3A_7] : memref<1000x128xf32, #tpu.memory_space<vmem>>, vector<1000x128xf32>
    %mul3A = vector.broadcast %div3A_5 : vector<1000x1xf32> to vector<1000x128xf32>
    %mul3A_9 = arith.mulf %get3A_8, %mul3A : vector<1000x128xf32>
    %get3A_10 = arith.constant 0 : index
    %get3A_11 = arith.constant 0 : index
    %get3A_12 = vector.load %arg4[%get3A_10, %get3A_11] : memref<1000x128xf32, #tpu.memory_space<vmem>>, vector<1000x128xf32>
    %mul3A_13 = vector.broadcast %div3A_5 : vector<1000x1xf32> to vector<1000x128xf32>
    %mul3A_14 = arith.mulf %get3A_12, %mul3A_13 : vector<1000x128xf32>
    %get3A_15 = arith.constant 0 : index
    %get3A_16 = arith.constant 0 : index
    %get3A_17 = arith.constant 0 : index
    %get3A_18 = vector.load %arg1[%get3A_15, %get3A_16, %get3A_17] : memref<1x1000x128xf32, #tpu.memory_space<vmem>>, vector<1x1000x128xf32>
    %get3A_19 = vector.shape_cast %get3A_18 : vector<1x1000x128xf32> to vector<1000x128xf32>
    %get3A_20 = arith.constant 0 : index
    %get3A_21 = arith.constant 0 : index
    %get3A_22 = arith.constant 0 : index
    %get3A_23 = vector.load %arg2[%get3A_20, %get3A_21, %get3A_22] : memref<1x1000x128xf32, #tpu.memory_space<vmem>>, vector<1x1000x128xf32>
    %get3A_24 = vector.shape_cast %get3A_23 : vector<1x1000x128xf32> to vector<1000x128xf32>
    %concatenate3A = tpu.concatenate %get3A_19, %get3A_24 in 1 : vector<1000x128xf32>, vector<1000x128xf32> -> vector<1000x256xf32>
    %get3A_25 = arith.constant 0 : index
    %get3A_26 = arith.constant 0 : index
    %get3A_27 = vector.load %arg6[%get3A_25, %get3A_26] : memref<256x256xf32, #tpu.memory_space<vmem>>, vector<128x256xf32>
    %dot_general3A = arith.constant dense<0.000000e+00> : vector<1000x256xf32>
    %dot_general3A_28 = tpu.matmul %mul3A_9, %get3A_27, %dot_general3A {dimension_numbers = #tpu.dot_dimension_numbers<[1], [0], [0], [1], [0, 0, 1, 1], [], []>, transpose_lhs_hint = false} : vector<1000x128xf32>, vector<128x256xf32>, vector<1000x256xf32> -> vector<1000x256xf32>
    %add3A = arith.addf %concatenate3A, %dot_general3A_28 : vector<1000x256xf32>
    %get3A_29 = arith.constant 128 : index
    %get3A_30 = arith.constant 0 : index
    %get3A_31 = vector.load %arg6[%get3A_29, %get3A_30] : memref<256x256xf32, #tpu.memory_space<vmem>>, vector<128x256xf32>
    %dot_general3A_32 = arith.constant dense<0.000000e+00> : vector<1000x256xf32>
    %dot_general3A_33 = tpu.matmul %mul3A_14, %get3A_31, %dot_general3A_32 {dimension_numbers = #tpu.dot_dimension_numbers<[1], [0], [0], [1], [0, 0, 1, 1], [], []>, transpose_lhs_hint = false} : vector<1000x128xf32>, vector<128x256xf32>, vector<1000x256xf32> -> vector<1000x256xf32>
    %add3A_34 = arith.addf %add3A, %dot_general3A_33 : vector<1000x256xf32>
    %max3A_35 = arith.constant 0.000000e+00 : f32
    %max3A_36 = vector.broadcast %max3A_35 : f32 to vector<1000x256xf32>
    %max3A_37 = arith.maximumf %add3A_34, %max3A_36 : vector<1000x256xf32>
    %slice3A = vector.extract_strided_slice %max3A_37 {offsets = [0, 0], sizes = [1000, 128], strides = [1, 1]} : vector<1000x256xf32> to vector<1000x128xf32>
    %swap3A = arith.constant 0 : index
    %swap3A_38 = arith.constant 0 : index
    %swap3A_39 = arith.constant 0 : index
    %swap3A_40 = vector.load %arg7[%swap3A, %swap3A_38, %swap3A_39] : memref<2x1000x128xf32, #tpu.memory_space<vmem>>, vector<1x1000x128xf32>
    %swap3A_41 = vector.shape_cast %swap3A_40 : vector<1x1000x128xf32> to vector<1000x128xf32>
    %swap3A_42 = vector.shape_cast %slice3A : vector<1000x128xf32> to vector<1x1000x128xf32>
    tpu.vector_store %arg7[%swap3A, %swap3A_38, %swap3A_39], %swap3A_42 {strides = array<i32>} : memref<2x1000x128xf32, #tpu.memory_space<vmem>>, vector<1x1000x128xf32>,
    %slice3A_43 = vector.extract_strided_slice %max3A_37 {offsets = [0, 128], sizes = [1000, 128], strides = [1, 1]} : vector<1000x256xf32> to vector<1000x128xf32>
    %swap3A_44 = arith.constant 1 : index
    %swap3A_45 = arith.constant 0 : index
    %swap3A_46 = arith.constant 0 : index
    %swap3A_47 = vector.load %arg7[%swap3A_44, %swap3A_45, %swap3A_46] : memref<2x1000x128xf32, #tpu.memory_space<vmem>>, vector<1x1000x128xf32>
    %swap3A_48 = vector.shape_cast %swap3A_47 : vector<1x1000x128xf32> to vector<1000x128xf32>
    %swap3A_49 = vector.shape_cast %slice3A_43 : vector<1000x128xf32> to vector<1x1000x128xf32>
    tpu.vector_store %arg7[%swap3A_44, %swap3A_45, %swap3A_46], %swap3A_49 {strides = array<i32>} : memref<2x1000x128xf32, #tpu.memory_space<vmem>>, vector<1x1000x128xf32>,
    return
  }
  func.func @transform_0(%arg0: i32) -> (i32, i32, i32) {
    %c0_i32 = arith.constant 0 : i32
    %c0_i32_0 = arith.constant 0 : i32
    %c0_i32_1 = arith.constant 0 : i32
    return %c0_i32, %arg0, %c0_i32_0 : i32, i32, i32
  }
  func.func @transform_1(%arg0: i32) -> (i32, i32, i32) {
    %c1_i32 = arith.constant 1 : i32
    %c0_i32 = arith.constant 0 : i32
    %c0_i32_0 = arith.constant 0 : i32
    return %c1_i32, %arg0, %c0_i32 : i32, i32, i32
  }
  func.func @transform_2(%arg0: i32) -> (i32, i32) {
    %c0_i32 = arith.constant 0 : i32
    %c0_i32_0 = arith.constant 0 : i32
    return %arg0, %c0_i32 : i32, i32
  }
  func.func @transform_3(%arg0: i32) -> (i32, i32) {
    %c0_i32 = arith.constant 0 : i32
    %c0_i32_0 = arith.constant 0 : i32
    return %arg0, %c0_i32 : i32, i32
  }
  func.func @transform_4(%arg0: i32) -> (i32, i32) {
    %c0_i32 = arith.constant 0 : i32
    %c0_i32_0 = arith.constant 0 : i32
    return %arg0, %c0_i32 : i32, i32
  }
  func.func @transform_5(%arg0: i32) -> (i32, i32) {
    %c0_i32 = arith.constant 0 : i32
    %c0_i32_0 = arith.constant 0 : i32
    %c0_i32_1 = arith.constant 0 : i32
    return %c0_i32, %c0_i32_0 : i32, i32
  }
  func.func @transform_6(%arg0: i32) -> (i32, i32, i32) {
    %c0_i32 = arith.constant 0 : i32
    %c0_i32_0 = arith.constant 0 : i32
    %c0_i32_1 = arith.constant 0 : i32
    return %c0_i32, %arg0, %c0_i32_0 : i32, i32, i32
  }
}

module attributes {stable_mosaic.version = 14 : i64} {
  func.func @body(%arg0: i32, %arg1: memref<1x1000x128xf32, #tpu.memory_space<vmem>>, %arg2: memref<1x1000x128xf32, #tpu.memory_space<vmem>>, %arg3: memref<1000x128xf32, #tpu.memory_space<vmem>>, %arg4: memref<1000x128xf32, #tpu.memory_space<vmem>>, %arg5: memref<1000x1xf32, #tpu.memory_space<vmem>>, %arg6: memref<256x256xf32, #tpu.memory_space<vmem>>, %arg7: memref<1000x256xf32, #tpu.memory_space<vmem>>) attributes {dimension_semantics = [#tpu.dimension_semantics<arbitrary>], iteration_bounds = array<i64: 10>, scalar_prefetch = 0 : i64, scratch_operands = 0 : i64, tpu.core_type = #tpu.core_type<tc>, window_params = [{transform_indices = @transform_0, window_bounds = array<i64: 1, 1000, 128>}, {transform_indices = @transform_1, window_bounds = array<i64: 1, 1000, 128>}, {transform_indices = @transform_2, window_bounds = array<i64: 1000, 128>}, {transform_indices = @transform_3, window_bounds = array<i64: 1000, 128>}, {transform_indices = @transform_4, window_bounds = array<i64: 1000, 1>}, {pipeline_mode = #tpu.pipeline_mode<synchronous>, transform_indices = @transform_5, window_bounds = array<i64: 256, 256>}, {transform_indices = @transform_6, window_bounds = array<i64: 1000, 256>}]} {
    %get3A = arith.constant 0 : index
    %get3A_0 = arith.constant 0 : index
    %get3A_1 = vector.load %arg5[%get3A, %get3A_0] : memref<1000x1xf32, #tpu.memory_space<vmem>>, vector<1000x1xf32>
    %max3A = arith.constant 1.000000e+00 : f32
    %max3A_2 = vector.broadcast %max3A : f32 to vector<1000x1xf32>
    %max3A_3 = arith.maximumf %get3A_1, %max3A_2 : vector<1000x1xf32>
    %div3A = arith.constant 1.000000e+00 : f32
    %div3A_4 = vector.broadcast %div3A : f32 to vector<1000x1xf32>
    %div3A_5 = arith.divf %div3A_4, %max3A_3 : vector<1000x1xf32>
    %get3A_6 = arith.constant 0 : index
    %get3A_7 = arith.constant 0 : index
    %get3A_8 = vector.load %arg3[%get3A_6, %get3A_7] : memref<1000x128xf32, #tpu.memory_space<vmem>>, vector<1000x128xf32>
    %mul3A = vector.broadcast %div3A_5 : vector<1000x1xf32> to vector<1000x128xf32>
    %mul3A_9 = arith.mulf %get3A_8, %mul3A : vector<1000x128xf32>
    %get3A_10 = arith.constant 0 : index
    %get3A_11 = arith.constant 0 : index
    %get3A_12 = vector.load %arg4[%get3A_10, %get3A_11] : memref<1000x128xf32, #tpu.memory_space<vmem>>, vector<1000x128xf32>
    %mul3A_13 = vector.broadcast %div3A_5 : vector<1000x1xf32> to vector<1000x128xf32>
    %mul3A_14 = arith.mulf %get3A_12, %mul3A_13 : vector<1000x128xf32>
    %get3A_15 = arith.constant 0 : index
    %get3A_16 = arith.constant 0 : index
    %get3A_17 = arith.constant 0 : index
    %get3A_18 = vector.load %arg1[%get3A_15, %get3A_16, %get3A_17] : memref<1x1000x128xf32, #tpu.memory_space<vmem>>, vector<1x1000x128xf32>
    %get3A_19 = vector.shape_cast %get3A_18 : vector<1x1000x128xf32> to vector<1000x128xf32>
    %get3A_20 = arith.constant 0 : index
    %get3A_21 = arith.constant 0 : index
    %get3A_22 = arith.constant 0 : index
    %get3A_23 = vector.load %arg2[%get3A_20, %get3A_21, %get3A_22] : memref<1x1000x128xf32, #tpu.memory_space<vmem>>, vector<1x1000x128xf32>
    %get3A_24 = vector.shape_cast %get3A_23 : vector<1x1000x128xf32> to vector<1000x128xf32>
    %concatenate3A = tpu.concatenate %get3A_19, %get3A_24 in 1 : vector<1000x128xf32>, vector<1000x128xf32> -> vector<1000x256xf32>
    %get3A_25 = arith.constant 0 : index
    %get3A_26 = arith.constant 0 : index
    %get3A_27 = vector.load %arg6[%get3A_25, %get3A_26] : memref<256x256xf32, #tpu.memory_space<vmem>>, vector<128x256xf32>
    %dot_general3A = arith.constant dense<0.000000e+00> : vector<1000x256xf32>
    %dot_general3A_28 = tpu.matmul %mul3A_9, %get3A_27, %dot_general3A {dimension_numbers = #tpu.dot_dimension_numbers<[1], [0], [0], [1], [0, 0, 1, 1], [], []>, transpose_lhs_hint = false} : vector<1000x128xf32>, vector<128x256xf32>, vector<1000x256xf32> -> vector<1000x256xf32>
    %add3A = arith.addf %concatenate3A, %dot_general3A_28 : vector<1000x256xf32>
    %get3A_29 = arith.constant 128 : index
    %get3A_30 = arith.constant 0 : index
    %get3A_31 = vector.load %arg6[%get3A_29, %get3A_30] : memref<256x256xf32, #tpu.memory_space<vmem>>, vector<128x256xf32>
    %dot_general3A_32 = arith.constant dense<0.000000e+00> : vector<1000x256xf32>
    %dot_general3A_33 = tpu.matmul %mul3A_14, %get3A_31, %dot_general3A_32 {dimension_numbers = #tpu.dot_dimension_numbers<[1], [0], [0], [1], [0, 0, 1, 1], [], []>, transpose_lhs_hint = false} : vector<1000x128xf32>, vector<128x256xf32>, vector<1000x256xf32> -> vector<1000x256xf32>
    %add3A_34 = arith.addf %add3A, %dot_general3A_33 : vector<1000x256xf32>
    %swap3A = arith.constant 0 : index
    %swap3A_35 = arith.constant 0 : index
    %swap3A_36 = vector.load %arg7[%swap3A, %swap3A_35] : memref<1000x256xf32, #tpu.memory_space<vmem>>, vector<1000x256xf32>
    tpu.vector_store %arg7[%swap3A, %swap3A_35], %add3A_34 {strides = array<i32>} : memref<1000x256xf32, #tpu.memory_space<vmem>>, vector<1000x256xf32>,
    return
  }
  func.func @transform_0(%arg0: i32) -> (i32, i32, i32) {
    %c0_i32 = arith.constant 0 : i32
    %c0_i32_0 = arith.constant 0 : i32
    %c0_i32_1 = arith.constant 0 : i32
    return %c0_i32, %arg0, %c0_i32_0 : i32, i32, i32
  }
  func.func @transform_1(%arg0: i32) -> (i32, i32, i32) {
    %c1_i32 = arith.constant 1 : i32
    %c0_i32 = arith.constant 0 : i32
    %c0_i32_0 = arith.constant 0 : i32
    return %c1_i32, %arg0, %c0_i32 : i32, i32, i32
  }
  func.func @transform_2(%arg0: i32) -> (i32, i32) {
    %c0_i32 = arith.constant 0 : i32
    %c0_i32_0 = arith.constant 0 : i32
    return %arg0, %c0_i32 : i32, i32
  }
  func.func @transform_3(%arg0: i32) -> (i32, i32) {
    %c0_i32 = arith.constant 0 : i32
    %c0_i32_0 = arith.constant 0 : i32
    return %arg0, %c0_i32 : i32, i32
  }
  func.func @transform_4(%arg0: i32) -> (i32, i32) {
    %c0_i32 = arith.constant 0 : i32
    %c0_i32_0 = arith.constant 0 : i32
    return %arg0, %c0_i32 : i32, i32
  }
  func.func @transform_5(%arg0: i32) -> (i32, i32) {
    %c0_i32 = arith.constant 0 : i32
    %c0_i32_0 = arith.constant 0 : i32
    %c0_i32_1 = arith.constant 0 : i32
    return %c0_i32, %c0_i32_0 : i32, i32
  }
  func.func @transform_6(%arg0: i32) -> (i32, i32) {
    %c0_i32 = arith.constant 0 : i32
    %c0_i32_0 = arith.constant 0 : i32
    return %arg0, %c0_i32 : i32, i32
  }
}

</mosaic_0001>

<sc_bundles>
// kernel: kernel.11.cloned.1.call-start
scs
__scs_entry_jumppad:
0x0: {  	(pc) =	sbr.rel $0x88, $3  }
0x1: {  	(tag) =	ssettag $0x0;
	lr =	simm.s32 $0x1  }
0x2: {  	[smem:$0x3F99] =	sst lr;
	_ =	strace $0xD0000000  }
0x3: {  	_ = 	snop  }
0x4: {  	_ = 	snop  }
0x5: {  	_ = 	snop  }
0x6: {  	_ = 	snop  }
0x7: {  	_ = 	snop  }
__scs_overlays_trampoline_lowered:
0x8: {  	[smem:$0x3FA8] =	sst s0  }
0x9: {  	[smem:$0x3FA9] =	sst s1  }
0xa: {  	[smem:$0x3FAA] =	sst s2  }
0xb: {  	[smem:$0x3FAB] =	sst s3  }
0xc: {  	[smem:$0x3FAC] =	sst s4  }
0xd: {  	[smem:$0x3FAD] =	sst s5  }
0xe: {  	[smem:$0x3FAE] =	sst s6  }
0xf: {  	[smem:$0x3FAF] =	sst s7  }
0x10: {  	[smem:$0x3FB0] =	sst s8  }
0x11: {  	[smem:$0x3FB1] =	sst s9;
	s0 =	simm.s32 @!p0 $0x0  }
0x12: {  	s1 =	sld [smem:$0x3F97];
	s0 =	simm.s32 @p0 $0x1  }
0x13: {  	[smem:$0x3FB2] =	sst s0;
	s0 =	simm.s32 @!p1 $0x0  }
0x14: {  	s2 =	sld [smem:$0x3F96];
	s0 =	simm.s32 @p1 $0x1  }
0x15: {  	[smem:$0x3FB3] =	sst s0;
	s0 =	simm.s32 @!p2 $0x0  }
0x16: {  	s3 =	sld [smem:$0x3FDB];
	s0 =	simm.s32 @p2 $0x1  }
0x17: {  	s4 =	simm.s32 $0x1BF5;
	[smem:$0x3FB5] =	sst s0  }
0x18: {  	s0 =	sld [smem:$0x3F98];
	_ =	swait.ge [sflag:s4], $0x0  }
0x19: {  	s7 =	sld [smem:$0x3F99]  }
0x1a: {  	s8 =	sadd.s32 $0xFFFFE003, lr  }
0x1b: {  	s9 =	sadd.s32 $0xFFFFFEF7, lr;
	s5 =	simm.s32 $0xFFFFFFFF;
	p2 =	slt.u32 s8, $0xFFFFF086  }
0x1c: {  	p1 =	slt.u32 s9, $0xF7A;
	s5 =	simm.s32 @!p2 $0x0  }
0x1d: {  	s5 =	simm.s32 @p1 $0x1;
	p0 =	seq.s32 s7, s2  }
0x1e: {  	s7 =	smul.u32 @!p0 $0xF7A, s2;
	p2 =	seq.s32 @!p0 s5, $0x0  }
0x1f: {  	s9 =	smul.u32 $0xF7A, s1;
	s8 =	simm.s32 @!p0 $0x1BF5;
	p2 =	por !p2, p0  }
0x20: {  	[sflag:s8] =	ssyncset.s32 @!p0 $0xFFFFF086;
	s6 =	sadd.s32 @!p0 s3, s7;
	s7 =	simm.s32 @!p0 $0x108  }
0x21: {  	s3 =	sadd.s32 s3, s9;
	s6 =	sadd.s32 @!p0 $0x88, s6;
	s7 =	simm.s32 @p2 $0x1082  }
0x22: {  	[simem:s7], [sflag:s8] =	dma.local @!p0 [hbm:s6], $0xF7A  }
0x23: {  	s9 =	sor.u32 $0xD0000000, s2;
	s6 =	simm.s32 $0x108;
	_ =	swait.ge @!p0 [sflag:s8], $0x0  }
0x24: {  	s3 =	sadd.s32 $0x88, s3;
	s6 =	simm.s32 @!p1 $0x1082;
	[sflag:s4] =	ssyncset.s32 $0xFFFFF086  }
0x25: {  	[simem:s6], [sflag:s4] =	dma.local [hbm:s3], $0xF7A  }
0x26: {  	[smem:$0x3F99] =	sst s1;
	(tag) =	ssettag s2;
	_ =	strace s9  }
0x27: {  	s1 =	sld [smem:$0x3FA9]  }
0x28: {  	s2 =	sld [smem:$0x3FAA]  }
0x29: {  	s4 =	sld [smem:$0x3FAC]  }
0x2a: {  	p0 =	seq.s32 s5, $0x0;
	s5 =	sld [smem:$0x3FAD]  }
0x2b: {  	s6 =	sld [smem:$0x3FAE]  }
0x2c: {  	s7 =	sld [smem:$0x3FAF]  }
0x2d: {  	s3 =	simm.s32 $0x108;
	s8 =	sld [smem:$0x3FB0]  }
0x2e: {  	s3 =	simm.s32 @!p0 $0x1082;
	s9 =	sld [smem:$0x3FB1]  }
0x2f: {  	lr =	sadd.s32 s0, s3;
	s0 =	sld [smem:$0x3FA8]  }
0x30: {  	s3 =	sld [smem:$0x3FAB]  }
0x31: {  	[smem:$0x3FB4] =	sst s10  }
0x32: {  	s10 =	sld [smem:$0x3FB2];
	_ =	sdelay $0x3  }
0x33: {  	p0 =	seq.s32 s10, $0x1;
	s10 =	sld [smem:$0x3FB4];
	_ =	sdelay $0x3  }
0x34: {  	[smem:$0x3FB4] =	sst s10  }
0x35: {  	s10 =	sld [smem:$0x3FB3];
	_ =	sdelay $0x3  }
0x36: {  	p1 =	seq.s32 s10, $0x1;
	s10 =	sld [smem:$0x3FB4];
	_ =	sdelay $0x3  }
0x37: {  	[smem:$0x3FB4] =	sst s10  }
0x38: {  	s10 =	sld [smem:$0x3FB5]  }
0x39: {  	_ = 	snop;
	(pc) =	sbr.ind lr, $3  }
0x3a: {  	_ = 	snop  }
0x3b: {  	_ = 	snop  }
0x3c: {  	p2 =	seq.s32 s10, $0x1;
	s10 =	sld [smem:$0x3FB4]  }
0x3d: {  	_ =	shalt  }
0x3e: {  	_ =	shalt  }
0x3f: {  	_ =	shalt  }
0x40: {  	_ =	shalt  }
0x41: {  	_ =	shalt  }
0x42: {  	_ =	shalt  }
0x43: {  	_ =	shalt  }
0x44: {  	_ =	shalt  }
0x45: {  	_ =	shalt  }
0x46: {  	_ =	shalt  }
0x47: {  	_ =	shalt  }
0x48: {  	_ =	shalt  }
0x49: {  	_ =	shalt  }
0x4a: {  	_ =	shalt  }
0x4b: {  	_ =	shalt  }
0x4c: {  	_ =	shalt  }
0x4d: {  	_ =	shalt  }
0x4e: {  	_ =	shalt  }
0x4f: {  	_ =	shalt  }
0x50: {  	_ =	shalt  }
0x51: {  	_ =	shalt  }
0x52: {  	_ =	shalt  }
0x53: {  	_ =	shalt  }
0x54: {  	_ =	shalt  }
0x55: {  	_ =	shalt  }
0x56: {  	_ =	shalt  }
0x57: {  	_ =	shalt  }
0x58: {  	_ =	shalt  }
0x59: {  	_ =	shalt  }
0x5a: {  	_ =	shalt  }
0x5b: {  	_ =	shalt  }
0x5c: {  	_ =	shalt  }
0x5d: {  	_ =	shalt  }
0x5e: {  	_ =	shalt  }
0x5f: {  	_ =	shalt  }
0x60: {  	_ =	shalt  }
0x61: {  	_ =	shalt  }
0x62: {  	_ =	shalt  }
0x63: {  	_ =	shalt  }
0x64: {  	_ =	shalt  }
0x65: {  	_ =	shalt  }
0x66: {  	_ =	shalt  }
0x67: {  	_ =	shalt  }
0x68: {  	_ =	shalt  }
0x69: {  	_ =	shalt  }
0x6a: {  	_ =	shalt  }
0x6b: {  	_ =	shalt  }
0x6c: {  	_ =	shalt  }
0x6d: {  	_ =	shalt  }
0x6e: {  	_ =	shalt  }
0x6f: {  	_ =	shalt  }
0x70: {  	_ =	shalt  }
0x71: {  	_ =	shalt  }
0x72: {  	_ =	shalt  }
0x73: {  	_ =	shalt  }
0x74: {  	_ =	shalt  }
0x75: {  	_ =	shalt  }
0x76: {  	_ =	shalt  }
0x77: {  	_ =	shalt  }
0x78: {  	_ =	shalt  }
0x79: {  	_ =	shalt  }
0x7a: {  	_ =	shalt  }
0x7b: {  	_ =	shalt  }
0x7c: {  	_ =	shalt  }
0x7d: {  	_ =	shalt  }
0x7e: {  	_ =	shalt  }
0x7f: {  	_ =	shalt  }
0x80: {  	_ =	shalt  }
0x81: {  	_ =	shalt  }
0x82: {  	_ =	shalt  }
0x83: {  	_ =	shalt  }
0x84: {  	_ =	shalt  }
0x85: {  	_ =	shalt  }
0x86: {  	_ =	shalt  }
0x87: {  	_ =	shalt  }
.Lfunc_end0:
.L_simem_size_0:
called_computation.1_lowered:
.L_overlay_start_0:
0x88: {  	s2 =	sld [smem:$0x3FD9]  }
0x89: {  	s3 =	sld [smem:$0x3FFE];
	_ =	sdelay $0x1  }
0x8a: {  	s1 =	srdreg.scid  }
0x8b: {  	s0 =	sand.u32 $0x1, s1  }
0x8c: {  	s17 =	sshll.u32 s0, $0xA;
	s2 =	sadd.s32 s3, s2  }
0x8d: {  	s2 =	sadd.s32 s2, s17  }
0x8e: {  	[smem:$0x3FC0] =	sst s2  }
0x8f: {  	_ = 	snop  }
0x90: {  	s2 =	sld [smem:$0x3FD0];
	(tm) =	ssettm $0x1  }
0x91: {  	s18 =	sld [smem:$0x3FFB];
	_ =	sdelay $0x3  }
0x92: {  	_ =	strace s18  }
0x93: {  	s3 =	sld [smem:$0x3FFC];
	_ =	sdelay $0x3  }
0x94: {  	_ =	strace s3  }
0x95: {  	s3 =	sld [smem:$0x3FFD];
	_ =	sdelay $0x3  }
0x96: {  	_ =	strace s3  }
0x97: {  	_ =	strace $0x8FFFFFFF  }
0x98: {  	s19 =	sld [smem:$0x3FDB];
	_ =	sdelay $0x1  }
0x99: {  	s4 =	simm.s32 $_scs_section_size  }
0x9a: {  	s5 =	simm.s32 $_size__tile_overlayer_lowered;
	s6 =	simm.s32 $_tile_overlayer_lowered  }
0x9b: {  	s22 =	simm.s32 $0x1BFF;
	s21 =	sshll.u32 s6, $0x1;
	s3 =	sadd.s32 s4, s19  }
0x9c: {  	s7 =	simm.s32 $0x0;
	s20 =	sshll.u32 s5, $0x1;
	s5 =	sadd.s32 s21, s3  }
0x9d: {  	[timem:s7], [sflag:s22] =	dma.local [hbm:s5], s20  }
0x9e: {  	_ =	swait.ge [sflag:s22], s20  }
0x9f: {  	s4 =	ssub.s32 $0x0, s20;
	[sflag:s22] =	ssyncset.done $0x0  }
0xa0: {  	[sflag:s22] =	ssyncadd.s32 s4;
	_ =	sdelay $0x1  }
0xa1: {  	s23 =	simm.s32 $0x1B8B  }
0xa2: {  	_ =	swait.ge [sflag:s23], $0x1  }
0xa3: {  	[sflag:s23] =	ssyncset.done $0x0  }
0xa4: {  	s25 =	simm.s32 $0x1B8E;
	s24 =	sld [smem:$0x3FFE];
	[sflag:s23] =	ssyncadd.s32 $0xFFFFFFFF  }
0xa5: {  	s26 =	simm.s32 $execute0_lowered;
	[smem:$0x3FD2] =	sst s25  }
0xa6: {  	s5 =	sshll.u32 s26, $0x1;
	_ =	strace $0x80000049;
	[dreg:$0x1] =	wrdreg $0xFFFFFFFF  }
0xa7: {  	s28 =	simm.s32 $_size_execute0_lowered;
	s3 =	sadd.s32 s3, s5;
	[dreg:$0x0] =	wrdreg $0x0  }
0xa8: {  	s5 =	sshll.u32 s28, $0x1;
	[dreg:$0x2] =	wrdreg s3  }
0xa9: {  	[dreg:$0x3] =	wrdreg s5  }
0xaa: {  	[dreg:$0x4] =	wrdreg $0xC0  }
0xab: {  	_ =	task [dreg:s7], $0x5FFFF  }
0xac: {  	[dreg:$0x1] =	wrdreg $0xFFFFFFFF  }
0xad: {  	[dreg:$0x0] =	wrdreg $0x60  }
0xae: {  	[dreg:$0x2] =	wrdreg s2  }
0xaf: {  	[dreg:$0x3] =	wrdreg s24  }
0xb0: {  	[dreg:$0x4] =	wrdreg $0xA9800  }
0xb1: {  	[dreg:$0x5] =	wrdreg $0x1E9800  }
0xb2: {  	[dreg:$0x6] =	wrdreg $0x9  }
0xb3: {  	_ =	task.clear_ibuf [dreg:s7], $0x7FFFF;
	_ =	strace $0x90000049  }
0xb4: {  	s29 =	simm.s32 $0x9;
	_ =	strace $0x8000004B  }
0xb5: {  	_ =	swait.ge [sflag:s29], $0x1  }
0xb6: {  	[sflag:s29] =	ssyncadd.s32 $0xFFFFFFFF  }
0xb7: {  	_ =	strace $0x9000004B  }
0xb8: {  	_ =	sfence  }
0xb9: {  	s30 =	sld [smem:$0x0];
	_ =	sdelay $0x2  }
0xba: {  	s31 =	sshll.u32 s1, $0xD;
	s1 =	sshrl.u32 s1, $0x2  }
0xbb: {  	s3 =	sand.u32 $0x4000, s31;
	s1 =	sadd.s32 s1, s30  }
0xbc: {  	s0 =	sor.u32 s3, s0;
	s1 =	sshll.u32 s1, $0x11  }
0xbd: {  	s0 =	sor.u32 s1, s0  }
0xbe: {  	s0 =	sadd.s32 $0x8F2B, s0  }
0xbf: {  	[sflag:s0] =	ssyncadd.remote.s32 $0x1  }
0xc0: {  	_ =	sfence.sel $0xFFFF  }
0xc1: {  	[dreg:$0x0] =	wrdreg $0xFFFFFFFF;
	(pc) =	sbr.abs _section_cstart, $3  }
0xc2: {  	[dreg:$0x1] =	wrdreg $0xFFFFFFFF  }
0xc3: {  	_ =	task.clear_ibuf [dreg:s7], $0x2FFFF;
	_ =	strace $0x9FFFFFFF  }
0xc4: {  	(tm) =	ssettm $0x7FFFFFFF  }
0xc5: {  	_ =	shalt  }
tec
execute0_lowered:
.L_overlay_start_1:
0x0: {  	(tag) =	ssettag $0x1  }
0x1: {  	s1 =	rddreg [dreg:$0x0]  }
0x2: {  	s0 =	rddreg [dreg:$0x1]  }
0x3: {  	s3 =	rddreg [dreg:$0x2]  }
0x4: {  	s2 =	rddreg [dreg:$0x3];
	s14 =	stileid.u32  }
0x5: {  	s5 =	srdreg.scid;
	s7 =	smul.u32 $0x2800, s14  }
0x6: {  	s4 =	simm.s32 $0x0;
	s29 =	simm.s32 $0x80;
	s13 =	smul.u32 $0x280, s14  }
0x7: {  	s31 =	simm.s32 $0x8;
	s8 =	sand.u32 $0x1, s5;
	s19 =	smul.u32 $0x50000, s14  }
0x8: {  	[smem:$0x7FF] =	sst s4;
	s5 =	sadd.s32 $0x8C00, s0;
	s6 =	smul.u32 $0x28000, s8  }
0x9: {  	_ =	strace $0x8000004A;
	s10 =	ssub.s32 $0x2, s8;
	p0 =	seq.s32 s8, $0x1  }
0xa: {  	s8 =	simm.s32 $0x3B200;
	s9 =	sshrl.u32 s7, $0x3;
	s12 =	sshrl.u32 s10, $0x1  }
0xb: {  	s21 =	sshrl.u32 s19, $0x2;
	s22 =	sadd.s32 $0x80, s13;
	s23 =	sadd.s32 s13, s2  }
0xc: {  	s26 =	sadd.s32 $0x100, s13;
	s30 =	sadd.s32 $0x180, s13;
	s13 =	sadd.s32 $0x200, s13  }
0xd: {  	s8 =	simm.s32 @!p0 $0x13200;
	s6 =	sadd.s32 s7, s6;
	s9 =	sadd.s32 s9, s0  }
0xe: {  	s14 =	ssub.s32 s10, s12;
	s10 =	sadd.s32 s21, s3;
	[dreg:$0x7] =	wrdreg s23  }
0xf: {  	s24 =	sshll.u32 s22, $0x7;
	s25 =	sadd.s32 s22, s2;
	s15 =	sshll.u32 s26, $0x7  }
0x10: {  	s16 =	sadd.s32 s26, s2;
	s17 =	sshll.u32 s30, $0x4;
	s0 =	sadd.s32 s8, s0  }
0x11: {  	s19 =	sshll.u32 s13, $0x4;
	s23 =	sshll.u32 s30, $0x7;
	s8 =	simm.s32 $0x5  }
0x12: {  	s11 =	sshrl.u32 s6, $0x3;
	s9 =	sadd.s32 $0x3C00, s9;
	[dreg:$0x8] =	wrdreg s25  }
0x13: {  	s12 =	sadd.s32 s24, s3;
	[dreg:$0x9] =	wrdreg s16;
	s7 =	sadd.s32 s0, s7  }
0x14: {  	s24 =	sadd.s32 s30, s2;
	s2 =	sadd.s32 s13, s2;
	s25 =	sshll.u32 s13, $0x7  }
0x15: {  	s23 =	sadd.s32 s23, s3;
	s13 =	simm.s32 $0x6900;
	[dreg:$0x6] =	wrdreg s9  }
0x16: {  	s16 =	simm.s32 $0x4;
	s18 =	sadd.s32 s5, s11;
	[dreg:$0xa] =	wrdreg s7  }
0x17: {  	s11 =	sshll.u32 s22, $0x4;
	s9 =	sshll.u32 s26, $0x4;
	[dreg:$0xf] =	wrdreg s24  }
0x18: {  	s22 =	sadd.s32 s0, s17;
	[dreg:$0x10] =	wrdreg s2;
	s24 =	sadd.s32 s25, s3  }
0x19: {  	s26 =	smax.u32 s14, $0x1;
	s2 =	simm.s32 $0x7;
	s14 =	simm.s32 $0x2  }
0x1a: {  	s17 =	simm.s32 $0x0;
	s20 =	sadd.s32 $0x10, s18;
	[dreg:$0xd] =	wrdreg s22  }
0x1b: {  	s21 =	sadd.s32 s0, s9;
	s22 =	sadd.s32 s15, s3;
	[dreg:$0x11] =	wrdreg s26  }
0x1c: {  	s30 =	sadd.s32 $0x20, s18;
	s26 =	smov.u32 s18;
	[dreg:$0x5] =	wrdreg s20  }
0x1d: {  	s28 =	sadd.s32 $0x30, s18;
	s9 =	simm.s32 $0x1;
	[dreg:$0xc] =	wrdreg s21  }
0x1e: {  	s15 =	simm.s32 $0x3;
	s20 =	sadd.s32 s0, s11;
	[dreg:$0x12] =	wrdreg s30  }
0x1f: {  	s0 =	sadd.s32 s0, s19;
	s11 =	simm.s32 $0x6;
	[dreg:$0xb] =	wrdreg s20  }
0x20: {  	v0 =	vimm.f32 $0.0e+00;
	v1 =	vimm.f32 $1.000000000e+00;
	[dreg:$0xe] =	wrdreg s0;
	s20 =	simm.s32 $0x100;
	s0 =	simm.s32 $0x2900  }
.LBB2_1:
0x21: {  	[tilespmem:s4], [sflag:$0x5] =	stream.linear.gather [hbm4b:s26+s4], $0x80, $0x38;
	[tilespmem:$0x1EC00] =	vst v63  }
0x22: {  	s7 =	rddreg [dreg:$0x5]  }
0x23: {  	[tilespmem:s29], [sflag:$0x6] =	stream.linear.gather [hbm4b:s7+s4], $0x80, $0x38;
	[tilespmem:$0x1EC00] =	vst v63  }
0x24: {  	s30 =	rddreg [dreg:$0x6]  }
0x25: {  	[tilespmem:s20], [sflag:$0x8] =	stream.linear.gather [hbm4b:s30+s4], $0x2800, $0x38;
	[tilespmem:$0x1EC00] =	vst v63  }
0x26: {  	_ =	swait.ge [sflag:s31], $0x2800  }
0x27: {  	[sflag:s31] =	ssyncset.done $0x0  }
0x28: {  	s18 =	simm.s32 $0x0;
	s19 =	simm.s32 $0x200;
	[sflag:s31] =	ssyncadd.s32 $0xFFFFD800  }
.LBB2_2:
0x29: {  	p0 =	sne.s32 s19, $0xFE00;
	[tilespmem:s18+$0x2970] =	vst v0  }
0x2a: {  	[tilespmem:s18+$0x2900] =	vst v0  }
0x2b: {  	[tilespmem:s18+$0x2910] =	vst v0  }
.Ltmp0:
0x2c: {  	[tilespmem:s18+$0x2920] =	vst v0;
	(pc) =	sbr.rel @p0 .LBB2_2-.Ltmp0, $4  }
0x2d: {  	[tilespmem:s18+$0x2930] =	vst v0  }
0x2e: {  	[tilespmem:s18+$0x2940] =	vst v0  }
0x2f: {  	[tilespmem:s18+$0x2950] =	vst v0  }
0x30: {  	[tilespmem:s18+$0x2960] =	vst v0;
	s18 =	sshra.s32 s19, $0x2;
	s19 =	sadd.s32 $0x200, s19  }
0x31: {  	[tilespmem:s18+$0x2970] =	vst v0  }
0x32: {  	[tilespmem:s18+$0x2900] =	vst v0  }
0x33: {  	[tilespmem:s18+$0x2910] =	vst v0  }
0x34: {  	[tilespmem:s18+$0x2920] =	vst v0  }
0x35: {  	[tilespmem:s18+$0x2930] =	vst v0  }
0x36: {  	[tilespmem:s18+$0x2940] =	vst v0  }
0x37: {  	[tilespmem:s18+$0x2950] =	vst v0  }
0x38: {  	[tilespmem:s18+$0x2960] =	vst v0  }
0x39: {  	[spmem:s10] =	stream.linear.scatter [tilespmem:s0], [sflag:$0x7], $0x4000, $0x38;
	[tilespmem:$0x1EC00] =	vst v63  }
0x3a: {  	s7 =	rddreg [dreg:$0x7]  }
0x3b: {  	[spmem:s7] =	stream.linear.scatter [tilespmem:s0], [sflag:$0x7], $0x80, $0x38;
	[tilespmem:$0x1EC00] =	vst v63  }
0x3c: {  	_ = 	snop  }
0x3d: {  	[spmem:s12] =	stream.linear.scatter [tilespmem:s0], [sflag:$0x7], $0x4000, $0x38;
	[tilespmem:$0x1EC00] =	vst v63  }
0x3e: {  	s19 =	rddreg [dreg:$0x8]  }
0x3f: {  	[spmem:s19] =	stream.linear.scatter [tilespmem:s0], [sflag:$0x7], $0x80, $0x38;
	[tilespmem:$0x1EC00] =	vst v63  }
0x40: {  	_ = 	snop  }
0x41: {  	[spmem:s22] =	stream.linear.scatter [tilespmem:s0], [sflag:$0x7], $0x4000, $0x38;
	[tilespmem:$0x1EC00] =	vst v63  }
0x42: {  	s21 =	rddreg [dreg:$0x9]  }
0x43: {  	[spmem:s21] =	stream.linear.scatter [tilespmem:s0], [sflag:$0x7], $0x80, $0x38;
	[tilespmem:$0x1EC00] =	vst v63  }
0x44: {  	_ = 	snop  }
0x45: {  	[spmem:s23] =	stream.linear.scatter [tilespmem:s0], [sflag:$0x7], $0x4000, $0x38;
	[tilespmem:$0x1EC00] =	vst v63  }
0x46: {  	s25 =	rddreg [dreg:$0xf]  }
0x47: {  	[spmem:s25] =	stream.linear.scatter [tilespmem:s0], [sflag:$0x7], $0x80, $0x38;
	[tilespmem:$0x1EC00] =	vst v63  }
0x48: {  	_ = 	snop  }
0x49: {  	[spmem:s24] =	stream.linear.scatter [tilespmem:s0], [sflag:$0x7], $0x4000, $0x38;
	[tilespmem:$0x1EC00] =	vst v63  }
0x4a: {  	s18 =	rddreg [dreg:$0x10]  }
0x4b: {  	[spmem:s18] =	stream.linear.scatter [tilespmem:s0], [sflag:$0x7], $0x80, $0x38;
	[tilespmem:$0x1EC00] =	vst v63  }
0x4c: {  	[tilespmem:$0xA900] =	vst v1  }
0x4d: {  	[tilespmem:$0xA910] =	vst v1  }
0x4e: {  	[tilespmem:$0xA920] =	vst v1  }
0x4f: {  	[tilespmem:$0xA930] =	vst v1  }
0x50: {  	[tilespmem:$0xA940] =	vst v1  }
0x51: {  	[tilespmem:$0xA950] =	vst v1  }
0x52: {  	[tilespmem:$0xA960] =	vst v1  }
0x53: {  	[tilespmem:$0xA970] =	vst v1  }
0x54: {  	_ =	swait.ge [sflag:s2], $0x4000  }
0x55: {  	[sflag:s2] =	ssyncset.done $0x0  }
0x56: {  	[sflag:s2] =	ssyncadd.s32 $0xFFFFC000  }
0x57: {  	_ =	swait.ge [sflag:s2], $0x80  }
0x58: {  	[sflag:s2] =	ssyncset.done $0x0  }
0x59: {  	[sflag:s2] =	ssyncadd.s32 $0xFFFFFF80  }
0x5a: {  	_ =	swait.ge [sflag:s2], $0x4000  }
0x5b: {  	[sflag:s2] =	ssyncset.done $0x0  }
0x5c: {  	[sflag:s2] =	ssyncadd.s32 $0xFFFFC000  }
0x5d: {  	_ =	swait.ge [sflag:s2], $0x80  }
0x5e: {  	[sflag:s2] =	ssyncset.done $0x0  }
0x5f: {  	[sflag:s2] =	ssyncadd.s32 $0xFFFFFF80  }
0x60: {  	_ =	swait.ge [sflag:s2], $0x4000  }
0x61: {  	[sflag:s2] =	ssyncset.done $0x0  }
0x62: {  	[sflag:s2] =	ssyncadd.s32 $0xFFFFC000  }
0x63: {  	_ =	swait.ge [sflag:s2], $0x80  }
0x64: {  	[sflag:s2] =	ssyncset.done $0x0  }
0x65: {  	[sflag:s2] =	ssyncadd.s32 $0xFFFFFF80  }
0x66: {  	_ =	swait.ge [sflag:s2], $0x4000  }
0x67: {  	[sflag:s2] =	ssyncset.done $0x0  }
0x68: {  	[sflag:s2] =	ssyncadd.s32 $0xFFFFC000  }
0x69: {  	_ =	swait.ge [sflag:s2], $0x80  }
0x6a: {  	[sflag:s2] =	ssyncset.done $0x0  }
0x6b: {  	[sflag:s2] =	ssyncadd.s32 $0xFFFFFF80  }
0x6c: {  	_ =	swait.ge [sflag:s2], $0x4000  }
0x6d: {  	[sflag:s2] =	ssyncset.done $0x0  }
0x6e: {  	[sflag:s2] =	ssyncadd.s32 $0xFFFFC000  }
0x6f: {  	_ =	swait.ge [sflag:s2], $0x80  }
0x70: {  	[sflag:s2] =	ssyncset.done $0x0  }
0x71: {  	[sflag:s2] =	ssyncadd.s32 $0xFFFFFF80  }
0x72: {  	[bflag:$0x0] =	sbarrier.arrive $0xFFFF  }
0x73: {  	_ =	swait.ge [sflag:s8], $0x80  }
0x74: {  	[sflag:s8] =	ssyncset.done $0x0  }
0x75: {  	[sflag:s8] =	ssyncadd.s32 $0xFFFFFF80  }
0x76: {  	[tilespmem:s0], [sflag:$0x1] =	stream.indirect.gather [hbm4b:s1+s29], $0x80, s4, s29, $0xb8;
	[tilespmem:$0x1EC00] =	vst v63  }
0x77: {  	_ =	swait.ge [sflag:s9], $0x4000  }
0x78: {  	[sflag:s9] =	ssyncset.done $0x0  }
0x79: {  	[sflag:s9] =	ssyncadd.s32 $0xFFFFC000  }
0x7a: {  	_ =	swait.ge [sflag:s11], $0x80  }
0x7b: {  	[sflag:s11] =	ssyncset.done $0x0  }
0x7c: {  	[sflag:s11] =	ssyncadd.s32 $0xFFFFFF80  }
0x7d: {  	[tilespmem:s13], [sflag:$0x2] =	stream.indirect.gather [hbm4b:s1+s29], $0x80, s29, s29, $0xb8;
	[tilespmem:$0x1EC00] =	vst v63  }
0x7e: {  	_ = 	snop  }
0x7f: {  	[spmem:s3] =	stream.indirect.scatter.add.f32 [tilespmem:s0], [sflag:$0x3], $0x80, s20, s29, $0xb8;
	[tilespmem:$0x1EC00] =	vst v63  }
0x80: {  	s19 =	rddreg [dreg:$0x12]  }
0x81: {  	[tilespmem:s4], [sflag:$0x5] =	stream.linear.gather [hbm4b:s19+s4], $0x80, $0x38;
	[tilespmem:$0x1EC00] =	vst v63  }
0x82: {  	_ =	swait.ge [sflag:s14], $0x4000  }
0x83: {  	[sflag:s14] =	ssyncset.done $0x0  }
0x84: {  	[sflag:s14] =	ssyncadd.s32 $0xFFFFC000  }
0x85: {  	_ =	swait.ge [sflag:s15], $0x4000  }
0x86: {  	[sflag:s15] =	ssyncset.done $0x0  }
0x87: {  	[sflag:s15] =	ssyncadd.s32 $0xFFFFC000  }
0x88: {  	_ =	swait.ge [sflag:s8], $0x80  }
0x89: {  	[sflag:s8] =	ssyncset.done $0x0  }
0x8a: {  	[sflag:s8] =	ssyncadd.s32 $0xFFFFFF80  }
0x8b: {  	[tilespmem:s0], [sflag:$0x1] =	stream.indirect.gather [hbm4b:s1+s29], $0x80, s4, s29, $0xb8;
	[tilespmem:$0x1EC00] =	vst v63  }
0x8c: {  	s20 =	simm.s32 $0x180  }
0x8d: {  	[spmem:s3] =	stream.indirect.scatter.add.f32 [tilespmem:s13], [sflag:$0x4], $0x80, s20, s29, $0xb8;
	[tilespmem:$0x1EC00] =	vst v63  }
0x8e: {  	_ = 	snop  }
0x8f: {  	[tilespmem:s29], [sflag:$0x6] =	stream.linear.gather [hbm4b:s28+s4], $0x80, $0x38;
	[tilespmem:$0x1EC00] =	vst v63  }
0x90: {  	_ =	swait.ge [sflag:s9], $0x4000  }
0x91: {  	[sflag:s9] =	ssyncset.done $0x0  }
0x92: {  	[sflag:s9] =	ssyncadd.s32 $0xFFFFC000  }
0x93: {  	_ =	swait.ge [sflag:s16], $0x4000  }
0x94: {  	[sflag:s16] =	ssyncset.done $0x0  }
0x95: {  	s25 =	simm.s32 $0x200;
	[sflag:s16] =	ssyncadd.s32 $0xFFFFC000  }
0x96: {  	s19 =	sand.u32 $0x7C00, s25;
	_ =	swait.ge [sflag:s11], $0x80  }
0x97: {  	s7 =	sand.u32 $0x300, s25;
	s18 =	sadd.s32 s6, s19;
	[sflag:s11] =	ssyncset.done $0x0  }
0x98: {  	s7 =	sor.u32 s7, s18;
	[sflag:s11] =	ssyncadd.s32 $0xFFFFFF80  }
0x99: {  	[tilespmem:s13], [sflag:$0x2] =	stream.indirect.gather [hbm4b:s1+s29], $0x80, s29, s29, $0xb8;
	[tilespmem:$0x1EC00] =	vst v63  }
0x9a: {  	s21 =	simm.s32 $0x200;
	s7 =	sshrl.u32 s7, $0x3  }
0x9b: {  	[spmem:s3] =	stream.indirect.scatter.add.f32 [tilespmem:s0], [sflag:$0x3], $0x80, s21, s29, $0xb8;
	[tilespmem:$0x1EC00] =	vst v63  }
0x9c: {  	s7 =	sadd.s32 s5, s7  }
0x9d: {  	[tilespmem:s4], [sflag:$0x5] =	stream.linear.gather [hbm4b:s7+s4], $0x80, $0x38;
	[tilespmem:$0x1EC00] =	vst v63  }
0x9e: {  	_ =	swait.ge [sflag:s14], $0x4000  }
0x9f: {  	[sflag:s14] =	ssyncset.done $0x0  }
0xa0: {  	[sflag:s14] =	ssyncadd.s32 $0xFFFFC000  }
0xa1: {  	_ =	swait.ge [sflag:s15], $0x4000  }
0xa2: {  	[sflag:s15] =	ssyncset.done $0x0  }
0xa3: {  	s19 =	simm.s32 $0x280;
	[sflag:s15] =	ssyncadd.s32 $0xFFFFC000  }
0xa4: {  	s20 =	sand.u32 $0x7C00, s19;
	_ =	swait.ge [sflag:s8], $0x80  }
0xa5: {  	s21 =	sand.u32 $0x380, s19;
	s7 =	sadd.s32 s6, s20;
	[sflag:s8] =	ssyncset.done $0x0  }
0xa6: {  	s7 =	sor.u32 s21, s7;
	[sflag:s8] =	ssyncadd.s32 $0xFFFFFF80  }
0xa7: {  	[tilespmem:s0], [sflag:$0x1] =	stream.indirect.gather [hbm4b:s1+s29], $0x80, s4, s29, $0xb8;
	[tilespmem:$0x1EC00] =	vst v63  }
0xa8: {  	s7 =	sshrl.u32 s7, $0x3  }
0xa9: {  	[spmem:s3] =	stream.indirect.scatter.add.f32 [tilespmem:s13], [sflag:$0x4], $0x80, s19, s29, $0xb8;
	[tilespmem:$0x1EC00] =	vst v63  }
0xaa: {  	s7 =	sadd.s32 s5, s7  }
0xab: {  	[tilespmem:s29], [sflag:$0x6] =	stream.linear.gather [hbm4b:s7+s4], $0x80, $0x38;
	[tilespmem:$0x1EC00] =	vst v63  }
0xac: {  	_ =	swait.ge [sflag:s9], $0x4000  }
0xad: {  	[sflag:s9] =	ssyncset.done $0x0  }
0xae: {  	s18 =	simm.s32 $0x380;
	s7 =	simm.s32 $0x300;
	[sflag:s9] =	ssyncadd.s32 $0xFFFFC000  }
0xaf: {  	s21 =	simm.s32 $0x480;
	s25 =	sand.u32 $0x7C00, s7;
	_ =	swait.ge [sflag:s16], $0x4000  }
0xb0: {  	s7 =	sand.u32 $0x300, s7;
	s20 =	sadd.s32 s6, s25;
	[sflag:s16] =	ssyncset.done $0x0  }
0xb1: {  	s30 =	sor.u32 s7, s20;
	s20 =	simm.s32 $0x380;
	[sflag:s16] =	ssyncadd.s32 $0xFFFFC000  }
.LBB2_4:
0xb2: {  	s30 =	sshrl.u32 s30, $0x3  }
0xb3: {  	_ =	swait.ge [sflag:s11], $0x80;
	s25 =	smov.u32 s21;
	s7 =	sadd.s32 $0x100, s21  }
0xb4: {  	p0 =	sne.s32 s21, $0x2780;
	[sflag:s11] =	ssyncset.done $0x0  }
0xb5: {  	s21 =	sadd.s32 $0x80, s19;
	s19 =	smov.u32 s18;
	[sflag:s11] =	ssyncadd.s32 $0xFFFFFF80  }
0xb6: {  	[tilespmem:s13], [sflag:$0x2] =	stream.indirect.gather [hbm4b:s1+s29], $0x80, s29, s29, $0xb8;
	[tilespmem:$0x1EC00] =	vst v63  }
0xb7: {  	_ = 	snop  }
0xb8: {  	[spmem:s3] =	stream.indirect.scatter.add.f32 [tilespmem:s0], [sflag:$0x3], $0x80, s21, s29, $0xb8;
	[tilespmem:$0x1EC00] =	vst v63  }
0xb9: {  	s21 =	sadd.s32 s5, s30  }
0xba: {  	[tilespmem:s4], [sflag:$0x5] =	stream.linear.gather [hbm4b:s21+s4], $0x80, $0x38;
	[tilespmem:$0x1EC00] =	vst v63  }
0xbb: {  	_ =	swait.ge [sflag:s14], $0x4000  }
0xbc: {  	[sflag:s14] =	ssyncset.done $0x0  }
0xbd: {  	[sflag:s14] =	ssyncadd.s32 $0xFFFFC000  }
0xbe: {  	_ =	swait.ge [sflag:s15], $0x4000  }
0xbf: {  	[sflag:s15] =	ssyncset.done $0x0  }
0xc0: {  	[sflag:s15] =	ssyncadd.s32 $0xFFFFC000  }
0xc1: {  	s21 =	sand.u32 $0x7C00, s20;
	_ =	swait.ge [sflag:s8], $0x80  }
0xc2: {  	s20 =	sand.u32 $0x380, s20;
	s21 =	sadd.s32 s6, s21;
	[sflag:s8] =	ssyncset.done $0x0  }
0xc3: {  	s21 =	sor.u32 s20, s21;
	s20 =	smov.u32 s25;
	[sflag:s8] =	ssyncadd.s32 $0xFFFFFF80  }
0xc4: {  	[tilespmem:s0], [sflag:$0x1] =	stream.indirect.gather [hbm4b:s1+s29], $0x80, s4, s29, $0xb8;
	[tilespmem:$0x1EC00] =	vst v63  }
0xc5: {  	s21 =	sshrl.u32 s21, $0x3  }
0xc6: {  	[spmem:s3] =	stream.indirect.scatter.add.f32 [tilespmem:s13], [sflag:$0x4], $0x80, s18, s29, $0xb8;
	[tilespmem:$0x1EC00] =	vst v63  }
0xc7: {  	s21 =	sadd.s32 s5, s21  }
0xc8: {  	[tilespmem:s29], [sflag:$0x6] =	stream.linear.gather [hbm4b:s21+s4], $0x80, $0x38;
	[tilespmem:$0x1EC00] =	vst v63  }
0xc9: {  	_ =	swait.ge [sflag:s9], $0x4000  }
.Ltmp1:
0xca: {  	[sflag:s9] =	ssyncset.done $0x0;
	(pc) =	sbr.rel @p0 .LBB2_4-.Ltmp1, $4  }
0xcb: {  	s21 =	sadd.s32 $0xFFFFFF80, s20;
	[sflag:s9] =	ssyncadd.s32 $0xFFFFC000  }
0xcc: {  	s18 =	sadd.s32 $0x100, s18;
	s25 =	sand.u32 $0x7C00, s21;
	_ =	swait.ge [sflag:s16], $0x4000  }
0xcd: {  	s21 =	sand.u32 $0x300, s21;
	s25 =	sadd.s32 s6, s25;
	[sflag:s16] =	ssyncset.done $0x0  }
0xce: {  	s30 =	sor.u32 s21, s25;
	s21 =	smov.u32 s7;
	[sflag:s16] =	ssyncadd.s32 $0xFFFFC000  }
0xcf: {  	_ =	swait.ge [sflag:s11], $0x80  }
0xd0: {  	[sflag:s11] =	ssyncset.done $0x0  }
0xd1: {  	[sflag:s11] =	ssyncadd.s32 $0xFFFFFF80  }
0xd2: {  	[tilespmem:s13], [sflag:$0x2] =	stream.indirect.gather [hbm4b:s1+s29], $0x80, s29, s29, $0xb8;
	[tilespmem:$0x1EC00] =	vst v63  }
0xd3: {  	s7 =	sadd.s32 $0x80, s19;
	s19 =	sshrl.u32 s30, $0x3  }
0xd4: {  	[spmem:s3] =	stream.indirect.scatter.add.f32 [tilespmem:s0], [sflag:$0x3], $0x80, s7, s29, $0xb8;
	[tilespmem:$0x1EC00] =	vst v63  }
0xd5: {  	s7 =	sadd.s32 s5, s19  }
0xd6: {  	[tilespmem:s4], [sflag:$0x5] =	stream.linear.gather [hbm4b:s7+s4], $0x80, $0x38;
	[tilespmem:$0x1EC00] =	vst v63  }
0xd7: {  	_ =	swait.ge [sflag:s14], $0x4000  }
0xd8: {  	[sflag:s14] =	ssyncset.done $0x0  }
0xd9: {  	[sflag:s14] =	ssyncadd.s32 $0xFFFFC000  }
0xda: {  	_ =	swait.ge [sflag:s15], $0x4000  }
0xdb: {  	[sflag:s15] =	ssyncset.done $0x0  }
0xdc: {  	[sflag:s15] =	ssyncadd.s32 $0xFFFFC000  }
0xdd: {  	s21 =	sand.u32 $0x7C00, s20;
	_ =	swait.ge [sflag:s8], $0x80  }
0xde: {  	s25 =	sand.u32 $0x380, s20;
	s7 =	sadd.s32 s6, s21;
	[sflag:s8] =	ssyncset.done $0x0  }
0xdf: {  	s7 =	sor.u32 s25, s7;
	[sflag:s8] =	ssyncadd.s32 $0xFFFFFF80  }
0xe0: {  	[tilespmem:s0], [sflag:$0x1] =	stream.indirect.gather [hbm4b:s1+s29], $0x80, s4, s29, $0xb8;
	[tilespmem:$0x1EC00] =	vst v63  }
0xe1: {  	s7 =	sshrl.u32 s7, $0x3  }
0xe2: {  	[spmem:s3] =	stream.indirect.scatter.add.f32 [tilespmem:s13], [sflag:$0x4], $0x80, s18, s29, $0xb8;
	[tilespmem:$0x1EC00] =	vst v63  }
0xe3: {  	s7 =	sadd.s32 s5, s7  }
0xe4: {  	[tilespmem:s29], [sflag:$0x6] =	stream.linear.gather [hbm4b:s7+s4], $0x80, $0x38;
	[tilespmem:$0x1EC00] =	vst v63  }
0xe5: {  	_ =	swait.ge [sflag:s9], $0x4000  }
0xe6: {  	[sflag:s9] =	ssyncset.done $0x0  }
0xe7: {  	[sflag:s9] =	ssyncadd.s32 $0xFFFFC000  }
0xe8: {  	_ =	swait.ge [sflag:s16], $0x4000  }
0xe9: {  	[sflag:s16] =	ssyncset.done $0x0  }
0xea: {  	[sflag:s16] =	ssyncadd.s32 $0xFFFFC000  }
0xeb: {  	_ =	swait.ge [sflag:s11], $0x80  }
0xec: {  	[sflag:s11] =	ssyncset.done $0x0  }
0xed: {  	[sflag:s11] =	ssyncadd.s32 $0xFFFFFF80  }
0xee: {  	[tilespmem:s13], [sflag:$0x2] =	stream.indirect.gather [hbm4b:s1+s29], $0x80, s29, s29, $0xb8;
	[tilespmem:$0x1EC00] =	vst v63  }
0xef: {  	s30 =	sadd.s32 $0x80, s18  }
0xf0: {  	[spmem:s3] =	stream.indirect.scatter.add.f32 [tilespmem:s0], [sflag:$0x3], $0x80, s30, s29, $0xb8;
	[tilespmem:$0x1EC00] =	vst v63  }
0xf1: {  	_ =	swait.ge [sflag:s14], $0x4000  }
0xf2: {  	[sflag:s14] =	ssyncset.done $0x0  }
0xf3: {  	s19 =	sadd.s32 $0x100, s18;
	[sflag:s14] =	ssyncadd.s32 $0xFFFFC000  }
0xf4: {  	[spmem:s3] =	stream.indirect.scatter.add.f32 [tilespmem:s13], [sflag:$0x4], $0x80, s19, s29, $0xb8;
	[tilespmem:$0x1EC00] =	vst v63  }
0xf5: {  	_ =	swait.ge [sflag:s15], $0x4000  }
0xf6: {  	[sflag:s15] =	ssyncset.done $0x0  }
0xf7: {  	[sflag:s15] =	ssyncadd.s32 $0xFFFFC000  }
0xf8: {  	_ =	swait.ge [sflag:s16], $0x4000  }
0xf9: {  	[sflag:s16] =	ssyncset.done $0x0  }
0xfa: {  	s20 =	stileid.u32;
	[sflag:s16] =	ssyncadd.s32 $0xFFFFC000  }
0xfb: {  	s7 =	sshll.u32 s20, $0x6;
	[bflag:$0x0] =	sbarrier.arrive $0xFFFF  }
0xfc: {  	s21 =	sshrl.u32 s10, $0x3;
	s7 =	sor.u32 $0x1C07, s7;
	s25 =	rddreg [dreg:$0xa]  }
0xfd: {  	[hbm:s25], [sflag:s7] =	dma.local [spmem:s21], $0x800  }
0xfe: {  	s30 =	sshrl.u32 s12, $0x3;
	s19 =	rddreg [dreg:$0xb]  }
0xff: {  	[hbm:s19], [sflag:s7] =	dma.local [spmem:s30], $0x800  }
0x100: {  	s20 =	sshrl.u32 s22, $0x3;
	s19 =	rddreg [dreg:$0xc]  }
0x101: {  	[hbm:s19], [sflag:s7] =	dma.local [spmem:s20], $0x800  }
0x102: {  	s21 =	sshrl.u32 s23, $0x3;
	s19 =	rddreg [dreg:$0xd]  }
0x103: {  	[hbm:s19], [sflag:s7] =	dma.local [spmem:s21], $0x800  }
0x104: {  	s25 =	sshrl.u32 s24, $0x3;
	s19 =	rddreg [dreg:$0xe]  }
0x105: {  	[hbm:s19], [sflag:s7] =	dma.local [spmem:s25], $0x800  }
0x106: {  	_ =	swait.ge [sflag:s2], $0x800  }
0x107: {  	[sflag:s2] =	ssyncset.done $0x0  }
0x108: {  	[sflag:s2] =	ssyncadd.s32 $0xFFFFF800  }
0x109: {  	_ =	swait.ge [sflag:s2], $0x800  }
0x10a: {  	[sflag:s2] =	ssyncset.done $0x0  }
0x10b: {  	[sflag:s2] =	ssyncadd.s32 $0xFFFFF800  }
0x10c: {  	_ =	swait.ge [sflag:s2], $0x800  }
0x10d: {  	[sflag:s2] =	ssyncset.done $0x0  }
0x10e: {  	[sflag:s2] =	ssyncadd.s32 $0xFFFFF800  }
0x10f: {  	_ =	swait.ge [sflag:s2], $0x800  }
0x110: {  	[sflag:s2] =	ssyncset.done $0x0  }
0x111: {  	[sflag:s2] =	ssyncadd.s32 $0xFFFFF800  }
0x112: {  	_ =	swait.ge [sflag:s2], $0x800  }
0x113: {  	s17 =	sadd.s32 $0x1, s17;
	s30 =	rddreg [dreg:$0x11]  }
0x114: {  	p0 =	sne.s32 s17, s30  }
.Ltmp2:
0x115: {  	_ = 	snop;
	(pc) =	sbr.rel @p0 .LBB2_1-.Ltmp2, $3  }
0x116: {  	_ =	sdelay $0x1  }
0x117: {  	[sflag:s2] =	ssyncset.done $0x0  }
0x118: {  	s20 =	simm.s32 $0x100;
	[sflag:s2] =	ssyncadd.s32 $0xFFFFF800  }
0x119: {  	_ =	sfence.sel $0x180000  }
0x11a: {  	[bflag:$0x0] =	sbarrier.arrive $0xFFFF  }
0x11b: {  	_ =	strace $0x9000004A  }
0x11c: {  	s0 =	stileid.u32;
	[bflag:$0x2] =	sbarrier.arrive $0xFFFF  }
0x11d: {  	p0 =	sne.s32 s0, $0x0;
	s0 =	rddreg [dreg:$0x4]  }
0x11e: {  	s0 =	sadd.s32 @!p0 $0x100000, s0  }
0x11f: {  	[sflag:s0] =	ssyncadd.tile.s32 @!p0 $0x1;
	_ =	shalt  }
.Lfunc_end2:
_tile_overlayer_lowered:
.L_overlay_start_2:
0x120: {  	(tag) =	ssettag $0x2  }
0x121: {  	s0 =	rddreg [dreg:$0x0];
	s2 =	stileid.u32  }
0x122: {  	s1 =	rddreg [dreg:$0x1];
	p0 =	sne.s32 s2, $0x0  }
0x123: {  	s3 =	rddreg [dreg:$0x2];
	[bflag:$0x3] =	sbarrier.arrive $0xFFFF;
	s2 =	simm.s32 @!p0 $0x1C08  }
0x124: {  	[timem:s3], [sflag:s2] =	dma.local @!p0 [hbm:s0], s1  }
0x125: {  	s0 =	simm.s32 @!p0 $0x8  }
0x126: {  	_ =	swait.ge @!p0 [sflag:s0], s1  }
0x127: {  	s1 =	ssub.s32 @!p0 $0x0, s1;
	[sflag:s0] =	ssyncset.done @!p0 $0x0  }
0x128: {  	[sflag:s0] =	ssyncadd.s32 @!p0 s1  }
0x129: {  	[bflag:$0x3] =	sbarrier.arrive $0xFFFF  }
0x12a: {  	_ =	shalt  }

// kernel: kernel.8.cloned.1.call-start
scs
__scs_entry_jumppad:
0x0: {  	(pc) =	sbr.rel $0x88, $3  }
0x1: {  	(tag) =	ssettag $0x0;
	lr =	simm.s32 $0x1  }
0x2: {  	[smem:$0x3F99] =	sst lr;
	_ =	strace $0xD0000000  }
0x3: {  	_ = 	snop  }
0x4: {  	_ = 	snop  }
0x5: {  	_ = 	snop  }
0x6: {  	_ = 	snop  }
0x7: {  	_ = 	snop  }
__scs_overlays_trampoline_lowered:
0x8: {  	[smem:$0x3FA8] =	sst s0  }
0x9: {  	[smem:$0x3FA9] =	sst s1  }
0xa: {  	[smem:$0x3FAA] =	sst s2  }
0xb: {  	[smem:$0x3FAB] =	sst s3  }
0xc: {  	[smem:$0x3FAC] =	sst s4  }
0xd: {  	[smem:$0x3FAD] =	sst s5  }
0xe: {  	[smem:$0x3FAE] =	sst s6  }
0xf: {  	[smem:$0x3FAF] =	sst s7  }
0x10: {  	[smem:$0x3FB0] =	sst s8  }
0x11: {  	[smem:$0x3FB1] =	sst s9;
	s0 =	simm.s32 @!p0 $0x0  }
0x12: {  	s1 =	sld [smem:$0x3F97];
	s0 =	simm.s32 @p0 $0x1  }
0x13: {  	[smem:$0x3FB2] =	sst s0;
	s0 =	simm.s32 @!p1 $0x0  }
0x14: {  	s2 =	sld [smem:$0x3F96];
	s0 =	simm.s32 @p1 $0x1  }
0x15: {  	[smem:$0x3FB3] =	sst s0;
	s0 =	simm.s32 @!p2 $0x0  }
0x16: {  	s3 =	sld [smem:$0x3FDB];
	s0 =	simm.s32 @p2 $0x1  }
0x17: {  	s4 =	simm.s32 $0x1BF5;
	[smem:$0x3FB5] =	sst s0  }
0x18: {  	s0 =	sld [smem:$0x3F98];
	_ =	swait.ge [sflag:s4], $0x0  }
0x19: {  	s7 =	sld [smem:$0x3F99]  }
0x1a: {  	s8 =	sadd.s32 $0xFFFFE003, lr  }
0x1b: {  	s9 =	sadd.s32 $0xFFFFFEF7, lr;
	s5 =	simm.s32 $0xFFFFFFFF;
	p2 =	slt.u32 s8, $0xFFFFF086  }
0x1c: {  	p1 =	slt.u32 s9, $0xF7A;
	s5 =	simm.s32 @!p2 $0x0  }
0x1d: {  	s5 =	simm.s32 @p1 $0x1;
	p0 =	seq.s32 s7, s2  }
0x1e: {  	s7 =	smul.u32 @!p0 $0xF7A, s2;
	p2 =	seq.s32 @!p0 s5, $0x0  }
0x1f: {  	s9 =	smul.u32 $0xF7A, s1;
	s8 =	simm.s32 @!p0 $0x1BF5;
	p2 =	por !p2, p0  }
0x20: {  	[sflag:s8] =	ssyncset.s32 @!p0 $0xFFFFF086;
	s6 =	sadd.s32 @!p0 s3, s7;
	s7 =	simm.s32 @!p0 $0x108  }
0x21: {  	s3 =	sadd.s32 s3, s9;
	s6 =	sadd.s32 @!p0 $0x88, s6;
	s7 =	simm.s32 @p2 $0x1082  }
0x22: {  	[simem:s7], [sflag:s8] =	dma.local @!p0 [hbm:s6], $0xF7A  }
0x23: {  	s9 =	sor.u32 $0xD0000000, s2;
	s6 =	simm.s32 $0x108;
	_ =	swait.ge @!p0 [sflag:s8], $0x0  }
0x24: {  	s3 =	sadd.s32 $0x88, s3;
	s6 =	simm.s32 @!p1 $0x1082;
	[sflag:s4] =	ssyncset.s32 $0xFFFFF086  }
0x25: {  	[simem:s6], [sflag:s4] =	dma.local [hbm:s3], $0xF7A  }
0x26: {  	[smem:$0x3F99] =	sst s1;
	(tag) =	ssettag s2;
	_ =	strace s9  }
0x27: {  	s1 =	sld [smem:$0x3FA9]  }
0x28: {  	s2 =	sld [smem:$0x3FAA]  }
0x29: {  	s4 =	sld [smem:$0x3FAC]  }
0x2a: {  	p0 =	seq.s32 s5, $0x0;
	s5 =	sld [smem:$0x3FAD]  }
0x2b: {  	s6 =	sld [smem:$0x3FAE]  }
0x2c: {  	s7 =	sld [smem:$0x3FAF]  }
0x2d: {  	s3 =	simm.s32 $0x108;
	s8 =	sld [smem:$0x3FB0]  }
0x2e: {  	s3 =	simm.s32 @!p0 $0x1082;
	s9 =	sld [smem:$0x3FB1]  }
0x2f: {  	lr =	sadd.s32 s0, s3;
	s0 =	sld [smem:$0x3FA8]  }
0x30: {  	s3 =	sld [smem:$0x3FAB]  }
0x31: {  	[smem:$0x3FB4] =	sst s10  }
0x32: {  	s10 =	sld [smem:$0x3FB2];
	_ =	sdelay $0x3  }
0x33: {  	p0 =	seq.s32 s10, $0x1;
	s10 =	sld [smem:$0x3FB4];
	_ =	sdelay $0x3  }
0x34: {  	[smem:$0x3FB4] =	sst s10  }
0x35: {  	s10 =	sld [smem:$0x3FB3];
	_ =	sdelay $0x3  }
0x36: {  	p1 =	seq.s32 s10, $0x1;
	s10 =	sld [smem:$0x3FB4];
	_ =	sdelay $0x3  }
0x37: {  	[smem:$0x3FB4] =	sst s10  }
0x38: {  	s10 =	sld [smem:$0x3FB5]  }
0x39: {  	_ = 	snop;
	(pc) =	sbr.ind lr, $3  }
0x3a: {  	_ = 	snop  }
0x3b: {  	_ = 	snop  }
0x3c: {  	p2 =	seq.s32 s10, $0x1;
	s10 =	sld [smem:$0x3FB4]  }
0x3d: {  	_ =	shalt  }
0x3e: {  	_ =	shalt  }
0x3f: {  	_ =	shalt  }
0x40: {  	_ =	shalt  }
0x41: {  	_ =	shalt  }
0x42: {  	_ =	shalt  }
0x43: {  	_ =	shalt  }
0x44: {  	_ =	shalt  }
0x45: {  	_ =	shalt  }
0x46: {  	_ =	shalt  }
0x47: {  	_ =	shalt  }
0x48: {  	_ =	shalt  }
0x49: {  	_ =	shalt  }
0x4a: {  	_ =	shalt  }
0x4b: {  	_ =	shalt  }
0x4c: {  	_ =	shalt  }
0x4d: {  	_ =	shalt  }
0x4e: {  	_ =	shalt  }
0x4f: {  	_ =	shalt  }
0x50: {  	_ =	shalt  }
0x51: {  	_ =	shalt  }
0x52: {  	_ =	shalt  }
0x53: {  	_ =	shalt  }
0x54: {  	_ =	shalt  }
0x55: {  	_ =	shalt  }
0x56: {  	_ =	shalt  }
0x57: {  	_ =	shalt  }
0x58: {  	_ =	shalt  }
0x59: {  	_ =	shalt  }
0x5a: {  	_ =	shalt  }
0x5b: {  	_ =	shalt  }
0x5c: {  	_ =	shalt  }
0x5d: {  	_ =	shalt  }
0x5e: {  	_ =	shalt  }
0x5f: {  	_ =	shalt  }
0x60: {  	_ =	shalt  }
0x61: {  	_ =	shalt  }
0x62: {  	_ =	shalt  }
0x63: {  	_ =	shalt  }
0x64: {  	_ =	shalt  }
0x65: {  	_ =	shalt  }
0x66: {  	_ =	shalt  }
0x67: {  	_ =	shalt  }
0x68: {  	_ =	shalt  }
0x69: {  	_ =	shalt  }
0x6a: {  	_ =	shalt  }
0x6b: {  	_ =	shalt  }
0x6c: {  	_ =	shalt  }
0x6d: {  	_ =	shalt  }
0x6e: {  	_ =	shalt  }
0x6f: {  	_ =	shalt  }
0x70: {  	_ =	shalt  }
0x71: {  	_ =	shalt  }
0x72: {  	_ =	shalt  }
0x73: {  	_ =	shalt  }
0x74: {  	_ =	shalt  }
0x75: {  	_ =	shalt  }
0x76: {  	_ =	shalt  }
0x77: {  	_ =	shalt  }
0x78: {  	_ =	shalt  }
0x79: {  	_ =	shalt  }
0x7a: {  	_ =	shalt  }
0x7b: {  	_ =	shalt  }
0x7c: {  	_ =	shalt  }
0x7d: {  	_ =	shalt  }
0x7e: {  	_ =	shalt  }
0x7f: {  	_ =	shalt  }
0x80: {  	_ =	shalt  }
0x81: {  	_ =	shalt  }
0x82: {  	_ =	shalt  }
0x83: {  	_ =	shalt  }
0x84: {  	_ =	shalt  }
0x85: {  	_ =	shalt  }
0x86: {  	_ =	shalt  }
0x87: {  	_ =	shalt  }
.Lfunc_end0:
.L_simem_size_0:
called_computation_lowered:
.L_overlay_start_0:
0x88: {  	s2 =	sld [smem:$0x3FD9]  }
0x89: {  	s3 =	sld [smem:$0x3FFE];
	_ =	sdelay $0x1  }
0x8a: {  	s1 =	srdreg.scid  }
0x8b: {  	s0 =	sand.u32 $0x1, s1  }
0x8c: {  	s17 =	sshll.u32 s0, $0xA;
	s2 =	sadd.s32 s3, s2  }
0x8d: {  	s2 =	sadd.s32 s2, s17  }
0x8e: {  	[smem:$0x3FC0] =	sst s2  }
0x8f: {  	_ = 	snop  }
0x90: {  	s2 =	sld [smem:$0x3FD0];
	(tm) =	ssettm $0x1  }
0x91: {  	s18 =	sld [smem:$0x3FFB];
	_ =	sdelay $0x3  }
0x92: {  	_ =	strace s18  }
0x93: {  	s3 =	sld [smem:$0x3FFC];
	_ =	sdelay $0x3  }
0x94: {  	_ =	strace s3  }
0x95: {  	s3 =	sld [smem:$0x3FFD];
	_ =	sdelay $0x3  }
0x96: {  	_ =	strace s3  }
0x97: {  	_ =	strace $0x8FFFFFFF  }
0x98: {  	s19 =	sld [smem:$0x3FDB];
	_ =	sdelay $0x1  }
0x99: {  	s4 =	simm.s32 $_scs_section_size  }
0x9a: {  	s5 =	simm.s32 $_size__tile_overlayer_lowered;
	s6 =	simm.s32 $_tile_overlayer_lowered  }
0x9b: {  	s22 =	simm.s32 $0x1BFF;
	s21 =	sshll.u32 s6, $0x1;
	s3 =	sadd.s32 s4, s19  }
0x9c: {  	s7 =	simm.s32 $0x0;
	s20 =	sshll.u32 s5, $0x1;
	s5 =	sadd.s32 s21, s3  }
0x9d: {  	[timem:s7], [sflag:s22] =	dma.local [hbm:s5], s20  }
0x9e: {  	_ =	swait.ge [sflag:s22], s20  }
0x9f: {  	s4 =	ssub.s32 $0x0, s20;
	[sflag:s22] =	ssyncset.done $0x0  }
0xa0: {  	[sflag:s22] =	ssyncadd.s32 s4;
	_ =	sdelay $0x1  }
0xa1: {  	s23 =	simm.s32 $0x1B8B  }
0xa2: {  	_ =	swait.ge [sflag:s23], $0x1  }
0xa3: {  	[sflag:s23] =	ssyncset.done $0x0  }
0xa4: {  	s25 =	simm.s32 $0x1B8E;
	s24 =	sld [smem:$0x3FFE];
	[sflag:s23] =	ssyncadd.s32 $0xFFFFFFFF  }
0xa5: {  	s26 =	simm.s32 $execute0_lowered;
	[smem:$0x3FD2] =	sst s25  }
0xa6: {  	s5 =	sshll.u32 s26, $0x1;
	_ =	strace $0x80000046;
	[dreg:$0x1] =	wrdreg $0xFFFFFFFF  }
0xa7: {  	s28 =	simm.s32 $_size_execute0_lowered;
	s3 =	sadd.s32 s3, s5;
	[dreg:$0x0] =	wrdreg $0x0  }
0xa8: {  	s5 =	sshll.u32 s28, $0x1;
	[dreg:$0x2] =	wrdreg s3  }
0xa9: {  	[dreg:$0x3] =	wrdreg s5  }
0xaa: {  	[dreg:$0x4] =	wrdreg $0xC0  }
0xab: {  	_ =	task [dreg:s7], $0x5FFFF  }
0xac: {  	[dreg:$0x1] =	wrdreg $0xFFFFFFFF  }
0xad: {  	[dreg:$0x0] =	wrdreg $0x60  }
0xae: {  	[dreg:$0x2] =	wrdreg s2  }
0xaf: {  	[dreg:$0x3] =	wrdreg s24  }
0xb0: {  	[dreg:$0x4] =	wrdreg $0xA9800  }
0xb1: {  	[dreg:$0x5] =	wrdreg $0x1E9800  }
0xb2: {  	[dreg:$0x6] =	wrdreg $0x9  }
0xb3: {  	_ =	task.clear_ibuf [dreg:s7], $0x7FFFF;
	_ =	strace $0x90000046  }
0xb4: {  	s29 =	simm.s32 $0x9;
	_ =	strace $0x80000048  }
0xb5: {  	_ =	swait.ge [sflag:s29], $0x1  }
0xb6: {  	[sflag:s29] =	ssyncadd.s32 $0xFFFFFFFF  }
0xb7: {  	_ =	strace $0x90000048  }
0xb8: {  	_ =	sfence  }
0xb9: {  	s30 =	sld [smem:$0x0];
	_ =	sdelay $0x2  }
0xba: {  	s31 =	sshll.u32 s1, $0xD;
	s1 =	sshrl.u32 s1, $0x2  }
0xbb: {  	s3 =	sand.u32 $0x4000, s31;
	s1 =	sadd.s32 s1, s30  }
0xbc: {  	s0 =	sor.u32 s3, s0;
	s1 =	sshll.u32 s1, $0x11  }
0xbd: {  	s0 =	sor.u32 s1, s0  }
0xbe: {  	s0 =	sadd.s32 $0x8F2B, s0  }
0xbf: {  	[sflag:s0] =	ssyncadd.remote.s32 $0x1  }
0xc0: {  	_ =	sfence.sel $0xFFFF  }
0xc1: {  	[dreg:$0x0] =	wrdreg $0xFFFFFFFF;
	(pc) =	sbr.abs _section_cstart, $3  }
0xc2: {  	[dreg:$0x1] =	wrdreg $0xFFFFFFFF  }
0xc3: {  	_ =	task.clear_ibuf [dreg:s7], $0x2FFFF;
	_ =	strace $0x9FFFFFFF  }
0xc4: {  	(tm) =	ssettm $0x7FFFFFFF  }
0xc5: {  	_ =	shalt  }
tec
execute0_lowered:
.L_overlay_start_1:
0x0: {  	(tag) =	ssettag $0x1  }
0x1: {  	s1 =	rddreg [dreg:$0x0]  }
0x2: {  	s0 =	rddreg [dreg:$0x1]  }
0x3: {  	s3 =	rddreg [dreg:$0x2]  }
0x4: {  	s4 =	rddreg [dreg:$0x3];
	s20 =	stileid.u32  }
0x5: {  	s6 =	srdreg.scid;
	s5 =	simm.s32 $0x0;
	s31 =	simm.s32 $0x6900  }
0x6: {  	s28 =	simm.s32 $0x7;
	s30 =	simm.s32 $0x0;
	s2 =	smul.u32 $0x2800, s20  }
0x7: {  	s7 =	smul.u32 $0x280, s20;
	s8 =	sand.u32 $0x1, s6;
	[smem:$0x7FF] =	sst s5  }
0x8: {  	s10 =	sadd.s32 $0x13200, s0;
	s11 =	sadd.s32 $0x3B200, s0;
	s6 =	ssub.s32 $0x2, s8  }
0x9: {  	s9 =	smul.u32 $0x28000, s8;
	p0 =	sne.s32 s8, $0x0;
	s12 =	sshrl.u32 s6, $0x1  }
0xa: {  	s13 =	sadd.s32 $0x100, s7;
	s14 =	sadd.s32 $0x180, s7;
	s16 =	sadd.s32 $0x200, s7  }
0xb: {  	s17 =	sadd.s32 s11, s2;
	s12 =	ssub.s32 s6, s12;
	s6 =	sadd.s32 s2, s9  }
0xc: {  	s9 =	sadd.s32 $0x80, s7;
	[dreg:$0x5] =	wrdreg s17;
	s24 =	sshll.u32 s13, $0x4  }
0xd: {  	s18 =	sshll.u32 s14, $0x4;
	s19 =	sshll.u32 s16, $0x4;
	s21 =	sadd.s32 s11, s24  }
0xe: {  	s15 =	sshll.u32 s9, $0x4;
	s25 =	sadd.s32 s11, s18;
	[dreg:$0x7] =	wrdreg s21  }
0xf: {  	s17 =	sadd.s32 s10, s18;
	s18 =	sadd.s32 s10, s19;
	[dreg:$0x8] =	wrdreg s25  }
0x10: {  	s23 =	sadd.s32 s11, s15;
	s11 =	sadd.s32 s11, s19;
	[dreg:$0xc] =	wrdreg s17  }
0x11: {  	s26 =	sadd.s32 s10, s15;
	s15 =	sadd.s32 s10, s24;
	[dreg:$0xd] =	wrdreg s18  }
0x12: {  	s10 =	sadd.s32 s10, s2;
	s2 =	sshrl.u32 s2, $0x3;
	[dreg:$0x6] =	wrdreg s23  }
0x13: {  	s19 =	sshrl.u32 s7, $0x3;
	s21 =	smul.u32 $0x50000, s20;
	[dreg:$0x9] =	wrdreg s11  }
0x14: {  	s17 =	sadd.s32 $0x8C00, s0;
	s24 =	sadd.s32 s7, s4;
	[dreg:$0xa] =	wrdreg s26  }
0x15: {  	s25 =	sshll.u32 s9, $0x7;
	s7 =	sadd.s32 s9, s4;
	[dreg:$0xb] =	wrdreg s15  }
0x16: {  	s9 =	sadd.s32 s13, s4;
	[dreg:$0xe] =	wrdreg s10;
	s2 =	sadd.s32 s2, s0  }
0x17: {  	s8 =	sadd.s32 s19, s0;
	s23 =	sshrl.u32 s6, $0x3;
	s26 =	sshll.u32 s13, $0x7  }
0x18: {  	s11 =	sshll.u32 s14, $0x7;
	s13 =	sshll.u32 s16, $0x7;
	s15 =	sadd.s32 s14, s4  }
0x19: {  	s16 =	sadd.s32 s16, s4;
	_ =	strace $0x80000047;
	[dreg:$0x11] =	wrdreg s24  }
0x1a: {  	s19 =	smax.u32 s12, $0x1;
	s12 =	simm.s32 $0x9;
	[dreg:$0x12] =	wrdreg s7  }
0x1b: {  	s14 =	simm.s32 $0x5;
	s22 =	sshrl.u32 s21, $0x2;
	[dreg:$0x13] =	wrdreg s9  }
0x1c: {  	s10 =	sadd.s32 s17, s23;
	s2 =	sadd.s32 $0x3C00, s2;
	[dreg:$0x14] =	wrdreg s15  }
0x1d: {  	s24 =	sadd.s32 s26, s3;
	s26 =	sadd.s32 s11, s3;
	[dreg:$0x15] =	wrdreg s16  }
0x1e: {  	s29 =	sadd.s32 s13, s3;
	s18 =	sadd.s32 $0x12C00, s8;
	[dreg:$0x17] =	wrdreg s19  }
0x1f: {  	s8 =	simm.s32 $0x100;
	s13 =	simm.s32 $0x8;
	s15 =	simm.s32 $0x1  }
0x20: {  	s16 =	simm.s32 $0x6;
	s19 =	simm.s32 $0x2;
	[dreg:$0x10] =	wrdreg s2  }
.Ltmp0:
0x21: {  	s20 =	sadd.s32 s22, s3;
	[dreg:$0x16] =	wrdreg s18;
	(pc) =	sbr.rel .LBB2_1-.Ltmp0, $4  }
0x22: {  	s22 =	sadd.s32 s25, s3;
	s21 =	sadd.s32 $0x10, s10;
	[dreg:$0xf] =	wrdreg s10  }
0x23: {  	s23 =	sadd.s32 $0x20, s10;
	s25 =	sadd.s32 $0x30, s10;
	[dreg:$0x18] =	wrdreg s21  }
0x24: {  	s10 =	simm.s32 $0x80;
	s2 =	simm.s32 $0x2900;
	[dreg:$0x19] =	wrdreg s23  }
0x25: {  	v0 =	vimm.f32 $0.0e+00;
	v1 =	vimm.f32 $1.000000000e+00;
	[dreg:$0x1a] =	wrdreg s25;
	s23 =	simm.s32 $0x3;
	s25 =	simm.s32 $0x4  }
.LBB2_12:
0x26: {  	s0 =	stileid.u32  }
0x27: {  	[bflag:$0x0] =	sbarrier.arrive $0xFFFF;
	s0 =	sshll.u32 s0, $0x6  }
0x28: {  	s7 =	sshrl.u32 s20, $0x3;
	s8 =	rddreg [dreg:$0x5];
	s0 =	sor.u32 $0x1C08, s0  }
0x29: {  	[hbm:s8], [sflag:s0] =	dma.local [spmem:s7], $0x800  }
0x2a: {  	s9 =	sshrl.u32 s22, $0x3;
	s8 =	rddreg [dreg:$0x6]  }
0x2b: {  	[hbm:s8], [sflag:s0] =	dma.local [spmem:s9], $0x800  }
0x2c: {  	s11 =	sshrl.u32 s24, $0x3;
	s8 =	rddreg [dreg:$0x7]  }
0x2d: {  	[hbm:s8], [sflag:s0] =	dma.local [spmem:s11], $0x800  }
0x2e: {  	s18 =	sshrl.u32 s26, $0x3;
	s8 =	rddreg [dreg:$0x8]  }
0x2f: {  	[hbm:s8], [sflag:s0] =	dma.local [spmem:s18], $0x800  }
0x30: {  	s21 =	sshrl.u32 s29, $0x3;
	s8 =	rddreg [dreg:$0x9]  }
0x31: {  	[hbm:s8], [sflag:s0] =	dma.local [spmem:s21], $0x800  }
0x32: {  	_ =	swait.ge [sflag:s13], $0x800  }
0x33: {  	[sflag:s13] =	ssyncset.done $0x0  }
0x34: {  	[sflag:s13] =	ssyncadd.s32 $0xFFFFF800  }
0x35: {  	_ =	swait.ge [sflag:s13], $0x800  }
0x36: {  	[sflag:s13] =	ssyncset.done $0x0  }
0x37: {  	[sflag:s13] =	ssyncadd.s32 $0xFFFFF800  }
0x38: {  	_ =	swait.ge [sflag:s13], $0x800  }
0x39: {  	[sflag:s13] =	ssyncset.done $0x0  }
0x3a: {  	[sflag:s13] =	ssyncadd.s32 $0xFFFFF800  }
0x3b: {  	_ =	swait.ge [sflag:s13], $0x800  }
0x3c: {  	[sflag:s13] =	ssyncset.done $0x0  }
0x3d: {  	[sflag:s13] =	ssyncadd.s32 $0xFFFFF800  }
0x3e: {  	_ =	swait.ge [sflag:s13], $0x800  }
0x3f: {  	[sflag:s13] =	ssyncset.done $0x0  }
0x40: {  	[sflag:s13] =	ssyncadd.s32 $0xFFFFF800  }
.LBB2_10:
0x41: {  	s30 =	sadd.s32 $0x1, s30;
	s0 =	rddreg [dreg:$0x17]  }
0x42: {  	p1 =	sne.s32 s30, s0  }
.Ltmp1:
0x43: {  	_ = 	snop;
	(pc) =	sbr.rel @!p1 .LBB2_11-.Ltmp1, $2  }
0x44: {  	_ =	sdelay $0x2  }
0x45: {  	s8 =	simm.s32 $0x100  }
.LBB2_1:
0x46: {  	s0 =	rddreg [dreg:$0xf]  }
0x47: {  	[tilespmem:s5], [sflag:$0x5] =	stream.linear.gather [hbm4b:s0+s5], $0x80, $0x38;
	[tilespmem:$0x1EC00] =	vst v63  }
0x48: {  	s18 =	rddreg [dreg:$0x18]  }
0x49: {  	[tilespmem:s10], [sflag:$0x6] =	stream.linear.gather [hbm4b:s18+s5], $0x80, $0x38;
	[tilespmem:$0x1EC00] =	vst v63  }
0x4a: {  	s21 =	rddreg [dreg:$0x10]  }
0x4b: {  	[tilespmem:s8], [sflag:$0x9] =	stream.linear.gather [hbm4b:s21+s5], $0x2800, $0x38;
	[tilespmem:$0x1EC00] =	vst v63  }
0x4c: {  	_ =	swait.ge [sflag:s12], $0x2800  }
0x4d: {  	[sflag:s12] =	ssyncset.done $0x0  }
0x4e: {  	s7 =	simm.s32 $0x200;
	s0 =	simm.s32 $0x0;
	[sflag:s12] =	ssyncadd.s32 $0xFFFFD800  }
.LBB2_2:
0x4f: {  	p1 =	sne.s32 s7, $0xFE00;
	[tilespmem:s0+$0x2970] =	vst v0  }
0x50: {  	[tilespmem:s0+$0x2900] =	vst v0  }
0x51: {  	[tilespmem:s0+$0x2910] =	vst v0  }
.Ltmp2:
0x52: {  	[tilespmem:s0+$0x2920] =	vst v0;
	(pc) =	sbr.rel @p1 .LBB2_2-.Ltmp2, $4  }
0x53: {  	[tilespmem:s0+$0x2930] =	vst v0  }
0x54: {  	[tilespmem:s0+$0x2940] =	vst v0  }
0x55: {  	[tilespmem:s0+$0x2950] =	vst v0  }
0x56: {  	[tilespmem:s0+$0x2960] =	vst v0;
	s0 =	sshra.s32 s7, $0x2;
	s7 =	sadd.s32 $0x200, s7  }
0x57: {  	[tilespmem:s0+$0x2970] =	vst v0  }
0x58: {  	[tilespmem:s0+$0x2900] =	vst v0  }
0x59: {  	[tilespmem:s0+$0x2910] =	vst v0  }
0x5a: {  	[tilespmem:s0+$0x2920] =	vst v0  }
0x5b: {  	[tilespmem:s0+$0x2930] =	vst v0  }
0x5c: {  	[tilespmem:s0+$0x2940] =	vst v0  }
0x5d: {  	[tilespmem:s0+$0x2950] =	vst v0  }
0x5e: {  	[tilespmem:s0+$0x2960] =	vst v0  }
0x5f: {  	[spmem:s20] =	stream.linear.scatter [tilespmem:s2], [sflag:$0x8], $0x4000, $0x38;
	[tilespmem:$0x1EC00] =	vst v63  }
0x60: {  	s9 =	rddreg [dreg:$0x11]  }
0x61: {  	[spmem:s9] =	stream.linear.scatter [tilespmem:s2], [sflag:$0x8], $0x80, $0x38;
	[tilespmem:$0x1EC00] =	vst v63  }
0x62: {  	_ = 	snop  }
0x63: {  	[spmem:s22] =	stream.linear.scatter [tilespmem:s2], [sflag:$0x8], $0x4000, $0x38;
	[tilespmem:$0x1EC00] =	vst v63  }
0x64: {  	s11 =	rddreg [dreg:$0x12]  }
0x65: {  	[spmem:s11] =	stream.linear.scatter [tilespmem:s2], [sflag:$0x8], $0x80, $0x38;
	[tilespmem:$0x1EC00] =	vst v63  }
0x66: {  	_ = 	snop  }
0x67: {  	[spmem:s24] =	stream.linear.scatter [tilespmem:s2], [sflag:$0x8], $0x4000, $0x38;
	[tilespmem:$0x1EC00] =	vst v63  }
0x68: {  	s18 =	rddreg [dreg:$0x13]  }
0x69: {  	[spmem:s18] =	stream.linear.scatter [tilespmem:s2], [sflag:$0x8], $0x80, $0x38;
	[tilespmem:$0x1EC00] =	vst v63  }
0x6a: {  	_ = 	snop  }
0x6b: {  	[spmem:s26] =	stream.linear.scatter [tilespmem:s2], [sflag:$0x8], $0x4000, $0x38;
	[tilespmem:$0x1EC00] =	vst v63  }
0x6c: {  	s21 =	rddreg [dreg:$0x14]  }
0x6d: {  	[spmem:s21] =	stream.linear.scatter [tilespmem:s2], [sflag:$0x8], $0x80, $0x38;
	[tilespmem:$0x1EC00] =	vst v63  }
0x6e: {  	_ = 	snop  }
0x6f: {  	[spmem:s29] =	stream.linear.scatter [tilespmem:s2], [sflag:$0x8], $0x4000, $0x38;
	[tilespmem:$0x1EC00] =	vst v63  }
0x70: {  	s7 =	rddreg [dreg:$0x15]  }
0x71: {  	[spmem:s7] =	stream.linear.scatter [tilespmem:s2], [sflag:$0x8], $0x80, $0x38;
	[tilespmem:$0x1EC00] =	vst v63  }
0x72: {  	[tilespmem:$0xA900] =	vst v1  }
0x73: {  	[tilespmem:$0xA910] =	vst v1  }
0x74: {  	[tilespmem:$0xA920] =	vst v1  }
0x75: {  	[tilespmem:$0xA930] =	vst v1  }
0x76: {  	[tilespmem:$0xA940] =	vst v1  }
0x77: {  	[tilespmem:$0xA950] =	vst v1  }
0x78: {  	[tilespmem:$0xA960] =	vst v1  }
0x79: {  	[tilespmem:$0xA970] =	vst v1  }
0x7a: {  	_ =	swait.ge [sflag:s13], $0x4000  }
0x7b: {  	[sflag:s13] =	ssyncset.done $0x0  }
0x7c: {  	[sflag:s13] =	ssyncadd.s32 $0xFFFFC000  }
0x7d: {  	_ =	swait.ge [sflag:s13], $0x80  }
0x7e: {  	[sflag:s13] =	ssyncset.done $0x0  }
0x7f: {  	[sflag:s13] =	ssyncadd.s32 $0xFFFFFF80  }
0x80: {  	_ =	swait.ge [sflag:s13], $0x4000  }
0x81: {  	[sflag:s13] =	ssyncset.done $0x0  }
0x82: {  	[sflag:s13] =	ssyncadd.s32 $0xFFFFC000  }
0x83: {  	_ =	swait.ge [sflag:s13], $0x80  }
0x84: {  	[sflag:s13] =	ssyncset.done $0x0  }
0x85: {  	[sflag:s13] =	ssyncadd.s32 $0xFFFFFF80  }
0x86: {  	_ =	swait.ge [sflag:s13], $0x4000  }
0x87: {  	[sflag:s13] =	ssyncset.done $0x0  }
0x88: {  	[sflag:s13] =	ssyncadd.s32 $0xFFFFC000  }
0x89: {  	_ =	swait.ge [sflag:s13], $0x80  }
0x8a: {  	[sflag:s13] =	ssyncset.done $0x0  }
0x8b: {  	[sflag:s13] =	ssyncadd.s32 $0xFFFFFF80  }
0x8c: {  	_ =	swait.ge [sflag:s13], $0x4000  }
0x8d: {  	[sflag:s13] =	ssyncset.done $0x0  }
0x8e: {  	[sflag:s13] =	ssyncadd.s32 $0xFFFFC000  }
0x8f: {  	_ =	swait.ge [sflag:s13], $0x80  }
0x90: {  	[sflag:s13] =	ssyncset.done $0x0  }
0x91: {  	[sflag:s13] =	ssyncadd.s32 $0xFFFFFF80  }
0x92: {  	_ =	swait.ge [sflag:s13], $0x4000  }
0x93: {  	[sflag:s13] =	ssyncset.done $0x0  }
0x94: {  	[sflag:s13] =	ssyncadd.s32 $0xFFFFC000  }
0x95: {  	_ =	swait.ge [sflag:s13], $0x80  }
0x96: {  	[sflag:s13] =	ssyncset.done $0x0  }
0x97: {  	[sflag:s13] =	ssyncadd.s32 $0xFFFFFF80  }
0x98: {  	[bflag:$0x0] =	sbarrier.arrive $0xFFFF  }
0x99: {  	_ =	swait.ge [sflag:s14], $0x80  }
0x9a: {  	[sflag:s14] =	ssyncset.done $0x0  }
0x9b: {  	[sflag:s14] =	ssyncadd.s32 $0xFFFFFF80  }
0x9c: {  	[tilespmem:s2], [sflag:$0x1] =	stream.indirect.gather [hbm4b:s1+s10], $0x80, s5, s10, $0xb8;
	[tilespmem:$0x1EC00] =	vst v63  }
0x9d: {  	_ =	swait.ge [sflag:s15], $0x4000  }
0x9e: {  	[sflag:s15] =	ssyncset.done $0x0  }
0x9f: {  	[sflag:s15] =	ssyncadd.s32 $0xFFFFC000  }
0xa0: {  	_ =	swait.ge [sflag:s16], $0x80  }
0xa1: {  	[sflag:s16] =	ssyncset.done $0x0  }
0xa2: {  	[sflag:s16] =	ssyncadd.s32 $0xFFFFFF80  }
0xa3: {  	[tilespmem:s31], [sflag:$0x2] =	stream.indirect.gather [hbm4b:s1+s10], $0x80, s10, s10, $0xb8;
	[tilespmem:$0x1EC00] =	vst v63  }
0xa4: {  	_ = 	snop  }
0xa5: {  	[spmem:s3] =	stream.indirect.scatter.add.f32 [tilespmem:s2], [sflag:$0x3], $0x80, s8, s10, $0xb8;
	[tilespmem:$0x1EC00] =	vst v63  }
0xa6: {  	s0 =	simm.s32 @!p0 $0x80;
	s11 =	simm.s32 @!p0 $0xA900;
	s7 =	simm.s32 @!p0 $0x100  }
0xa7: {  	[spmem:s4] =	stream.indirect.scatter.add.f32 @!p0 [tilespmem:s11], [sflag:$0x7], $0x1, s7, s0, $0xb8;
	[tilespmem:$0x1EC00] =	vst v63  }
0xa8: {  	s9 =	rddreg [dreg:$0x19]  }
0xa9: {  	[tilespmem:s5], [sflag:$0x5] =	stream.linear.gather [hbm4b:s9+s5], $0x80, $0x38;
	[tilespmem:$0x1EC00] =	vst v63  }
0xaa: {  	_ =	swait.ge [sflag:s19], $0x4000  }
0xab: {  	[sflag:s19] =	ssyncset.done $0x0  }
0xac: {  	[sflag:s19] =	ssyncadd.s32 $0xFFFFC000  }
0xad: {  	_ =	swait.ge [sflag:s23], $0x4000  }
0xae: {  	[sflag:s23] =	ssyncset.done $0x0  }
0xaf: {  	[sflag:s23] =	ssyncadd.s32 $0xFFFFC000  }
0xb0: {  	_ =	swait.ge [sflag:s14], $0x80  }
0xb1: {  	[sflag:s14] =	ssyncset.done $0x0  }
0xb2: {  	[sflag:s14] =	ssyncadd.s32 $0xFFFFFF80  }
0xb3: {  	[tilespmem:s2], [sflag:$0x1] =	stream.indirect.gather [hbm4b:s1+s10], $0x80, s5, s10, $0xb8;
	[tilespmem:$0x1EC00] =	vst v63  }
0xb4: {  	s18 =	simm.s32 $0x180  }
0xb5: {  	[spmem:s3] =	stream.indirect.scatter.add.f32 [tilespmem:s31], [sflag:$0x4], $0x80, s18, s10, $0xb8;
	[tilespmem:$0x1EC00] =	vst v63  }
0xb6: {  	s7 =	simm.s32 @!p0 $0x180  }
0xb7: {  	[spmem:s4] =	stream.indirect.scatter.add.f32 @!p0 [tilespmem:s11], [sflag:$0x7], $0x1, s7, s0, $0xb8;
	[tilespmem:$0x1EC00] =	vst v63  }
0xb8: {  	s8 =	simm.s32 $0x280;
	s21 =	rddreg [dreg:$0x1a];
	s7 =	simm.s32 $0x280  }
0xb9: {  	[tilespmem:s10], [sflag:$0x6] =	stream.linear.gather [hbm4b:s21+s5], $0x80, $0x38;
	[tilespmem:$0x1EC00] =	vst v63  }
.LBB2_4:
0xba: {  	_ =	swait.ge [sflag:s15], $0x4000  }
0xbb: {  	[sflag:s15] =	ssyncset.done $0x0  }
0xbc: {  	[sflag:s15] =	ssyncadd.s32 $0xFFFFC000  }
0xbd: {  	_ =	swait.ge [sflag:s25], $0x4000  }
0xbe: {  	[sflag:s25] =	ssyncset.done $0x0  }
0xbf: {  	[sflag:s25] =	ssyncadd.s32 $0xFFFFC000  }
0xc0: {  	_ =	swait.ge [sflag:s16], $0x80  }
0xc1: {  	[sflag:s16] =	ssyncset.done $0x0  }
0xc2: {  	[sflag:s16] =	ssyncadd.s32 $0xFFFFFF80  }
0xc3: {  	[tilespmem:s31], [sflag:$0x2] =	stream.indirect.gather [hbm4b:s1+s10], $0x80, s10, s10, $0xb8;
	[tilespmem:$0x1EC00] =	vst v63  }
0xc4: {  	s9 =	sadd.s32 $0xFFFFFF80, s8  }
0xc5: {  	[spmem:s3] =	stream.indirect.scatter.add.f32 [tilespmem:s2], [sflag:$0x3], $0x80, s9, s10, $0xb8;
	[tilespmem:$0x1EC00] =	vst v63  }
0xc6: {  	p1 =	sne.s32 s7, $0x2880  }
0xc7: {  	[spmem:s4] =	stream.indirect.scatter.add.f32 @!p0 [tilespmem:s11], [sflag:$0x7], $0x1, s9, s0, $0xb8;
	[tilespmem:$0x1EC00] =	vst v63  }
0xc8: {  	s9 =	sadd.s32 @p1 $0xFFFFFF80, s7  }
0xc9: {  	s18 =	sand.u32 @p1 $0x7C00, s9  }
0xca: {  	s9 =	sand.u32 @p1 $0x300, s9;
	s18 =	sadd.s32 @p1 s6, s18  }
0xcb: {  	s9 =	sor.u32 @p1 s9, s18  }
0xcc: {  	s9 =	sshrl.u32 @p1 s9, $0x3  }
0xcd: {  	s18 =	simm.s32 @p1 $0x0;
	s9 =	sadd.s32 @p1 s17, s9  }
0xce: {  	[tilespmem:s18], [sflag:$0x5] =	stream.linear.gather @p1 [hbm4b:s9+s18], $0x80, $0x38;
	[tilespmem:$0x1EC00] =	vst v63  }
0xcf: {  	s9 =	simm.s32 @p1 $0x2  }
0xd0: {  	_ =	swait.ge @p1 [sflag:s9], $0x4000  }
0xd1: {  	[sflag:s9] =	ssyncset.done @p1 $0x0  }
0xd2: {  	[sflag:s9] =	ssyncadd.s32 @p1 $0xFFFFC000;
	s9 =	simm.s32 @p1 $0x3  }
0xd3: {  	_ =	swait.ge @p1 [sflag:s9], $0x4000  }
0xd4: {  	[sflag:s9] =	ssyncset.done @p1 $0x0  }
0xd5: {  	[sflag:s9] =	ssyncadd.s32 @p1 $0xFFFFC000;
	s9 =	simm.s32 @p1 $0x5  }
0xd6: {  	_ =	swait.ge @p1 [sflag:s9], $0x80  }
0xd7: {  	[sflag:s9] =	ssyncset.done @p1 $0x0  }
0xd8: {  	s21 =	simm.s32 @p1 $0x2900;
	[sflag:s9] =	ssyncadd.s32 @p1 $0xFFFFFF80;
	s9 =	simm.s32 @p1 $0x80  }
0xd9: {  	[tilespmem:s21], [sflag:$0x1] =	stream.indirect.gather @p1 [hbm4b:s1+s9], $0x80, s18, s9, $0xb8;
	[tilespmem:$0x1EC00] =	vst v63  }
0xda: {  	s9 =	simm.s32 @!p1 $0x2  }
0xdb: {  	_ =	swait.ge @!p1 [sflag:s9], $0x4000  }
0xdc: {  	[sflag:s9] =	ssyncset.done @!p1 $0x0  }
0xdd: {  	[sflag:s9] =	ssyncadd.s32 @!p1 $0xFFFFC000;
	p1 =	seq.s32 s7, $0x2880  }
.Ltmp3:
0xde: {  	_ = 	snop;
	(pc) =	sbr.rel @p1 .LBB2_6-.Ltmp3, $4  }
0xdf: {  	_ = 	snop  }
0xe0: {  	[spmem:s3] =	stream.indirect.scatter.add.f32 [tilespmem:s31], [sflag:$0x4], $0x80, s8, s10, $0xb8;
	[tilespmem:$0x1EC00] =	vst v63  }
0xe1: {  	_ = 	snop  }
0xe2: {  	[spmem:s4] =	stream.indirect.scatter.add.f32 @!p0 [tilespmem:s11], [sflag:$0x7], $0x1, s8, s0, $0xb8;
	[tilespmem:$0x1EC00] =	vst v63  }
0xe3: {  	s9 =	sand.u32 $0x7C00, s7  }
.Ltmp4:
0xe4: {  	s18 =	sand.u32 $0x380, s7;
	s9 =	sadd.s32 s6, s9;
	(pc) =	sbr.rel .LBB2_4-.Ltmp4, $4  }
0xe5: {  	s9 =	sor.u32 s18, s9  }
0xe6: {  	s9 =	sshrl.u32 s9, $0x3  }
0xe7: {  	s8 =	sadd.s32 $0x100, s8;
	s7 =	sadd.s32 $0x100, s7;
	s9 =	sadd.s32 s17, s9  }
0xe8: {  	[tilespmem:s10], [sflag:$0x6] =	stream.linear.gather [hbm4b:s9+s5], $0x80, $0x38;
	[tilespmem:$0x1EC00] =	vst v63  }
.LBB2_6:
0xe9: {  	_ =	swait.ge [sflag:s23], $0x4000  }
.Ltmp5:
0xea: {  	[sflag:s23] =	ssyncset.done $0x0;
	(pc) =	sbr.rel @p0 .LBB2_12-.Ltmp5, $4  }
0xeb: {  	[sflag:s23] =	ssyncadd.s32 $0xFFFFC000  }
0xec: {  	_ =	swait.ge [sflag:s25], $0x4000  }
0xed: {  	[sflag:s25] =	ssyncset.done $0x0  }
0xee: {  	s0 =	simm.s32 $0x50;
	[sflag:s25] =	ssyncadd.s32 $0xFFFFC000  }
0xef: {  	_ =	swait.ge [sflag:s28], $0x80  }
0xf0: {  	s0 =	sadd.s32 $0xFFFFFFFF, s0;
	[sflag:s28] =	ssyncset.done $0x0  }
.LBB2_8:
0xf1: {  	p1 =	seq.s32 s0, $0x1;
	s0 =	sadd.s32 $0xFFFFFFFF, s0;
	[sflag:s28] =	ssyncadd.s32 $0xFFFFFF80  }
.Ltmp6:
0xf2: {  	(pc) =	sbr.rel @!p1 .LBB2_8-.Ltmp6, $3  }
0xf3: {  	_ =	sdelay $0x1  }
0xf4: {  	_ =	swait.ge [sflag:s28], $0x80  }
0xf5: {  	[sflag:s28] =	ssyncset.done $0x0  }
0xf6: {  	[sflag:s28] =	ssyncadd.s32 $0xFFFFFF80;
	s0 =	stileid.u32  }
0xf7: {  	s0 =	sshll.u32 s0, $0x6;
	[bflag:$0x0] =	sbarrier.arrive $0xFFFF  }
0xf8: {  	s7 =	sshrl.u32 s20, $0x3;
	s0 =	sor.u32 $0x1C08, s0;
	s8 =	rddreg [dreg:$0xe]  }
0xf9: {  	[hbm:s8], [sflag:s0] =	dma.local [spmem:s7], $0x800  }
0xfa: {  	s9 =	sshrl.u32 s22, $0x3;
	s8 =	rddreg [dreg:$0xa]  }
0xfb: {  	[hbm:s8], [sflag:s0] =	dma.local [spmem:s9], $0x800  }
0xfc: {  	s11 =	sshrl.u32 s24, $0x3;
	s8 =	rddreg [dreg:$0xb]  }
0xfd: {  	[hbm:s8], [sflag:s0] =	dma.local [spmem:s11], $0x800  }
0xfe: {  	s18 =	sshrl.u32 s26, $0x3;
	s8 =	rddreg [dreg:$0xc]  }
0xff: {  	[hbm:s8], [sflag:s0] =	dma.local [spmem:s18], $0x800  }
0x100: {  	s21 =	sshrl.u32 s29, $0x3;
	s8 =	rddreg [dreg:$0xd]  }
0x101: {  	[hbm:s8], [sflag:s0] =	dma.local [spmem:s21], $0x800  }
0x102: {  	s7 =	rddreg [dreg:$0x11]  }
0x103: {  	s8 =	rddreg [dreg:$0x16];
	s7 =	sshrl.u32 s7, $0x3  }
0x104: {  	[hbm:s8], [sflag:s0] =	dma.local [spmem:s7], $0x50  }
0x105: {  	_ =	swait.ge [sflag:s13], $0x800  }
0x106: {  	[sflag:s13] =	ssyncset.done $0x0  }
0x107: {  	[sflag:s13] =	ssyncadd.s32 $0xFFFFF800  }
0x108: {  	_ =	swait.ge [sflag:s13], $0x800  }
0x109: {  	[sflag:s13] =	ssyncset.done $0x0  }
0x10a: {  	[sflag:s13] =	ssyncadd.s32 $0xFFFFF800  }
0x10b: {  	_ =	swait.ge [sflag:s13], $0x800  }
0x10c: {  	[sflag:s13] =	ssyncset.done $0x0  }
0x10d: {  	[sflag:s13] =	ssyncadd.s32 $0xFFFFF800  }
0x10e: {  	_ =	swait.ge [sflag:s13], $0x800  }
0x10f: {  	[sflag:s13] =	ssyncset.done $0x0  }
0x110: {  	[sflag:s13] =	ssyncadd.s32 $0xFFFFF800  }
0x111: {  	_ =	swait.ge [sflag:s13], $0x800  }
.Ltmp7:
0x112: {  	[sflag:s13] =	ssyncset.done $0x0;
	(pc) =	sbr.rel .LBB2_10-.Ltmp7, $4  }
0x113: {  	[sflag:s13] =	ssyncadd.s32 $0xFFFFF800  }
0x114: {  	_ =	swait.ge [sflag:s13], $0x50  }
0x115: {  	[sflag:s13] =	ssyncset.done $0x0  }
0x116: {  	[sflag:s13] =	ssyncadd.s32 $0xFFFFFFB0  }
.LBB2_11:
0x117: {  	_ =	sfence.sel $0x180000  }
0x118: {  	[bflag:$0x0] =	sbarrier.arrive $0xFFFF  }
0x119: {  	_ =	strace $0x90000047  }
0x11a: {  	s0 =	stileid.u32;
	[bflag:$0x2] =	sbarrier.arrive $0xFFFF  }
0x11b: {  	p0 =	sne.s32 s0, $0x0;
	s0 =	rddreg [dreg:$0x4]  }
0x11c: {  	s0 =	sadd.s32 @!p0 $0x100000, s0  }
0x11d: {  	[sflag:s0] =	ssyncadd.tile.s32 @!p0 $0x1;
	_ =	shalt  }
.Lfunc_end2:
_tile_overlayer_lowered:
.L_overlay_start_2:
0x11e: {  	(tag) =	ssettag $0x2  }
0x11f: {  	s0 =	rddreg [dreg:$0x0];
	s2 =	stileid.u32  }
0x120: {  	s1 =	rddreg [dreg:$0x1];
	p0 =	sne.s32 s2, $0x0  }
0x121: {  	s3 =	rddreg [dreg:$0x2];
	[bflag:$0x3] =	sbarrier.arrive $0xFFFF;
	s2 =	simm.s32 @!p0 $0x1C09  }
0x122: {  	[timem:s3], [sflag:s2] =	dma.local @!p0 [hbm:s0], s1  }
0x123: {  	s0 =	simm.s32 @!p0 $0x9  }
0x124: {  	_ =	swait.ge @!p0 [sflag:s0], s1  }
0x125: {  	s1 =	ssub.s32 @!p0 $0x0, s1;
	[sflag:s0] =	ssyncset.done @!p0 $0x0  }
0x126: {  	[sflag:s0] =	ssyncadd.s32 @!p0 s1  }
0x127: {  	[bflag:$0x3] =	sbarrier.arrive $0xFFFF  }
0x128: {  	_ =	shalt  }

</sc_bundles>
